<compile_context>
chip_gen: v7x
topology: tpu7x:2x2x1
jax: 0.10.2.dev20260603
libtpu: 0.0.44.dev20260713+nightly
codegen_flags: <defaults>
</compile_context>

<pallas_src>
import functools

import jax
import jax.numpy as jnp
from jax import lax
from jax.experimental import pallas as pl
from jax.experimental.pallas import tpu as pltpu
from jax.experimental.pallas import tpu_sc as plsc

N = 10000
E = 320000
D = 128
G = 64
OUT = 10

NC = 2
NS = 16
NW = NC * NS
CHUNK = 80
NCHUNK = 126
EDGES_PER_TILE = NCHUNK * CHUNK
EPAD = NW * EDGES_PER_TILE
NPAD = 10240
ROWS_PER_TILE = NPAD // NS

BR = 2000
NBLK = N // BR


@functools.partial(
    pl.kernel,
    out_type=jax.ShapeDtypeStruct((NC, NPAD, D), jnp.float32),
    mesh=plsc.VectorSubcoreMesh(core_axis_name="c", subcore_axis_name="s"),
    scratch_types=[
        pltpu.VMEM((NCHUNK, CHUNK), jnp.int32),
        pltpu.VMEM((CHUNK,), jnp.int32),
        pltpu.VMEM((CHUNK,), jnp.int32),
        pltpu.VMEM((CHUNK,), jnp.int32),
        pltpu.VMEM((CHUNK,), jnp.int32),
        pltpu.VMEM((CHUNK,), jnp.int32),
        pltpu.VMEM((CHUNK,), jnp.int32),
        pltpu.VMEM((CHUNK, D), jnp.float32),
        pltpu.VMEM((CHUNK, D), jnp.float32),
        pltpu.VMEM((CHUNK, D), jnp.float32),
        pltpu.VMEM_SHARED((NPAD, D), jnp.float32),
        pltpu.SemaphoreType.DMA,
        pltpu.SemaphoreType.DMA,
        pltpu.SemaphoreType.DMA,
        pltpu.SemaphoreType.DMA,
        pltpu.SemaphoreType.DMA,
        pltpu.SemaphoreType.DMA,
        pltpu.SemaphoreType.DMA,
        pltpu.SemaphoreType.DMA,
        pltpu.SemaphoreType.DMA,
        pltpu.SemaphoreType.DMA,
        pltpu.SemaphoreType.DMA,
        pltpu.SemaphoreType.DMA,
        pltpu.SemaphoreType.DMA,
    ],
)
def _segsum_sc(x_hbm, src_hbm, dst_hbm, zeros_hbm, out_hbm,
               dst_v, sr0, sr1, sr2, sr3, sr4, sr5,
               rows_a, rows_b, rows_c, acc_sh,
               sem_a, sem_b, sem_c, ss0, ss1, ss2, ss3, ss4, ss5, sem_d,
               sc0, sc1, sc2):
    c = lax.axis_index("c")
    s = lax.axis_index("s")
    wid = c * NS + s
    srcb = (sr0, sr1, sr2, sr3, sr4, sr5)
    ssem = (ss0, ss1, ss2, ss3, ss4, ss5)
    rows = (rows_a, rows_b, rows_c)
    rsem = (sem_a, sem_b, sem_c)
    csem = (sc0, sc1, sc2)

    def _wait_src(k):
        pltpu.make_async_copy(src_hbm.at[wid, 0], srcb[k], ssem[k]).wait()

    def _wait_rows(k):
        pltpu.make_async_copy(x_hbm.at[sr0], rows[k], rsem[k]).wait()

    for k in range(6):
        pltpu.async_copy(src_hbm.at[wid, k], srcb[k], ssem[k])
    pltpu.async_copy(dst_hbm.at[wid], dst_v, sem_d)
    for k in range(3):
        _wait_src(k)
        pltpu.async_copy(x_hbm.at[srcb[k]], rows[k], rsem[k])
    pltpu.sync_copy(zeros_hbm.at[pl.ds(s * ROWS_PER_TILE, ROWS_PER_TILE)],
                    acc_sh.at[pl.ds(s * ROWS_PER_TILE, ROWS_PER_TILE)])
    pltpu.make_async_copy(dst_hbm.at[wid], dst_v, sem_d).wait()
    plsc.subcore_barrier()

    def _wait_scat(i, k):
        pltpu.make_async_copy(rows[k % 3], acc_sh.at[dst_v.at[i]],
                              csem[k % 3]).wait()

    def _step(i, k, prefetch):
        _wait_rows(k % 3)
        pltpu.async_copy(rows[k % 3], acc_sh.at[dst_v.at[i]], csem[k % 3],
                         add=True)
        if prefetch:
            _wait_src((k + 3) % 6)
            pltpu.async_copy(src_hbm.at[wid, i + 6], srcb[k % 6], ssem[k % 6])
            _wait_scat(i, k)
            pltpu.async_copy(x_hbm.at[srcb[(k + 3) % 6]], rows[k % 3],
                             rsem[k % 3])

    def body(j, carry):
        i = 6 * j
        for k in range(6):
            _step(i + k, k, True)
        return carry

    lax.fori_loop(0, NCHUNK // 6 - 1, body, 0)
    base = NCHUNK - 6
    for k in range(6):
        _wait_rows(k % 3)
        pltpu.async_copy(rows[k % 3], acc_sh.at[dst_v.at[base + k]],
                         csem[k % 3], add=True)
        if k < 3:
            _wait_src((k + 3) % 6)
            _wait_scat(base + k, k)
            pltpu.async_copy(x_hbm.at[srcb[(k + 3) % 6]], rows[k % 3],
                             rsem[k % 3])
    for k in range(3):
        _wait_scat(base + 3 + k, k + 3)
    plsc.subcore_barrier()

    pltpu.sync_copy(acc_sh.at[pl.ds(s * ROWS_PER_TILE, ROWS_PER_TILE)],
                    out_hbm.at[c, pl.ds(s * ROWS_PER_TILE, ROWS_PER_TILE)])


def _layer_body(parts_ref, x_ref, wrel_ref, brel_ref, wroot_ref, o_ref):
    agg = parts_ref[0] + parts_ref[1]
    acc = jnp.dot(agg, wrel_ref[...], preferred_element_type=jnp.float32)
    acc += jnp.dot(x_ref[...], wroot_ref[...], preferred_element_type=jnp.float32)
    acc += brel_ref[...]
    o_ref[...] = jnp.maximum(acc, 0.0)


def _layer_tc(parts, x, wrel, brel, wroot):
    return pl.pallas_call(
        _layer_body,
        grid=(NBLK,),
        in_specs=[
            pl.BlockSpec((NC, BR, D), lambda i: (0, i, 0)),
            pl.BlockSpec((BR, D), lambda i: (i, 0)),
            pl.BlockSpec((D, D), lambda i: (0, 0)),
            pl.BlockSpec((1, D), lambda i: (0, 0)),
            pl.BlockSpec((D, D), lambda i: (0, 0)),
        ],
        out_specs=pl.BlockSpec((BR, D), lambda i: (i, 0)),
        out_shape=jax.ShapeDtypeStruct((N, D), jnp.float32),
    )(parts, x, wrel, brel.reshape(1, D), wroot)


def _final_body(parts_ref, x_ref, wrel_ref, brel_ref, wroot_ref,
                wlin1_ref, blin1_ref, wlin2_ref, blin2_ref, batch_ref, o_ref):
    agg = parts_ref[0] + parts_ref[1]
    h = jnp.dot(agg, wrel_ref[...], preferred_element_type=jnp.float32)
    h += jnp.dot(x_ref[...], wroot_ref[...], preferred_element_type=jnp.float32)
    h += brel_ref[...]
    h = jnp.maximum(h, 0.0)
    h = jnp.maximum(
        jnp.dot(h, wlin1_ref[...], preferred_element_type=jnp.float32)
        + blin1_ref[...], 0.0)
    y = jnp.dot(h, wlin2_ref[...], preferred_element_type=jnp.float32)
    y += blin2_ref[...]
    seg = lax.broadcasted_iota(jnp.int32, (BR, G), 1)
    mask = (batch_ref[...] == seg).astype(jnp.float32)
    contrib = lax.dot_general(mask, y, (((0,), (0,)), ((), ())),
                              preferred_element_type=jnp.float32)

    @pl.when(pl.program_id(0) == 0)
    def _():
        o_ref[...] = jnp.zeros_like(o_ref)

    o_ref[...] += contrib


def _final_tc(parts, x, wrel, brel, wroot, wlin1, blin1, wlin2, blin2, batch):
    return pl.pallas_call(
        _final_body,
        grid=(NBLK,),
        in_specs=[
            pl.BlockSpec((NC, BR, D), lambda i: (0, i, 0)),
            pl.BlockSpec((BR, D), lambda i: (i, 0)),
            pl.BlockSpec((D, D), lambda i: (0, 0)),
            pl.BlockSpec((1, D), lambda i: (0, 0)),
            pl.BlockSpec((D, D), lambda i: (0, 0)),
            pl.BlockSpec((D, D), lambda i: (0, 0)),
            pl.BlockSpec((1, D), lambda i: (0, 0)),
            pl.BlockSpec((D, OUT), lambda i: (0, 0)),
            pl.BlockSpec((1, OUT), lambda i: (0, 0)),
            pl.BlockSpec((BR, 1), lambda i: (i, 0)),
        ],
        out_specs=pl.BlockSpec((G, OUT), lambda i: (0, 0)),
        out_shape=jax.ShapeDtypeStruct((G, OUT), jnp.float32),
    )(parts, x, wrel, brel.reshape(1, D), wroot,
      wlin1, blin1.reshape(1, D), wlin2, blin2.reshape(1, OUT),
      batch.reshape(N, 1))


def kernel(x, edge_index, batch,
           Wrel0, brel0, Wroot0,
           Wrel1, brel1, Wroot1,
           Wrel2, brel2, Wroot2,
           Wlin1, blin1, Wlin2, blin2):
    npad_e = EPAD - E
    src = jnp.concatenate(
        [edge_index[0], jnp.arange(npad_e, dtype=jnp.int32) % N]
    ).reshape(NW, NCHUNK, CHUNK)
    dst = jnp.concatenate(
        [edge_index[1], N + (jnp.arange(npad_e, dtype=jnp.int32) % (NPAD - N))]
    ).reshape(NW, NCHUNK, CHUNK)
    zeros = jnp.zeros((NPAD, D), jnp.float32)

    parts = _segsum_sc(x, src, dst, zeros)
    h = _layer_tc(parts, x, Wrel0, brel0, Wroot0)
    parts = _segsum_sc(h, src, dst, zeros)
    h = _layer_tc(parts, h, Wrel1, brel1, Wroot1)
    parts = _segsum_sc(h, src, dst, zeros)
    return _final_tc(parts, h, Wrel2, brel2, Wroot2,
                     Wlin1, blin1, Wlin2, blin2, batch)

# --- scband reference (transcript-rebuilt; emitter-appended) ---
"""Pipeline reference for scband-gcn-13151189860867 (READ-ONLY COPY).

The authoritative reference and input builder live on the scoring server;
editing this copy changes nothing except your own understanding.
"""

import jax, jax.numpy as jnp
import numpy as np

N = 10000
E = 320000
D = 128
G = 64
OUT = 10


def setup_inputs(seed: int = 0) -> dict:
    key = jax.random.key(seed)
    ks = jax.random.split(key, 16)

    def mk(k, shape):
        return jax.random.normal(k, shape, dtype=jnp.float32) * 0.05

    x = jax.random.normal(ks[0], (N, D), dtype=jnp.float32)
    edge_index = jax.random.randint(ks[1], (2, E), 0, N, dtype=jnp.int32)
    batch = jnp.sort(jax.random.randint(ks[2], (N,), 0, G, dtype=jnp.int32))

    inp = {"x": x, "edge_index": edge_index, "batch": batch}
    # 3 GraphConv layers (128->128, 128->128, 128->128): lin_rel (W,b) + lin_root (W, no bias)
    inp["Wrel0"] = mk(ks[3], (D, D)); inp["brel0"] = jnp.zeros((D,), jnp.float32); inp["Wroot0"] = mk(ks[4], (D, D))
    inp["Wrel1"] = mk(ks[5], (D, D)); inp["brel1"] = jnp.zeros((D,), jnp.float32); inp["Wroot1"] = mk(ks[6], (D, D))
    inp["Wrel2"] = mk(ks[7], (D, D)); inp["brel2"] = jnp.zeros((D,), jnp.float32); inp["Wroot2"] = mk(ks[8], (D, D))
    # classifier MLP: Linear(128,128) then Linear(128,10)
    inp["Wlin1"] = mk(ks[9], (D, D)); inp["blin1"] = jnp.zeros((D,), jnp.float32)
    inp["Wlin2"] = mk(ks[10], (D, OUT)); inp["blin2"] = jnp.zeros((OUT,), jnp.float32)
    return inp


def _graph_conv(x, edge_index, Wrel, brel, Wroot):
    # PyG GraphConv with aggr='add':
    # out[i] = lin_rel(sum_{j in N(i)} x[j]) + lin_root(x[i])
    src = edge_index[0]
    dst = edge_index[1]
    agg = jax.ops.segment_sum(x[src], dst, num_segments=x.shape[0])
    return agg @ Wrel + brel + x @ Wroot


def reference(x, edge_index, batch,
              Wrel0, brel0, Wroot0,
              Wrel1, brel1, Wroot1,
              Wrel2, brel2, Wroot2,
              Wlin1, blin1, Wlin2, blin2):
    h = jax.nn.relu(_graph_conv(x, edge_index, Wrel0, brel0, Wroot0))
    h = jax.nn.relu(_graph_conv(h, edge_index, Wrel1, brel1, Wroot1))
    h = jax.nn.relu(_graph_conv(h, edge_index, Wrel2, brel2, Wroot2))
    h = jax.nn.relu(h @ Wlin1 + blin1)
    h = h @ Wlin2 + blin2
    # global_add_pool
    out = jax.ops.segment_sum(h, batch, num_segments=G)
    return out

if __name__ == "__main__":
    import jax
    _d = setup_inputs()
    print(jax.jit(kernel)(*tuple(_d.values())))

</pallas_src>

<mosaic_0001>
#map = affine_map<(d0, d1) -> (0, 0)>
#map1 = affine_map<(d0, d1) -> (0, 0, 0)>
module attributes {stable_mosaic.version = 14 : i64} {
  func.func @_segsum_sc(%arg0: i32, %arg1: i32, %arg2: memref<10000x128xf32, #tpu.memory_space<hbm>>, %arg3: memref<32x126x80xi32, #tpu.memory_space<hbm>>, %arg4: memref<32x126x80xi32, #tpu.memory_space<hbm>>, %arg5: memref<10240x128xf32, #tpu.memory_space<hbm>>, %arg6: memref<2x10240x128xf32, #tpu.memory_space<hbm>>, %arg7: memref<126x80xi32, #tpu.memory_space<vmem>>, %arg8: memref<80xi32, #tpu.memory_space<vmem>>, %arg9: memref<80xi32, #tpu.memory_space<vmem>>, %arg10: memref<80xi32, #tpu.memory_space<vmem>>, %arg11: memref<80xi32, #tpu.memory_space<vmem>>, %arg12: memref<80xi32, #tpu.memory_space<vmem>>, %arg13: memref<80xi32, #tpu.memory_space<vmem>>, %arg14: memref<80x128xf32, #tpu.memory_space<vmem>>, %arg15: memref<80x128xf32, #tpu.memory_space<vmem>>, %arg16: memref<80x128xf32, #tpu.memory_space<vmem>>, %arg17: memref<10240x128xf32, #tpu.memory_space<vmem_shared>>, %arg18: memref<!tpu.dma_semaphore, #tpu.memory_space<semaphore_mem>>, %arg19: memref<!tpu.dma_semaphore, #tpu.memory_space<semaphore_mem>>, %arg20: memref<!tpu.dma_semaphore, #tpu.memory_space<semaphore_mem>>, %arg21: memref<!tpu.dma_semaphore, #tpu.memory_space<semaphore_mem>>, %arg22: memref<!tpu.dma_semaphore, #tpu.memory_space<semaphore_mem>>, %arg23: memref<!tpu.dma_semaphore, #tpu.memory_space<semaphore_mem>>, %arg24: memref<!tpu.dma_semaphore, #tpu.memory_space<semaphore_mem>>, %arg25: memref<!tpu.dma_semaphore, #tpu.memory_space<semaphore_mem>>, %arg26: memref<!tpu.dma_semaphore, #tpu.memory_space<semaphore_mem>>, %arg27: memref<!tpu.dma_semaphore, #tpu.memory_space<semaphore_mem>>, %arg28: memref<!tpu.dma_semaphore, #tpu.memory_space<semaphore_mem>>, %arg29: memref<!tpu.dma_semaphore, #tpu.memory_space<semaphore_mem>>, %arg30: memref<!tpu.dma_semaphore, #tpu.memory_space<semaphore_mem>>) attributes {dimension_semantics = [#tpu.dimension_semantics<core_parallel>, #tpu.dimension_semantics<subcore_parallel>], iteration_bounds = array<i64: 2, 16>, scalar_prefetch = 0 : i64, scratch_operands = 24 : i64, tpu.core_type = #tpu.core_type<sc_vector_subcore>, window_params = [{transform_indices = #map}, {transform_indices = #map1}, {transform_indices = #map1}, {transform_indices = #map}, {transform_indices = #map1}]} {
    %mul3A = arith.constant 16 : i32
    %mul3A_0 = arith.muli %arg0, %mul3A : i32
    %add3A = arith.addi %mul3A_0, %arg1 : i32
    %dma_start3A = arith.constant 0 : i32
    %dma_start3A_1 = arith.constant 0 : i32
    %dma_start3A_2 = tpu.memref_slice %arg3[%add3A, %dma_start3A, %dma_start3A_1] : memref<32x126x80xi32, #tpu.memory_space<hbm>> -> memref<1x1x80xi32, #tpu.memory_space<hbm>>
    %dma_start3A_3 = tpu.memref_squeeze %dma_start3A_2 : memref<1x1x80xi32, #tpu.memory_space<hbm>> -> memref<80xi32, #tpu.memory_space<hbm>>
    %dma_start3A_4 = arith.constant 0 : i32
    %dma_start3A_5 = tpu.memref_slice %arg3[%add3A, %dma_start3A, %dma_start3A_4] : memref<32x126x80xi32, #tpu.memory_space<hbm>> -> memref<1x1x80xi32, #tpu.memory_space<hbm>>
    %dma_start3A_6 = tpu.memref_squeeze %dma_start3A_5 : memref<1x1x80xi32, #tpu.memory_space<hbm>> -> memref<80xi32, #tpu.memory_space<hbm>>
    tpu.enqueue_dma source(%dma_start3A_6 : memref<80xi32, #tpu.memory_space<hbm>>) target(%arg8 : memref<80xi32, #tpu.memory_space<vmem>>) target_semaphore(%arg21 : memref<!tpu.dma_semaphore, #tpu.memory_space<semaphore_mem>>)
    %dma_start3A_7 = arith.constant 1 : i32
    %dma_start3A_8 = arith.constant 0 : i32
    %dma_start3A_9 = tpu.memref_slice %arg3[%add3A, %dma_start3A_7, %dma_start3A_8] : memref<32x126x80xi32, #tpu.memory_space<hbm>> -> memref<1x1x80xi32, #tpu.memory_space<hbm>>
    %dma_start3A_10 = tpu.memref_squeeze %dma_start3A_9 : memref<1x1x80xi32, #tpu.memory_space<hbm>> -> memref<80xi32, #tpu.memory_space<hbm>>
    %dma_start3A_11 = arith.constant 0 : i32
    %dma_start3A_12 = tpu.memref_slice %arg3[%add3A, %dma_start3A_7, %dma_start3A_11] : memref<32x126x80xi32, #tpu.memory_space<hbm>> -> memref<1x1x80xi32, #tpu.memory_space<hbm>>
    %dma_start3A_13 = tpu.memref_squeeze %dma_start3A_12 : memref<1x1x80xi32, #tpu.memory_space<hbm>> -> memref<80xi32, #tpu.memory_space<hbm>>
    tpu.enqueue_dma source(%dma_start3A_13 : memref<80xi32, #tpu.memory_space<hbm>>) target(%arg9 : memref<80xi32, #tpu.memory_space<vmem>>) target_semaphore(%arg22 : memref<!tpu.dma_semaphore, #tpu.memory_space<semaphore_mem>>)
    %dma_start3A_14 = arith.constant 2 : i32
    %dma_start3A_15 = arith.constant 0 : i32
    %dma_start3A_16 = tpu.memref_slice %arg3[%add3A, %dma_start3A_14, %dma_start3A_15] : memref<32x126x80xi32, #tpu.memory_space<hbm>> -> memref<1x1x80xi32, #tpu.memory_space<hbm>>
    %dma_start3A_17 = tpu.memref_squeeze %dma_start3A_16 : memref<1x1x80xi32, #tpu.memory_space<hbm>> -> memref<80xi32, #tpu.memory_space<hbm>>
    %dma_start3A_18 = arith.constant 0 : i32
    %dma_start3A_19 = tpu.memref_slice %arg3[%add3A, %dma_start3A_14, %dma_start3A_18] : memref<32x126x80xi32, #tpu.memory_space<hbm>> -> memref<1x1x80xi32, #tpu.memory_space<hbm>>
    %dma_start3A_20 = tpu.memref_squeeze %dma_start3A_19 : memref<1x1x80xi32, #tpu.memory_space<hbm>> -> memref<80xi32, #tpu.memory_space<hbm>>
    tpu.enqueue_dma source(%dma_start3A_20 : memref<80xi32, #tpu.memory_space<hbm>>) target(%arg10 : memref<80xi32, #tpu.memory_space<vmem>>) target_semaphore(%arg23 : memref<!tpu.dma_semaphore, #tpu.memory_space<semaphore_mem>>)
    %dma_start3A_21 = arith.constant 3 : i32
    %dma_start3A_22 = arith.constant 0 : i32
    %dma_start3A_23 = tpu.memref_slice %arg3[%add3A, %dma_start3A_21, %dma_start3A_22] : memref<32x126x80xi32, #tpu.memory_space<hbm>> -> memref<1x1x80xi32, #tpu.memory_space<hbm>>
    %dma_start3A_24 = tpu.memref_squeeze %dma_start3A_23 : memref<1x1x80xi32, #tpu.memory_space<hbm>> -> memref<80xi32, #tpu.memory_space<hbm>>
    %dma_start3A_25 = arith.constant 0 : i32
    %dma_start3A_26 = tpu.memref_slice %arg3[%add3A, %dma_start3A_21, %dma_start3A_25] : memref<32x126x80xi32, #tpu.memory_space<hbm>> -> memref<1x1x80xi32, #tpu.memory_space<hbm>>
    %dma_start3A_27 = tpu.memref_squeeze %dma_start3A_26 : memref<1x1x80xi32, #tpu.memory_space<hbm>> -> memref<80xi32, #tpu.memory_space<hbm>>
    tpu.enqueue_dma source(%dma_start3A_27 : memref<80xi32, #tpu.memory_space<hbm>>) target(%arg11 : memref<80xi32, #tpu.memory_space<vmem>>) target_semaphore(%arg24 : memref<!tpu.dma_semaphore, #tpu.memory_space<semaphore_mem>>)
    %dma_start3A_28 = arith.constant 4 : i32
    %dma_start3A_29 = arith.constant 0 : i32
    %dma_start3A_30 = tpu.memref_slice %arg3[%add3A, %dma_start3A_28, %dma_start3A_29] : memref<32x126x80xi32, #tpu.memory_space<hbm>> -> memref<1x1x80xi32, #tpu.memory_space<hbm>>
    %dma_start3A_31 = tpu.memref_squeeze %dma_start3A_30 : memref<1x1x80xi32, #tpu.memory_space<hbm>> -> memref<80xi32, #tpu.memory_space<hbm>>
    %dma_start3A_32 = arith.constant 0 : i32
    %dma_start3A_33 = tpu.memref_slice %arg3[%add3A, %dma_start3A_28, %dma_start3A_32] : memref<32x126x80xi32, #tpu.memory_space<hbm>> -> memref<1x1x80xi32, #tpu.memory_space<hbm>>
    %dma_start3A_34 = tpu.memref_squeeze %dma_start3A_33 : memref<1x1x80xi32, #tpu.memory_space<hbm>> -> memref<80xi32, #tpu.memory_space<hbm>>
    tpu.enqueue_dma source(%dma_start3A_34 : memref<80xi32, #tpu.memory_space<hbm>>) target(%arg12 : memref<80xi32, #tpu.memory_space<vmem>>) target_semaphore(%arg25 : memref<!tpu.dma_semaphore, #tpu.memory_space<semaphore_mem>>)
    %dma_start3A_35 = arith.constant 5 : i32
    %dma_start3A_36 = arith.constant 0 : i32
    %dma_start3A_37 = tpu.memref_slice %arg3[%add3A, %dma_start3A_35, %dma_start3A_36] : memref<32x126x80xi32, #tpu.memory_space<hbm>> -> memref<1x1x80xi32, #tpu.memory_space<hbm>>
    %dma_start3A_38 = tpu.memref_squeeze %dma_start3A_37 : memref<1x1x80xi32, #tpu.memory_space<hbm>> -> memref<80xi32, #tpu.memory_space<hbm>>
    %dma_start3A_39 = arith.constant 0 : i32
    %dma_start3A_40 = tpu.memref_slice %arg3[%add3A, %dma_start3A_35, %dma_start3A_39] : memref<32x126x80xi32, #tpu.memory_space<hbm>> -> memref<1x1x80xi32, #tpu.memory_space<hbm>>
    %dma_start3A_41 = tpu.memref_squeeze %dma_start3A_40 : memref<1x1x80xi32, #tpu.memory_space<hbm>> -> memref<80xi32, #tpu.memory_space<hbm>>
    tpu.enqueue_dma source(%dma_start3A_41 : memref<80xi32, #tpu.memory_space<hbm>>) target(%arg13 : memref<80xi32, #tpu.memory_space<vmem>>) target_semaphore(%arg26 : memref<!tpu.dma_semaphore, #tpu.memory_space<semaphore_mem>>)
    %dma_start3A_42 = arith.constant 0 : i32
    %dma_start3A_43 = arith.constant 0 : i32
    %dma_start3A_44 = tpu.memref_slice %arg4[%add3A, %dma_start3A_42, %dma_start3A_43] : memref<32x126x80xi32, #tpu.memory_space<hbm>> -> memref<1x126x80xi32, #tpu.memory_space<hbm>>
    %dma_start3A_45 = tpu.memref_squeeze %dma_start3A_44 : memref<1x126x80xi32, #tpu.memory_space<hbm>> -> memref<126x80xi32, #tpu.memory_space<hbm>>
    %dma_start3A_46 = arith.constant 0 : i32
    %dma_start3A_47 = arith.constant 0 : i32
    %dma_start3A_48 = tpu.memref_slice %arg4[%add3A, %dma_start3A_46, %dma_start3A_47] : memref<32x126x80xi32, #tpu.memory_space<hbm>> -> memref<1x126x80xi32, #tpu.memory_space<hbm>>
    %dma_start3A_49 = tpu.memref_squeeze %dma_start3A_48 : memref<1x126x80xi32, #tpu.memory_space<hbm>> -> memref<126x80xi32, #tpu.memory_space<hbm>>
    tpu.enqueue_dma source(%dma_start3A_49 : memref<126x80xi32, #tpu.memory_space<hbm>>) target(%arg7 : memref<126x80xi32, #tpu.memory_space<vmem>>) target_semaphore(%arg27 : memref<!tpu.dma_semaphore, #tpu.memory_space<semaphore_mem>>)
    %dma_wait3A = arith.constant 0 : i32
    %dma_wait3A_50 = arith.constant 0 : i32
    %dma_wait3A_51 = tpu.memref_slice %arg3[%add3A, %dma_wait3A, %dma_wait3A_50] : memref<32x126x80xi32, #tpu.memory_space<hbm>> -> memref<1x1x80xi32, #tpu.memory_space<hbm>>
    %dma_wait3A_52 = tpu.memref_squeeze %dma_wait3A_51 : memref<1x1x80xi32, #tpu.memory_space<hbm>> -> memref<80xi32, #tpu.memory_space<hbm>>
    %dma_wait3A_53 = arith.constant 0 : i32
    %dma_wait3A_54 = tpu.memref_slice %arg3[%add3A, %dma_wait3A, %dma_wait3A_53] : memref<32x126x80xi32, #tpu.memory_space<hbm>> -> memref<1x1x80xi32, #tpu.memory_space<hbm>>
    %dma_wait3A_55 = tpu.memref_squeeze %dma_wait3A_54 : memref<1x1x80xi32, #tpu.memory_space<hbm>> -> memref<80xi32, #tpu.memory_space<hbm>>
    tpu.wait_dma2 semaphore(%arg21 : memref<!tpu.dma_semaphore, #tpu.memory_space<semaphore_mem>>) src(%dma_wait3A_55 : memref<80xi32, #tpu.memory_space<hbm>>) dst(%arg8 : memref<80xi32, #tpu.memory_space<vmem>>)
    %dma_start3A_56 = arith.constant 0 : i32
    %dma_start3A_57 = arith.constant 0 : i32
    %dma_start3A_58 = tpu.memref_slice %arg2[%dma_start3A_56, %dma_start3A_57] : memref<10000x128xf32, #tpu.memory_space<hbm>> -> memref<10000x128xf32, #tpu.memory_space<hbm>>
    tpu.enqueue_indirect_dma source(%dma_start3A_58 : memref<10000x128xf32, #tpu.memory_space<hbm>>) target(%arg14 : memref<80x128xf32, #tpu.memory_space<vmem>>) offsets(%arg8 : memref<80xi32, #tpu.memory_space<vmem>>) semaphore(%arg18 : memref<!tpu.dma_semaphore, #tpu.memory_space<semaphore_mem>>)
    %dma_wait3A_59 = arith.constant 0 : i32
    %dma_wait3A_60 = arith.constant 0 : i32
    %dma_wait3A_61 = tpu.memref_slice %arg3[%add3A, %dma_wait3A_59, %dma_wait3A_60] : memref<32x126x80xi32, #tpu.memory_space<hbm>> -> memref<1x1x80xi32, #tpu.memory_space<hbm>>
    %dma_wait3A_62 = tpu.memref_squeeze %dma_wait3A_61 : memref<1x1x80xi32, #tpu.memory_space<hbm>> -> memref<80xi32, #tpu.memory_space<hbm>>
    %dma_wait3A_63 = arith.constant 0 : i32
    %dma_wait3A_64 = tpu.memref_slice %arg3[%add3A, %dma_wait3A_59, %dma_wait3A_63] : memref<32x126x80xi32, #tpu.memory_space<hbm>> -> memref<1x1x80xi32, #tpu.memory_space<hbm>>
    %dma_wait3A_65 = tpu.memref_squeeze %dma_wait3A_64 : memref<1x1x80xi32, #tpu.memory_space<hbm>> -> memref<80xi32, #tpu.memory_space<hbm>>
    tpu.wait_dma2 semaphore(%arg22 : memref<!tpu.dma_semaphore, #tpu.memory_space<semaphore_mem>>) src(%dma_wait3A_65 : memref<80xi32, #tpu.memory_space<hbm>>) dst(%arg9 : memref<80xi32, #tpu.memory_space<vmem>>)
    %dma_start3A_66 = arith.constant 0 : i32
    %dma_start3A_67 = arith.constant 0 : i32
    %dma_start3A_68 = tpu.memref_slice %arg2[%dma_start3A_66, %dma_start3A_67] : memref<10000x128xf32, #tpu.memory_space<hbm>> -> memref<10000x128xf32, #tpu.memory_space<hbm>>
    tpu.enqueue_indirect_dma source(%dma_start3A_68 : memref<10000x128xf32, #tpu.memory_space<hbm>>) target(%arg15 : memref<80x128xf32, #tpu.memory_space<vmem>>) offsets(%arg9 : memref<80xi32, #tpu.memory_space<vmem>>) semaphore(%arg19 : memref<!tpu.dma_semaphore, #tpu.memory_space<semaphore_mem>>)
    %dma_wait3A_69 = arith.constant 0 : i32
    %dma_wait3A_70 = arith.constant 0 : i32
    %dma_wait3A_71 = tpu.memref_slice %arg3[%add3A, %dma_wait3A_69, %dma_wait3A_70] : memref<32x126x80xi32, #tpu.memory_space<hbm>> -> memref<1x1x80xi32, #tpu.memory_space<hbm>>
    %dma_wait3A_72 = tpu.memref_squeeze %dma_wait3A_71 : memref<1x1x80xi32, #tpu.memory_space<hbm>> -> memref<80xi32, #tpu.memory_space<hbm>>
    %dma_wait3A_73 = arith.constant 0 : i32
    %dma_wait3A_74 = tpu.memref_slice %arg3[%add3A, %dma_wait3A_69, %dma_wait3A_73] : memref<32x126x80xi32, #tpu.memory_space<hbm>> -> memref<1x1x80xi32, #tpu.memory_space<hbm>>
    %dma_wait3A_75 = tpu.memref_squeeze %dma_wait3A_74 : memref<1x1x80xi32, #tpu.memory_space<hbm>> -> memref<80xi32, #tpu.memory_space<hbm>>
    tpu.wait_dma2 semaphore(%arg23 : memref<!tpu.dma_semaphore, #tpu.memory_space<semaphore_mem>>) src(%dma_wait3A_75 : memref<80xi32, #tpu.memory_space<hbm>>) dst(%arg10 : memref<80xi32, #tpu.memory_space<vmem>>)
    %dma_start3A_76 = arith.constant 0 : i32
    %dma_start3A_77 = arith.constant 0 : i32
    %dma_start3A_78 = tpu.memref_slice %arg2[%dma_start3A_76, %dma_start3A_77] : memref<10000x128xf32, #tpu.memory_space<hbm>> -> memref<10000x128xf32, #tpu.memory_space<hbm>>
    tpu.enqueue_indirect_dma source(%dma_start3A_78 : memref<10000x128xf32, #tpu.memory_space<hbm>>) target(%arg16 : memref<80x128xf32, #tpu.memory_space<vmem>>) offsets(%arg10 : memref<80xi32, #tpu.memory_space<vmem>>) semaphore(%arg20 : memref<!tpu.dma_semaphore, #tpu.memory_space<semaphore_mem>>)
    %mul3A_79 = arith.constant 640 : i32
    %mul3A_80 = arith.muli %arg1, %mul3A_79 : i32
    %mul3A_81 = arith.constant 640 : i32
    %mul3A_82 = arith.muli %arg1, %mul3A_81 : i32
    "tpu.region"() ({
      %run_scoped3A = tpu.sem_alloc : memref<!tpu.dma_semaphore, #tpu.memory_space<semaphore_mem>>
      %dma_start3A_233 = arith.constant 0 : i32
      %dma_start3A_234 = tpu.memref_slice %arg17[%mul3A_82, %dma_start3A_233] : memref<10240x128xf32, #tpu.memory_space<vmem_shared>> -> memref<640x128xf32, #tpu.memory_space<vmem_shared>>
      %dma_start3A_235 = arith.constant 0 : i32
      %dma_start3A_236 = tpu.memref_slice %arg5[%mul3A_80, %dma_start3A_235] : memref<10240x128xf32, #tpu.memory_space<hbm>> -> memref<640x128xf32, #tpu.memory_space<hbm>>
      tpu.enqueue_dma source(%dma_start3A_236 : memref<640x128xf32, #tpu.memory_space<hbm>>) target(%dma_start3A_234 : memref<640x128xf32, #tpu.memory_space<vmem_shared>>) target_semaphore(%run_scoped3A : memref<!tpu.dma_semaphore, #tpu.memory_space<semaphore_mem>>)
      %dma_wait3A_237 = arith.constant 0 : i32
      %dma_wait3A_238 = tpu.memref_slice %arg17[%mul3A_82, %dma_wait3A_237] : memref<10240x128xf32, #tpu.memory_space<vmem_shared>> -> memref<640x128xf32, #tpu.memory_space<vmem_shared>>
      %dma_wait3A_239 = arith.constant 0 : i32
      %dma_wait3A_240 = tpu.memref_slice %arg5[%mul3A_80, %dma_wait3A_239] : memref<10240x128xf32, #tpu.memory_space<hbm>> -> memref<640x128xf32, #tpu.memory_space<hbm>>
      tpu.wait_dma2 semaphore(%run_scoped3A : memref<!tpu.dma_semaphore, #tpu.memory_space<semaphore_mem>>) src(%dma_wait3A_240 : memref<640x128xf32, #tpu.memory_space<hbm>>) dst(%dma_wait3A_238 : memref<640x128xf32, #tpu.memory_space<vmem_shared>>)
      tpu.yield
    }) : () -> ()
    %dma_wait3A_83 = arith.constant 0 : i32
    %dma_wait3A_84 = arith.constant 0 : i32
    %dma_wait3A_85 = tpu.memref_slice %arg4[%add3A, %dma_wait3A_83, %dma_wait3A_84] : memref<32x126x80xi32, #tpu.memory_space<hbm>> -> memref<1x126x80xi32, #tpu.memory_space<hbm>>
    %dma_wait3A_86 = tpu.memref_squeeze %dma_wait3A_85 : memref<1x126x80xi32, #tpu.memory_space<hbm>> -> memref<126x80xi32, #tpu.memory_space<hbm>>
    %dma_wait3A_87 = arith.constant 0 : i32
    %dma_wait3A_88 = arith.constant 0 : i32
    %dma_wait3A_89 = tpu.memref_slice %arg4[%add3A, %dma_wait3A_87, %dma_wait3A_88] : memref<32x126x80xi32, #tpu.memory_space<hbm>> -> memref<1x126x80xi32, #tpu.memory_space<hbm>>
    %dma_wait3A_90 = tpu.memref_squeeze %dma_wait3A_89 : memref<1x126x80xi32, #tpu.memory_space<hbm>> -> memref<126x80xi32, #tpu.memory_space<hbm>>
    tpu.wait_dma2 semaphore(%arg27 : memref<!tpu.dma_semaphore, #tpu.memory_space<semaphore_mem>>) src(%dma_wait3A_90 : memref<126x80xi32, #tpu.memory_space<hbm>>) dst(%arg7 : memref<126x80xi32, #tpu.memory_space<vmem>>)
    %barrier3A = arith.constant 0 : index
    tpu.barrier barrier_id(%barrier3A)
    %scan3A = arith.constant 0 : i32
    %scan3A_91 = arith.constant 0 : i32
    %scan3A_92 = arith.constant 20 : i32
    %scan3A_93 = arith.addi %scan3A_91, %scan3A_92 : i32
    %scan3A_94 = arith.constant 1 : i32
    scf.for %scan3A_233 = %scan3A_91 to %scan3A_93 step %scan3A_94  : i32 {
      %mul3A_234 = arith.constant 6 : i32
      %mul3A_235 = arith.muli %mul3A_234, %scan3A_233 : i32
      %add3A_236 = arith.constant 0 : i32
      %add3A_237 = arith.addi %mul3A_235, %add3A_236 : i32
      %dma_wait3A_238 = arith.constant 0 : i32
      %dma_wait3A_239 = arith.constant 0 : i32
      %dma_wait3A_240 = tpu.memref_slice %arg2[%dma_wait3A_238, %dma_wait3A_239] : memref<10000x128xf32, #tpu.memory_space<hbm>> -> memref<10000x128xf32, #tpu.memory_space<hbm>>
      tpu.wait_indirect_dma semaphore(%arg18 : memref<!tpu.dma_semaphore, #tpu.memory_space<semaphore_mem>>) src(%dma_wait3A_240 : memref<10000x128xf32, #tpu.memory_space<hbm>>) dst(%arg14 : memref<80x128xf32, #tpu.memory_space<vmem>>)
      %dma_start3A_241 = arith.constant 0 : i32
      %dma_start3A_242 = tpu.memref_slice %arg7[%add3A_237, %dma_start3A_241] : memref<126x80xi32, #tpu.memory_space<vmem>> -> memref<1x80xi32, #tpu.memory_space<vmem>>
      %dma_start3A_243 = tpu.memref_squeeze %dma_start3A_242 : memref<1x80xi32, #tpu.memory_space<vmem>> -> memref<80xi32, #tpu.memory_space<vmem>>
      %dma_start3A_244 = arith.constant 0 : i32
      %dma_start3A_245 = arith.constant 0 : i32
      %dma_start3A_246 = tpu.memref_slice %arg17[%dma_start3A_244, %dma_start3A_245] : memref<10240x128xf32, #tpu.memory_space<vmem_shared>> -> memref<10240x128xf32, #tpu.memory_space<vmem_shared>>
      tpu.enqueue_indirect_dma source(%arg14 : memref<80x128xf32, #tpu.memory_space<vmem>>) target(%dma_start3A_246 : memref<10240x128xf32, #tpu.memory_space<vmem_shared>>) offsets(%dma_start3A_243 : memref<80xi32, #tpu.memory_space<vmem>>) semaphore(%arg28 : memref<!tpu.dma_semaphore, #tpu.memory_space<semaphore_mem>>) {add = true}
      %dma_wait3A_247 = arith.constant 0 : i32
      %dma_wait3A_248 = arith.constant 0 : i32
      %dma_wait3A_249 = tpu.memref_slice %arg3[%add3A, %dma_wait3A_247, %dma_wait3A_248] : memref<32x126x80xi32, #tpu.memory_space<hbm>> -> memref<1x1x80xi32, #tpu.memory_space<hbm>>
      %dma_wait3A_250 = tpu.memref_squeeze %dma_wait3A_249 : memref<1x1x80xi32, #tpu.memory_space<hbm>> -> memref<80xi32, #tpu.memory_space<hbm>>
      %dma_wait3A_251 = arith.constant 0 : i32
      %dma_wait3A_252 = tpu.memref_slice %arg3[%add3A, %dma_wait3A_247, %dma_wait3A_251] : memref<32x126x80xi32, #tpu.memory_space<hbm>> -> memref<1x1x80xi32, #tpu.memory_space<hbm>>
      %dma_wait3A_253 = tpu.memref_squeeze %dma_wait3A_252 : memref<1x1x80xi32, #tpu.memory_space<hbm>> -> memref<80xi32, #tpu.memory_space<hbm>>
      tpu.wait_dma2 semaphore(%arg24 : memref<!tpu.dma_semaphore, #tpu.memory_space<semaphore_mem>>) src(%dma_wait3A_253 : memref<80xi32, #tpu.memory_space<hbm>>) dst(%arg11 : memref<80xi32, #tpu.memory_space<vmem>>)
      %add3A_254 = arith.constant 6 : i32
      %add3A_255 = arith.addi %add3A_237, %add3A_254 : i32
      %dma_start3A_256 = arith.constant 0 : i32
      %dma_start3A_257 = tpu.memref_slice %arg3[%add3A, %add3A_255, %dma_start3A_256] : memref<32x126x80xi32, #tpu.memory_space<hbm>> -> memref<1x1x80xi32, #tpu.memory_space<hbm>>
      %dma_start3A_258 = tpu.memref_squeeze %dma_start3A_257 : memref<1x1x80xi32, #tpu.memory_space<hbm>> -> memref<80xi32, #tpu.memory_space<hbm>>
      %dma_start3A_259 = arith.constant 0 : i32
      %dma_start3A_260 = tpu.memref_slice %arg3[%add3A, %add3A_255, %dma_start3A_259] : memref<32x126x80xi32, #tpu.memory_space<hbm>> -> memref<1x1x80xi32, #tpu.memory_space<hbm>>
      %dma_start3A_261 = tpu.memref_squeeze %dma_start3A_260 : memref<1x1x80xi32, #tpu.memory_space<hbm>> -> memref<80xi32, #tpu.memory_space<hbm>>
      tpu.enqueue_dma source(%dma_start3A_261 : memref<80xi32, #tpu.memory_space<hbm>>) target(%arg8 : memref<80xi32, #tpu.memory_space<vmem>>) target_semaphore(%arg21 : memref<!tpu.dma_semaphore, #tpu.memory_space<semaphore_mem>>)
      %dma_wait3A_262 = arith.constant 0 : i32
      %dma_wait3A_263 = tpu.memref_slice %arg7[%add3A_237, %dma_wait3A_262] : memref<126x80xi32, #tpu.memory_space<vmem>> -> memref<1x80xi32, #tpu.memory_space<vmem>>
      %dma_wait3A_264 = tpu.memref_squeeze %dma_wait3A_263 : memref<1x80xi32, #tpu.memory_space<vmem>> -> memref<80xi32, #tpu.memory_space<vmem>>
      %dma_wait3A_265 = arith.constant 0 : i32
      %dma_wait3A_266 = arith.constant 0 : i32
      %dma_wait3A_267 = tpu.memref_slice %arg17[%dma_wait3A_265, %dma_wait3A_266] : memref<10240x128xf32, #tpu.memory_space<vmem_shared>> -> memref<10240x128xf32, #tpu.memory_space<vmem_shared>>
      tpu.wait_indirect_dma semaphore(%arg28 : memref<!tpu.dma_semaphore, #tpu.memory_space<semaphore_mem>>) src(%arg14 : memref<80x128xf32, #tpu.memory_space<vmem>>) dst(%dma_wait3A_267 : memref<10240x128xf32, #tpu.memory_space<vmem_shared>>)
      %dma_start3A_268 = arith.constant 0 : i32
      %dma_start3A_269 = arith.constant 0 : i32
      %dma_start3A_270 = tpu.memref_slice %arg2[%dma_start3A_268, %dma_start3A_269] : memref<10000x128xf32, #tpu.memory_space<hbm>> -> memref<10000x128xf32, #tpu.memory_space<hbm>>
      tpu.enqueue_indirect_dma source(%dma_start3A_270 : memref<10000x128xf32, #tpu.memory_space<hbm>>) target(%arg14 : memref<80x128xf32, #tpu.memory_space<vmem>>) offsets(%arg11 : memref<80xi32, #tpu.memory_space<vmem>>) semaphore(%arg18 : memref<!tpu.dma_semaphore, #tpu.memory_space<semaphore_mem>>)
      %add3A_271 = arith.constant 1 : i32
      %add3A_272 = arith.addi %mul3A_235, %add3A_271 : i32
      %dma_wait3A_273 = arith.constant 0 : i32
      %dma_wait3A_274 = arith.constant 0 : i32
      %dma_wait3A_275 = tpu.memref_slice %arg2[%dma_wait3A_273, %dma_wait3A_274] : memref<10000x128xf32, #tpu.memory_space<hbm>> -> memref<10000x128xf32, #tpu.memory_space<hbm>>
      tpu.wait_indirect_dma semaphore(%arg19 : memref<!tpu.dma_semaphore, #tpu.memory_space<semaphore_mem>>) src(%dma_wait3A_275 : memref<10000x128xf32, #tpu.memory_space<hbm>>) dst(%arg15 : memref<80x128xf32, #tpu.memory_space<vmem>>)
      %dma_start3A_276 = arith.constant 0 : i32
      %dma_start3A_277 = tpu.memref_slice %arg7[%add3A_272, %dma_start3A_276] : memref<126x80xi32, #tpu.memory_space<vmem>> -> memref<1x80xi32, #tpu.memory_space<vmem>>
      %dma_start3A_278 = tpu.memref_squeeze %dma_start3A_277 : memref<1x80xi32, #tpu.memory_space<vmem>> -> memref<80xi32, #tpu.memory_space<vmem>>
      %dma_start3A_279 = arith.constant 0 : i32
      %dma_start3A_280 = arith.constant 0 : i32
      %dma_start3A_281 = tpu.memref_slice %arg17[%dma_start3A_279, %dma_start3A_280] : memref<10240x128xf32, #tpu.memory_space<vmem_shared>> -> memref<10240x128xf32, #tpu.memory_space<vmem_shared>>
      tpu.enqueue_indirect_dma source(%arg15 : memref<80x128xf32, #tpu.memory_space<vmem>>) target(%dma_start3A_281 : memref<10240x128xf32, #tpu.memory_space<vmem_shared>>) offsets(%dma_start3A_278 : memref<80xi32, #tpu.memory_space<vmem>>) semaphore(%arg29 : memref<!tpu.dma_semaphore, #tpu.memory_space<semaphore_mem>>) {add = true}
      %dma_wait3A_282 = arith.constant 0 : i32
      %dma_wait3A_283 = arith.constant 0 : i32
      %dma_wait3A_284 = tpu.memref_slice %arg3[%add3A, %dma_wait3A_282, %dma_wait3A_283] : memref<32x126x80xi32, #tpu.memory_space<hbm>> -> memref<1x1x80xi32, #tpu.memory_space<hbm>>
      %dma_wait3A_285 = tpu.memref_squeeze %dma_wait3A_284 : memref<1x1x80xi32, #tpu.memory_space<hbm>> -> memref<80xi32, #tpu.memory_space<hbm>>
      %dma_wait3A_286 = arith.constant 0 : i32
      %dma_wait3A_287 = tpu.memref_slice %arg3[%add3A, %dma_wait3A_282, %dma_wait3A_286] : memref<32x126x80xi32, #tpu.memory_space<hbm>> -> memref<1x1x80xi32, #tpu.memory_space<hbm>>
      %dma_wait3A_288 = tpu.memref_squeeze %dma_wait3A_287 : memref<1x1x80xi32, #tpu.memory_space<hbm>> -> memref<80xi32, #tpu.memory_space<hbm>>
      tpu.wait_dma2 semaphore(%arg25 : memref<!tpu.dma_semaphore, #tpu.memory_space<semaphore_mem>>) src(%dma_wait3A_288 : memref<80xi32, #tpu.memory_space<hbm>>) dst(%arg12 : memref<80xi32, #tpu.memory_space<vmem>>)
      %add3A_289 = arith.constant 6 : i32
      %add3A_290 = arith.addi %add3A_272, %add3A_289 : i32
      %dma_start3A_291 = arith.constant 0 : i32
      %dma_start3A_292 = tpu.memref_slice %arg3[%add3A, %add3A_290, %dma_start3A_291] : memref<32x126x80xi32, #tpu.memory_space<hbm>> -> memref<1x1x80xi32, #tpu.memory_space<hbm>>
      %dma_start3A_293 = tpu.memref_squeeze %dma_start3A_292 : memref<1x1x80xi32, #tpu.memory_space<hbm>> -> memref<80xi32, #tpu.memory_space<hbm>>
      %dma_start3A_294 = arith.constant 0 : i32
      %dma_start3A_295 = tpu.memref_slice %arg3[%add3A, %add3A_290, %dma_start3A_294] : memref<32x126x80xi32, #tpu.memory_space<hbm>> -> memref<1x1x80xi32, #tpu.memory_space<hbm>>
      %dma_start3A_296 = tpu.memref_squeeze %dma_start3A_295 : memref<1x1x80xi32, #tpu.memory_space<hbm>> -> memref<80xi32, #tpu.memory_space<hbm>>
      tpu.enqueue_dma source(%dma_start3A_296 : memref<80xi32, #tpu.memory_space<hbm>>) target(%arg9 : memref<80xi32, #tpu.memory_space<vmem>>) target_semaphore(%arg22 : memref<!tpu.dma_semaphore, #tpu.memory_space<semaphore_mem>>)
      %dma_wait3A_297 = arith.constant 0 : i32
      %dma_wait3A_298 = tpu.memref_slice %arg7[%add3A_272, %dma_wait3A_297] : memref<126x80xi32, #tpu.memory_space<vmem>> -> memref<1x80xi32, #tpu.memory_space<vmem>>
      %dma_wait3A_299 = tpu.memref_squeeze %dma_wait3A_298 : memref<1x80xi32, #tpu.memory_space<vmem>> -> memref<80xi32, #tpu.memory_space<vmem>>
      %dma_wait3A_300 = arith.constant 0 : i32
      %dma_wait3A_301 = arith.constant 0 : i32
      %dma_wait3A_302 = tpu.memref_slice %arg17[%dma_wait3A_300, %dma_wait3A_301] : memref<10240x128xf32, #tpu.memory_space<vmem_shared>> -> memref<10240x128xf32, #tpu.memory_space<vmem_shared>>
      tpu.wait_indirect_dma semaphore(%arg29 : memref<!tpu.dma_semaphore, #tpu.memory_space<semaphore_mem>>) src(%arg15 : memref<80x128xf32, #tpu.memory_space<vmem>>) dst(%dma_wait3A_302 : memref<10240x128xf32, #tpu.memory_space<vmem_shared>>)
      %dma_start3A_303 = arith.constant 0 : i32
      %dma_start3A_304 = arith.constant 0 : i32
      %dma_start3A_305 = tpu.memref_slice %arg2[%dma_start3A_303, %dma_start3A_304] : memref<10000x128xf32, #tpu.memory_space<hbm>> -> memref<10000x128xf32, #tpu.memory_space<hbm>>
      tpu.enqueue_indirect_dma source(%dma_start3A_305 : memref<10000x128xf32, #tpu.memory_space<hbm>>) target(%arg15 : memref<80x128xf32, #tpu.memory_space<vmem>>) offsets(%arg12 : memref<80xi32, #tpu.memory_space<vmem>>) semaphore(%arg19 : memref<!tpu.dma_semaphore, #tpu.memory_space<semaphore_mem>>)
      %add3A_306 = arith.constant 2 : i32
      %add3A_307 = arith.addi %mul3A_235, %add3A_306 : i32
      %dma_wait3A_308 = arith.constant 0 : i32
      %dma_wait3A_309 = arith.constant 0 : i32
      %dma_wait3A_310 = tpu.memref_slice %arg2[%dma_wait3A_308, %dma_wait3A_309] : memref<10000x128xf32, #tpu.memory_space<hbm>> -> memref<10000x128xf32, #tpu.memory_space<hbm>>
      tpu.wait_indirect_dma semaphore(%arg20 : memref<!tpu.dma_semaphore, #tpu.memory_space<semaphore_mem>>) src(%dma_wait3A_310 : memref<10000x128xf32, #tpu.memory_space<hbm>>) dst(%arg16 : memref<80x128xf32, #tpu.memory_space<vmem>>)
      %dma_start3A_311 = arith.constant 0 : i32
      %dma_start3A_312 = tpu.memref_slice %arg7[%add3A_307, %dma_start3A_311] : memref<126x80xi32, #tpu.memory_space<vmem>> -> memref<1x80xi32, #tpu.memory_space<vmem>>
      %dma_start3A_313 = tpu.memref_squeeze %dma_start3A_312 : memref<1x80xi32, #tpu.memory_space<vmem>> -> memref<80xi32, #tpu.memory_space<vmem>>
      %dma_start3A_314 = arith.constant 0 : i32
      %dma_start3A_315 = arith.constant 0 : i32
      %dma_start3A_316 = tpu.memref_slice %arg17[%dma_start3A_314, %dma_start3A_315] : memref<10240x128xf32, #tpu.memory_space<vmem_shared>> -> memref<10240x128xf32, #tpu.memory_space<vmem_shared>>
      tpu.enqueue_indirect_dma source(%arg16 : memref<80x128xf32, #tpu.memory_space<vmem>>) target(%dma_start3A_316 : memref<10240x128xf32, #tpu.memory_space<vmem_shared>>) offsets(%dma_start3A_313 : memref<80xi32, #tpu.memory_space<vmem>>) semaphore(%arg30 : memref<!tpu.dma_semaphore, #tpu.memory_space<semaphore_mem>>) {add = true}
      %dma_wait3A_317 = arith.constant 0 : i32
      %dma_wait3A_318 = arith.constant 0 : i32
      %dma_wait3A_319 = tpu.memref_slice %arg3[%add3A, %dma_wait3A_317, %dma_wait3A_318] : memref<32x126x80xi32, #tpu.memory_space<hbm>> -> memref<1x1x80xi32, #tpu.memory_space<hbm>>
      %dma_wait3A_320 = tpu.memref_squeeze %dma_wait3A_319 : memref<1x1x80xi32, #tpu.memory_space<hbm>> -> memref<80xi32, #tpu.memory_space<hbm>>
      %dma_wait3A_321 = arith.constant 0 : i32
      %dma_wait3A_322 = tpu.memref_slice %arg3[%add3A, %dma_wait3A_317, %dma_wait3A_321] : memref<32x126x80xi32, #tpu.memory_space<hbm>> -> memref<1x1x80xi32, #tpu.memory_space<hbm>>
      %dma_wait3A_323 = tpu.memref_squeeze %dma_wait3A_322 : memref<1x1x80xi32, #tpu.memory_space<hbm>> -> memref<80xi32, #tpu.memory_space<hbm>>
      tpu.wait_dma2 semaphore(%arg26 : memref<!tpu.dma_semaphore, #tpu.memory_space<semaphore_mem>>) src(%dma_wait3A_323 : memref<80xi32, #tpu.memory_space<hbm>>) dst(%arg13 : memref<80xi32, #tpu.memory_space<vmem>>)
      %add3A_324 = arith.constant 6 : i32
      %add3A_325 = arith.addi %add3A_307, %add3A_324 : i32
      %dma_start3A_326 = arith.constant 0 : i32
      %dma_start3A_327 = tpu.memref_slice %arg3[%add3A, %add3A_325, %dma_start3A_326] : memref<32x126x80xi32, #tpu.memory_space<hbm>> -> memref<1x1x80xi32, #tpu.memory_space<hbm>>
      %dma_start3A_328 = tpu.memref_squeeze %dma_start3A_327 : memref<1x1x80xi32, #tpu.memory_space<hbm>> -> memref<80xi32, #tpu.memory_space<hbm>>
      %dma_start3A_329 = arith.constant 0 : i32
      %dma_start3A_330 = tpu.memref_slice %arg3[%add3A, %add3A_325, %dma_start3A_329] : memref<32x126x80xi32, #tpu.memory_space<hbm>> -> memref<1x1x80xi32, #tpu.memory_space<hbm>>
      %dma_start3A_331 = tpu.memref_squeeze %dma_start3A_330 : memref<1x1x80xi32, #tpu.memory_space<hbm>> -> memref<80xi32, #tpu.memory_space<hbm>>
      tpu.enqueue_dma source(%dma_start3A_331 : memref<80xi32, #tpu.memory_space<hbm>>) target(%arg10 : memref<80xi32, #tpu.memory_space<vmem>>) target_semaphore(%arg23 : memref<!tpu.dma_semaphore, #tpu.memory_space<semaphore_mem>>)
      %dma_wait3A_332 = arith.constant 0 : i32
      %dma_wait3A_333 = tpu.memref_slice %arg7[%add3A_307, %dma_wait3A_332] : memref<126x80xi32, #tpu.memory_space<vmem>> -> memref<1x80xi32, #tpu.memory_space<vmem>>
      %dma_wait3A_334 = tpu.memref_squeeze %dma_wait3A_333 : memref<1x80xi32, #tpu.memory_space<vmem>> -> memref<80xi32, #tpu.memory_space<vmem>>
      %dma_wait3A_335 = arith.constant 0 : i32
      %dma_wait3A_336 = arith.constant 0 : i32
      %dma_wait3A_337 = tpu.memref_slice %arg17[%dma_wait3A_335, %dma_wait3A_336] : memref<10240x128xf32, #tpu.memory_space<vmem_shared>> -> memref<10240x128xf32, #tpu.memory_space<vmem_shared>>
      tpu.wait_indirect_dma semaphore(%arg30 : memref<!tpu.dma_semaphore, #tpu.memory_space<semaphore_mem>>) src(%arg16 : memref<80x128xf32, #tpu.memory_space<vmem>>) dst(%dma_wait3A_337 : memref<10240x128xf32, #tpu.memory_space<vmem_shared>>)
      %dma_start3A_338 = arith.constant 0 : i32
      %dma_start3A_339 = arith.constant 0 : i32
      %dma_start3A_340 = tpu.memref_slice %arg2[%dma_start3A_338, %dma_start3A_339] : memref<10000x128xf32, #tpu.memory_space<hbm>> -> memref<10000x128xf32, #tpu.memory_space<hbm>>
      tpu.enqueue_indirect_dma source(%dma_start3A_340 : memref<10000x128xf32, #tpu.memory_space<hbm>>) target(%arg16 : memref<80x128xf32, #tpu.memory_space<vmem>>) offsets(%arg13 : memref<80xi32, #tpu.memory_space<vmem>>) semaphore(%arg20 : memref<!tpu.dma_semaphore, #tpu.memory_space<semaphore_mem>>)
      %add3A_341 = arith.constant 3 : i32
      %add3A_342 = arith.addi %mul3A_235, %add3A_341 : i32
      %dma_wait3A_343 = arith.constant 0 : i32
      %dma_wait3A_344 = arith.constant 0 : i32
      %dma_wait3A_345 = tpu.memref_slice %arg2[%dma_wait3A_343, %dma_wait3A_344] : memref<10000x128xf32, #tpu.memory_space<hbm>> -> memref<10000x128xf32, #tpu.memory_space<hbm>>
      tpu.wait_indirect_dma semaphore(%arg18 : memref<!tpu.dma_semaphore, #tpu.memory_space<semaphore_mem>>) src(%dma_wait3A_345 : memref<10000x128xf32, #tpu.memory_space<hbm>>) dst(%arg14 : memref<80x128xf32, #tpu.memory_space<vmem>>)
      %dma_start3A_346 = arith.constant 0 : i32
      %dma_start3A_347 = tpu.memref_slice %arg7[%add3A_342, %dma_start3A_346] : memref<126x80xi32, #tpu.memory_space<vmem>> -> memref<1x80xi32, #tpu.memory_space<vmem>>
      %dma_start3A_348 = tpu.memref_squeeze %dma_start3A_347 : memref<1x80xi32, #tpu.memory_space<vmem>> -> memref<80xi32, #tpu.memory_space<vmem>>
      %dma_start3A_349 = arith.constant 0 : i32
      %dma_start3A_350 = arith.constant 0 : i32
      %dma_start3A_351 = tpu.memref_slice %arg17[%dma_start3A_349, %dma_start3A_350] : memref<10240x128xf32, #tpu.memory_space<vmem_shared>> -> memref<10240x128xf32, #tpu.memory_space<vmem_shared>>
      tpu.enqueue_indirect_dma source(%arg14 : memref<80x128xf32, #tpu.memory_space<vmem>>) target(%dma_start3A_351 : memref<10240x128xf32, #tpu.memory_space<vmem_shared>>) offsets(%dma_start3A_348 : memref<80xi32, #tpu.memory_space<vmem>>) semaphore(%arg28 : memref<!tpu.dma_semaphore, #tpu.memory_space<semaphore_mem>>) {add = true}
      %dma_wait3A_352 = arith.constant 0 : i32
      %dma_wait3A_353 = arith.constant 0 : i32
      %dma_wait3A_354 = tpu.memref_slice %arg3[%add3A, %dma_wait3A_352, %dma_wait3A_353] : memref<32x126x80xi32, #tpu.memory_space<hbm>> -> memref<1x1x80xi32, #tpu.memory_space<hbm>>
      %dma_wait3A_355 = tpu.memref_squeeze %dma_wait3A_354 : memref<1x1x80xi32, #tpu.memory_space<hbm>> -> memref<80xi32, #tpu.memory_space<hbm>>
      %dma_wait3A_356 = arith.constant 0 : i32
      %dma_wait3A_357 = tpu.memref_slice %arg3[%add3A, %dma_wait3A_352, %dma_wait3A_356] : memref<32x126x80xi32, #tpu.memory_space<hbm>> -> memref<1x1x80xi32, #tpu.memory_space<hbm>>
      %dma_wait3A_358 = tpu.memref_squeeze %dma_wait3A_357 : memref<1x1x80xi32, #tpu.memory_space<hbm>> -> memref<80xi32, #tpu.memory_space<hbm>>
      tpu.wait_dma2 semaphore(%arg21 : memref<!tpu.dma_semaphore, #tpu.memory_space<semaphore_mem>>) src(%dma_wait3A_358 : memref<80xi32, #tpu.memory_space<hbm>>) dst(%arg8 : memref<80xi32, #tpu.memory_space<vmem>>)
      %add3A_359 = arith.constant 6 : i32
      %add3A_360 = arith.addi %add3A_342, %add3A_359 : i32
      %dma_start3A_361 = arith.constant 0 : i32
      %dma_start3A_362 = tpu.memref_slice %arg3[%add3A, %add3A_360, %dma_start3A_361] : memref<32x126x80xi32, #tpu.memory_space<hbm>> -> memref<1x1x80xi32, #tpu.memory_space<hbm>>
      %dma_start3A_363 = tpu.memref_squeeze %dma_start3A_362 : memref<1x1x80xi32, #tpu.memory_space<hbm>> -> memref<80xi32, #tpu.memory_space<hbm>>
      %dma_start3A_364 = arith.constant 0 : i32
      %dma_start3A_365 = tpu.memref_slice %arg3[%add3A, %add3A_360, %dma_start3A_364] : memref<32x126x80xi32, #tpu.memory_space<hbm>> -> memref<1x1x80xi32, #tpu.memory_space<hbm>>
      %dma_start3A_366 = tpu.memref_squeeze %dma_start3A_365 : memref<1x1x80xi32, #tpu.memory_space<hbm>> -> memref<80xi32, #tpu.memory_space<hbm>>
      tpu.enqueue_dma source(%dma_start3A_366 : memref<80xi32, #tpu.memory_space<hbm>>) target(%arg11 : memref<80xi32, #tpu.memory_space<vmem>>) target_semaphore(%arg24 : memref<!tpu.dma_semaphore, #tpu.memory_space<semaphore_mem>>)
      %dma_wait3A_367 = arith.constant 0 : i32
      %dma_wait3A_368 = tpu.memref_slice %arg7[%add3A_342, %dma_wait3A_367] : memref<126x80xi32, #tpu.memory_space<vmem>> -> memref<1x80xi32, #tpu.memory_space<vmem>>
      %dma_wait3A_369 = tpu.memref_squeeze %dma_wait3A_368 : memref<1x80xi32, #tpu.memory_space<vmem>> -> memref<80xi32, #tpu.memory_space<vmem>>
      %dma_wait3A_370 = arith.constant 0 : i32
      %dma_wait3A_371 = arith.constant 0 : i32
      %dma_wait3A_372 = tpu.memref_slice %arg17[%dma_wait3A_370, %dma_wait3A_371] : memref<10240x128xf32, #tpu.memory_space<vmem_shared>> -> memref<10240x128xf32, #tpu.memory_space<vmem_shared>>
      tpu.wait_indirect_dma semaphore(%arg28 : memref<!tpu.dma_semaphore, #tpu.memory_space<semaphore_mem>>) src(%arg14 : memref<80x128xf32, #tpu.memory_space<vmem>>) dst(%dma_wait3A_372 : memref<10240x128xf32, #tpu.memory_space<vmem_shared>>)
      %dma_start3A_373 = arith.constant 0 : i32
      %dma_start3A_374 = arith.constant 0 : i32
      %dma_start3A_375 = tpu.memref_slice %arg2[%dma_start3A_373, %dma_start3A_374] : memref<10000x128xf32, #tpu.memory_space<hbm>> -> memref<10000x128xf32, #tpu.memory_space<hbm>>
      tpu.enqueue_indirect_dma source(%dma_start3A_375 : memref<10000x128xf32, #tpu.memory_space<hbm>>) target(%arg14 : memref<80x128xf32, #tpu.memory_space<vmem>>) offsets(%arg8 : memref<80xi32, #tpu.memory_space<vmem>>) semaphore(%arg18 : memref<!tpu.dma_semaphore, #tpu.memory_space<semaphore_mem>>)
      %add3A_376 = arith.constant 4 : i32
      %add3A_377 = arith.addi %mul3A_235, %add3A_376 : i32
      %dma_wait3A_378 = arith.constant 0 : i32
      %dma_wait3A_379 = arith.constant 0 : i32
      %dma_wait3A_380 = tpu.memref_slice %arg2[%dma_wait3A_378, %dma_wait3A_379] : memref<10000x128xf32, #tpu.memory_space<hbm>> -> memref<10000x128xf32, #tpu.memory_space<hbm>>
      tpu.wait_indirect_dma semaphore(%arg19 : memref<!tpu.dma_semaphore, #tpu.memory_space<semaphore_mem>>) src(%dma_wait3A_380 : memref<10000x128xf32, #tpu.memory_space<hbm>>) dst(%arg15 : memref<80x128xf32, #tpu.memory_space<vmem>>)
      %dma_start3A_381 = arith.constant 0 : i32
      %dma_start3A_382 = tpu.memref_slice %arg7[%add3A_377, %dma_start3A_381] : memref<126x80xi32, #tpu.memory_space<vmem>> -> memref<1x80xi32, #tpu.memory_space<vmem>>
      %dma_start3A_383 = tpu.memref_squeeze %dma_start3A_382 : memref<1x80xi32, #tpu.memory_space<vmem>> -> memref<80xi32, #tpu.memory_space<vmem>>
      %dma_start3A_384 = arith.constant 0 : i32
      %dma_start3A_385 = arith.constant 0 : i32
      %dma_start3A_386 = tpu.memref_slice %arg17[%dma_start3A_384, %dma_start3A_385] : memref<10240x128xf32, #tpu.memory_space<vmem_shared>> -> memref<10240x128xf32, #tpu.memory_space<vmem_shared>>
      tpu.enqueue_indirect_dma source(%arg15 : memref<80x128xf32, #tpu.memory_space<vmem>>) target(%dma_start3A_386 : memref<10240x128xf32, #tpu.memory_space<vmem_shared>>) offsets(%dma_start3A_383 : memref<80xi32, #tpu.memory_space<vmem>>) semaphore(%arg29 : memref<!tpu.dma_semaphore, #tpu.memory_space<semaphore_mem>>) {add = true}
      %dma_wait3A_387 = arith.constant 0 : i32
      %dma_wait3A_388 = arith.constant 0 : i32
      %dma_wait3A_389 = tpu.memref_slice %arg3[%add3A, %dma_wait3A_387, %dma_wait3A_388] : memref<32x126x80xi32, #tpu.memory_space<hbm>> -> memref<1x1x80xi32, #tpu.memory_space<hbm>>
      %dma_wait3A_390 = tpu.memref_squeeze %dma_wait3A_389 : memref<1x1x80xi32, #tpu.memory_space<hbm>> -> memref<80xi32, #tpu.memory_space<hbm>>
      %dma_wait3A_391 = arith.constant 0 : i32
      %dma_wait3A_392 = tpu.memref_slice %arg3[%add3A, %dma_wait3A_387, %dma_wait3A_391] : memref<32x126x80xi32, #tpu.memory_space<hbm>> -> memref<1x1x80xi32, #tpu.memory_space<hbm>>
      %dma_wait3A_393 = tpu.memref_squeeze %dma_wait3A_392 : memref<1x1x80xi32, #tpu.memory_space<hbm>> -> memref<80xi32, #tpu.memory_space<hbm>>
      tpu.wait_dma2 semaphore(%arg22 : memref<!tpu.dma_semaphore, #tpu.memory_space<semaphore_mem>>) src(%dma_wait3A_393 : memref<80xi32, #tpu.memory_space<hbm>>) dst(%arg9 : memref<80xi32, #tpu.memory_space<vmem>>)
      %add3A_394 = arith.constant 6 : i32
      %add3A_395 = arith.addi %add3A_377, %add3A_394 : i32
      %dma_start3A_396 = arith.constant 0 : i32
      %dma_start3A_397 = tpu.memref_slice %arg3[%add3A, %add3A_395, %dma_start3A_396] : memref<32x126x80xi32, #tpu.memory_space<hbm>> -> memref<1x1x80xi32, #tpu.memory_space<hbm>>
      %dma_start3A_398 = tpu.memref_squeeze %dma_start3A_397 : memref<1x1x80xi32, #tpu.memory_space<hbm>> -> memref<80xi32, #tpu.memory_space<hbm>>
      %dma_start3A_399 = arith.constant 0 : i32
      %dma_start3A_400 = tpu.memref_slice %arg3[%add3A, %add3A_395, %dma_start3A_399] : memref<32x126x80xi32, #tpu.memory_space<hbm>> -> memref<1x1x80xi32, #tpu.memory_space<hbm>>
      %dma_start3A_401 = tpu.memref_squeeze %dma_start3A_400 : memref<1x1x80xi32, #tpu.memory_space<hbm>> -> memref<80xi32, #tpu.memory_space<hbm>>
      tpu.enqueue_dma source(%dma_start3A_401 : memref<80xi32, #tpu.memory_space<hbm>>) target(%arg12 : memref<80xi32, #tpu.memory_space<vmem>>) target_semaphore(%arg25 : memref<!tpu.dma_semaphore, #tpu.memory_space<semaphore_mem>>)
      %dma_wait3A_402 = arith.constant 0 : i32
      %dma_wait3A_403 = tpu.memref_slice %arg7[%add3A_377, %dma_wait3A_402] : memref<126x80xi32, #tpu.memory_space<vmem>> -> memref<1x80xi32, #tpu.memory_space<vmem>>
      %dma_wait3A_404 = tpu.memref_squeeze %dma_wait3A_403 : memref<1x80xi32, #tpu.memory_space<vmem>> -> memref<80xi32, #tpu.memory_space<vmem>>
      %dma_wait3A_405 = arith.constant 0 : i32
      %dma_wait3A_406 = arith.constant 0 : i32
      %dma_wait3A_407 = tpu.memref_slice %arg17[%dma_wait3A_405, %dma_wait3A_406] : memref<10240x128xf32, #tpu.memory_space<vmem_shared>> -> memref<10240x128xf32, #tpu.memory_space<vmem_shared>>
      tpu.wait_indirect_dma semaphore(%arg29 : memref<!tpu.dma_semaphore, #tpu.memory_space<semaphore_mem>>) src(%arg15 : memref<80x128xf32, #tpu.memory_space<vmem>>) dst(%dma_wait3A_407 : memref<10240x128xf32, #tpu.memory_space<vmem_shared>>)
      %dma_start3A_408 = arith.constant 0 : i32
      %dma_start3A_409 = arith.constant 0 : i32
      %dma_start3A_410 = tpu.memref_slice %arg2[%dma_start3A_408, %dma_start3A_409] : memref<10000x128xf32, #tpu.memory_space<hbm>> -> memref<10000x128xf32, #tpu.memory_space<hbm>>
      tpu.enqueue_indirect_dma source(%dma_start3A_410 : memref<10000x128xf32, #tpu.memory_space<hbm>>) target(%arg15 : memref<80x128xf32, #tpu.memory_space<vmem>>) offsets(%arg9 : memref<80xi32, #tpu.memory_space<vmem>>) semaphore(%arg19 : memref<!tpu.dma_semaphore, #tpu.memory_space<semaphore_mem>>)
      %add3A_411 = arith.constant 5 : i32
      %add3A_412 = arith.addi %mul3A_235, %add3A_411 : i32
      %dma_wait3A_413 = arith.constant 0 : i32
      %dma_wait3A_414 = arith.constant 0 : i32
      %dma_wait3A_415 = tpu.memref_slice %arg2[%dma_wait3A_413, %dma_wait3A_414] : memref<10000x128xf32, #tpu.memory_space<hbm>> -> memref<10000x128xf32, #tpu.memory_space<hbm>>
      tpu.wait_indirect_dma semaphore(%arg20 : memref<!tpu.dma_semaphore, #tpu.memory_space<semaphore_mem>>) src(%dma_wait3A_415 : memref<10000x128xf32, #tpu.memory_space<hbm>>) dst(%arg16 : memref<80x128xf32, #tpu.memory_space<vmem>>)
      %dma_start3A_416 = arith.constant 0 : i32
      %dma_start3A_417 = tpu.memref_slice %arg7[%add3A_412, %dma_start3A_416] : memref<126x80xi32, #tpu.memory_space<vmem>> -> memref<1x80xi32, #tpu.memory_space<vmem>>
      %dma_start3A_418 = tpu.memref_squeeze %dma_start3A_417 : memref<1x80xi32, #tpu.memory_space<vmem>> -> memref<80xi32, #tpu.memory_space<vmem>>
      %dma_start3A_419 = arith.constant 0 : i32
      %dma_start3A_420 = arith.constant 0 : i32
      %dma_start3A_421 = tpu.memref_slice %arg17[%dma_start3A_419, %dma_start3A_420] : memref<10240x128xf32, #tpu.memory_space<vmem_shared>> -> memref<10240x128xf32, #tpu.memory_space<vmem_shared>>
      tpu.enqueue_indirect_dma source(%arg16 : memref<80x128xf32, #tpu.memory_space<vmem>>) target(%dma_start3A_421 : memref<10240x128xf32, #tpu.memory_space<vmem_shared>>) offsets(%dma_start3A_418 : memref<80xi32, #tpu.memory_space<vmem>>) semaphore(%arg30 : memref<!tpu.dma_semaphore, #tpu.memory_space<semaphore_mem>>) {add = true}
      %dma_wait3A_422 = arith.constant 0 : i32
      %dma_wait3A_423 = arith.constant 0 : i32
      %dma_wait3A_424 = tpu.memref_slice %arg3[%add3A, %dma_wait3A_422, %dma_wait3A_423] : memref<32x126x80xi32, #tpu.memory_space<hbm>> -> memref<1x1x80xi32, #tpu.memory_space<hbm>>
      %dma_wait3A_425 = tpu.memref_squeeze %dma_wait3A_424 : memref<1x1x80xi32, #tpu.memory_space<hbm>> -> memref<80xi32, #tpu.memory_space<hbm>>
      %dma_wait3A_426 = arith.constant 0 : i32
      %dma_wait3A_427 = tpu.memref_slice %arg3[%add3A, %dma_wait3A_422, %dma_wait3A_426] : memref<32x126x80xi32, #tpu.memory_space<hbm>> -> memref<1x1x80xi32, #tpu.memory_space<hbm>>
      %dma_wait3A_428 = tpu.memref_squeeze %dma_wait3A_427 : memref<1x1x80xi32, #tpu.memory_space<hbm>> -> memref<80xi32, #tpu.memory_space<hbm>>
      tpu.wait_dma2 semaphore(%arg23 : memref<!tpu.dma_semaphore, #tpu.memory_space<semaphore_mem>>) src(%dma_wait3A_428 : memref<80xi32, #tpu.memory_space<hbm>>) dst(%arg10 : memref<80xi32, #tpu.memory_space<vmem>>)
      %add3A_429 = arith.constant 6 : i32
      %add3A_430 = arith.addi %add3A_412, %add3A_429 : i32
      %dma_start3A_431 = arith.constant 0 : i32
      %dma_start3A_432 = tpu.memref_slice %arg3[%add3A, %add3A_430, %dma_start3A_431] : memref<32x126x80xi32, #tpu.memory_space<hbm>> -> memref<1x1x80xi32, #tpu.memory_space<hbm>>
      %dma_start3A_433 = tpu.memref_squeeze %dma_start3A_432 : memref<1x1x80xi32, #tpu.memory_space<hbm>> -> memref<80xi32, #tpu.memory_space<hbm>>
      %dma_start3A_434 = arith.constant 0 : i32
      %dma_start3A_435 = tpu.memref_slice %arg3[%add3A, %add3A_430, %dma_start3A_434] : memref<32x126x80xi32, #tpu.memory_space<hbm>> -> memref<1x1x80xi32, #tpu.memory_space<hbm>>
      %dma_start3A_436 = tpu.memref_squeeze %dma_start3A_435 : memref<1x1x80xi32, #tpu.memory_space<hbm>> -> memref<80xi32, #tpu.memory_space<hbm>>
      tpu.enqueue_dma source(%dma_start3A_436 : memref<80xi32, #tpu.memory_space<hbm>>) target(%arg13 : memref<80xi32, #tpu.memory_space<vmem>>) target_semaphore(%arg26 : memref<!tpu.dma_semaphore, #tpu.memory_space<semaphore_mem>>)
      %dma_wait3A_437 = arith.constant 0 : i32
      %dma_wait3A_438 = tpu.memref_slice %arg7[%add3A_412, %dma_wait3A_437] : memref<126x80xi32, #tpu.memory_space<vmem>> -> memref<1x80xi32, #tpu.memory_space<vmem>>
      %dma_wait3A_439 = tpu.memref_squeeze %dma_wait3A_438 : memref<1x80xi32, #tpu.memory_space<vmem>> -> memref<80xi32, #tpu.memory_space<vmem>>
      %dma_wait3A_440 = arith.constant 0 : i32
      %dma_wait3A_441 = arith.constant 0 : i32
      %dma_wait3A_442 = tpu.memref_slice %arg17[%dma_wait3A_440, %dma_wait3A_441] : memref<10240x128xf32, #tpu.memory_space<vmem_shared>> -> memref<10240x128xf32, #tpu.memory_space<vmem_shared>>
      tpu.wait_indirect_dma semaphore(%arg30 : memref<!tpu.dma_semaphore, #tpu.memory_space<semaphore_mem>>) src(%arg16 : memref<80x128xf32, #tpu.memory_space<vmem>>) dst(%dma_wait3A_442 : memref<10240x128xf32, #tpu.memory_space<vmem_shared>>)
      %dma_start3A_443 = arith.constant 0 : i32
      %dma_start3A_444 = arith.constant 0 : i32
      %dma_start3A_445 = tpu.memref_slice %arg2[%dma_start3A_443, %dma_start3A_444] : memref<10000x128xf32, #tpu.memory_space<hbm>> -> memref<10000x128xf32, #tpu.memory_space<hbm>>
      tpu.enqueue_indirect_dma source(%dma_start3A_445 : memref<10000x128xf32, #tpu.memory_space<hbm>>) target(%arg16 : memref<80x128xf32, #tpu.memory_space<vmem>>) offsets(%arg10 : memref<80xi32, #tpu.memory_space<vmem>>) semaphore(%arg20 : memref<!tpu.dma_semaphore, #tpu.memory_space<semaphore_mem>>)
    }
    %scan3A_95 = arith.constant 20 : i32
    %dma_wait3A_96 = arith.constant 0 : i32
    %dma_wait3A_97 = arith.constant 0 : i32
    %dma_wait3A_98 = tpu.memref_slice %arg2[%dma_wait3A_96, %dma_wait3A_97] : memref<10000x128xf32, #tpu.memory_space<hbm>> -> memref<10000x128xf32, #tpu.memory_space<hbm>>
    tpu.wait_indirect_dma semaphore(%arg18 : memref<!tpu.dma_semaphore, #tpu.memory_space<semaphore_mem>>) src(%dma_wait3A_98 : memref<10000x128xf32, #tpu.memory_space<hbm>>) dst(%arg14 : memref<80x128xf32, #tpu.memory_space<vmem>>)
    %dma_start3A_99 = arith.constant 120 : i32
    %dma_start3A_100 = arith.constant 0 : i32
    %dma_start3A_101 = tpu.memref_slice %arg7[%dma_start3A_99, %dma_start3A_100] : memref<126x80xi32, #tpu.memory_space<vmem>> -> memref<1x80xi32, #tpu.memory_space<vmem>>
    %dma_start3A_102 = tpu.memref_squeeze %dma_start3A_101 : memref<1x80xi32, #tpu.memory_space<vmem>> -> memref<80xi32, #tpu.memory_space<vmem>>
    %dma_start3A_103 = arith.constant 0 : i32
    %dma_start3A_104 = arith.constant 0 : i32
    %dma_start3A_105 = tpu.memref_slice %arg17[%dma_start3A_103, %dma_start3A_104] : memref<10240x128xf32, #tpu.memory_space<vmem_shared>> -> memref<10240x128xf32, #tpu.memory_space<vmem_shared>>
    tpu.enqueue_indirect_dma source(%arg14 : memref<80x128xf32, #tpu.memory_space<vmem>>) target(%dma_start3A_105 : memref<10240x128xf32, #tpu.memory_space<vmem_shared>>) offsets(%dma_start3A_102 : memref<80xi32, #tpu.memory_space<vmem>>) semaphore(%arg28 : memref<!tpu.dma_semaphore, #tpu.memory_space<semaphore_mem>>) {add = true}
    %dma_wait3A_106 = arith.constant 0 : i32
    %dma_wait3A_107 = arith.constant 0 : i32
    %dma_wait3A_108 = tpu.memref_slice %arg3[%add3A, %dma_wait3A_106, %dma_wait3A_107] : memref<32x126x80xi32, #tpu.memory_space<hbm>> -> memref<1x1x80xi32, #tpu.memory_space<hbm>>
    %dma_wait3A_109 = tpu.memref_squeeze %dma_wait3A_108 : memref<1x1x80xi32, #tpu.memory_space<hbm>> -> memref<80xi32, #tpu.memory_space<hbm>>
    %dma_wait3A_110 = arith.constant 0 : i32
    %dma_wait3A_111 = tpu.memref_slice %arg3[%add3A, %dma_wait3A_106, %dma_wait3A_110] : memref<32x126x80xi32, #tpu.memory_space<hbm>> -> memref<1x1x80xi32, #tpu.memory_space<hbm>>
    %dma_wait3A_112 = tpu.memref_squeeze %dma_wait3A_111 : memref<1x1x80xi32, #tpu.memory_space<hbm>> -> memref<80xi32, #tpu.memory_space<hbm>>
    tpu.wait_dma2 semaphore(%arg24 : memref<!tpu.dma_semaphore, #tpu.memory_space<semaphore_mem>>) src(%dma_wait3A_112 : memref<80xi32, #tpu.memory_space<hbm>>) dst(%arg11 : memref<80xi32, #tpu.memory_space<vmem>>)
    %dma_wait3A_113 = arith.constant 120 : i32
    %dma_wait3A_114 = arith.constant 0 : i32
    %dma_wait3A_115 = tpu.memref_slice %arg7[%dma_wait3A_113, %dma_wait3A_114] : memref<126x80xi32, #tpu.memory_space<vmem>> -> memref<1x80xi32, #tpu.memory_space<vmem>>
    %dma_wait3A_116 = tpu.memref_squeeze %dma_wait3A_115 : memref<1x80xi32, #tpu.memory_space<vmem>> -> memref<80xi32, #tpu.memory_space<vmem>>
    %dma_wait3A_117 = arith.constant 0 : i32
    %dma_wait3A_118 = arith.constant 0 : i32
    %dma_wait3A_119 = tpu.memref_slice %arg17[%dma_wait3A_117, %dma_wait3A_118] : memref<10240x128xf32, #tpu.memory_space<vmem_shared>> -> memref<10240x128xf32, #tpu.memory_space<vmem_shared>>
    tpu.wait_indirect_dma semaphore(%arg28 : memref<!tpu.dma_semaphore, #tpu.memory_space<semaphore_mem>>) src(%arg14 : memref<80x128xf32, #tpu.memory_space<vmem>>) dst(%dma_wait3A_119 : memref<10240x128xf32, #tpu.memory_space<vmem_shared>>)
    %dma_start3A_120 = arith.constant 0 : i32
    %dma_start3A_121 = arith.constant 0 : i32
    %dma_start3A_122 = tpu.memref_slice %arg2[%dma_start3A_120, %dma_start3A_121] : memref<10000x128xf32, #tpu.memory_space<hbm>> -> memref<10000x128xf32, #tpu.memory_space<hbm>>
    tpu.enqueue_indirect_dma source(%dma_start3A_122 : memref<10000x128xf32, #tpu.memory_space<hbm>>) target(%arg14 : memref<80x128xf32, #tpu.memory_space<vmem>>) offsets(%arg11 : memref<80xi32, #tpu.memory_space<vmem>>) semaphore(%arg18 : memref<!tpu.dma_semaphore, #tpu.memory_space<semaphore_mem>>)
    %dma_wait3A_123 = arith.constant 0 : i32
    %dma_wait3A_124 = arith.constant 0 : i32
    %dma_wait3A_125 = tpu.memref_slice %arg2[%dma_wait3A_123, %dma_wait3A_124] : memref<10000x128xf32, #tpu.memory_space<hbm>> -> memref<10000x128xf32, #tpu.memory_space<hbm>>
    tpu.wait_indirect_dma semaphore(%arg19 : memref<!tpu.dma_semaphore, #tpu.memory_space<semaphore_mem>>) src(%dma_wait3A_125 : memref<10000x128xf32, #tpu.memory_space<hbm>>) dst(%arg15 : memref<80x128xf32, #tpu.memory_space<vmem>>)
    %dma_start3A_126 = arith.constant 121 : i32
    %dma_start3A_127 = arith.constant 0 : i32
    %dma_start3A_128 = tpu.memref_slice %arg7[%dma_start3A_126, %dma_start3A_127] : memref<126x80xi32, #tpu.memory_space<vmem>> -> memref<1x80xi32, #tpu.memory_space<vmem>>
    %dma_start3A_129 = tpu.memref_squeeze %dma_start3A_128 : memref<1x80xi32, #tpu.memory_space<vmem>> -> memref<80xi32, #tpu.memory_space<vmem>>
    %dma_start3A_130 = arith.constant 0 : i32
    %dma_start3A_131 = arith.constant 0 : i32
    %dma_start3A_132 = tpu.memref_slice %arg17[%dma_start3A_130, %dma_start3A_131] : memref<10240x128xf32, #tpu.memory_space<vmem_shared>> -> memref<10240x128xf32, #tpu.memory_space<vmem_shared>>
    tpu.enqueue_indirect_dma source(%arg15 : memref<80x128xf32, #tpu.memory_space<vmem>>) target(%dma_start3A_132 : memref<10240x128xf32, #tpu.memory_space<vmem_shared>>) offsets(%dma_start3A_129 : memref<80xi32, #tpu.memory_space<vmem>>) semaphore(%arg29 : memref<!tpu.dma_semaphore, #tpu.memory_space<semaphore_mem>>) {add = true}
    %dma_wait3A_133 = arith.constant 0 : i32
    %dma_wait3A_134 = arith.constant 0 : i32
    %dma_wait3A_135 = tpu.memref_slice %arg3[%add3A, %dma_wait3A_133, %dma_wait3A_134] : memref<32x126x80xi32, #tpu.memory_space<hbm>> -> memref<1x1x80xi32, #tpu.memory_space<hbm>>
    %dma_wait3A_136 = tpu.memref_squeeze %dma_wait3A_135 : memref<1x1x80xi32, #tpu.memory_space<hbm>> -> memref<80xi32, #tpu.memory_space<hbm>>
    %dma_wait3A_137 = arith.constant 0 : i32
    %dma_wait3A_138 = tpu.memref_slice %arg3[%add3A, %dma_wait3A_133, %dma_wait3A_137] : memref<32x126x80xi32, #tpu.memory_space<hbm>> -> memref<1x1x80xi32, #tpu.memory_space<hbm>>
    %dma_wait3A_139 = tpu.memref_squeeze %dma_wait3A_138 : memref<1x1x80xi32, #tpu.memory_space<hbm>> -> memref<80xi32, #tpu.memory_space<hbm>>
    tpu.wait_dma2 semaphore(%arg25 : memref<!tpu.dma_semaphore, #tpu.memory_space<semaphore_mem>>) src(%dma_wait3A_139 : memref<80xi32, #tpu.memory_space<hbm>>) dst(%arg12 : memref<80xi32, #tpu.memory_space<vmem>>)
    %dma_wait3A_140 = arith.constant 121 : i32
    %dma_wait3A_141 = arith.constant 0 : i32
    %dma_wait3A_142 = tpu.memref_slice %arg7[%dma_wait3A_140, %dma_wait3A_141] : memref<126x80xi32, #tpu.memory_space<vmem>> -> memref<1x80xi32, #tpu.memory_space<vmem>>
    %dma_wait3A_143 = tpu.memref_squeeze %dma_wait3A_142 : memref<1x80xi32, #tpu.memory_space<vmem>> -> memref<80xi32, #tpu.memory_space<vmem>>
    %dma_wait3A_144 = arith.constant 0 : i32
    %dma_wait3A_145 = arith.constant 0 : i32
    %dma_wait3A_146 = tpu.memref_slice %arg17[%dma_wait3A_144, %dma_wait3A_145] : memref<10240x128xf32, #tpu.memory_space<vmem_shared>> -> memref<10240x128xf32, #tpu.memory_space<vmem_shared>>
    tpu.wait_indirect_dma semaphore(%arg29 : memref<!tpu.dma_semaphore, #tpu.memory_space<semaphore_mem>>) src(%arg15 : memref<80x128xf32, #tpu.memory_space<vmem>>) dst(%dma_wait3A_146 : memref<10240x128xf32, #tpu.memory_space<vmem_shared>>)
    %dma_start3A_147 = arith.constant 0 : i32
    %dma_start3A_148 = arith.constant 0 : i32
    %dma_start3A_149 = tpu.memref_slice %arg2[%dma_start3A_147, %dma_start3A_148] : memref<10000x128xf32, #tpu.memory_space<hbm>> -> memref<10000x128xf32, #tpu.memory_space<hbm>>
    tpu.enqueue_indirect_dma source(%dma_start3A_149 : memref<10000x128xf32, #tpu.memory_space<hbm>>) target(%arg15 : memref<80x128xf32, #tpu.memory_space<vmem>>) offsets(%arg12 : memref<80xi32, #tpu.memory_space<vmem>>) semaphore(%arg19 : memref<!tpu.dma_semaphore, #tpu.memory_space<semaphore_mem>>)
    %dma_wait3A_150 = arith.constant 0 : i32
    %dma_wait3A_151 = arith.constant 0 : i32
    %dma_wait3A_152 = tpu.memref_slice %arg2[%dma_wait3A_150, %dma_wait3A_151] : memref<10000x128xf32, #tpu.memory_space<hbm>> -> memref<10000x128xf32, #tpu.memory_space<hbm>>
    tpu.wait_indirect_dma semaphore(%arg20 : memref<!tpu.dma_semaphore, #tpu.memory_space<semaphore_mem>>) src(%dma_wait3A_152 : memref<10000x128xf32, #tpu.memory_space<hbm>>) dst(%arg16 : memref<80x128xf32, #tpu.memory_space<vmem>>)
    %dma_start3A_153 = arith.constant 122 : i32
    %dma_start3A_154 = arith.constant 0 : i32
    %dma_start3A_155 = tpu.memref_slice %arg7[%dma_start3A_153, %dma_start3A_154] : memref<126x80xi32, #tpu.memory_space<vmem>> -> memref<1x80xi32, #tpu.memory_space<vmem>>
    %dma_start3A_156 = tpu.memref_squeeze %dma_start3A_155 : memref<1x80xi32, #tpu.memory_space<vmem>> -> memref<80xi32, #tpu.memory_space<vmem>>
    %dma_start3A_157 = arith.constant 0 : i32
    %dma_start3A_158 = arith.constant 0 : i32
    %dma_start3A_159 = tpu.memref_slice %arg17[%dma_start3A_157, %dma_start3A_158] : memref<10240x128xf32, #tpu.memory_space<vmem_shared>> -> memref<10240x128xf32, #tpu.memory_space<vmem_shared>>
    tpu.enqueue_indirect_dma source(%arg16 : memref<80x128xf32, #tpu.memory_space<vmem>>) target(%dma_start3A_159 : memref<10240x128xf32, #tpu.memory_space<vmem_shared>>) offsets(%dma_start3A_156 : memref<80xi32, #tpu.memory_space<vmem>>) semaphore(%arg30 : memref<!tpu.dma_semaphore, #tpu.memory_space<semaphore_mem>>) {add = true}
    %dma_wait3A_160 = arith.constant 0 : i32
    %dma_wait3A_161 = arith.constant 0 : i32
    %dma_wait3A_162 = tpu.memref_slice %arg3[%add3A, %dma_wait3A_160, %dma_wait3A_161] : memref<32x126x80xi32, #tpu.memory_space<hbm>> -> memref<1x1x80xi32, #tpu.memory_space<hbm>>
    %dma_wait3A_163 = tpu.memref_squeeze %dma_wait3A_162 : memref<1x1x80xi32, #tpu.memory_space<hbm>> -> memref<80xi32, #tpu.memory_space<hbm>>
    %dma_wait3A_164 = arith.constant 0 : i32
    %dma_wait3A_165 = tpu.memref_slice %arg3[%add3A, %dma_wait3A_160, %dma_wait3A_164] : memref<32x126x80xi32, #tpu.memory_space<hbm>> -> memref<1x1x80xi32, #tpu.memory_space<hbm>>
    %dma_wait3A_166 = tpu.memref_squeeze %dma_wait3A_165 : memref<1x1x80xi32, #tpu.memory_space<hbm>> -> memref<80xi32, #tpu.memory_space<hbm>>
    tpu.wait_dma2 semaphore(%arg26 : memref<!tpu.dma_semaphore, #tpu.memory_space<semaphore_mem>>) src(%dma_wait3A_166 : memref<80xi32, #tpu.memory_space<hbm>>) dst(%arg13 : memref<80xi32, #tpu.memory_space<vmem>>)
    %dma_wait3A_167 = arith.constant 122 : i32
    %dma_wait3A_168 = arith.constant 0 : i32
    %dma_wait3A_169 = tpu.memref_slice %arg7[%dma_wait3A_167, %dma_wait3A_168] : memref<126x80xi32, #tpu.memory_space<vmem>> -> memref<1x80xi32, #tpu.memory_space<vmem>>
    %dma_wait3A_170 = tpu.memref_squeeze %dma_wait3A_169 : memref<1x80xi32, #tpu.memory_space<vmem>> -> memref<80xi32, #tpu.memory_space<vmem>>
    %dma_wait3A_171 = arith.constant 0 : i32
    %dma_wait3A_172 = arith.constant 0 : i32
    %dma_wait3A_173 = tpu.memref_slice %arg17[%dma_wait3A_171, %dma_wait3A_172] : memref<10240x128xf32, #tpu.memory_space<vmem_shared>> -> memref<10240x128xf32, #tpu.memory_space<vmem_shared>>
    tpu.wait_indirect_dma semaphore(%arg30 : memref<!tpu.dma_semaphore, #tpu.memory_space<semaphore_mem>>) src(%arg16 : memref<80x128xf32, #tpu.memory_space<vmem>>) dst(%dma_wait3A_173 : memref<10240x128xf32, #tpu.memory_space<vmem_shared>>)
    %dma_start3A_174 = arith.constant 0 : i32
    %dma_start3A_175 = arith.constant 0 : i32
    %dma_start3A_176 = tpu.memref_slice %arg2[%dma_start3A_174, %dma_start3A_175] : memref<10000x128xf32, #tpu.memory_space<hbm>> -> memref<10000x128xf32, #tpu.memory_space<hbm>>
    tpu.enqueue_indirect_dma source(%dma_start3A_176 : memref<10000x128xf32, #tpu.memory_space<hbm>>) target(%arg16 : memref<80x128xf32, #tpu.memory_space<vmem>>) offsets(%arg13 : memref<80xi32, #tpu.memory_space<vmem>>) semaphore(%arg20 : memref<!tpu.dma_semaphore, #tpu.memory_space<semaphore_mem>>)
    %dma_wait3A_177 = arith.constant 0 : i32
    %dma_wait3A_178 = arith.constant 0 : i32
    %dma_wait3A_179 = tpu.memref_slice %arg2[%dma_wait3A_177, %dma_wait3A_178] : memref<10000x128xf32, #tpu.memory_space<hbm>> -> memref<10000x128xf32, #tpu.memory_space<hbm>>
    tpu.wait_indirect_dma semaphore(%arg18 : memref<!tpu.dma_semaphore, #tpu.memory_space<semaphore_mem>>) src(%dma_wait3A_179 : memref<10000x128xf32, #tpu.memory_space<hbm>>) dst(%arg14 : memref<80x128xf32, #tpu.memory_space<vmem>>)
    %dma_start3A_180 = arith.constant 123 : i32
    %dma_start3A_181 = arith.constant 0 : i32
    %dma_start3A_182 = tpu.memref_slice %arg7[%dma_start3A_180, %dma_start3A_181] : memref<126x80xi32, #tpu.memory_space<vmem>> -> memref<1x80xi32, #tpu.memory_space<vmem>>
    %dma_start3A_183 = tpu.memref_squeeze %dma_start3A_182 : memref<1x80xi32, #tpu.memory_space<vmem>> -> memref<80xi32, #tpu.memory_space<vmem>>
    %dma_start3A_184 = arith.constant 0 : i32
    %dma_start3A_185 = arith.constant 0 : i32
    %dma_start3A_186 = tpu.memref_slice %arg17[%dma_start3A_184, %dma_start3A_185] : memref<10240x128xf32, #tpu.memory_space<vmem_shared>> -> memref<10240x128xf32, #tpu.memory_space<vmem_shared>>
    tpu.enqueue_indirect_dma source(%arg14 : memref<80x128xf32, #tpu.memory_space<vmem>>) target(%dma_start3A_186 : memref<10240x128xf32, #tpu.memory_space<vmem_shared>>) offsets(%dma_start3A_183 : memref<80xi32, #tpu.memory_space<vmem>>) semaphore(%arg28 : memref<!tpu.dma_semaphore, #tpu.memory_space<semaphore_mem>>) {add = true}
    %dma_wait3A_187 = arith.constant 0 : i32
    %dma_wait3A_188 = arith.constant 0 : i32
    %dma_wait3A_189 = tpu.memref_slice %arg2[%dma_wait3A_187, %dma_wait3A_188] : memref<10000x128xf32, #tpu.memory_space<hbm>> -> memref<10000x128xf32, #tpu.memory_space<hbm>>
    tpu.wait_indirect_dma semaphore(%arg19 : memref<!tpu.dma_semaphore, #tpu.memory_space<semaphore_mem>>) src(%dma_wait3A_189 : memref<10000x128xf32, #tpu.memory_space<hbm>>) dst(%arg15 : memref<80x128xf32, #tpu.memory_space<vmem>>)
    %dma_start3A_190 = arith.constant 124 : i32
    %dma_start3A_191 = arith.constant 0 : i32
    %dma_start3A_192 = tpu.memref_slice %arg7[%dma_start3A_190, %dma_start3A_191] : memref<126x80xi32, #tpu.memory_space<vmem>> -> memref<1x80xi32, #tpu.memory_space<vmem>>
    %dma_start3A_193 = tpu.memref_squeeze %dma_start3A_192 : memref<1x80xi32, #tpu.memory_space<vmem>> -> memref<80xi32, #tpu.memory_space<vmem>>
    %dma_start3A_194 = arith.constant 0 : i32
    %dma_start3A_195 = arith.constant 0 : i32
    %dma_start3A_196 = tpu.memref_slice %arg17[%dma_start3A_194, %dma_start3A_195] : memref<10240x128xf32, #tpu.memory_space<vmem_shared>> -> memref<10240x128xf32, #tpu.memory_space<vmem_shared>>
    tpu.enqueue_indirect_dma source(%arg15 : memref<80x128xf32, #tpu.memory_space<vmem>>) target(%dma_start3A_196 : memref<10240x128xf32, #tpu.memory_space<vmem_shared>>) offsets(%dma_start3A_193 : memref<80xi32, #tpu.memory_space<vmem>>) semaphore(%arg29 : memref<!tpu.dma_semaphore, #tpu.memory_space<semaphore_mem>>) {add = true}
    %dma_wait3A_197 = arith.constant 0 : i32
    %dma_wait3A_198 = arith.constant 0 : i32
    %dma_wait3A_199 = tpu.memref_slice %arg2[%dma_wait3A_197, %dma_wait3A_198] : memref<10000x128xf32, #tpu.memory_space<hbm>> -> memref<10000x128xf32, #tpu.memory_space<hbm>>
    tpu.wait_indirect_dma semaphore(%arg20 : memref<!tpu.dma_semaphore, #tpu.memory_space<semaphore_mem>>) src(%dma_wait3A_199 : memref<10000x128xf32, #tpu.memory_space<hbm>>) dst(%arg16 : memref<80x128xf32, #tpu.memory_space<vmem>>)
    %dma_start3A_200 = arith.constant 125 : i32
    %dma_start3A_201 = arith.constant 0 : i32
    %dma_start3A_202 = tpu.memref_slice %arg7[%dma_start3A_200, %dma_start3A_201] : memref<126x80xi32, #tpu.memory_space<vmem>> -> memref<1x80xi32, #tpu.memory_space<vmem>>
    %dma_start3A_203 = tpu.memref_squeeze %dma_start3A_202 : memref<1x80xi32, #tpu.memory_space<vmem>> -> memref<80xi32, #tpu.memory_space<vmem>>
    %dma_start3A_204 = arith.constant 0 : i32
    %dma_start3A_205 = arith.constant 0 : i32
    %dma_start3A_206 = tpu.memref_slice %arg17[%dma_start3A_204, %dma_start3A_205] : memref<10240x128xf32, #tpu.memory_space<vmem_shared>> -> memref<10240x128xf32, #tpu.memory_space<vmem_shared>>
    tpu.enqueue_indirect_dma source(%arg16 : memref<80x128xf32, #tpu.memory_space<vmem>>) target(%dma_start3A_206 : memref<10240x128xf32, #tpu.memory_space<vmem_shared>>) offsets(%dma_start3A_203 : memref<80xi32, #tpu.memory_space<vmem>>) semaphore(%arg30 : memref<!tpu.dma_semaphore, #tpu.memory_space<semaphore_mem>>) {add = true}
    %dma_wait3A_207 = arith.constant 123 : i32
    %dma_wait3A_208 = arith.constant 0 : i32
    %dma_wait3A_209 = tpu.memref_slice %arg7[%dma_wait3A_207, %dma_wait3A_208] : memref<126x80xi32, #tpu.memory_space<vmem>> -> memref<1x80xi32, #tpu.memory_space<vmem>>
    %dma_wait3A_210 = tpu.memref_squeeze %dma_wait3A_209 : memref<1x80xi32, #tpu.memory_space<vmem>> -> memref<80xi32, #tpu.memory_space<vmem>>
    %dma_wait3A_211 = arith.constant 0 : i32
    %dma_wait3A_212 = arith.constant 0 : i32
    %dma_wait3A_213 = tpu.memref_slice %arg17[%dma_wait3A_211, %dma_wait3A_212] : memref<10240x128xf32, #tpu.memory_space<vmem_shared>> -> memref<10240x128xf32, #tpu.memory_space<vmem_shared>>
    tpu.wait_indirect_dma semaphore(%arg28 : memref<!tpu.dma_semaphore, #tpu.memory_space<semaphore_mem>>) src(%arg14 : memref<80x128xf32, #tpu.memory_space<vmem>>) dst(%dma_wait3A_213 : memref<10240x128xf32, #tpu.memory_space<vmem_shared>>)
    %dma_wait3A_214 = arith.constant 124 : i32
    %dma_wait3A_215 = arith.constant 0 : i32
    %dma_wait3A_216 = tpu.memref_slice %arg7[%dma_wait3A_214, %dma_wait3A_215] : memref<126x80xi32, #tpu.memory_space<vmem>> -> memref<1x80xi32, #tpu.memory_space<vmem>>
    %dma_wait3A_217 = tpu.memref_squeeze %dma_wait3A_216 : memref<1x80xi32, #tpu.memory_space<vmem>> -> memref<80xi32, #tpu.memory_space<vmem>>
    %dma_wait3A_218 = arith.constant 0 : i32
    %dma_wait3A_219 = arith.constant 0 : i32
    %dma_wait3A_220 = tpu.memref_slice %arg17[%dma_wait3A_218, %dma_wait3A_219] : memref<10240x128xf32, #tpu.memory_space<vmem_shared>> -> memref<10240x128xf32, #tpu.memory_space<vmem_shared>>
    tpu.wait_indirect_dma semaphore(%arg29 : memref<!tpu.dma_semaphore, #tpu.memory_space<semaphore_mem>>) src(%arg15 : memref<80x128xf32, #tpu.memory_space<vmem>>) dst(%dma_wait3A_220 : memref<10240x128xf32, #tpu.memory_space<vmem_shared>>)
    %dma_wait3A_221 = arith.constant 125 : i32
    %dma_wait3A_222 = arith.constant 0 : i32
    %dma_wait3A_223 = tpu.memref_slice %arg7[%dma_wait3A_221, %dma_wait3A_222] : memref<126x80xi32, #tpu.memory_space<vmem>> -> memref<1x80xi32, #tpu.memory_space<vmem>>
    %dma_wait3A_224 = tpu.memref_squeeze %dma_wait3A_223 : memref<1x80xi32, #tpu.memory_space<vmem>> -> memref<80xi32, #tpu.memory_space<vmem>>
    %dma_wait3A_225 = arith.constant 0 : i32
    %dma_wait3A_226 = arith.constant 0 : i32
    %dma_wait3A_227 = tpu.memref_slice %arg17[%dma_wait3A_225, %dma_wait3A_226] : memref<10240x128xf32, #tpu.memory_space<vmem_shared>> -> memref<10240x128xf32, #tpu.memory_space<vmem_shared>>
    tpu.wait_indirect_dma semaphore(%arg30 : memref<!tpu.dma_semaphore, #tpu.memory_space<semaphore_mem>>) src(%arg16 : memref<80x128xf32, #tpu.memory_space<vmem>>) dst(%dma_wait3A_227 : memref<10240x128xf32, #tpu.memory_space<vmem_shared>>)
    %barrier3A_228 = arith.constant 0 : index
    tpu.barrier barrier_id(%barrier3A_228)
    %mul3A_229 = arith.constant 640 : i32
    %mul3A_230 = arith.muli %arg1, %mul3A_229 : i32
    %mul3A_231 = arith.constant 640 : i32
    %mul3A_232 = arith.muli %arg1, %mul3A_231 : i32
    "tpu.region"() ({
      %run_scoped3A = tpu.sem_alloc : memref<!tpu.dma_semaphore, #tpu.memory_space<semaphore_mem>>
      %dma_start3A_233 = arith.constant 0 : i32
      %dma_start3A_234 = tpu.memref_slice %arg6[%arg0, %mul3A_232, %dma_start3A_233] : memref<2x10240x128xf32, #tpu.memory_space<hbm>> -> memref<1x640x128xf32, #tpu.memory_space<hbm>>
      %dma_start3A_235 = tpu.memref_squeeze %dma_start3A_234 : memref<1x640x128xf32, #tpu.memory_space<hbm>> -> memref<640x128xf32, #tpu.memory_space<hbm>>
      %dma_start3A_236 = arith.constant 0 : i32
      %dma_start3A_237 = tpu.memref_slice %arg17[%mul3A_230, %dma_start3A_236] : memref<10240x128xf32, #tpu.memory_space<vmem_shared>> -> memref<640x128xf32, #tpu.memory_space<vmem_shared>>
      tpu.enqueue_dma source(%dma_start3A_237 : memref<640x128xf32, #tpu.memory_space<vmem_shared>>) target(%dma_start3A_235 : memref<640x128xf32, #tpu.memory_space<hbm>>) target_semaphore(%run_scoped3A : memref<!tpu.dma_semaphore, #tpu.memory_space<semaphore_mem>>)
      %dma_wait3A_238 = arith.constant 0 : i32
      %dma_wait3A_239 = tpu.memref_slice %arg6[%arg0, %mul3A_232, %dma_wait3A_238] : memref<2x10240x128xf32, #tpu.memory_space<hbm>> -> memref<1x640x128xf32, #tpu.memory_space<hbm>>
      %dma_wait3A_240 = tpu.memref_squeeze %dma_wait3A_239 : memref<1x640x128xf32, #tpu.memory_space<hbm>> -> memref<640x128xf32, #tpu.memory_space<hbm>>
      %dma_wait3A_241 = arith.constant 0 : i32
      %dma_wait3A_242 = tpu.memref_slice %arg17[%mul3A_230, %dma_wait3A_241] : memref<10240x128xf32, #tpu.memory_space<vmem_shared>> -> memref<640x128xf32, #tpu.memory_space<vmem_shared>>
      tpu.wait_dma2 semaphore(%run_scoped3A : memref<!tpu.dma_semaphore, #tpu.memory_space<semaphore_mem>>) src(%dma_wait3A_242 : memref<640x128xf32, #tpu.memory_space<vmem_shared>>) dst(%dma_wait3A_240 : memref<640x128xf32, #tpu.memory_space<hbm>>)
      tpu.yield
    }) : () -> ()
    return
  }
}

#map = affine_map<(d0, d1) -> (0, 0)>
#map1 = affine_map<(d0, d1) -> (0, 0, 0)>
module attributes {stable_mosaic.version = 14 : i64} {
  func.func @_segsum_sc(%arg0: i32, %arg1: i32, %arg2: memref<10000x128xf32, #tpu.memory_space<hbm>>, %arg3: memref<32x126x80xi32, #tpu.memory_space<hbm>>, %arg4: memref<32x126x80xi32, #tpu.memory_space<hbm>>, %arg5: memref<10240x128xf32, #tpu.memory_space<hbm>>, %arg6: memref<2x10240x128xf32, #tpu.memory_space<hbm>>, %arg7: memref<126x80xi32, #tpu.memory_space<vmem>>, %arg8: memref<80xi32, #tpu.memory_space<vmem>>, %arg9: memref<80xi32, #tpu.memory_space<vmem>>, %arg10: memref<80xi32, #tpu.memory_space<vmem>>, %arg11: memref<80xi32, #tpu.memory_space<vmem>>, %arg12: memref<80xi32, #tpu.memory_space<vmem>>, %arg13: memref<80xi32, #tpu.memory_space<vmem>>, %arg14: memref<80x128xf32, #tpu.memory_space<vmem>>, %arg15: memref<80x128xf32, #tpu.memory_space<vmem>>, %arg16: memref<80x128xf32, #tpu.memory_space<vmem>>, %arg17: memref<10240x128xf32, #tpu.memory_space<vmem_shared>>, %arg18: memref<!tpu.dma_semaphore, #tpu.memory_space<semaphore_mem>>, %arg19: memref<!tpu.dma_semaphore, #tpu.memory_space<semaphore_mem>>, %arg20: memref<!tpu.dma_semaphore, #tpu.memory_space<semaphore_mem>>, %arg21: memref<!tpu.dma_semaphore, #tpu.memory_space<semaphore_mem>>, %arg22: memref<!tpu.dma_semaphore, #tpu.memory_space<semaphore_mem>>, %arg23: memref<!tpu.dma_semaphore, #tpu.memory_space<semaphore_mem>>, %arg24: memref<!tpu.dma_semaphore, #tpu.memory_space<semaphore_mem>>, %arg25: memref<!tpu.dma_semaphore, #tpu.memory_space<semaphore_mem>>, %arg26: memref<!tpu.dma_semaphore, #tpu.memory_space<semaphore_mem>>, %arg27: memref<!tpu.dma_semaphore, #tpu.memory_space<semaphore_mem>>, %arg28: memref<!tpu.dma_semaphore, #tpu.memory_space<semaphore_mem>>, %arg29: memref<!tpu.dma_semaphore, #tpu.memory_space<semaphore_mem>>, %arg30: memref<!tpu.dma_semaphore, #tpu.memory_space<semaphore_mem>>) attributes {dimension_semantics = [#tpu.dimension_semantics<core_parallel>, #tpu.dimension_semantics<subcore_parallel>], iteration_bounds = array<i64: 2, 16>, scalar_prefetch = 0 : i64, scratch_operands = 24 : i64, tpu.core_type = #tpu.core_type<sc_vector_subcore>, window_params = [{transform_indices = #map}, {transform_indices = #map1}, {transform_indices = #map1}, {transform_indices = #map}, {transform_indices = #map1}]} {
    %mul3A = arith.constant 16 : i32
    %mul3A_0 = arith.muli %arg0, %mul3A : i32
    %add3A = arith.addi %mul3A_0, %arg1 : i32
    %dma_start3A = arith.constant 0 : i32
    %dma_start3A_1 = arith.constant 0 : i32
    %dma_start3A_2 = tpu.memref_slice %arg3[%add3A, %dma_start3A, %dma_start3A_1] : memref<32x126x80xi32, #tpu.memory_space<hbm>> -> memref<1x1x80xi32, #tpu.memory_space<hbm>>
    %dma_start3A_3 = tpu.memref_squeeze %dma_start3A_2 : memref<1x1x80xi32, #tpu.memory_space<hbm>> -> memref<80xi32, #tpu.memory_space<hbm>>
    %dma_start3A_4 = arith.constant 0 : i32
    %dma_start3A_5 = tpu.memref_slice %arg3[%add3A, %dma_start3A, %dma_start3A_4] : memref<32x126x80xi32, #tpu.memory_space<hbm>> -> memref<1x1x80xi32, #tpu.memory_space<hbm>>
    %dma_start3A_6 = tpu.memref_squeeze %dma_start3A_5 : memref<1x1x80xi32, #tpu.memory_space<hbm>> -> memref<80xi32, #tpu.memory_space<hbm>>
    tpu.enqueue_dma source(%dma_start3A_6 : memref<80xi32, #tpu.memory_space<hbm>>) target(%arg8 : memref<80xi32, #tpu.memory_space<vmem>>) target_semaphore(%arg21 : memref<!tpu.dma_semaphore, #tpu.memory_space<semaphore_mem>>)
    %dma_start3A_7 = arith.constant 1 : i32
    %dma_start3A_8 = arith.constant 0 : i32
    %dma_start3A_9 = tpu.memref_slice %arg3[%add3A, %dma_start3A_7, %dma_start3A_8] : memref<32x126x80xi32, #tpu.memory_space<hbm>> -> memref<1x1x80xi32, #tpu.memory_space<hbm>>
    %dma_start3A_10 = tpu.memref_squeeze %dma_start3A_9 : memref<1x1x80xi32, #tpu.memory_space<hbm>> -> memref<80xi32, #tpu.memory_space<hbm>>
    %dma_start3A_11 = arith.constant 0 : i32
    %dma_start3A_12 = tpu.memref_slice %arg3[%add3A, %dma_start3A_7, %dma_start3A_11] : memref<32x126x80xi32, #tpu.memory_space<hbm>> -> memref<1x1x80xi32, #tpu.memory_space<hbm>>
    %dma_start3A_13 = tpu.memref_squeeze %dma_start3A_12 : memref<1x1x80xi32, #tpu.memory_space<hbm>> -> memref<80xi32, #tpu.memory_space<hbm>>
    tpu.enqueue_dma source(%dma_start3A_13 : memref<80xi32, #tpu.memory_space<hbm>>) target(%arg9 : memref<80xi32, #tpu.memory_space<vmem>>) target_semaphore(%arg22 : memref<!tpu.dma_semaphore, #tpu.memory_space<semaphore_mem>>)
    %dma_start3A_14 = arith.constant 2 : i32
    %dma_start3A_15 = arith.constant 0 : i32
    %dma_start3A_16 = tpu.memref_slice %arg3[%add3A, %dma_start3A_14, %dma_start3A_15] : memref<32x126x80xi32, #tpu.memory_space<hbm>> -> memref<1x1x80xi32, #tpu.memory_space<hbm>>
    %dma_start3A_17 = tpu.memref_squeeze %dma_start3A_16 : memref<1x1x80xi32, #tpu.memory_space<hbm>> -> memref<80xi32, #tpu.memory_space<hbm>>
    %dma_start3A_18 = arith.constant 0 : i32
    %dma_start3A_19 = tpu.memref_slice %arg3[%add3A, %dma_start3A_14, %dma_start3A_18] : memref<32x126x80xi32, #tpu.memory_space<hbm>> -> memref<1x1x80xi32, #tpu.memory_space<hbm>>
    %dma_start3A_20 = tpu.memref_squeeze %dma_start3A_19 : memref<1x1x80xi32, #tpu.memory_space<hbm>> -> memref<80xi32, #tpu.memory_space<hbm>>
    tpu.enqueue_dma source(%dma_start3A_20 : memref<80xi32, #tpu.memory_space<hbm>>) target(%arg10 : memref<80xi32, #tpu.memory_space<vmem>>) target_semaphore(%arg23 : memref<!tpu.dma_semaphore, #tpu.memory_space<semaphore_mem>>)
    %dma_start3A_21 = arith.constant 3 : i32
    %dma_start3A_22 = arith.constant 0 : i32
    %dma_start3A_23 = tpu.memref_slice %arg3[%add3A, %dma_start3A_21, %dma_start3A_22] : memref<32x126x80xi32, #tpu.memory_space<hbm>> -> memref<1x1x80xi32, #tpu.memory_space<hbm>>
    %dma_start3A_24 = tpu.memref_squeeze %dma_start3A_23 : memref<1x1x80xi32, #tpu.memory_space<hbm>> -> memref<80xi32, #tpu.memory_space<hbm>>
    %dma_start3A_25 = arith.constant 0 : i32
    %dma_start3A_26 = tpu.memref_slice %arg3[%add3A, %dma_start3A_21, %dma_start3A_25] : memref<32x126x80xi32, #tpu.memory_space<hbm>> -> memref<1x1x80xi32, #tpu.memory_space<hbm>>
    %dma_start3A_27 = tpu.memref_squeeze %dma_start3A_26 : memref<1x1x80xi32, #tpu.memory_space<hbm>> -> memref<80xi32, #tpu.memory_space<hbm>>
    tpu.enqueue_dma source(%dma_start3A_27 : memref<80xi32, #tpu.memory_space<hbm>>) target(%arg11 : memref<80xi32, #tpu.memory_space<vmem>>) target_semaphore(%arg24 : memref<!tpu.dma_semaphore, #tpu.memory_space<semaphore_mem>>)
    %dma_start3A_28 = arith.constant 4 : i32
    %dma_start3A_29 = arith.constant 0 : i32
    %dma_start3A_30 = tpu.memref_slice %arg3[%add3A, %dma_start3A_28, %dma_start3A_29] : memref<32x126x80xi32, #tpu.memory_space<hbm>> -> memref<1x1x80xi32, #tpu.memory_space<hbm>>
    %dma_start3A_31 = tpu.memref_squeeze %dma_start3A_30 : memref<1x1x80xi32, #tpu.memory_space<hbm>> -> memref<80xi32, #tpu.memory_space<hbm>>
    %dma_start3A_32 = arith.constant 0 : i32
    %dma_start3A_33 = tpu.memref_slice %arg3[%add3A, %dma_start3A_28, %dma_start3A_32] : memref<32x126x80xi32, #tpu.memory_space<hbm>> -> memref<1x1x80xi32, #tpu.memory_space<hbm>>
    %dma_start3A_34 = tpu.memref_squeeze %dma_start3A_33 : memref<1x1x80xi32, #tpu.memory_space<hbm>> -> memref<80xi32, #tpu.memory_space<hbm>>
    tpu.enqueue_dma source(%dma_start3A_34 : memref<80xi32, #tpu.memory_space<hbm>>) target(%arg12 : memref<80xi32, #tpu.memory_space<vmem>>) target_semaphore(%arg25 : memref<!tpu.dma_semaphore, #tpu.memory_space<semaphore_mem>>)
    %dma_start3A_35 = arith.constant 5 : i32
    %dma_start3A_36 = arith.constant 0 : i32
    %dma_start3A_37 = tpu.memref_slice %arg3[%add3A, %dma_start3A_35, %dma_start3A_36] : memref<32x126x80xi32, #tpu.memory_space<hbm>> -> memref<1x1x80xi32, #tpu.memory_space<hbm>>
    %dma_start3A_38 = tpu.memref_squeeze %dma_start3A_37 : memref<1x1x80xi32, #tpu.memory_space<hbm>> -> memref<80xi32, #tpu.memory_space<hbm>>
    %dma_start3A_39 = arith.constant 0 : i32
    %dma_start3A_40 = tpu.memref_slice %arg3[%add3A, %dma_start3A_35, %dma_start3A_39] : memref<32x126x80xi32, #tpu.memory_space<hbm>> -> memref<1x1x80xi32, #tpu.memory_space<hbm>>
    %dma_start3A_41 = tpu.memref_squeeze %dma_start3A_40 : memref<1x1x80xi32, #tpu.memory_space<hbm>> -> memref<80xi32, #tpu.memory_space<hbm>>
    tpu.enqueue_dma source(%dma_start3A_41 : memref<80xi32, #tpu.memory_space<hbm>>) target(%arg13 : memref<80xi32, #tpu.memory_space<vmem>>) target_semaphore(%arg26 : memref<!tpu.dma_semaphore, #tpu.memory_space<semaphore_mem>>)
    %dma_start3A_42 = arith.constant 0 : i32
    %dma_start3A_43 = arith.constant 0 : i32
    %dma_start3A_44 = tpu.memref_slice %arg4[%add3A, %dma_start3A_42, %dma_start3A_43] : memref<32x126x80xi32, #tpu.memory_space<hbm>> -> memref<1x126x80xi32, #tpu.memory_space<hbm>>
    %dma_start3A_45 = tpu.memref_squeeze %dma_start3A_44 : memref<1x126x80xi32, #tpu.memory_space<hbm>> -> memref<126x80xi32, #tpu.memory_space<hbm>>
    %dma_start3A_46 = arith.constant 0 : i32
    %dma_start3A_47 = arith.constant 0 : i32
    %dma_start3A_48 = tpu.memref_slice %arg4[%add3A, %dma_start3A_46, %dma_start3A_47] : memref<32x126x80xi32, #tpu.memory_space<hbm>> -> memref<1x126x80xi32, #tpu.memory_space<hbm>>
    %dma_start3A_49 = tpu.memref_squeeze %dma_start3A_48 : memref<1x126x80xi32, #tpu.memory_space<hbm>> -> memref<126x80xi32, #tpu.memory_space<hbm>>
    tpu.enqueue_dma source(%dma_start3A_49 : memref<126x80xi32, #tpu.memory_space<hbm>>) target(%arg7 : memref<126x80xi32, #tpu.memory_space<vmem>>) target_semaphore(%arg27 : memref<!tpu.dma_semaphore, #tpu.memory_space<semaphore_mem>>)
    %dma_wait3A = arith.constant 0 : i32
    %dma_wait3A_50 = arith.constant 0 : i32
    %dma_wait3A_51 = tpu.memref_slice %arg3[%add3A, %dma_wait3A, %dma_wait3A_50] : memref<32x126x80xi32, #tpu.memory_space<hbm>> -> memref<1x1x80xi32, #tpu.memory_space<hbm>>
    %dma_wait3A_52 = tpu.memref_squeeze %dma_wait3A_51 : memref<1x1x80xi32, #tpu.memory_space<hbm>> -> memref<80xi32, #tpu.memory_space<hbm>>
    %dma_wait3A_53 = arith.constant 0 : i32
    %dma_wait3A_54 = tpu.memref_slice %arg3[%add3A, %dma_wait3A, %dma_wait3A_53] : memref<32x126x80xi32, #tpu.memory_space<hbm>> -> memref<1x1x80xi32, #tpu.memory_space<hbm>>
    %dma_wait3A_55 = tpu.memref_squeeze %dma_wait3A_54 : memref<1x1x80xi32, #tpu.memory_space<hbm>> -> memref<80xi32, #tpu.memory_space<hbm>>
    tpu.wait_dma2 semaphore(%arg21 : memref<!tpu.dma_semaphore, #tpu.memory_space<semaphore_mem>>) src(%dma_wait3A_55 : memref<80xi32, #tpu.memory_space<hbm>>) dst(%arg8 : memref<80xi32, #tpu.memory_space<vmem>>)
    %dma_start3A_56 = arith.constant 0 : i32
    %dma_start3A_57 = arith.constant 0 : i32
    %dma_start3A_58 = tpu.memref_slice %arg2[%dma_start3A_56, %dma_start3A_57] : memref<10000x128xf32, #tpu.memory_space<hbm>> -> memref<10000x128xf32, #tpu.memory_space<hbm>>
    tpu.enqueue_indirect_dma source(%dma_start3A_58 : memref<10000x128xf32, #tpu.memory_space<hbm>>) target(%arg14 : memref<80x128xf32, #tpu.memory_space<vmem>>) offsets(%arg8 : memref<80xi32, #tpu.memory_space<vmem>>) semaphore(%arg18 : memref<!tpu.dma_semaphore, #tpu.memory_space<semaphore_mem>>)
    %dma_wait3A_59 = arith.constant 0 : i32
    %dma_wait3A_60 = arith.constant 0 : i32
    %dma_wait3A_61 = tpu.memref_slice %arg3[%add3A, %dma_wait3A_59, %dma_wait3A_60] : memref<32x126x80xi32, #tpu.memory_space<hbm>> -> memref<1x1x80xi32, #tpu.memory_space<hbm>>
    %dma_wait3A_62 = tpu.memref_squeeze %dma_wait3A_61 : memref<1x1x80xi32, #tpu.memory_space<hbm>> -> memref<80xi32, #tpu.memory_space<hbm>>
    %dma_wait3A_63 = arith.constant 0 : i32
    %dma_wait3A_64 = tpu.memref_slice %arg3[%add3A, %dma_wait3A_59, %dma_wait3A_63] : memref<32x126x80xi32, #tpu.memory_space<hbm>> -> memref<1x1x80xi32, #tpu.memory_space<hbm>>
    %dma_wait3A_65 = tpu.memref_squeeze %dma_wait3A_64 : memref<1x1x80xi32, #tpu.memory_space<hbm>> -> memref<80xi32, #tpu.memory_space<hbm>>
    tpu.wait_dma2 semaphore(%arg22 : memref<!tpu.dma_semaphore, #tpu.memory_space<semaphore_mem>>) src(%dma_wait3A_65 : memref<80xi32, #tpu.memory_space<hbm>>) dst(%arg9 : memref<80xi32, #tpu.memory_space<vmem>>)
    %dma_start3A_66 = arith.constant 0 : i32
    %dma_start3A_67 = arith.constant 0 : i32
    %dma_start3A_68 = tpu.memref_slice %arg2[%dma_start3A_66, %dma_start3A_67] : memref<10000x128xf32, #tpu.memory_space<hbm>> -> memref<10000x128xf32, #tpu.memory_space<hbm>>
    tpu.enqueue_indirect_dma source(%dma_start3A_68 : memref<10000x128xf32, #tpu.memory_space<hbm>>) target(%arg15 : memref<80x128xf32, #tpu.memory_space<vmem>>) offsets(%arg9 : memref<80xi32, #tpu.memory_space<vmem>>) semaphore(%arg19 : memref<!tpu.dma_semaphore, #tpu.memory_space<semaphore_mem>>)
    %dma_wait3A_69 = arith.constant 0 : i32
    %dma_wait3A_70 = arith.constant 0 : i32
    %dma_wait3A_71 = tpu.memref_slice %arg3[%add3A, %dma_wait3A_69, %dma_wait3A_70] : memref<32x126x80xi32, #tpu.memory_space<hbm>> -> memref<1x1x80xi32, #tpu.memory_space<hbm>>
    %dma_wait3A_72 = tpu.memref_squeeze %dma_wait3A_71 : memref<1x1x80xi32, #tpu.memory_space<hbm>> -> memref<80xi32, #tpu.memory_space<hbm>>
    %dma_wait3A_73 = arith.constant 0 : i32
    %dma_wait3A_74 = tpu.memref_slice %arg3[%add3A, %dma_wait3A_69, %dma_wait3A_73] : memref<32x126x80xi32, #tpu.memory_space<hbm>> -> memref<1x1x80xi32, #tpu.memory_space<hbm>>
    %dma_wait3A_75 = tpu.memref_squeeze %dma_wait3A_74 : memref<1x1x80xi32, #tpu.memory_space<hbm>> -> memref<80xi32, #tpu.memory_space<hbm>>
    tpu.wait_dma2 semaphore(%arg23 : memref<!tpu.dma_semaphore, #tpu.memory_space<semaphore_mem>>) src(%dma_wait3A_75 : memref<80xi32, #tpu.memory_space<hbm>>) dst(%arg10 : memref<80xi32, #tpu.memory_space<vmem>>)
    %dma_start3A_76 = arith.constant 0 : i32
    %dma_start3A_77 = arith.constant 0 : i32
    %dma_start3A_78 = tpu.memref_slice %arg2[%dma_start3A_76, %dma_start3A_77] : memref<10000x128xf32, #tpu.memory_space<hbm>> -> memref<10000x128xf32, #tpu.memory_space<hbm>>
    tpu.enqueue_indirect_dma source(%dma_start3A_78 : memref<10000x128xf32, #tpu.memory_space<hbm>>) target(%arg16 : memref<80x128xf32, #tpu.memory_space<vmem>>) offsets(%arg10 : memref<80xi32, #tpu.memory_space<vmem>>) semaphore(%arg20 : memref<!tpu.dma_semaphore, #tpu.memory_space<semaphore_mem>>)
    %mul3A_79 = arith.constant 640 : i32
    %mul3A_80 = arith.muli %arg1, %mul3A_79 : i32
    %mul3A_81 = arith.constant 640 : i32
    %mul3A_82 = arith.muli %arg1, %mul3A_81 : i32
    "tpu.region"() ({
      %run_scoped3A = tpu.sem_alloc : memref<!tpu.dma_semaphore, #tpu.memory_space<semaphore_mem>>
      %dma_start3A_233 = arith.constant 0 : i32
      %dma_start3A_234 = tpu.memref_slice %arg17[%mul3A_82, %dma_start3A_233] : memref<10240x128xf32, #tpu.memory_space<vmem_shared>> -> memref<640x128xf32, #tpu.memory_space<vmem_shared>>
      %dma_start3A_235 = arith.constant 0 : i32
      %dma_start3A_236 = tpu.memref_slice %arg5[%mul3A_80, %dma_start3A_235] : memref<10240x128xf32, #tpu.memory_space<hbm>> -> memref<640x128xf32, #tpu.memory_space<hbm>>
      tpu.enqueue_dma source(%dma_start3A_236 : memref<640x128xf32, #tpu.memory_space<hbm>>) target(%dma_start3A_234 : memref<640x128xf32, #tpu.memory_space<vmem_shared>>) target_semaphore(%run_scoped3A : memref<!tpu.dma_semaphore, #tpu.memory_space<semaphore_mem>>)
      %dma_wait3A_237 = arith.constant 0 : i32
      %dma_wait3A_238 = tpu.memref_slice %arg17[%mul3A_82, %dma_wait3A_237] : memref<10240x128xf32, #tpu.memory_space<vmem_shared>> -> memref<640x128xf32, #tpu.memory_space<vmem_shared>>
      %dma_wait3A_239 = arith.constant 0 : i32
      %dma_wait3A_240 = tpu.memref_slice %arg5[%mul3A_80, %dma_wait3A_239] : memref<10240x128xf32, #tpu.memory_space<hbm>> -> memref<640x128xf32, #tpu.memory_space<hbm>>
      tpu.wait_dma2 semaphore(%run_scoped3A : memref<!tpu.dma_semaphore, #tpu.memory_space<semaphore_mem>>) src(%dma_wait3A_240 : memref<640x128xf32, #tpu.memory_space<hbm>>) dst(%dma_wait3A_238 : memref<640x128xf32, #tpu.memory_space<vmem_shared>>)
      tpu.yield
    }) : () -> ()
    %dma_wait3A_83 = arith.constant 0 : i32
    %dma_wait3A_84 = arith.constant 0 : i32
    %dma_wait3A_85 = tpu.memref_slice %arg4[%add3A, %dma_wait3A_83, %dma_wait3A_84] : memref<32x126x80xi32, #tpu.memory_space<hbm>> -> memref<1x126x80xi32, #tpu.memory_space<hbm>>
    %dma_wait3A_86 = tpu.memref_squeeze %dma_wait3A_85 : memref<1x126x80xi32, #tpu.memory_space<hbm>> -> memref<126x80xi32, #tpu.memory_space<hbm>>
    %dma_wait3A_87 = arith.constant 0 : i32
    %dma_wait3A_88 = arith.constant 0 : i32
    %dma_wait3A_89 = tpu.memref_slice %arg4[%add3A, %dma_wait3A_87, %dma_wait3A_88] : memref<32x126x80xi32, #tpu.memory_space<hbm>> -> memref<1x126x80xi32, #tpu.memory_space<hbm>>
    %dma_wait3A_90 = tpu.memref_squeeze %dma_wait3A_89 : memref<1x126x80xi32, #tpu.memory_space<hbm>> -> memref<126x80xi32, #tpu.memory_space<hbm>>
    tpu.wait_dma2 semaphore(%arg27 : memref<!tpu.dma_semaphore, #tpu.memory_space<semaphore_mem>>) src(%dma_wait3A_90 : memref<126x80xi32, #tpu.memory_space<hbm>>) dst(%arg7 : memref<126x80xi32, #tpu.memory_space<vmem>>)
    %barrier3A = arith.constant 0 : index
    tpu.barrier barrier_id(%barrier3A)
    %scan3A = arith.constant 0 : i32
    %scan3A_91 = arith.constant 0 : i32
    %scan3A_92 = arith.constant 20 : i32
    %scan3A_93 = arith.addi %scan3A_91, %scan3A_92 : i32
    %scan3A_94 = arith.constant 1 : i32
    scf.for %scan3A_233 = %scan3A_91 to %scan3A_93 step %scan3A_94  : i32 {
      %mul3A_234 = arith.constant 6 : i32
      %mul3A_235 = arith.muli %mul3A_234, %scan3A_233 : i32
      %add3A_236 = arith.constant 0 : i32
      %add3A_237 = arith.addi %mul3A_235, %add3A_236 : i32
      %dma_wait3A_238 = arith.constant 0 : i32
      %dma_wait3A_239 = arith.constant 0 : i32
      %dma_wait3A_240 = tpu.memref_slice %arg2[%dma_wait3A_238, %dma_wait3A_239] : memref<10000x128xf32, #tpu.memory_space<hbm>> -> memref<10000x128xf32, #tpu.memory_space<hbm>>
      tpu.wait_indirect_dma semaphore(%arg18 : memref<!tpu.dma_semaphore, #tpu.memory_space<semaphore_mem>>) src(%dma_wait3A_240 : memref<10000x128xf32, #tpu.memory_space<hbm>>) dst(%arg14 : memref<80x128xf32, #tpu.memory_space<vmem>>)
      %dma_start3A_241 = arith.constant 0 : i32
      %dma_start3A_242 = tpu.memref_slice %arg7[%add3A_237, %dma_start3A_241] : memref<126x80xi32, #tpu.memory_space<vmem>> -> memref<1x80xi32, #tpu.memory_space<vmem>>
      %dma_start3A_243 = tpu.memref_squeeze %dma_start3A_242 : memref<1x80xi32, #tpu.memory_space<vmem>> -> memref<80xi32, #tpu.memory_space<vmem>>
      %dma_start3A_244 = arith.constant 0 : i32
      %dma_start3A_245 = arith.constant 0 : i32
      %dma_start3A_246 = tpu.memref_slice %arg17[%dma_start3A_244, %dma_start3A_245] : memref<10240x128xf32, #tpu.memory_space<vmem_shared>> -> memref<10240x128xf32, #tpu.memory_space<vmem_shared>>
      tpu.enqueue_indirect_dma source(%arg14 : memref<80x128xf32, #tpu.memory_space<vmem>>) target(%dma_start3A_246 : memref<10240x128xf32, #tpu.memory_space<vmem_shared>>) offsets(%dma_start3A_243 : memref<80xi32, #tpu.memory_space<vmem>>) semaphore(%arg28 : memref<!tpu.dma_semaphore, #tpu.memory_space<semaphore_mem>>) {add = true}
      %dma_wait3A_247 = arith.constant 0 : i32
      %dma_wait3A_248 = arith.constant 0 : i32
      %dma_wait3A_249 = tpu.memref_slice %arg3[%add3A, %dma_wait3A_247, %dma_wait3A_248] : memref<32x126x80xi32, #tpu.memory_space<hbm>> -> memref<1x1x80xi32, #tpu.memory_space<hbm>>
      %dma_wait3A_250 = tpu.memref_squeeze %dma_wait3A_249 : memref<1x1x80xi32, #tpu.memory_space<hbm>> -> memref<80xi32, #tpu.memory_space<hbm>>
      %dma_wait3A_251 = arith.constant 0 : i32
      %dma_wait3A_252 = tpu.memref_slice %arg3[%add3A, %dma_wait3A_247, %dma_wait3A_251] : memref<32x126x80xi32, #tpu.memory_space<hbm>> -> memref<1x1x80xi32, #tpu.memory_space<hbm>>
      %dma_wait3A_253 = tpu.memref_squeeze %dma_wait3A_252 : memref<1x1x80xi32, #tpu.memory_space<hbm>> -> memref<80xi32, #tpu.memory_space<hbm>>
      tpu.wait_dma2 semaphore(%arg24 : memref<!tpu.dma_semaphore, #tpu.memory_space<semaphore_mem>>) src(%dma_wait3A_253 : memref<80xi32, #tpu.memory_space<hbm>>) dst(%arg11 : memref<80xi32, #tpu.memory_space<vmem>>)
      %add3A_254 = arith.constant 6 : i32
      %add3A_255 = arith.addi %add3A_237, %add3A_254 : i32
      %dma_start3A_256 = arith.constant 0 : i32
      %dma_start3A_257 = tpu.memref_slice %arg3[%add3A, %add3A_255, %dma_start3A_256] : memref<32x126x80xi32, #tpu.memory_space<hbm>> -> memref<1x1x80xi32, #tpu.memory_space<hbm>>
      %dma_start3A_258 = tpu.memref_squeeze %dma_start3A_257 : memref<1x1x80xi32, #tpu.memory_space<hbm>> -> memref<80xi32, #tpu.memory_space<hbm>>
      %dma_start3A_259 = arith.constant 0 : i32
      %dma_start3A_260 = tpu.memref_slice %arg3[%add3A, %add3A_255, %dma_start3A_259] : memref<32x126x80xi32, #tpu.memory_space<hbm>> -> memref<1x1x80xi32, #tpu.memory_space<hbm>>
      %dma_start3A_261 = tpu.memref_squeeze %dma_start3A_260 : memref<1x1x80xi32, #tpu.memory_space<hbm>> -> memref<80xi32, #tpu.memory_space<hbm>>
      tpu.enqueue_dma source(%dma_start3A_261 : memref<80xi32, #tpu.memory_space<hbm>>) target(%arg8 : memref<80xi32, #tpu.memory_space<vmem>>) target_semaphore(%arg21 : memref<!tpu.dma_semaphore, #tpu.memory_space<semaphore_mem>>)
      %dma_wait3A_262 = arith.constant 0 : i32
      %dma_wait3A_263 = tpu.memref_slice %arg7[%add3A_237, %dma_wait3A_262] : memref<126x80xi32, #tpu.memory_space<vmem>> -> memref<1x80xi32, #tpu.memory_space<vmem>>
      %dma_wait3A_264 = tpu.memref_squeeze %dma_wait3A_263 : memref<1x80xi32, #tpu.memory_space<vmem>> -> memref<80xi32, #tpu.memory_space<vmem>>
      %dma_wait3A_265 = arith.constant 0 : i32
      %dma_wait3A_266 = arith.constant 0 : i32
      %dma_wait3A_267 = tpu.memref_slice %arg17[%dma_wait3A_265, %dma_wait3A_266] : memref<10240x128xf32, #tpu.memory_space<vmem_shared>> -> memref<10240x128xf32, #tpu.memory_space<vmem_shared>>
      tpu.wait_indirect_dma semaphore(%arg28 : memref<!tpu.dma_semaphore, #tpu.memory_space<semaphore_mem>>) src(%arg14 : memref<80x128xf32, #tpu.memory_space<vmem>>) dst(%dma_wait3A_267 : memref<10240x128xf32, #tpu.memory_space<vmem_shared>>)
      %dma_start3A_268 = arith.constant 0 : i32
      %dma_start3A_269 = arith.constant 0 : i32
      %dma_start3A_270 = tpu.memref_slice %arg2[%dma_start3A_268, %dma_start3A_269] : memref<10000x128xf32, #tpu.memory_space<hbm>> -> memref<10000x128xf32, #tpu.memory_space<hbm>>
      tpu.enqueue_indirect_dma source(%dma_start3A_270 : memref<10000x128xf32, #tpu.memory_space<hbm>>) target(%arg14 : memref<80x128xf32, #tpu.memory_space<vmem>>) offsets(%arg11 : memref<80xi32, #tpu.memory_space<vmem>>) semaphore(%arg18 : memref<!tpu.dma_semaphore, #tpu.memory_space<semaphore_mem>>)
      %add3A_271 = arith.constant 1 : i32
      %add3A_272 = arith.addi %mul3A_235, %add3A_271 : i32
      %dma_wait3A_273 = arith.constant 0 : i32
      %dma_wait3A_274 = arith.constant 0 : i32
      %dma_wait3A_275 = tpu.memref_slice %arg2[%dma_wait3A_273, %dma_wait3A_274] : memref<10000x128xf32, #tpu.memory_space<hbm>> -> memref<10000x128xf32, #tpu.memory_space<hbm>>
      tpu.wait_indirect_dma semaphore(%arg19 : memref<!tpu.dma_semaphore, #tpu.memory_space<semaphore_mem>>) src(%dma_wait3A_275 : memref<10000x128xf32, #tpu.memory_space<hbm>>) dst(%arg15 : memref<80x128xf32, #tpu.memory_space<vmem>>)
      %dma_start3A_276 = arith.constant 0 : i32
      %dma_start3A_277 = tpu.memref_slice %arg7[%add3A_272, %dma_start3A_276] : memref<126x80xi32, #tpu.memory_space<vmem>> -> memref<1x80xi32, #tpu.memory_space<vmem>>
      %dma_start3A_278 = tpu.memref_squeeze %dma_start3A_277 : memref<1x80xi32, #tpu.memory_space<vmem>> -> memref<80xi32, #tpu.memory_space<vmem>>
      %dma_start3A_279 = arith.constant 0 : i32
      %dma_start3A_280 = arith.constant 0 : i32
      %dma_start3A_281 = tpu.memref_slice %arg17[%dma_start3A_279, %dma_start3A_280] : memref<10240x128xf32, #tpu.memory_space<vmem_shared>> -> memref<10240x128xf32, #tpu.memory_space<vmem_shared>>
      tpu.enqueue_indirect_dma source(%arg15 : memref<80x128xf32, #tpu.memory_space<vmem>>) target(%dma_start3A_281 : memref<10240x128xf32, #tpu.memory_space<vmem_shared>>) offsets(%dma_start3A_278 : memref<80xi32, #tpu.memory_space<vmem>>) semaphore(%arg29 : memref<!tpu.dma_semaphore, #tpu.memory_space<semaphore_mem>>) {add = true}
      %dma_wait3A_282 = arith.constant 0 : i32
      %dma_wait3A_283 = arith.constant 0 : i32
      %dma_wait3A_284 = tpu.memref_slice %arg3[%add3A, %dma_wait3A_282, %dma_wait3A_283] : memref<32x126x80xi32, #tpu.memory_space<hbm>> -> memref<1x1x80xi32, #tpu.memory_space<hbm>>
      %dma_wait3A_285 = tpu.memref_squeeze %dma_wait3A_284 : memref<1x1x80xi32, #tpu.memory_space<hbm>> -> memref<80xi32, #tpu.memory_space<hbm>>
      %dma_wait3A_286 = arith.constant 0 : i32
      %dma_wait3A_287 = tpu.memref_slice %arg3[%add3A, %dma_wait3A_282, %dma_wait3A_286] : memref<32x126x80xi32, #tpu.memory_space<hbm>> -> memref<1x1x80xi32, #tpu.memory_space<hbm>>
      %dma_wait3A_288 = tpu.memref_squeeze %dma_wait3A_287 : memref<1x1x80xi32, #tpu.memory_space<hbm>> -> memref<80xi32, #tpu.memory_space<hbm>>
      tpu.wait_dma2 semaphore(%arg25 : memref<!tpu.dma_semaphore, #tpu.memory_space<semaphore_mem>>) src(%dma_wait3A_288 : memref<80xi32, #tpu.memory_space<hbm>>) dst(%arg12 : memref<80xi32, #tpu.memory_space<vmem>>)
      %add3A_289 = arith.constant 6 : i32
      %add3A_290 = arith.addi %add3A_272, %add3A_289 : i32
      %dma_start3A_291 = arith.constant 0 : i32
      %dma_start3A_292 = tpu.memref_slice %arg3[%add3A, %add3A_290, %dma_start3A_291] : memref<32x126x80xi32, #tpu.memory_space<hbm>> -> memref<1x1x80xi32, #tpu.memory_space<hbm>>
      %dma_start3A_293 = tpu.memref_squeeze %dma_start3A_292 : memref<1x1x80xi32, #tpu.memory_space<hbm>> -> memref<80xi32, #tpu.memory_space<hbm>>
      %dma_start3A_294 = arith.constant 0 : i32
      %dma_start3A_295 = tpu.memref_slice %arg3[%add3A, %add3A_290, %dma_start3A_294] : memref<32x126x80xi32, #tpu.memory_space<hbm>> -> memref<1x1x80xi32, #tpu.memory_space<hbm>>
      %dma_start3A_296 = tpu.memref_squeeze %dma_start3A_295 : memref<1x1x80xi32, #tpu.memory_space<hbm>> -> memref<80xi32, #tpu.memory_space<hbm>>
      tpu.enqueue_dma source(%dma_start3A_296 : memref<80xi32, #tpu.memory_space<hbm>>) target(%arg9 : memref<80xi32, #tpu.memory_space<vmem>>) target_semaphore(%arg22 : memref<!tpu.dma_semaphore, #tpu.memory_space<semaphore_mem>>)
      %dma_wait3A_297 = arith.constant 0 : i32
      %dma_wait3A_298 = tpu.memref_slice %arg7[%add3A_272, %dma_wait3A_297] : memref<126x80xi32, #tpu.memory_space<vmem>> -> memref<1x80xi32, #tpu.memory_space<vmem>>
      %dma_wait3A_299 = tpu.memref_squeeze %dma_wait3A_298 : memref<1x80xi32, #tpu.memory_space<vmem>> -> memref<80xi32, #tpu.memory_space<vmem>>
      %dma_wait3A_300 = arith.constant 0 : i32
      %dma_wait3A_301 = arith.constant 0 : i32
      %dma_wait3A_302 = tpu.memref_slice %arg17[%dma_wait3A_300, %dma_wait3A_301] : memref<10240x128xf32, #tpu.memory_space<vmem_shared>> -> memref<10240x128xf32, #tpu.memory_space<vmem_shared>>
      tpu.wait_indirect_dma semaphore(%arg29 : memref<!tpu.dma_semaphore, #tpu.memory_space<semaphore_mem>>) src(%arg15 : memref<80x128xf32, #tpu.memory_space<vmem>>) dst(%dma_wait3A_302 : memref<10240x128xf32, #tpu.memory_space<vmem_shared>>)
      %dma_start3A_303 = arith.constant 0 : i32
      %dma_start3A_304 = arith.constant 0 : i32
      %dma_start3A_305 = tpu.memref_slice %arg2[%dma_start3A_303, %dma_start3A_304] : memref<10000x128xf32, #tpu.memory_space<hbm>> -> memref<10000x128xf32, #tpu.memory_space<hbm>>
      tpu.enqueue_indirect_dma source(%dma_start3A_305 : memref<10000x128xf32, #tpu.memory_space<hbm>>) target(%arg15 : memref<80x128xf32, #tpu.memory_space<vmem>>) offsets(%arg12 : memref<80xi32, #tpu.memory_space<vmem>>) semaphore(%arg19 : memref<!tpu.dma_semaphore, #tpu.memory_space<semaphore_mem>>)
      %add3A_306 = arith.constant 2 : i32
      %add3A_307 = arith.addi %mul3A_235, %add3A_306 : i32
      %dma_wait3A_308 = arith.constant 0 : i32
      %dma_wait3A_309 = arith.constant 0 : i32
      %dma_wait3A_310 = tpu.memref_slice %arg2[%dma_wait3A_308, %dma_wait3A_309] : memref<10000x128xf32, #tpu.memory_space<hbm>> -> memref<10000x128xf32, #tpu.memory_space<hbm>>
      tpu.wait_indirect_dma semaphore(%arg20 : memref<!tpu.dma_semaphore, #tpu.memory_space<semaphore_mem>>) src(%dma_wait3A_310 : memref<10000x128xf32, #tpu.memory_space<hbm>>) dst(%arg16 : memref<80x128xf32, #tpu.memory_space<vmem>>)
      %dma_start3A_311 = arith.constant 0 : i32
      %dma_start3A_312 = tpu.memref_slice %arg7[%add3A_307, %dma_start3A_311] : memref<126x80xi32, #tpu.memory_space<vmem>> -> memref<1x80xi32, #tpu.memory_space<vmem>>
      %dma_start3A_313 = tpu.memref_squeeze %dma_start3A_312 : memref<1x80xi32, #tpu.memory_space<vmem>> -> memref<80xi32, #tpu.memory_space<vmem>>
      %dma_start3A_314 = arith.constant 0 : i32
      %dma_start3A_315 = arith.constant 0 : i32
      %dma_start3A_316 = tpu.memref_slice %arg17[%dma_start3A_314, %dma_start3A_315] : memref<10240x128xf32, #tpu.memory_space<vmem_shared>> -> memref<10240x128xf32, #tpu.memory_space<vmem_shared>>
      tpu.enqueue_indirect_dma source(%arg16 : memref<80x128xf32, #tpu.memory_space<vmem>>) target(%dma_start3A_316 : memref<10240x128xf32, #tpu.memory_space<vmem_shared>>) offsets(%dma_start3A_313 : memref<80xi32, #tpu.memory_space<vmem>>) semaphore(%arg30 : memref<!tpu.dma_semaphore, #tpu.memory_space<semaphore_mem>>) {add = true}
      %dma_wait3A_317 = arith.constant 0 : i32
      %dma_wait3A_318 = arith.constant 0 : i32
      %dma_wait3A_319 = tpu.memref_slice %arg3[%add3A, %dma_wait3A_317, %dma_wait3A_318] : memref<32x126x80xi32, #tpu.memory_space<hbm>> -> memref<1x1x80xi32, #tpu.memory_space<hbm>>
      %dma_wait3A_320 = tpu.memref_squeeze %dma_wait3A_319 : memref<1x1x80xi32, #tpu.memory_space<hbm>> -> memref<80xi32, #tpu.memory_space<hbm>>
      %dma_wait3A_321 = arith.constant 0 : i32
      %dma_wait3A_322 = tpu.memref_slice %arg3[%add3A, %dma_wait3A_317, %dma_wait3A_321] : memref<32x126x80xi32, #tpu.memory_space<hbm>> -> memref<1x1x80xi32, #tpu.memory_space<hbm>>
      %dma_wait3A_323 = tpu.memref_squeeze %dma_wait3A_322 : memref<1x1x80xi32, #tpu.memory_space<hbm>> -> memref<80xi32, #tpu.memory_space<hbm>>
      tpu.wait_dma2 semaphore(%arg26 : memref<!tpu.dma_semaphore, #tpu.memory_space<semaphore_mem>>) src(%dma_wait3A_323 : memref<80xi32, #tpu.memory_space<hbm>>) dst(%arg13 : memref<80xi32, #tpu.memory_space<vmem>>)
      %add3A_324 = arith.constant 6 : i32
      %add3A_325 = arith.addi %add3A_307, %add3A_324 : i32
      %dma_start3A_326 = arith.constant 0 : i32
      %dma_start3A_327 = tpu.memref_slice %arg3[%add3A, %add3A_325, %dma_start3A_326] : memref<32x126x80xi32, #tpu.memory_space<hbm>> -> memref<1x1x80xi32, #tpu.memory_space<hbm>>
      %dma_start3A_328 = tpu.memref_squeeze %dma_start3A_327 : memref<1x1x80xi32, #tpu.memory_space<hbm>> -> memref<80xi32, #tpu.memory_space<hbm>>
      %dma_start3A_329 = arith.constant 0 : i32
      %dma_start3A_330 = tpu.memref_slice %arg3[%add3A, %add3A_325, %dma_start3A_329] : memref<32x126x80xi32, #tpu.memory_space<hbm>> -> memref<1x1x80xi32, #tpu.memory_space<hbm>>
      %dma_start3A_331 = tpu.memref_squeeze %dma_start3A_330 : memref<1x1x80xi32, #tpu.memory_space<hbm>> -> memref<80xi32, #tpu.memory_space<hbm>>
      tpu.enqueue_dma source(%dma_start3A_331 : memref<80xi32, #tpu.memory_space<hbm>>) target(%arg10 : memref<80xi32, #tpu.memory_space<vmem>>) target_semaphore(%arg23 : memref<!tpu.dma_semaphore, #tpu.memory_space<semaphore_mem>>)
      %dma_wait3A_332 = arith.constant 0 : i32
      %dma_wait3A_333 = tpu.memref_slice %arg7[%add3A_307, %dma_wait3A_332] : memref<126x80xi32, #tpu.memory_space<vmem>> -> memref<1x80xi32, #tpu.memory_space<vmem>>
      %dma_wait3A_334 = tpu.memref_squeeze %dma_wait3A_333 : memref<1x80xi32, #tpu.memory_space<vmem>> -> memref<80xi32, #tpu.memory_space<vmem>>
      %dma_wait3A_335 = arith.constant 0 : i32
      %dma_wait3A_336 = arith.constant 0 : i32
      %dma_wait3A_337 = tpu.memref_slice %arg17[%dma_wait3A_335, %dma_wait3A_336] : memref<10240x128xf32, #tpu.memory_space<vmem_shared>> -> memref<10240x128xf32, #tpu.memory_space<vmem_shared>>
      tpu.wait_indirect_dma semaphore(%arg30 : memref<!tpu.dma_semaphore, #tpu.memory_space<semaphore_mem>>) src(%arg16 : memref<80x128xf32, #tpu.memory_space<vmem>>) dst(%dma_wait3A_337 : memref<10240x128xf32, #tpu.memory_space<vmem_shared>>)
      %dma_start3A_338 = arith.constant 0 : i32
      %dma_start3A_339 = arith.constant 0 : i32
      %dma_start3A_340 = tpu.memref_slice %arg2[%dma_start3A_338, %dma_start3A_339] : memref<10000x128xf32, #tpu.memory_space<hbm>> -> memref<10000x128xf32, #tpu.memory_space<hbm>>
      tpu.enqueue_indirect_dma source(%dma_start3A_340 : memref<10000x128xf32, #tpu.memory_space<hbm>>) target(%arg16 : memref<80x128xf32, #tpu.memory_space<vmem>>) offsets(%arg13 : memref<80xi32, #tpu.memory_space<vmem>>) semaphore(%arg20 : memref<!tpu.dma_semaphore, #tpu.memory_space<semaphore_mem>>)
      %add3A_341 = arith.constant 3 : i32
      %add3A_342 = arith.addi %mul3A_235, %add3A_341 : i32
      %dma_wait3A_343 = arith.constant 0 : i32
      %dma_wait3A_344 = arith.constant 0 : i32
      %dma_wait3A_345 = tpu.memref_slice %arg2[%dma_wait3A_343, %dma_wait3A_344] : memref<10000x128xf32, #tpu.memory_space<hbm>> -> memref<10000x128xf32, #tpu.memory_space<hbm>>
      tpu.wait_indirect_dma semaphore(%arg18 : memref<!tpu.dma_semaphore, #tpu.memory_space<semaphore_mem>>) src(%dma_wait3A_345 : memref<10000x128xf32, #tpu.memory_space<hbm>>) dst(%arg14 : memref<80x128xf32, #tpu.memory_space<vmem>>)
      %dma_start3A_346 = arith.constant 0 : i32
      %dma_start3A_347 = tpu.memref_slice %arg7[%add3A_342, %dma_start3A_346] : memref<126x80xi32, #tpu.memory_space<vmem>> -> memref<1x80xi32, #tpu.memory_space<vmem>>
      %dma_start3A_348 = tpu.memref_squeeze %dma_start3A_347 : memref<1x80xi32, #tpu.memory_space<vmem>> -> memref<80xi32, #tpu.memory_space<vmem>>
      %dma_start3A_349 = arith.constant 0 : i32
      %dma_start3A_350 = arith.constant 0 : i32
      %dma_start3A_351 = tpu.memref_slice %arg17[%dma_start3A_349, %dma_start3A_350] : memref<10240x128xf32, #tpu.memory_space<vmem_shared>> -> memref<10240x128xf32, #tpu.memory_space<vmem_shared>>
      tpu.enqueue_indirect_dma source(%arg14 : memref<80x128xf32, #tpu.memory_space<vmem>>) target(%dma_start3A_351 : memref<10240x128xf32, #tpu.memory_space<vmem_shared>>) offsets(%dma_start3A_348 : memref<80xi32, #tpu.memory_space<vmem>>) semaphore(%arg28 : memref<!tpu.dma_semaphore, #tpu.memory_space<semaphore_mem>>) {add = true}
      %dma_wait3A_352 = arith.constant 0 : i32
      %dma_wait3A_353 = arith.constant 0 : i32
      %dma_wait3A_354 = tpu.memref_slice %arg3[%add3A, %dma_wait3A_352, %dma_wait3A_353] : memref<32x126x80xi32, #tpu.memory_space<hbm>> -> memref<1x1x80xi32, #tpu.memory_space<hbm>>
      %dma_wait3A_355 = tpu.memref_squeeze %dma_wait3A_354 : memref<1x1x80xi32, #tpu.memory_space<hbm>> -> memref<80xi32, #tpu.memory_space<hbm>>
      %dma_wait3A_356 = arith.constant 0 : i32
      %dma_wait3A_357 = tpu.memref_slice %arg3[%add3A, %dma_wait3A_352, %dma_wait3A_356] : memref<32x126x80xi32, #tpu.memory_space<hbm>> -> memref<1x1x80xi32, #tpu.memory_space<hbm>>
      %dma_wait3A_358 = tpu.memref_squeeze %dma_wait3A_357 : memref<1x1x80xi32, #tpu.memory_space<hbm>> -> memref<80xi32, #tpu.memory_space<hbm>>
      tpu.wait_dma2 semaphore(%arg21 : memref<!tpu.dma_semaphore, #tpu.memory_space<semaphore_mem>>) src(%dma_wait3A_358 : memref<80xi32, #tpu.memory_space<hbm>>) dst(%arg8 : memref<80xi32, #tpu.memory_space<vmem>>)
      %add3A_359 = arith.constant 6 : i32
      %add3A_360 = arith.addi %add3A_342, %add3A_359 : i32
      %dma_start3A_361 = arith.constant 0 : i32
      %dma_start3A_362 = tpu.memref_slice %arg3[%add3A, %add3A_360, %dma_start3A_361] : memref<32x126x80xi32, #tpu.memory_space<hbm>> -> memref<1x1x80xi32, #tpu.memory_space<hbm>>
      %dma_start3A_363 = tpu.memref_squeeze %dma_start3A_362 : memref<1x1x80xi32, #tpu.memory_space<hbm>> -> memref<80xi32, #tpu.memory_space<hbm>>
      %dma_start3A_364 = arith.constant 0 : i32
      %dma_start3A_365 = tpu.memref_slice %arg3[%add3A, %add3A_360, %dma_start3A_364] : memref<32x126x80xi32, #tpu.memory_space<hbm>> -> memref<1x1x80xi32, #tpu.memory_space<hbm>>
      %dma_start3A_366 = tpu.memref_squeeze %dma_start3A_365 : memref<1x1x80xi32, #tpu.memory_space<hbm>> -> memref<80xi32, #tpu.memory_space<hbm>>
      tpu.enqueue_dma source(%dma_start3A_366 : memref<80xi32, #tpu.memory_space<hbm>>) target(%arg11 : memref<80xi32, #tpu.memory_space<vmem>>) target_semaphore(%arg24 : memref<!tpu.dma_semaphore, #tpu.memory_space<semaphore_mem>>)
      %dma_wait3A_367 = arith.constant 0 : i32
      %dma_wait3A_368 = tpu.memref_slice %arg7[%add3A_342, %dma_wait3A_367] : memref<126x80xi32, #tpu.memory_space<vmem>> -> memref<1x80xi32, #tpu.memory_space<vmem>>
      %dma_wait3A_369 = tpu.memref_squeeze %dma_wait3A_368 : memref<1x80xi32, #tpu.memory_space<vmem>> -> memref<80xi32, #tpu.memory_space<vmem>>
      %dma_wait3A_370 = arith.constant 0 : i32
      %dma_wait3A_371 = arith.constant 0 : i32
      %dma_wait3A_372 = tpu.memref_slice %arg17[%dma_wait3A_370, %dma_wait3A_371] : memref<10240x128xf32, #tpu.memory_space<vmem_shared>> -> memref<10240x128xf32, #tpu.memory_space<vmem_shared>>
      tpu.wait_indirect_dma semaphore(%arg28 : memref<!tpu.dma_semaphore, #tpu.memory_space<semaphore_mem>>) src(%arg14 : memref<80x128xf32, #tpu.memory_space<vmem>>) dst(%dma_wait3A_372 : memref<10240x128xf32, #tpu.memory_space<vmem_shared>>)
      %dma_start3A_373 = arith.constant 0 : i32
      %dma_start3A_374 = arith.constant 0 : i32
      %dma_start3A_375 = tpu.memref_slice %arg2[%dma_start3A_373, %dma_start3A_374] : memref<10000x128xf32, #tpu.memory_space<hbm>> -> memref<10000x128xf32, #tpu.memory_space<hbm>>
      tpu.enqueue_indirect_dma source(%dma_start3A_375 : memref<10000x128xf32, #tpu.memory_space<hbm>>) target(%arg14 : memref<80x128xf32, #tpu.memory_space<vmem>>) offsets(%arg8 : memref<80xi32, #tpu.memory_space<vmem>>) semaphore(%arg18 : memref<!tpu.dma_semaphore, #tpu.memory_space<semaphore_mem>>)
      %add3A_376 = arith.constant 4 : i32
      %add3A_377 = arith.addi %mul3A_235, %add3A_376 : i32
      %dma_wait3A_378 = arith.constant 0 : i32
      %dma_wait3A_379 = arith.constant 0 : i32
      %dma_wait3A_380 = tpu.memref_slice %arg2[%dma_wait3A_378, %dma_wait3A_379] : memref<10000x128xf32, #tpu.memory_space<hbm>> -> memref<10000x128xf32, #tpu.memory_space<hbm>>
      tpu.wait_indirect_dma semaphore(%arg19 : memref<!tpu.dma_semaphore, #tpu.memory_space<semaphore_mem>>) src(%dma_wait3A_380 : memref<10000x128xf32, #tpu.memory_space<hbm>>) dst(%arg15 : memref<80x128xf32, #tpu.memory_space<vmem>>)
      %dma_start3A_381 = arith.constant 0 : i32
      %dma_start3A_382 = tpu.memref_slice %arg7[%add3A_377, %dma_start3A_381] : memref<126x80xi32, #tpu.memory_space<vmem>> -> memref<1x80xi32, #tpu.memory_space<vmem>>
      %dma_start3A_383 = tpu.memref_squeeze %dma_start3A_382 : memref<1x80xi32, #tpu.memory_space<vmem>> -> memref<80xi32, #tpu.memory_space<vmem>>
      %dma_start3A_384 = arith.constant 0 : i32
      %dma_start3A_385 = arith.constant 0 : i32
      %dma_start3A_386 = tpu.memref_slice %arg17[%dma_start3A_384, %dma_start3A_385] : memref<10240x128xf32, #tpu.memory_space<vmem_shared>> -> memref<10240x128xf32, #tpu.memory_space<vmem_shared>>
      tpu.enqueue_indirect_dma source(%arg15 : memref<80x128xf32, #tpu.memory_space<vmem>>) target(%dma_start3A_386 : memref<10240x128xf32, #tpu.memory_space<vmem_shared>>) offsets(%dma_start3A_383 : memref<80xi32, #tpu.memory_space<vmem>>) semaphore(%arg29 : memref<!tpu.dma_semaphore, #tpu.memory_space<semaphore_mem>>) {add = true}
      %dma_wait3A_387 = arith.constant 0 : i32
      %dma_wait3A_388 = arith.constant 0 : i32
      %dma_wait3A_389 = tpu.memref_slice %arg3[%add3A, %dma_wait3A_387, %dma_wait3A_388] : memref<32x126x80xi32, #tpu.memory_space<hbm>> -> memref<1x1x80xi32, #tpu.memory_space<hbm>>
      %dma_wait3A_390 = tpu.memref_squeeze %dma_wait3A_389 : memref<1x1x80xi32, #tpu.memory_space<hbm>> -> memref<80xi32, #tpu.memory_space<hbm>>
      %dma_wait3A_391 = arith.constant 0 : i32
      %dma_wait3A_392 = tpu.memref_slice %arg3[%add3A, %dma_wait3A_387, %dma_wait3A_391] : memref<32x126x80xi32, #tpu.memory_space<hbm>> -> memref<1x1x80xi32, #tpu.memory_space<hbm>>
      %dma_wait3A_393 = tpu.memref_squeeze %dma_wait3A_392 : memref<1x1x80xi32, #tpu.memory_space<hbm>> -> memref<80xi32, #tpu.memory_space<hbm>>
      tpu.wait_dma2 semaphore(%arg22 : memref<!tpu.dma_semaphore, #tpu.memory_space<semaphore_mem>>) src(%dma_wait3A_393 : memref<80xi32, #tpu.memory_space<hbm>>) dst(%arg9 : memref<80xi32, #tpu.memory_space<vmem>>)
      %add3A_394 = arith.constant 6 : i32
      %add3A_395 = arith.addi %add3A_377, %add3A_394 : i32
      %dma_start3A_396 = arith.constant 0 : i32
      %dma_start3A_397 = tpu.memref_slice %arg3[%add3A, %add3A_395, %dma_start3A_396] : memref<32x126x80xi32, #tpu.memory_space<hbm>> -> memref<1x1x80xi32, #tpu.memory_space<hbm>>
      %dma_start3A_398 = tpu.memref_squeeze %dma_start3A_397 : memref<1x1x80xi32, #tpu.memory_space<hbm>> -> memref<80xi32, #tpu.memory_space<hbm>>
      %dma_start3A_399 = arith.constant 0 : i32
      %dma_start3A_400 = tpu.memref_slice %arg3[%add3A, %add3A_395, %dma_start3A_399] : memref<32x126x80xi32, #tpu.memory_space<hbm>> -> memref<1x1x80xi32, #tpu.memory_space<hbm>>
      %dma_start3A_401 = tpu.memref_squeeze %dma_start3A_400 : memref<1x1x80xi32, #tpu.memory_space<hbm>> -> memref<80xi32, #tpu.memory_space<hbm>>
      tpu.enqueue_dma source(%dma_start3A_401 : memref<80xi32, #tpu.memory_space<hbm>>) target(%arg12 : memref<80xi32, #tpu.memory_space<vmem>>) target_semaphore(%arg25 : memref<!tpu.dma_semaphore, #tpu.memory_space<semaphore_mem>>)
      %dma_wait3A_402 = arith.constant 0 : i32
      %dma_wait3A_403 = tpu.memref_slice %arg7[%add3A_377, %dma_wait3A_402] : memref<126x80xi32, #tpu.memory_space<vmem>> -> memref<1x80xi32, #tpu.memory_space<vmem>>
      %dma_wait3A_404 = tpu.memref_squeeze %dma_wait3A_403 : memref<1x80xi32, #tpu.memory_space<vmem>> -> memref<80xi32, #tpu.memory_space<vmem>>
      %dma_wait3A_405 = arith.constant 0 : i32
      %dma_wait3A_406 = arith.constant 0 : i32
      %dma_wait3A_407 = tpu.memref_slice %arg17[%dma_wait3A_405, %dma_wait3A_406] : memref<10240x128xf32, #tpu.memory_space<vmem_shared>> -> memref<10240x128xf32, #tpu.memory_space<vmem_shared>>
      tpu.wait_indirect_dma semaphore(%arg29 : memref<!tpu.dma_semaphore, #tpu.memory_space<semaphore_mem>>) src(%arg15 : memref<80x128xf32, #tpu.memory_space<vmem>>) dst(%dma_wait3A_407 : memref<10240x128xf32, #tpu.memory_space<vmem_shared>>)
      %dma_start3A_408 = arith.constant 0 : i32
      %dma_start3A_409 = arith.constant 0 : i32
      %dma_start3A_410 = tpu.memref_slice %arg2[%dma_start3A_408, %dma_start3A_409] : memref<10000x128xf32, #tpu.memory_space<hbm>> -> memref<10000x128xf32, #tpu.memory_space<hbm>>
      tpu.enqueue_indirect_dma source(%dma_start3A_410 : memref<10000x128xf32, #tpu.memory_space<hbm>>) target(%arg15 : memref<80x128xf32, #tpu.memory_space<vmem>>) offsets(%arg9 : memref<80xi32, #tpu.memory_space<vmem>>) semaphore(%arg19 : memref<!tpu.dma_semaphore, #tpu.memory_space<semaphore_mem>>)
      %add3A_411 = arith.constant 5 : i32
      %add3A_412 = arith.addi %mul3A_235, %add3A_411 : i32
      %dma_wait3A_413 = arith.constant 0 : i32
      %dma_wait3A_414 = arith.constant 0 : i32
      %dma_wait3A_415 = tpu.memref_slice %arg2[%dma_wait3A_413, %dma_wait3A_414] : memref<10000x128xf32, #tpu.memory_space<hbm>> -> memref<10000x128xf32, #tpu.memory_space<hbm>>
      tpu.wait_indirect_dma semaphore(%arg20 : memref<!tpu.dma_semaphore, #tpu.memory_space<semaphore_mem>>) src(%dma_wait3A_415 : memref<10000x128xf32, #tpu.memory_space<hbm>>) dst(%arg16 : memref<80x128xf32, #tpu.memory_space<vmem>>)
      %dma_start3A_416 = arith.constant 0 : i32
      %dma_start3A_417 = tpu.memref_slice %arg7[%add3A_412, %dma_start3A_416] : memref<126x80xi32, #tpu.memory_space<vmem>> -> memref<1x80xi32, #tpu.memory_space<vmem>>
      %dma_start3A_418 = tpu.memref_squeeze %dma_start3A_417 : memref<1x80xi32, #tpu.memory_space<vmem>> -> memref<80xi32, #tpu.memory_space<vmem>>
      %dma_start3A_419 = arith.constant 0 : i32
      %dma_start3A_420 = arith.constant 0 : i32
      %dma_start3A_421 = tpu.memref_slice %arg17[%dma_start3A_419, %dma_start3A_420] : memref<10240x128xf32, #tpu.memory_space<vmem_shared>> -> memref<10240x128xf32, #tpu.memory_space<vmem_shared>>
      tpu.enqueue_indirect_dma source(%arg16 : memref<80x128xf32, #tpu.memory_space<vmem>>) target(%dma_start3A_421 : memref<10240x128xf32, #tpu.memory_space<vmem_shared>>) offsets(%dma_start3A_418 : memref<80xi32, #tpu.memory_space<vmem>>) semaphore(%arg30 : memref<!tpu.dma_semaphore, #tpu.memory_space<semaphore_mem>>) {add = true}
      %dma_wait3A_422 = arith.constant 0 : i32
      %dma_wait3A_423 = arith.constant 0 : i32
      %dma_wait3A_424 = tpu.memref_slice %arg3[%add3A, %dma_wait3A_422, %dma_wait3A_423] : memref<32x126x80xi32, #tpu.memory_space<hbm>> -> memref<1x1x80xi32, #tpu.memory_space<hbm>>
      %dma_wait3A_425 = tpu.memref_squeeze %dma_wait3A_424 : memref<1x1x80xi32, #tpu.memory_space<hbm>> -> memref<80xi32, #tpu.memory_space<hbm>>
      %dma_wait3A_426 = arith.constant 0 : i32
      %dma_wait3A_427 = tpu.memref_slice %arg3[%add3A, %dma_wait3A_422, %dma_wait3A_426] : memref<32x126x80xi32, #tpu.memory_space<hbm>> -> memref<1x1x80xi32, #tpu.memory_space<hbm>>
      %dma_wait3A_428 = tpu.memref_squeeze %dma_wait3A_427 : memref<1x1x80xi32, #tpu.memory_space<hbm>> -> memref<80xi32, #tpu.memory_space<hbm>>
      tpu.wait_dma2 semaphore(%arg23 : memref<!tpu.dma_semaphore, #tpu.memory_space<semaphore_mem>>) src(%dma_wait3A_428 : memref<80xi32, #tpu.memory_space<hbm>>) dst(%arg10 : memref<80xi32, #tpu.memory_space<vmem>>)
      %add3A_429 = arith.constant 6 : i32
      %add3A_430 = arith.addi %add3A_412, %add3A_429 : i32
      %dma_start3A_431 = arith.constant 0 : i32
      %dma_start3A_432 = tpu.memref_slice %arg3[%add3A, %add3A_430, %dma_start3A_431] : memref<32x126x80xi32, #tpu.memory_space<hbm>> -> memref<1x1x80xi32, #tpu.memory_space<hbm>>
      %dma_start3A_433 = tpu.memref_squeeze %dma_start3A_432 : memref<1x1x80xi32, #tpu.memory_space<hbm>> -> memref<80xi32, #tpu.memory_space<hbm>>
      %dma_start3A_434 = arith.constant 0 : i32
      %dma_start3A_435 = tpu.memref_slice %arg3[%add3A, %add3A_430, %dma_start3A_434] : memref<32x126x80xi32, #tpu.memory_space<hbm>> -> memref<1x1x80xi32, #tpu.memory_space<hbm>>
      %dma_start3A_436 = tpu.memref_squeeze %dma_start3A_435 : memref<1x1x80xi32, #tpu.memory_space<hbm>> -> memref<80xi32, #tpu.memory_space<hbm>>
      tpu.enqueue_dma source(%dma_start3A_436 : memref<80xi32, #tpu.memory_space<hbm>>) target(%arg13 : memref<80xi32, #tpu.memory_space<vmem>>) target_semaphore(%arg26 : memref<!tpu.dma_semaphore, #tpu.memory_space<semaphore_mem>>)
      %dma_wait3A_437 = arith.constant 0 : i32
      %dma_wait3A_438 = tpu.memref_slice %arg7[%add3A_412, %dma_wait3A_437] : memref<126x80xi32, #tpu.memory_space<vmem>> -> memref<1x80xi32, #tpu.memory_space<vmem>>
      %dma_wait3A_439 = tpu.memref_squeeze %dma_wait3A_438 : memref<1x80xi32, #tpu.memory_space<vmem>> -> memref<80xi32, #tpu.memory_space<vmem>>
      %dma_wait3A_440 = arith.constant 0 : i32
      %dma_wait3A_441 = arith.constant 0 : i32
      %dma_wait3A_442 = tpu.memref_slice %arg17[%dma_wait3A_440, %dma_wait3A_441] : memref<10240x128xf32, #tpu.memory_space<vmem_shared>> -> memref<10240x128xf32, #tpu.memory_space<vmem_shared>>
      tpu.wait_indirect_dma semaphore(%arg30 : memref<!tpu.dma_semaphore, #tpu.memory_space<semaphore_mem>>) src(%arg16 : memref<80x128xf32, #tpu.memory_space<vmem>>) dst(%dma_wait3A_442 : memref<10240x128xf32, #tpu.memory_space<vmem_shared>>)
      %dma_start3A_443 = arith.constant 0 : i32
      %dma_start3A_444 = arith.constant 0 : i32
      %dma_start3A_445 = tpu.memref_slice %arg2[%dma_start3A_443, %dma_start3A_444] : memref<10000x128xf32, #tpu.memory_space<hbm>> -> memref<10000x128xf32, #tpu.memory_space<hbm>>
      tpu.enqueue_indirect_dma source(%dma_start3A_445 : memref<10000x128xf32, #tpu.memory_space<hbm>>) target(%arg16 : memref<80x128xf32, #tpu.memory_space<vmem>>) offsets(%arg10 : memref<80xi32, #tpu.memory_space<vmem>>) semaphore(%arg20 : memref<!tpu.dma_semaphore, #tpu.memory_space<semaphore_mem>>)
    }
    %scan3A_95 = arith.constant 20 : i32
    %dma_wait3A_96 = arith.constant 0 : i32
    %dma_wait3A_97 = arith.constant 0 : i32
    %dma_wait3A_98 = tpu.memref_slice %arg2[%dma_wait3A_96, %dma_wait3A_97] : memref<10000x128xf32, #tpu.memory_space<hbm>> -> memref<10000x128xf32, #tpu.memory_space<hbm>>
    tpu.wait_indirect_dma semaphore(%arg18 : memref<!tpu.dma_semaphore, #tpu.memory_space<semaphore_mem>>) src(%dma_wait3A_98 : memref<10000x128xf32, #tpu.memory_space<hbm>>) dst(%arg14 : memref<80x128xf32, #tpu.memory_space<vmem>>)
    %dma_start3A_99 = arith.constant 120 : i32
    %dma_start3A_100 = arith.constant 0 : i32
    %dma_start3A_101 = tpu.memref_slice %arg7[%dma_start3A_99, %dma_start3A_100] : memref<126x80xi32, #tpu.memory_space<vmem>> -> memref<1x80xi32, #tpu.memory_space<vmem>>
    %dma_start3A_102 = tpu.memref_squeeze %dma_start3A_101 : memref<1x80xi32, #tpu.memory_space<vmem>> -> memref<80xi32, #tpu.memory_space<vmem>>
    %dma_start3A_103 = arith.constant 0 : i32
    %dma_start3A_104 = arith.constant 0 : i32
    %dma_start3A_105 = tpu.memref_slice %arg17[%dma_start3A_103, %dma_start3A_104] : memref<10240x128xf32, #tpu.memory_space<vmem_shared>> -> memref<10240x128xf32, #tpu.memory_space<vmem_shared>>
    tpu.enqueue_indirect_dma source(%arg14 : memref<80x128xf32, #tpu.memory_space<vmem>>) target(%dma_start3A_105 : memref<10240x128xf32, #tpu.memory_space<vmem_shared>>) offsets(%dma_start3A_102 : memref<80xi32, #tpu.memory_space<vmem>>) semaphore(%arg28 : memref<!tpu.dma_semaphore, #tpu.memory_space<semaphore_mem>>) {add = true}
    %dma_wait3A_106 = arith.constant 0 : i32
    %dma_wait3A_107 = arith.constant 0 : i32
    %dma_wait3A_108 = tpu.memref_slice %arg3[%add3A, %dma_wait3A_106, %dma_wait3A_107] : memref<32x126x80xi32, #tpu.memory_space<hbm>> -> memref<1x1x80xi32, #tpu.memory_space<hbm>>
    %dma_wait3A_109 = tpu.memref_squeeze %dma_wait3A_108 : memref<1x1x80xi32, #tpu.memory_space<hbm>> -> memref<80xi32, #tpu.memory_space<hbm>>
    %dma_wait3A_110 = arith.constant 0 : i32
    %dma_wait3A_111 = tpu.memref_slice %arg3[%add3A, %dma_wait3A_106, %dma_wait3A_110] : memref<32x126x80xi32, #tpu.memory_space<hbm>> -> memref<1x1x80xi32, #tpu.memory_space<hbm>>
    %dma_wait3A_112 = tpu.memref_squeeze %dma_wait3A_111 : memref<1x1x80xi32, #tpu.memory_space<hbm>> -> memref<80xi32, #tpu.memory_space<hbm>>
    tpu.wait_dma2 semaphore(%arg24 : memref<!tpu.dma_semaphore, #tpu.memory_space<semaphore_mem>>) src(%dma_wait3A_112 : memref<80xi32, #tpu.memory_space<hbm>>) dst(%arg11 : memref<80xi32, #tpu.memory_space<vmem>>)
    %dma_wait3A_113 = arith.constant 120 : i32
    %dma_wait3A_114 = arith.constant 0 : i32
    %dma_wait3A_115 = tpu.memref_slice %arg7[%dma_wait3A_113, %dma_wait3A_114] : memref<126x80xi32, #tpu.memory_space<vmem>> -> memref<1x80xi32, #tpu.memory_space<vmem>>
    %dma_wait3A_116 = tpu.memref_squeeze %dma_wait3A_115 : memref<1x80xi32, #tpu.memory_space<vmem>> -> memref<80xi32, #tpu.memory_space<vmem>>
    %dma_wait3A_117 = arith.constant 0 : i32
    %dma_wait3A_118 = arith.constant 0 : i32
    %dma_wait3A_119 = tpu.memref_slice %arg17[%dma_wait3A_117, %dma_wait3A_118] : memref<10240x128xf32, #tpu.memory_space<vmem_shared>> -> memref<10240x128xf32, #tpu.memory_space<vmem_shared>>
    tpu.wait_indirect_dma semaphore(%arg28 : memref<!tpu.dma_semaphore, #tpu.memory_space<semaphore_mem>>) src(%arg14 : memref<80x128xf32, #tpu.memory_space<vmem>>) dst(%dma_wait3A_119 : memref<10240x128xf32, #tpu.memory_space<vmem_shared>>)
    %dma_start3A_120 = arith.constant 0 : i32
    %dma_start3A_121 = arith.constant 0 : i32
    %dma_start3A_122 = tpu.memref_slice %arg2[%dma_start3A_120, %dma_start3A_121] : memref<10000x128xf32, #tpu.memory_space<hbm>> -> memref<10000x128xf32, #tpu.memory_space<hbm>>
    tpu.enqueue_indirect_dma source(%dma_start3A_122 : memref<10000x128xf32, #tpu.memory_space<hbm>>) target(%arg14 : memref<80x128xf32, #tpu.memory_space<vmem>>) offsets(%arg11 : memref<80xi32, #tpu.memory_space<vmem>>) semaphore(%arg18 : memref<!tpu.dma_semaphore, #tpu.memory_space<semaphore_mem>>)
    %dma_wait3A_123 = arith.constant 0 : i32
    %dma_wait3A_124 = arith.constant 0 : i32
    %dma_wait3A_125 = tpu.memref_slice %arg2[%dma_wait3A_123, %dma_wait3A_124] : memref<10000x128xf32, #tpu.memory_space<hbm>> -> memref<10000x128xf32, #tpu.memory_space<hbm>>
    tpu.wait_indirect_dma semaphore(%arg19 : memref<!tpu.dma_semaphore, #tpu.memory_space<semaphore_mem>>) src(%dma_wait3A_125 : memref<10000x128xf32, #tpu.memory_space<hbm>>) dst(%arg15 : memref<80x128xf32, #tpu.memory_space<vmem>>)
    %dma_start3A_126 = arith.constant 121 : i32
    %dma_start3A_127 = arith.constant 0 : i32
    %dma_start3A_128 = tpu.memref_slice %arg7[%dma_start3A_126, %dma_start3A_127] : memref<126x80xi32, #tpu.memory_space<vmem>> -> memref<1x80xi32, #tpu.memory_space<vmem>>
    %dma_start3A_129 = tpu.memref_squeeze %dma_start3A_128 : memref<1x80xi32, #tpu.memory_space<vmem>> -> memref<80xi32, #tpu.memory_space<vmem>>
    %dma_start3A_130 = arith.constant 0 : i32
    %dma_start3A_131 = arith.constant 0 : i32
    %dma_start3A_132 = tpu.memref_slice %arg17[%dma_start3A_130, %dma_start3A_131] : memref<10240x128xf32, #tpu.memory_space<vmem_shared>> -> memref<10240x128xf32, #tpu.memory_space<vmem_shared>>
    tpu.enqueue_indirect_dma source(%arg15 : memref<80x128xf32, #tpu.memory_space<vmem>>) target(%dma_start3A_132 : memref<10240x128xf32, #tpu.memory_space<vmem_shared>>) offsets(%dma_start3A_129 : memref<80xi32, #tpu.memory_space<vmem>>) semaphore(%arg29 : memref<!tpu.dma_semaphore, #tpu.memory_space<semaphore_mem>>) {add = true}
    %dma_wait3A_133 = arith.constant 0 : i32
    %dma_wait3A_134 = arith.constant 0 : i32
    %dma_wait3A_135 = tpu.memref_slice %arg3[%add3A, %dma_wait3A_133, %dma_wait3A_134] : memref<32x126x80xi32, #tpu.memory_space<hbm>> -> memref<1x1x80xi32, #tpu.memory_space<hbm>>
    %dma_wait3A_136 = tpu.memref_squeeze %dma_wait3A_135 : memref<1x1x80xi32, #tpu.memory_space<hbm>> -> memref<80xi32, #tpu.memory_space<hbm>>
    %dma_wait3A_137 = arith.constant 0 : i32
    %dma_wait3A_138 = tpu.memref_slice %arg3[%add3A, %dma_wait3A_133, %dma_wait3A_137] : memref<32x126x80xi32, #tpu.memory_space<hbm>> -> memref<1x1x80xi32, #tpu.memory_space<hbm>>
    %dma_wait3A_139 = tpu.memref_squeeze %dma_wait3A_138 : memref<1x1x80xi32, #tpu.memory_space<hbm>> -> memref<80xi32, #tpu.memory_space<hbm>>
    tpu.wait_dma2 semaphore(%arg25 : memref<!tpu.dma_semaphore, #tpu.memory_space<semaphore_mem>>) src(%dma_wait3A_139 : memref<80xi32, #tpu.memory_space<hbm>>) dst(%arg12 : memref<80xi32, #tpu.memory_space<vmem>>)
    %dma_wait3A_140 = arith.constant 121 : i32
    %dma_wait3A_141 = arith.constant 0 : i32
    %dma_wait3A_142 = tpu.memref_slice %arg7[%dma_wait3A_140, %dma_wait3A_141] : memref<126x80xi32, #tpu.memory_space<vmem>> -> memref<1x80xi32, #tpu.memory_space<vmem>>
    %dma_wait3A_143 = tpu.memref_squeeze %dma_wait3A_142 : memref<1x80xi32, #tpu.memory_space<vmem>> -> memref<80xi32, #tpu.memory_space<vmem>>
    %dma_wait3A_144 = arith.constant 0 : i32
    %dma_wait3A_145 = arith.constant 0 : i32
    %dma_wait3A_146 = tpu.memref_slice %arg17[%dma_wait3A_144, %dma_wait3A_145] : memref<10240x128xf32, #tpu.memory_space<vmem_shared>> -> memref<10240x128xf32, #tpu.memory_space<vmem_shared>>
    tpu.wait_indirect_dma semaphore(%arg29 : memref<!tpu.dma_semaphore, #tpu.memory_space<semaphore_mem>>) src(%arg15 : memref<80x128xf32, #tpu.memory_space<vmem>>) dst(%dma_wait3A_146 : memref<10240x128xf32, #tpu.memory_space<vmem_shared>>)
    %dma_start3A_147 = arith.constant 0 : i32
    %dma_start3A_148 = arith.constant 0 : i32
    %dma_start3A_149 = tpu.memref_slice %arg2[%dma_start3A_147, %dma_start3A_148] : memref<10000x128xf32, #tpu.memory_space<hbm>> -> memref<10000x128xf32, #tpu.memory_space<hbm>>
    tpu.enqueue_indirect_dma source(%dma_start3A_149 : memref<10000x128xf32, #tpu.memory_space<hbm>>) target(%arg15 : memref<80x128xf32, #tpu.memory_space<vmem>>) offsets(%arg12 : memref<80xi32, #tpu.memory_space<vmem>>) semaphore(%arg19 : memref<!tpu.dma_semaphore, #tpu.memory_space<semaphore_mem>>)
    %dma_wait3A_150 = arith.constant 0 : i32
    %dma_wait3A_151 = arith.constant 0 : i32
    %dma_wait3A_152 = tpu.memref_slice %arg2[%dma_wait3A_150, %dma_wait3A_151] : memref<10000x128xf32, #tpu.memory_space<hbm>> -> memref<10000x128xf32, #tpu.memory_space<hbm>>
    tpu.wait_indirect_dma semaphore(%arg20 : memref<!tpu.dma_semaphore, #tpu.memory_space<semaphore_mem>>) src(%dma_wait3A_152 : memref<10000x128xf32, #tpu.memory_space<hbm>>) dst(%arg16 : memref<80x128xf32, #tpu.memory_space<vmem>>)
    %dma_start3A_153 = arith.constant 122 : i32
    %dma_start3A_154 = arith.constant 0 : i32
    %dma_start3A_155 = tpu.memref_slice %arg7[%dma_start3A_153, %dma_start3A_154] : memref<126x80xi32, #tpu.memory_space<vmem>> -> memref<1x80xi32, #tpu.memory_space<vmem>>
    %dma_start3A_156 = tpu.memref_squeeze %dma_start3A_155 : memref<1x80xi32, #tpu.memory_space<vmem>> -> memref<80xi32, #tpu.memory_space<vmem>>
    %dma_start3A_157 = arith.constant 0 : i32
    %dma_start3A_158 = arith.constant 0 : i32
    %dma_start3A_159 = tpu.memref_slice %arg17[%dma_start3A_157, %dma_start3A_158] : memref<10240x128xf32, #tpu.memory_space<vmem_shared>> -> memref<10240x128xf32, #tpu.memory_space<vmem_shared>>
    tpu.enqueue_indirect_dma source(%arg16 : memref<80x128xf32, #tpu.memory_space<vmem>>) target(%dma_start3A_159 : memref<10240x128xf32, #tpu.memory_space<vmem_shared>>) offsets(%dma_start3A_156 : memref<80xi32, #tpu.memory_space<vmem>>) semaphore(%arg30 : memref<!tpu.dma_semaphore, #tpu.memory_space<semaphore_mem>>) {add = true}
    %dma_wait3A_160 = arith.constant 0 : i32
    %dma_wait3A_161 = arith.constant 0 : i32
    %dma_wait3A_162 = tpu.memref_slice %arg3[%add3A, %dma_wait3A_160, %dma_wait3A_161] : memref<32x126x80xi32, #tpu.memory_space<hbm>> -> memref<1x1x80xi32, #tpu.memory_space<hbm>>
    %dma_wait3A_163 = tpu.memref_squeeze %dma_wait3A_162 : memref<1x1x80xi32, #tpu.memory_space<hbm>> -> memref<80xi32, #tpu.memory_space<hbm>>
    %dma_wait3A_164 = arith.constant 0 : i32
    %dma_wait3A_165 = tpu.memref_slice %arg3[%add3A, %dma_wait3A_160, %dma_wait3A_164] : memref<32x126x80xi32, #tpu.memory_space<hbm>> -> memref<1x1x80xi32, #tpu.memory_space<hbm>>
    %dma_wait3A_166 = tpu.memref_squeeze %dma_wait3A_165 : memref<1x1x80xi32, #tpu.memory_space<hbm>> -> memref<80xi32, #tpu.memory_space<hbm>>
    tpu.wait_dma2 semaphore(%arg26 : memref<!tpu.dma_semaphore, #tpu.memory_space<semaphore_mem>>) src(%dma_wait3A_166 : memref<80xi32, #tpu.memory_space<hbm>>) dst(%arg13 : memref<80xi32, #tpu.memory_space<vmem>>)
    %dma_wait3A_167 = arith.constant 122 : i32
    %dma_wait3A_168 = arith.constant 0 : i32
    %dma_wait3A_169 = tpu.memref_slice %arg7[%dma_wait3A_167, %dma_wait3A_168] : memref<126x80xi32, #tpu.memory_space<vmem>> -> memref<1x80xi32, #tpu.memory_space<vmem>>
    %dma_wait3A_170 = tpu.memref_squeeze %dma_wait3A_169 : memref<1x80xi32, #tpu.memory_space<vmem>> -> memref<80xi32, #tpu.memory_space<vmem>>
    %dma_wait3A_171 = arith.constant 0 : i32
    %dma_wait3A_172 = arith.constant 0 : i32
    %dma_wait3A_173 = tpu.memref_slice %arg17[%dma_wait3A_171, %dma_wait3A_172] : memref<10240x128xf32, #tpu.memory_space<vmem_shared>> -> memref<10240x128xf32, #tpu.memory_space<vmem_shared>>
    tpu.wait_indirect_dma semaphore(%arg30 : memref<!tpu.dma_semaphore, #tpu.memory_space<semaphore_mem>>) src(%arg16 : memref<80x128xf32, #tpu.memory_space<vmem>>) dst(%dma_wait3A_173 : memref<10240x128xf32, #tpu.memory_space<vmem_shared>>)
    %dma_start3A_174 = arith.constant 0 : i32
    %dma_start3A_175 = arith.constant 0 : i32
    %dma_start3A_176 = tpu.memref_slice %arg2[%dma_start3A_174, %dma_start3A_175] : memref<10000x128xf32, #tpu.memory_space<hbm>> -> memref<10000x128xf32, #tpu.memory_space<hbm>>
    tpu.enqueue_indirect_dma source(%dma_start3A_176 : memref<10000x128xf32, #tpu.memory_space<hbm>>) target(%arg16 : memref<80x128xf32, #tpu.memory_space<vmem>>) offsets(%arg13 : memref<80xi32, #tpu.memory_space<vmem>>) semaphore(%arg20 : memref<!tpu.dma_semaphore, #tpu.memory_space<semaphore_mem>>)
    %dma_wait3A_177 = arith.constant 0 : i32
    %dma_wait3A_178 = arith.constant 0 : i32
    %dma_wait3A_179 = tpu.memref_slice %arg2[%dma_wait3A_177, %dma_wait3A_178] : memref<10000x128xf32, #tpu.memory_space<hbm>> -> memref<10000x128xf32, #tpu.memory_space<hbm>>
    tpu.wait_indirect_dma semaphore(%arg18 : memref<!tpu.dma_semaphore, #tpu.memory_space<semaphore_mem>>) src(%dma_wait3A_179 : memref<10000x128xf32, #tpu.memory_space<hbm>>) dst(%arg14 : memref<80x128xf32, #tpu.memory_space<vmem>>)
    %dma_start3A_180 = arith.constant 123 : i32
    %dma_start3A_181 = arith.constant 0 : i32
    %dma_start3A_182 = tpu.memref_slice %arg7[%dma_start3A_180, %dma_start3A_181] : memref<126x80xi32, #tpu.memory_space<vmem>> -> memref<1x80xi32, #tpu.memory_space<vmem>>
    %dma_start3A_183 = tpu.memref_squeeze %dma_start3A_182 : memref<1x80xi32, #tpu.memory_space<vmem>> -> memref<80xi32, #tpu.memory_space<vmem>>
    %dma_start3A_184 = arith.constant 0 : i32
    %dma_start3A_185 = arith.constant 0 : i32
    %dma_start3A_186 = tpu.memref_slice %arg17[%dma_start3A_184, %dma_start3A_185] : memref<10240x128xf32, #tpu.memory_space<vmem_shared>> -> memref<10240x128xf32, #tpu.memory_space<vmem_shared>>
    tpu.enqueue_indirect_dma source(%arg14 : memref<80x128xf32, #tpu.memory_space<vmem>>) target(%dma_start3A_186 : memref<10240x128xf32, #tpu.memory_space<vmem_shared>>) offsets(%dma_start3A_183 : memref<80xi32, #tpu.memory_space<vmem>>) semaphore(%arg28 : memref<!tpu.dma_semaphore, #tpu.memory_space<semaphore_mem>>) {add = true}
    %dma_wait3A_187 = arith.constant 0 : i32
    %dma_wait3A_188 = arith.constant 0 : i32
    %dma_wait3A_189 = tpu.memref_slice %arg2[%dma_wait3A_187, %dma_wait3A_188] : memref<10000x128xf32, #tpu.memory_space<hbm>> -> memref<10000x128xf32, #tpu.memory_space<hbm>>
    tpu.wait_indirect_dma semaphore(%arg19 : memref<!tpu.dma_semaphore, #tpu.memory_space<semaphore_mem>>) src(%dma_wait3A_189 : memref<10000x128xf32, #tpu.memory_space<hbm>>) dst(%arg15 : memref<80x128xf32, #tpu.memory_space<vmem>>)
    %dma_start3A_190 = arith.constant 124 : i32
    %dma_start3A_191 = arith.constant 0 : i32
    %dma_start3A_192 = tpu.memref_slice %arg7[%dma_start3A_190, %dma_start3A_191] : memref<126x80xi32, #tpu.memory_space<vmem>> -> memref<1x80xi32, #tpu.memory_space<vmem>>
    %dma_start3A_193 = tpu.memref_squeeze %dma_start3A_192 : memref<1x80xi32, #tpu.memory_space<vmem>> -> memref<80xi32, #tpu.memory_space<vmem>>
    %dma_start3A_194 = arith.constant 0 : i32
    %dma_start3A_195 = arith.constant 0 : i32
    %dma_start3A_196 = tpu.memref_slice %arg17[%dma_start3A_194, %dma_start3A_195] : memref<10240x128xf32, #tpu.memory_space<vmem_shared>> -> memref<10240x128xf32, #tpu.memory_space<vmem_shared>>
    tpu.enqueue_indirect_dma source(%arg15 : memref<80x128xf32, #tpu.memory_space<vmem>>) target(%dma_start3A_196 : memref<10240x128xf32, #tpu.memory_space<vmem_shared>>) offsets(%dma_start3A_193 : memref<80xi32, #tpu.memory_space<vmem>>) semaphore(%arg29 : memref<!tpu.dma_semaphore, #tpu.memory_space<semaphore_mem>>) {add = true}
    %dma_wait3A_197 = arith.constant 0 : i32
    %dma_wait3A_198 = arith.constant 0 : i32
    %dma_wait3A_199 = tpu.memref_slice %arg2[%dma_wait3A_197, %dma_wait3A_198] : memref<10000x128xf32, #tpu.memory_space<hbm>> -> memref<10000x128xf32, #tpu.memory_space<hbm>>
    tpu.wait_indirect_dma semaphore(%arg20 : memref<!tpu.dma_semaphore, #tpu.memory_space<semaphore_mem>>) src(%dma_wait3A_199 : memref<10000x128xf32, #tpu.memory_space<hbm>>) dst(%arg16 : memref<80x128xf32, #tpu.memory_space<vmem>>)
    %dma_start3A_200 = arith.constant 125 : i32
    %dma_start3A_201 = arith.constant 0 : i32
    %dma_start3A_202 = tpu.memref_slice %arg7[%dma_start3A_200, %dma_start3A_201] : memref<126x80xi32, #tpu.memory_space<vmem>> -> memref<1x80xi32, #tpu.memory_space<vmem>>
    %dma_start3A_203 = tpu.memref_squeeze %dma_start3A_202 : memref<1x80xi32, #tpu.memory_space<vmem>> -> memref<80xi32, #tpu.memory_space<vmem>>
    %dma_start3A_204 = arith.constant 0 : i32
    %dma_start3A_205 = arith.constant 0 : i32
    %dma_start3A_206 = tpu.memref_slice %arg17[%dma_start3A_204, %dma_start3A_205] : memref<10240x128xf32, #tpu.memory_space<vmem_shared>> -> memref<10240x128xf32, #tpu.memory_space<vmem_shared>>
    tpu.enqueue_indirect_dma source(%arg16 : memref<80x128xf32, #tpu.memory_space<vmem>>) target(%dma_start3A_206 : memref<10240x128xf32, #tpu.memory_space<vmem_shared>>) offsets(%dma_start3A_203 : memref<80xi32, #tpu.memory_space<vmem>>) semaphore(%arg30 : memref<!tpu.dma_semaphore, #tpu.memory_space<semaphore_mem>>) {add = true}
    %dma_wait3A_207 = arith.constant 123 : i32
    %dma_wait3A_208 = arith.constant 0 : i32
    %dma_wait3A_209 = tpu.memref_slice %arg7[%dma_wait3A_207, %dma_wait3A_208] : memref<126x80xi32, #tpu.memory_space<vmem>> -> memref<1x80xi32, #tpu.memory_space<vmem>>
    %dma_wait3A_210 = tpu.memref_squeeze %dma_wait3A_209 : memref<1x80xi32, #tpu.memory_space<vmem>> -> memref<80xi32, #tpu.memory_space<vmem>>
    %dma_wait3A_211 = arith.constant 0 : i32
    %dma_wait3A_212 = arith.constant 0 : i32
    %dma_wait3A_213 = tpu.memref_slice %arg17[%dma_wait3A_211, %dma_wait3A_212] : memref<10240x128xf32, #tpu.memory_space<vmem_shared>> -> memref<10240x128xf32, #tpu.memory_space<vmem_shared>>
    tpu.wait_indirect_dma semaphore(%arg28 : memref<!tpu.dma_semaphore, #tpu.memory_space<semaphore_mem>>) src(%arg14 : memref<80x128xf32, #tpu.memory_space<vmem>>) dst(%dma_wait3A_213 : memref<10240x128xf32, #tpu.memory_space<vmem_shared>>)
    %dma_wait3A_214 = arith.constant 124 : i32
    %dma_wait3A_215 = arith.constant 0 : i32
    %dma_wait3A_216 = tpu.memref_slice %arg7[%dma_wait3A_214, %dma_wait3A_215] : memref<126x80xi32, #tpu.memory_space<vmem>> -> memref<1x80xi32, #tpu.memory_space<vmem>>
    %dma_wait3A_217 = tpu.memref_squeeze %dma_wait3A_216 : memref<1x80xi32, #tpu.memory_space<vmem>> -> memref<80xi32, #tpu.memory_space<vmem>>
    %dma_wait3A_218 = arith.constant 0 : i32
    %dma_wait3A_219 = arith.constant 0 : i32
    %dma_wait3A_220 = tpu.memref_slice %arg17[%dma_wait3A_218, %dma_wait3A_219] : memref<10240x128xf32, #tpu.memory_space<vmem_shared>> -> memref<10240x128xf32, #tpu.memory_space<vmem_shared>>
    tpu.wait_indirect_dma semaphore(%arg29 : memref<!tpu.dma_semaphore, #tpu.memory_space<semaphore_mem>>) src(%arg15 : memref<80x128xf32, #tpu.memory_space<vmem>>) dst(%dma_wait3A_220 : memref<10240x128xf32, #tpu.memory_space<vmem_shared>>)
    %dma_wait3A_221 = arith.constant 125 : i32
    %dma_wait3A_222 = arith.constant 0 : i32
    %dma_wait3A_223 = tpu.memref_slice %arg7[%dma_wait3A_221, %dma_wait3A_222] : memref<126x80xi32, #tpu.memory_space<vmem>> -> memref<1x80xi32, #tpu.memory_space<vmem>>
    %dma_wait3A_224 = tpu.memref_squeeze %dma_wait3A_223 : memref<1x80xi32, #tpu.memory_space<vmem>> -> memref<80xi32, #tpu.memory_space<vmem>>
    %dma_wait3A_225 = arith.constant 0 : i32
    %dma_wait3A_226 = arith.constant 0 : i32
    %dma_wait3A_227 = tpu.memref_slice %arg17[%dma_wait3A_225, %dma_wait3A_226] : memref<10240x128xf32, #tpu.memory_space<vmem_shared>> -> memref<10240x128xf32, #tpu.memory_space<vmem_shared>>
    tpu.wait_indirect_dma semaphore(%arg30 : memref<!tpu.dma_semaphore, #tpu.memory_space<semaphore_mem>>) src(%arg16 : memref<80x128xf32, #tpu.memory_space<vmem>>) dst(%dma_wait3A_227 : memref<10240x128xf32, #tpu.memory_space<vmem_shared>>)
    %barrier3A_228 = arith.constant 0 : index
    tpu.barrier barrier_id(%barrier3A_228)
    %mul3A_229 = arith.constant 640 : i32
    %mul3A_230 = arith.muli %arg1, %mul3A_229 : i32
    %mul3A_231 = arith.constant 640 : i32
    %mul3A_232 = arith.muli %arg1, %mul3A_231 : i32
    "tpu.region"() ({
      %run_scoped3A = tpu.sem_alloc : memref<!tpu.dma_semaphore, #tpu.memory_space<semaphore_mem>>
      %dma_start3A_233 = arith.constant 0 : i32
      %dma_start3A_234 = tpu.memref_slice %arg6[%arg0, %mul3A_232, %dma_start3A_233] : memref<2x10240x128xf32, #tpu.memory_space<hbm>> -> memref<1x640x128xf32, #tpu.memory_space<hbm>>
      %dma_start3A_235 = tpu.memref_squeeze %dma_start3A_234 : memref<1x640x128xf32, #tpu.memory_space<hbm>> -> memref<640x128xf32, #tpu.memory_space<hbm>>
      %dma_start3A_236 = arith.constant 0 : i32
      %dma_start3A_237 = tpu.memref_slice %arg17[%mul3A_230, %dma_start3A_236] : memref<10240x128xf32, #tpu.memory_space<vmem_shared>> -> memref<640x128xf32, #tpu.memory_space<vmem_shared>>
      tpu.enqueue_dma source(%dma_start3A_237 : memref<640x128xf32, #tpu.memory_space<vmem_shared>>) target(%dma_start3A_235 : memref<640x128xf32, #tpu.memory_space<hbm>>) target_semaphore(%run_scoped3A : memref<!tpu.dma_semaphore, #tpu.memory_space<semaphore_mem>>)
      %dma_wait3A_238 = arith.constant 0 : i32
      %dma_wait3A_239 = tpu.memref_slice %arg6[%arg0, %mul3A_232, %dma_wait3A_238] : memref<2x10240x128xf32, #tpu.memory_space<hbm>> -> memref<1x640x128xf32, #tpu.memory_space<hbm>>
      %dma_wait3A_240 = tpu.memref_squeeze %dma_wait3A_239 : memref<1x640x128xf32, #tpu.memory_space<hbm>> -> memref<640x128xf32, #tpu.memory_space<hbm>>
      %dma_wait3A_241 = arith.constant 0 : i32
      %dma_wait3A_242 = tpu.memref_slice %arg17[%mul3A_230, %dma_wait3A_241] : memref<10240x128xf32, #tpu.memory_space<vmem_shared>> -> memref<640x128xf32, #tpu.memory_space<vmem_shared>>
      tpu.wait_dma2 semaphore(%run_scoped3A : memref<!tpu.dma_semaphore, #tpu.memory_space<semaphore_mem>>) src(%dma_wait3A_242 : memref<640x128xf32, #tpu.memory_space<vmem_shared>>) dst(%dma_wait3A_240 : memref<640x128xf32, #tpu.memory_space<hbm>>)
      tpu.yield
    }) : () -> ()
    return
  }
}

#map = affine_map<(d0, d1) -> (0, 0)>
#map1 = affine_map<(d0, d1) -> (0, 0, 0)>
module attributes {stable_mosaic.version = 14 : i64} {
  func.func @_segsum_sc(%arg0: i32, %arg1: i32, %arg2: memref<10000x128xf32, #tpu.memory_space<hbm>>, %arg3: memref<32x126x80xi32, #tpu.memory_space<hbm>>, %arg4: memref<32x126x80xi32, #tpu.memory_space<hbm>>, %arg5: memref<10240x128xf32, #tpu.memory_space<hbm>>, %arg6: memref<2x10240x128xf32, #tpu.memory_space<hbm>>, %arg7: memref<126x80xi32, #tpu.memory_space<vmem>>, %arg8: memref<80xi32, #tpu.memory_space<vmem>>, %arg9: memref<80xi32, #tpu.memory_space<vmem>>, %arg10: memref<80xi32, #tpu.memory_space<vmem>>, %arg11: memref<80xi32, #tpu.memory_space<vmem>>, %arg12: memref<80xi32, #tpu.memory_space<vmem>>, %arg13: memref<80xi32, #tpu.memory_space<vmem>>, %arg14: memref<80x128xf32, #tpu.memory_space<vmem>>, %arg15: memref<80x128xf32, #tpu.memory_space<vmem>>, %arg16: memref<80x128xf32, #tpu.memory_space<vmem>>, %arg17: memref<10240x128xf32, #tpu.memory_space<vmem_shared>>, %arg18: memref<!tpu.dma_semaphore, #tpu.memory_space<semaphore_mem>>, %arg19: memref<!tpu.dma_semaphore, #tpu.memory_space<semaphore_mem>>, %arg20: memref<!tpu.dma_semaphore, #tpu.memory_space<semaphore_mem>>, %arg21: memref<!tpu.dma_semaphore, #tpu.memory_space<semaphore_mem>>, %arg22: memref<!tpu.dma_semaphore, #tpu.memory_space<semaphore_mem>>, %arg23: memref<!tpu.dma_semaphore, #tpu.memory_space<semaphore_mem>>, %arg24: memref<!tpu.dma_semaphore, #tpu.memory_space<semaphore_mem>>, %arg25: memref<!tpu.dma_semaphore, #tpu.memory_space<semaphore_mem>>, %arg26: memref<!tpu.dma_semaphore, #tpu.memory_space<semaphore_mem>>, %arg27: memref<!tpu.dma_semaphore, #tpu.memory_space<semaphore_mem>>, %arg28: memref<!tpu.dma_semaphore, #tpu.memory_space<semaphore_mem>>, %arg29: memref<!tpu.dma_semaphore, #tpu.memory_space<semaphore_mem>>, %arg30: memref<!tpu.dma_semaphore, #tpu.memory_space<semaphore_mem>>) attributes {dimension_semantics = [#tpu.dimension_semantics<core_parallel>, #tpu.dimension_semantics<subcore_parallel>], iteration_bounds = array<i64: 2, 16>, scalar_prefetch = 0 : i64, scratch_operands = 24 : i64, tpu.core_type = #tpu.core_type<sc_vector_subcore>, window_params = [{transform_indices = #map}, {transform_indices = #map1}, {transform_indices = #map1}, {transform_indices = #map}, {transform_indices = #map1}]} {
    %mul3A = arith.constant 16 : i32
    %mul3A_0 = arith.muli %arg0, %mul3A : i32
    %add3A = arith.addi %mul3A_0, %arg1 : i32
    %dma_start3A = arith.constant 0 : i32
    %dma_start3A_1 = arith.constant 0 : i32
    %dma_start3A_2 = tpu.memref_slice %arg3[%add3A, %dma_start3A, %dma_start3A_1] : memref<32x126x80xi32, #tpu.memory_space<hbm>> -> memref<1x1x80xi32, #tpu.memory_space<hbm>>
    %dma_start3A_3 = tpu.memref_squeeze %dma_start3A_2 : memref<1x1x80xi32, #tpu.memory_space<hbm>> -> memref<80xi32, #tpu.memory_space<hbm>>
    %dma_start3A_4 = arith.constant 0 : i32
    %dma_start3A_5 = tpu.memref_slice %arg3[%add3A, %dma_start3A, %dma_start3A_4] : memref<32x126x80xi32, #tpu.memory_space<hbm>> -> memref<1x1x80xi32, #tpu.memory_space<hbm>>
    %dma_start3A_6 = tpu.memref_squeeze %dma_start3A_5 : memref<1x1x80xi32, #tpu.memory_space<hbm>> -> memref<80xi32, #tpu.memory_space<hbm>>
    tpu.enqueue_dma source(%dma_start3A_6 : memref<80xi32, #tpu.memory_space<hbm>>) target(%arg8 : memref<80xi32, #tpu.memory_space<vmem>>) target_semaphore(%arg21 : memref<!tpu.dma_semaphore, #tpu.memory_space<semaphore_mem>>)
    %dma_start3A_7 = arith.constant 1 : i32
    %dma_start3A_8 = arith.constant 0 : i32
    %dma_start3A_9 = tpu.memref_slice %arg3[%add3A, %dma_start3A_7, %dma_start3A_8] : memref<32x126x80xi32, #tpu.memory_space<hbm>> -> memref<1x1x80xi32, #tpu.memory_space<hbm>>
    %dma_start3A_10 = tpu.memref_squeeze %dma_start3A_9 : memref<1x1x80xi32, #tpu.memory_space<hbm>> -> memref<80xi32, #tpu.memory_space<hbm>>
    %dma_start3A_11 = arith.constant 0 : i32
    %dma_start3A_12 = tpu.memref_slice %arg3[%add3A, %dma_start3A_7, %dma_start3A_11] : memref<32x126x80xi32, #tpu.memory_space<hbm>> -> memref<1x1x80xi32, #tpu.memory_space<hbm>>
    %dma_start3A_13 = tpu.memref_squeeze %dma_start3A_12 : memref<1x1x80xi32, #tpu.memory_space<hbm>> -> memref<80xi32, #tpu.memory_space<hbm>>
    tpu.enqueue_dma source(%dma_start3A_13 : memref<80xi32, #tpu.memory_space<hbm>>) target(%arg9 : memref<80xi32, #tpu.memory_space<vmem>>) target_semaphore(%arg22 : memref<!tpu.dma_semaphore, #tpu.memory_space<semaphore_mem>>)
    %dma_start3A_14 = arith.constant 2 : i32
    %dma_start3A_15 = arith.constant 0 : i32
    %dma_start3A_16 = tpu.memref_slice %arg3[%add3A, %dma_start3A_14, %dma_start3A_15] : memref<32x126x80xi32, #tpu.memory_space<hbm>> -> memref<1x1x80xi32, #tpu.memory_space<hbm>>
    %dma_start3A_17 = tpu.memref_squeeze %dma_start3A_16 : memref<1x1x80xi32, #tpu.memory_space<hbm>> -> memref<80xi32, #tpu.memory_space<hbm>>
    %dma_start3A_18 = arith.constant 0 : i32
    %dma_start3A_19 = tpu.memref_slice %arg3[%add3A, %dma_start3A_14, %dma_start3A_18] : memref<32x126x80xi32, #tpu.memory_space<hbm>> -> memref<1x1x80xi32, #tpu.memory_space<hbm>>
    %dma_start3A_20 = tpu.memref_squeeze %dma_start3A_19 : memref<1x1x80xi32, #tpu.memory_space<hbm>> -> memref<80xi32, #tpu.memory_space<hbm>>
    tpu.enqueue_dma source(%dma_start3A_20 : memref<80xi32, #tpu.memory_space<hbm>>) target(%arg10 : memref<80xi32, #tpu.memory_space<vmem>>) target_semaphore(%arg23 : memref<!tpu.dma_semaphore, #tpu.memory_space<semaphore_mem>>)
    %dma_start3A_21 = arith.constant 3 : i32
    %dma_start3A_22 = arith.constant 0 : i32
    %dma_start3A_23 = tpu.memref_slice %arg3[%add3A, %dma_start3A_21, %dma_start3A_22] : memref<32x126x80xi32, #tpu.memory_space<hbm>> -> memref<1x1x80xi32, #tpu.memory_space<hbm>>
    %dma_start3A_24 = tpu.memref_squeeze %dma_start3A_23 : memref<1x1x80xi32, #tpu.memory_space<hbm>> -> memref<80xi32, #tpu.memory_space<hbm>>
    %dma_start3A_25 = arith.constant 0 : i32
    %dma_start3A_26 = tpu.memref_slice %arg3[%add3A, %dma_start3A_21, %dma_start3A_25] : memref<32x126x80xi32, #tpu.memory_space<hbm>> -> memref<1x1x80xi32, #tpu.memory_space<hbm>>
    %dma_start3A_27 = tpu.memref_squeeze %dma_start3A_26 : memref<1x1x80xi32, #tpu.memory_space<hbm>> -> memref<80xi32, #tpu.memory_space<hbm>>
    tpu.enqueue_dma source(%dma_start3A_27 : memref<80xi32, #tpu.memory_space<hbm>>) target(%arg11 : memref<80xi32, #tpu.memory_space<vmem>>) target_semaphore(%arg24 : memref<!tpu.dma_semaphore, #tpu.memory_space<semaphore_mem>>)
    %dma_start3A_28 = arith.constant 4 : i32
    %dma_start3A_29 = arith.constant 0 : i32
    %dma_start3A_30 = tpu.memref_slice %arg3[%add3A, %dma_start3A_28, %dma_start3A_29] : memref<32x126x80xi32, #tpu.memory_space<hbm>> -> memref<1x1x80xi32, #tpu.memory_space<hbm>>
    %dma_start3A_31 = tpu.memref_squeeze %dma_start3A_30 : memref<1x1x80xi32, #tpu.memory_space<hbm>> -> memref<80xi32, #tpu.memory_space<hbm>>
    %dma_start3A_32 = arith.constant 0 : i32
    %dma_start3A_33 = tpu.memref_slice %arg3[%add3A, %dma_start3A_28, %dma_start3A_32] : memref<32x126x80xi32, #tpu.memory_space<hbm>> -> memref<1x1x80xi32, #tpu.memory_space<hbm>>
    %dma_start3A_34 = tpu.memref_squeeze %dma_start3A_33 : memref<1x1x80xi32, #tpu.memory_space<hbm>> -> memref<80xi32, #tpu.memory_space<hbm>>
    tpu.enqueue_dma source(%dma_start3A_34 : memref<80xi32, #tpu.memory_space<hbm>>) target(%arg12 : memref<80xi32, #tpu.memory_space<vmem>>) target_semaphore(%arg25 : memref<!tpu.dma_semaphore, #tpu.memory_space<semaphore_mem>>)
    %dma_start3A_35 = arith.constant 5 : i32
    %dma_start3A_36 = arith.constant 0 : i32
    %dma_start3A_37 = tpu.memref_slice %arg3[%add3A, %dma_start3A_35, %dma_start3A_36] : memref<32x126x80xi32, #tpu.memory_space<hbm>> -> memref<1x1x80xi32, #tpu.memory_space<hbm>>
    %dma_start3A_38 = tpu.memref_squeeze %dma_start3A_37 : memref<1x1x80xi32, #tpu.memory_space<hbm>> -> memref<80xi32, #tpu.memory_space<hbm>>
    %dma_start3A_39 = arith.constant 0 : i32
    %dma_start3A_40 = tpu.memref_slice %arg3[%add3A, %dma_start3A_35, %dma_start3A_39] : memref<32x126x80xi32, #tpu.memory_space<hbm>> -> memref<1x1x80xi32, #tpu.memory_space<hbm>>
    %dma_start3A_41 = tpu.memref_squeeze %dma_start3A_40 : memref<1x1x80xi32, #tpu.memory_space<hbm>> -> memref<80xi32, #tpu.memory_space<hbm>>
    tpu.enqueue_dma source(%dma_start3A_41 : memref<80xi32, #tpu.memory_space<hbm>>) target(%arg13 : memref<80xi32, #tpu.memory_space<vmem>>) target_semaphore(%arg26 : memref<!tpu.dma_semaphore, #tpu.memory_space<semaphore_mem>>)
    %dma_start3A_42 = arith.constant 0 : i32
    %dma_start3A_43 = arith.constant 0 : i32
    %dma_start3A_44 = tpu.memref_slice %arg4[%add3A, %dma_start3A_42, %dma_start3A_43] : memref<32x126x80xi32, #tpu.memory_space<hbm>> -> memref<1x126x80xi32, #tpu.memory_space<hbm>>
    %dma_start3A_45 = tpu.memref_squeeze %dma_start3A_44 : memref<1x126x80xi32, #tpu.memory_space<hbm>> -> memref<126x80xi32, #tpu.memory_space<hbm>>
    %dma_start3A_46 = arith.constant 0 : i32
    %dma_start3A_47 = arith.constant 0 : i32
    %dma_start3A_48 = tpu.memref_slice %arg4[%add3A, %dma_start3A_46, %dma_start3A_47] : memref<32x126x80xi32, #tpu.memory_space<hbm>> -> memref<1x126x80xi32, #tpu.memory_space<hbm>>
    %dma_start3A_49 = tpu.memref_squeeze %dma_start3A_48 : memref<1x126x80xi32, #tpu.memory_space<hbm>> -> memref<126x80xi32, #tpu.memory_space<hbm>>
    tpu.enqueue_dma source(%dma_start3A_49 : memref<126x80xi32, #tpu.memory_space<hbm>>) target(%arg7 : memref<126x80xi32, #tpu.memory_space<vmem>>) target_semaphore(%arg27 : memref<!tpu.dma_semaphore, #tpu.memory_space<semaphore_mem>>)
    %dma_wait3A = arith.constant 0 : i32
    %dma_wait3A_50 = arith.constant 0 : i32
    %dma_wait3A_51 = tpu.memref_slice %arg3[%add3A, %dma_wait3A, %dma_wait3A_50] : memref<32x126x80xi32, #tpu.memory_space<hbm>> -> memref<1x1x80xi32, #tpu.memory_space<hbm>>
    %dma_wait3A_52 = tpu.memref_squeeze %dma_wait3A_51 : memref<1x1x80xi32, #tpu.memory_space<hbm>> -> memref<80xi32, #tpu.memory_space<hbm>>
    %dma_wait3A_53 = arith.constant 0 : i32
    %dma_wait3A_54 = tpu.memref_slice %arg3[%add3A, %dma_wait3A, %dma_wait3A_53] : memref<32x126x80xi32, #tpu.memory_space<hbm>> -> memref<1x1x80xi32, #tpu.memory_space<hbm>>
    %dma_wait3A_55 = tpu.memref_squeeze %dma_wait3A_54 : memref<1x1x80xi32, #tpu.memory_space<hbm>> -> memref<80xi32, #tpu.memory_space<hbm>>
    tpu.wait_dma2 semaphore(%arg21 : memref<!tpu.dma_semaphore, #tpu.memory_space<semaphore_mem>>) src(%dma_wait3A_55 : memref<80xi32, #tpu.memory_space<hbm>>) dst(%arg8 : memref<80xi32, #tpu.memory_space<vmem>>)
    %dma_start3A_56 = arith.constant 0 : i32
    %dma_start3A_57 = arith.constant 0 : i32
    %dma_start3A_58 = tpu.memref_slice %arg2[%dma_start3A_56, %dma_start3A_57] : memref<10000x128xf32, #tpu.memory_space<hbm>> -> memref<10000x128xf32, #tpu.memory_space<hbm>>
    tpu.enqueue_indirect_dma source(%dma_start3A_58 : memref<10000x128xf32, #tpu.memory_space<hbm>>) target(%arg14 : memref<80x128xf32, #tpu.memory_space<vmem>>) offsets(%arg8 : memref<80xi32, #tpu.memory_space<vmem>>) semaphore(%arg18 : memref<!tpu.dma_semaphore, #tpu.memory_space<semaphore_mem>>)
    %dma_wait3A_59 = arith.constant 0 : i32
    %dma_wait3A_60 = arith.constant 0 : i32
    %dma_wait3A_61 = tpu.memref_slice %arg3[%add3A, %dma_wait3A_59, %dma_wait3A_60] : memref<32x126x80xi32, #tpu.memory_space<hbm>> -> memref<1x1x80xi32, #tpu.memory_space<hbm>>
    %dma_wait3A_62 = tpu.memref_squeeze %dma_wait3A_61 : memref<1x1x80xi32, #tpu.memory_space<hbm>> -> memref<80xi32, #tpu.memory_space<hbm>>
    %dma_wait3A_63 = arith.constant 0 : i32
    %dma_wait3A_64 = tpu.memref_slice %arg3[%add3A, %dma_wait3A_59, %dma_wait3A_63] : memref<32x126x80xi32, #tpu.memory_space<hbm>> -> memref<1x1x80xi32, #tpu.memory_space<hbm>>
    %dma_wait3A_65 = tpu.memref_squeeze %dma_wait3A_64 : memref<1x1x80xi32, #tpu.memory_space<hbm>> -> memref<80xi32, #tpu.memory_space<hbm>>
    tpu.wait_dma2 semaphore(%arg22 : memref<!tpu.dma_semaphore, #tpu.memory_space<semaphore_mem>>) src(%dma_wait3A_65 : memref<80xi32, #tpu.memory_space<hbm>>) dst(%arg9 : memref<80xi32, #tpu.memory_space<vmem>>)
    %dma_start3A_66 = arith.constant 0 : i32
    %dma_start3A_67 = arith.constant 0 : i32
    %dma_start3A_68 = tpu.memref_slice %arg2[%dma_start3A_66, %dma_start3A_67] : memref<10000x128xf32, #tpu.memory_space<hbm>> -> memref<10000x128xf32, #tpu.memory_space<hbm>>
    tpu.enqueue_indirect_dma source(%dma_start3A_68 : memref<10000x128xf32, #tpu.memory_space<hbm>>) target(%arg15 : memref<80x128xf32, #tpu.memory_space<vmem>>) offsets(%arg9 : memref<80xi32, #tpu.memory_space<vmem>>) semaphore(%arg19 : memref<!tpu.dma_semaphore, #tpu.memory_space<semaphore_mem>>)
    %dma_wait3A_69 = arith.constant 0 : i32
    %dma_wait3A_70 = arith.constant 0 : i32
    %dma_wait3A_71 = tpu.memref_slice %arg3[%add3A, %dma_wait3A_69, %dma_wait3A_70] : memref<32x126x80xi32, #tpu.memory_space<hbm>> -> memref<1x1x80xi32, #tpu.memory_space<hbm>>
    %dma_wait3A_72 = tpu.memref_squeeze %dma_wait3A_71 : memref<1x1x80xi32, #tpu.memory_space<hbm>> -> memref<80xi32, #tpu.memory_space<hbm>>
    %dma_wait3A_73 = arith.constant 0 : i32
    %dma_wait3A_74 = tpu.memref_slice %arg3[%add3A, %dma_wait3A_69, %dma_wait3A_73] : memref<32x126x80xi32, #tpu.memory_space<hbm>> -> memref<1x1x80xi32, #tpu.memory_space<hbm>>
    %dma_wait3A_75 = tpu.memref_squeeze %dma_wait3A_74 : memref<1x1x80xi32, #tpu.memory_space<hbm>> -> memref<80xi32, #tpu.memory_space<hbm>>
    tpu.wait_dma2 semaphore(%arg23 : memref<!tpu.dma_semaphore, #tpu.memory_space<semaphore_mem>>) src(%dma_wait3A_75 : memref<80xi32, #tpu.memory_space<hbm>>) dst(%arg10 : memref<80xi32, #tpu.memory_space<vmem>>)
    %dma_start3A_76 = arith.constant 0 : i32
    %dma_start3A_77 = arith.constant 0 : i32
    %dma_start3A_78 = tpu.memref_slice %arg2[%dma_start3A_76, %dma_start3A_77] : memref<10000x128xf32, #tpu.memory_space<hbm>> -> memref<10000x128xf32, #tpu.memory_space<hbm>>
    tpu.enqueue_indirect_dma source(%dma_start3A_78 : memref<10000x128xf32, #tpu.memory_space<hbm>>) target(%arg16 : memref<80x128xf32, #tpu.memory_space<vmem>>) offsets(%arg10 : memref<80xi32, #tpu.memory_space<vmem>>) semaphore(%arg20 : memref<!tpu.dma_semaphore, #tpu.memory_space<semaphore_mem>>)
    %mul3A_79 = arith.constant 640 : i32
    %mul3A_80 = arith.muli %arg1, %mul3A_79 : i32
    %mul3A_81 = arith.constant 640 : i32
    %mul3A_82 = arith.muli %arg1, %mul3A_81 : i32
    "tpu.region"() ({
      %run_scoped3A = tpu.sem_alloc : memref<!tpu.dma_semaphore, #tpu.memory_space<semaphore_mem>>
      %dma_start3A_233 = arith.constant 0 : i32
      %dma_start3A_234 = tpu.memref_slice %arg17[%mul3A_82, %dma_start3A_233] : memref<10240x128xf32, #tpu.memory_space<vmem_shared>> -> memref<640x128xf32, #tpu.memory_space<vmem_shared>>
      %dma_start3A_235 = arith.constant 0 : i32
      %dma_start3A_236 = tpu.memref_slice %arg5[%mul3A_80, %dma_start3A_235] : memref<10240x128xf32, #tpu.memory_space<hbm>> -> memref<640x128xf32, #tpu.memory_space<hbm>>
      tpu.enqueue_dma source(%dma_start3A_236 : memref<640x128xf32, #tpu.memory_space<hbm>>) target(%dma_start3A_234 : memref<640x128xf32, #tpu.memory_space<vmem_shared>>) target_semaphore(%run_scoped3A : memref<!tpu.dma_semaphore, #tpu.memory_space<semaphore_mem>>)
      %dma_wait3A_237 = arith.constant 0 : i32
      %dma_wait3A_238 = tpu.memref_slice %arg17[%mul3A_82, %dma_wait3A_237] : memref<10240x128xf32, #tpu.memory_space<vmem_shared>> -> memref<640x128xf32, #tpu.memory_space<vmem_shared>>
      %dma_wait3A_239 = arith.constant 0 : i32
      %dma_wait3A_240 = tpu.memref_slice %arg5[%mul3A_80, %dma_wait3A_239] : memref<10240x128xf32, #tpu.memory_space<hbm>> -> memref<640x128xf32, #tpu.memory_space<hbm>>
      tpu.wait_dma2 semaphore(%run_scoped3A : memref<!tpu.dma_semaphore, #tpu.memory_space<semaphore_mem>>) src(%dma_wait3A_240 : memref<640x128xf32, #tpu.memory_space<hbm>>) dst(%dma_wait3A_238 : memref<640x128xf32, #tpu.memory_space<vmem_shared>>)
      tpu.yield
    }) : () -> ()
    %dma_wait3A_83 = arith.constant 0 : i32
    %dma_wait3A_84 = arith.constant 0 : i32
    %dma_wait3A_85 = tpu.memref_slice %arg4[%add3A, %dma_wait3A_83, %dma_wait3A_84] : memref<32x126x80xi32, #tpu.memory_space<hbm>> -> memref<1x126x80xi32, #tpu.memory_space<hbm>>
    %dma_wait3A_86 = tpu.memref_squeeze %dma_wait3A_85 : memref<1x126x80xi32, #tpu.memory_space<hbm>> -> memref<126x80xi32, #tpu.memory_space<hbm>>
    %dma_wait3A_87 = arith.constant 0 : i32
    %dma_wait3A_88 = arith.constant 0 : i32
    %dma_wait3A_89 = tpu.memref_slice %arg4[%add3A, %dma_wait3A_87, %dma_wait3A_88] : memref<32x126x80xi32, #tpu.memory_space<hbm>> -> memref<1x126x80xi32, #tpu.memory_space<hbm>>
    %dma_wait3A_90 = tpu.memref_squeeze %dma_wait3A_89 : memref<1x126x80xi32, #tpu.memory_space<hbm>> -> memref<126x80xi32, #tpu.memory_space<hbm>>
    tpu.wait_dma2 semaphore(%arg27 : memref<!tpu.dma_semaphore, #tpu.memory_space<semaphore_mem>>) src(%dma_wait3A_90 : memref<126x80xi32, #tpu.memory_space<hbm>>) dst(%arg7 : memref<126x80xi32, #tpu.memory_space<vmem>>)
    %barrier3A = arith.constant 0 : index
    tpu.barrier barrier_id(%barrier3A)
    %scan3A = arith.constant 0 : i32
    %scan3A_91 = arith.constant 0 : i32
    %scan3A_92 = arith.constant 20 : i32
    %scan3A_93 = arith.addi %scan3A_91, %scan3A_92 : i32
    %scan3A_94 = arith.constant 1 : i32
    scf.for %scan3A_233 = %scan3A_91 to %scan3A_93 step %scan3A_94  : i32 {
      %mul3A_234 = arith.constant 6 : i32
      %mul3A_235 = arith.muli %mul3A_234, %scan3A_233 : i32
      %add3A_236 = arith.constant 0 : i32
      %add3A_237 = arith.addi %mul3A_235, %add3A_236 : i32
      %dma_wait3A_238 = arith.constant 0 : i32
      %dma_wait3A_239 = arith.constant 0 : i32
      %dma_wait3A_240 = tpu.memref_slice %arg2[%dma_wait3A_238, %dma_wait3A_239] : memref<10000x128xf32, #tpu.memory_space<hbm>> -> memref<10000x128xf32, #tpu.memory_space<hbm>>
      tpu.wait_indirect_dma semaphore(%arg18 : memref<!tpu.dma_semaphore, #tpu.memory_space<semaphore_mem>>) src(%dma_wait3A_240 : memref<10000x128xf32, #tpu.memory_space<hbm>>) dst(%arg14 : memref<80x128xf32, #tpu.memory_space<vmem>>)
      %dma_start3A_241 = arith.constant 0 : i32
      %dma_start3A_242 = tpu.memref_slice %arg7[%add3A_237, %dma_start3A_241] : memref<126x80xi32, #tpu.memory_space<vmem>> -> memref<1x80xi32, #tpu.memory_space<vmem>>
      %dma_start3A_243 = tpu.memref_squeeze %dma_start3A_242 : memref<1x80xi32, #tpu.memory_space<vmem>> -> memref<80xi32, #tpu.memory_space<vmem>>
      %dma_start3A_244 = arith.constant 0 : i32
      %dma_start3A_245 = arith.constant 0 : i32
      %dma_start3A_246 = tpu.memref_slice %arg17[%dma_start3A_244, %dma_start3A_245] : memref<10240x128xf32, #tpu.memory_space<vmem_shared>> -> memref<10240x128xf32, #tpu.memory_space<vmem_shared>>
      tpu.enqueue_indirect_dma source(%arg14 : memref<80x128xf32, #tpu.memory_space<vmem>>) target(%dma_start3A_246 : memref<10240x128xf32, #tpu.memory_space<vmem_shared>>) offsets(%dma_start3A_243 : memref<80xi32, #tpu.memory_space<vmem>>) semaphore(%arg28 : memref<!tpu.dma_semaphore, #tpu.memory_space<semaphore_mem>>) {add = true}
      %dma_wait3A_247 = arith.constant 0 : i32
      %dma_wait3A_248 = arith.constant 0 : i32
      %dma_wait3A_249 = tpu.memref_slice %arg3[%add3A, %dma_wait3A_247, %dma_wait3A_248] : memref<32x126x80xi32, #tpu.memory_space<hbm>> -> memref<1x1x80xi32, #tpu.memory_space<hbm>>
      %dma_wait3A_250 = tpu.memref_squeeze %dma_wait3A_249 : memref<1x1x80xi32, #tpu.memory_space<hbm>> -> memref<80xi32, #tpu.memory_space<hbm>>
      %dma_wait3A_251 = arith.constant 0 : i32
      %dma_wait3A_252 = tpu.memref_slice %arg3[%add3A, %dma_wait3A_247, %dma_wait3A_251] : memref<32x126x80xi32, #tpu.memory_space<hbm>> -> memref<1x1x80xi32, #tpu.memory_space<hbm>>
      %dma_wait3A_253 = tpu.memref_squeeze %dma_wait3A_252 : memref<1x1x80xi32, #tpu.memory_space<hbm>> -> memref<80xi32, #tpu.memory_space<hbm>>
      tpu.wait_dma2 semaphore(%arg24 : memref<!tpu.dma_semaphore, #tpu.memory_space<semaphore_mem>>) src(%dma_wait3A_253 : memref<80xi32, #tpu.memory_space<hbm>>) dst(%arg11 : memref<80xi32, #tpu.memory_space<vmem>>)
      %add3A_254 = arith.constant 6 : i32
      %add3A_255 = arith.addi %add3A_237, %add3A_254 : i32
      %dma_start3A_256 = arith.constant 0 : i32
      %dma_start3A_257 = tpu.memref_slice %arg3[%add3A, %add3A_255, %dma_start3A_256] : memref<32x126x80xi32, #tpu.memory_space<hbm>> -> memref<1x1x80xi32, #tpu.memory_space<hbm>>
      %dma_start3A_258 = tpu.memref_squeeze %dma_start3A_257 : memref<1x1x80xi32, #tpu.memory_space<hbm>> -> memref<80xi32, #tpu.memory_space<hbm>>
      %dma_start3A_259 = arith.constant 0 : i32
      %dma_start3A_260 = tpu.memref_slice %arg3[%add3A, %add3A_255, %dma_start3A_259] : memref<32x126x80xi32, #tpu.memory_space<hbm>> -> memref<1x1x80xi32, #tpu.memory_space<hbm>>
      %dma_start3A_261 = tpu.memref_squeeze %dma_start3A_260 : memref<1x1x80xi32, #tpu.memory_space<hbm>> -> memref<80xi32, #tpu.memory_space<hbm>>
      tpu.enqueue_dma source(%dma_start3A_261 : memref<80xi32, #tpu.memory_space<hbm>>) target(%arg8 : memref<80xi32, #tpu.memory_space<vmem>>) target_semaphore(%arg21 : memref<!tpu.dma_semaphore, #tpu.memory_space<semaphore_mem>>)
      %dma_wait3A_262 = arith.constant 0 : i32
      %dma_wait3A_263 = tpu.memref_slice %arg7[%add3A_237, %dma_wait3A_262] : memref<126x80xi32, #tpu.memory_space<vmem>> -> memref<1x80xi32, #tpu.memory_space<vmem>>
      %dma_wait3A_264 = tpu.memref_squeeze %dma_wait3A_263 : memref<1x80xi32, #tpu.memory_space<vmem>> -> memref<80xi32, #tpu.memory_space<vmem>>
      %dma_wait3A_265 = arith.constant 0 : i32
      %dma_wait3A_266 = arith.constant 0 : i32
      %dma_wait3A_267 = tpu.memref_slice %arg17[%dma_wait3A_265, %dma_wait3A_266] : memref<10240x128xf32, #tpu.memory_space<vmem_shared>> -> memref<10240x128xf32, #tpu.memory_space<vmem_shared>>
      tpu.wait_indirect_dma semaphore(%arg28 : memref<!tpu.dma_semaphore, #tpu.memory_space<semaphore_mem>>) src(%arg14 : memref<80x128xf32, #tpu.memory_space<vmem>>) dst(%dma_wait3A_267 : memref<10240x128xf32, #tpu.memory_space<vmem_shared>>)
      %dma_start3A_268 = arith.constant 0 : i32
      %dma_start3A_269 = arith.constant 0 : i32
      %dma_start3A_270 = tpu.memref_slice %arg2[%dma_start3A_268, %dma_start3A_269] : memref<10000x128xf32, #tpu.memory_space<hbm>> -> memref<10000x128xf32, #tpu.memory_space<hbm>>
      tpu.enqueue_indirect_dma source(%dma_start3A_270 : memref<10000x128xf32, #tpu.memory_space<hbm>>) target(%arg14 : memref<80x128xf32, #tpu.memory_space<vmem>>) offsets(%arg11 : memref<80xi32, #tpu.memory_space<vmem>>) semaphore(%arg18 : memref<!tpu.dma_semaphore, #tpu.memory_space<semaphore_mem>>)
      %add3A_271 = arith.constant 1 : i32
      %add3A_272 = arith.addi %mul3A_235, %add3A_271 : i32
      %dma_wait3A_273 = arith.constant 0 : i32
      %dma_wait3A_274 = arith.constant 0 : i32
      %dma_wait3A_275 = tpu.memref_slice %arg2[%dma_wait3A_273, %dma_wait3A_274] : memref<10000x128xf32, #tpu.memory_space<hbm>> -> memref<10000x128xf32, #tpu.memory_space<hbm>>
      tpu.wait_indirect_dma semaphore(%arg19 : memref<!tpu.dma_semaphore, #tpu.memory_space<semaphore_mem>>) src(%dma_wait3A_275 : memref<10000x128xf32, #tpu.memory_space<hbm>>) dst(%arg15 : memref<80x128xf32, #tpu.memory_space<vmem>>)
      %dma_start3A_276 = arith.constant 0 : i32
      %dma_start3A_277 = tpu.memref_slice %arg7[%add3A_272, %dma_start3A_276] : memref<126x80xi32, #tpu.memory_space<vmem>> -> memref<1x80xi32, #tpu.memory_space<vmem>>
      %dma_start3A_278 = tpu.memref_squeeze %dma_start3A_277 : memref<1x80xi32, #tpu.memory_space<vmem>> -> memref<80xi32, #tpu.memory_space<vmem>>
      %dma_start3A_279 = arith.constant 0 : i32
      %dma_start3A_280 = arith.constant 0 : i32
      %dma_start3A_281 = tpu.memref_slice %arg17[%dma_start3A_279, %dma_start3A_280] : memref<10240x128xf32, #tpu.memory_space<vmem_shared>> -> memref<10240x128xf32, #tpu.memory_space<vmem_shared>>
      tpu.enqueue_indirect_dma source(%arg15 : memref<80x128xf32, #tpu.memory_space<vmem>>) target(%dma_start3A_281 : memref<10240x128xf32, #tpu.memory_space<vmem_shared>>) offsets(%dma_start3A_278 : memref<80xi32, #tpu.memory_space<vmem>>) semaphore(%arg29 : memref<!tpu.dma_semaphore, #tpu.memory_space<semaphore_mem>>) {add = true}
      %dma_wait3A_282 = arith.constant 0 : i32
      %dma_wait3A_283 = arith.constant 0 : i32
      %dma_wait3A_284 = tpu.memref_slice %arg3[%add3A, %dma_wait3A_282, %dma_wait3A_283] : memref<32x126x80xi32, #tpu.memory_space<hbm>> -> memref<1x1x80xi32, #tpu.memory_space<hbm>>
      %dma_wait3A_285 = tpu.memref_squeeze %dma_wait3A_284 : memref<1x1x80xi32, #tpu.memory_space<hbm>> -> memref<80xi32, #tpu.memory_space<hbm>>
      %dma_wait3A_286 = arith.constant 0 : i32
      %dma_wait3A_287 = tpu.memref_slice %arg3[%add3A, %dma_wait3A_282, %dma_wait3A_286] : memref<32x126x80xi32, #tpu.memory_space<hbm>> -> memref<1x1x80xi32, #tpu.memory_space<hbm>>
      %dma_wait3A_288 = tpu.memref_squeeze %dma_wait3A_287 : memref<1x1x80xi32, #tpu.memory_space<hbm>> -> memref<80xi32, #tpu.memory_space<hbm>>
      tpu.wait_dma2 semaphore(%arg25 : memref<!tpu.dma_semaphore, #tpu.memory_space<semaphore_mem>>) src(%dma_wait3A_288 : memref<80xi32, #tpu.memory_space<hbm>>) dst(%arg12 : memref<80xi32, #tpu.memory_space<vmem>>)
      %add3A_289 = arith.constant 6 : i32
      %add3A_290 = arith.addi %add3A_272, %add3A_289 : i32
      %dma_start3A_291 = arith.constant 0 : i32
      %dma_start3A_292 = tpu.memref_slice %arg3[%add3A, %add3A_290, %dma_start3A_291] : memref<32x126x80xi32, #tpu.memory_space<hbm>> -> memref<1x1x80xi32, #tpu.memory_space<hbm>>
      %dma_start3A_293 = tpu.memref_squeeze %dma_start3A_292 : memref<1x1x80xi32, #tpu.memory_space<hbm>> -> memref<80xi32, #tpu.memory_space<hbm>>
      %dma_start3A_294 = arith.constant 0 : i32
      %dma_start3A_295 = tpu.memref_slice %arg3[%add3A, %add3A_290, %dma_start3A_294] : memref<32x126x80xi32, #tpu.memory_space<hbm>> -> memref<1x1x80xi32, #tpu.memory_space<hbm>>
      %dma_start3A_296 = tpu.memref_squeeze %dma_start3A_295 : memref<1x1x80xi32, #tpu.memory_space<hbm>> -> memref<80xi32, #tpu.memory_space<hbm>>
      tpu.enqueue_dma source(%dma_start3A_296 : memref<80xi32, #tpu.memory_space<hbm>>) target(%arg9 : memref<80xi32, #tpu.memory_space<vmem>>) target_semaphore(%arg22 : memref<!tpu.dma_semaphore, #tpu.memory_space<semaphore_mem>>)
      %dma_wait3A_297 = arith.constant 0 : i32
      %dma_wait3A_298 = tpu.memref_slice %arg7[%add3A_272, %dma_wait3A_297] : memref<126x80xi32, #tpu.memory_space<vmem>> -> memref<1x80xi32, #tpu.memory_space<vmem>>
      %dma_wait3A_299 = tpu.memref_squeeze %dma_wait3A_298 : memref<1x80xi32, #tpu.memory_space<vmem>> -> memref<80xi32, #tpu.memory_space<vmem>>
      %dma_wait3A_300 = arith.constant 0 : i32
      %dma_wait3A_301 = arith.constant 0 : i32
      %dma_wait3A_302 = tpu.memref_slice %arg17[%dma_wait3A_300, %dma_wait3A_301] : memref<10240x128xf32, #tpu.memory_space<vmem_shared>> -> memref<10240x128xf32, #tpu.memory_space<vmem_shared>>
      tpu.wait_indirect_dma semaphore(%arg29 : memref<!tpu.dma_semaphore, #tpu.memory_space<semaphore_mem>>) src(%arg15 : memref<80x128xf32, #tpu.memory_space<vmem>>) dst(%dma_wait3A_302 : memref<10240x128xf32, #tpu.memory_space<vmem_shared>>)
      %dma_start3A_303 = arith.constant 0 : i32
      %dma_start3A_304 = arith.constant 0 : i32
      %dma_start3A_305 = tpu.memref_slice %arg2[%dma_start3A_303, %dma_start3A_304] : memref<10000x128xf32, #tpu.memory_space<hbm>> -> memref<10000x128xf32, #tpu.memory_space<hbm>>
      tpu.enqueue_indirect_dma source(%dma_start3A_305 : memref<10000x128xf32, #tpu.memory_space<hbm>>) target(%arg15 : memref<80x128xf32, #tpu.memory_space<vmem>>) offsets(%arg12 : memref<80xi32, #tpu.memory_space<vmem>>) semaphore(%arg19 : memref<!tpu.dma_semaphore, #tpu.memory_space<semaphore_mem>>)
      %add3A_306 = arith.constant 2 : i32
      %add3A_307 = arith.addi %mul3A_235, %add3A_306 : i32
      %dma_wait3A_308 = arith.constant 0 : i32
      %dma_wait3A_309 = arith.constant 0 : i32
      %dma_wait3A_310 = tpu.memref_slice %arg2[%dma_wait3A_308, %dma_wait3A_309] : memref<10000x128xf32, #tpu.memory_space<hbm>> -> memref<10000x128xf32, #tpu.memory_space<hbm>>
      tpu.wait_indirect_dma semaphore(%arg20 : memref<!tpu.dma_semaphore, #tpu.memory_space<semaphore_mem>>) src(%dma_wait3A_310 : memref<10000x128xf32, #tpu.memory_space<hbm>>) dst(%arg16 : memref<80x128xf32, #tpu.memory_space<vmem>>)
      %dma_start3A_311 = arith.constant 0 : i32
      %dma_start3A_312 = tpu.memref_slice %arg7[%add3A_307, %dma_start3A_311] : memref<126x80xi32, #tpu.memory_space<vmem>> -> memref<1x80xi32, #tpu.memory_space<vmem>>
      %dma_start3A_313 = tpu.memref_squeeze %dma_start3A_312 : memref<1x80xi32, #tpu.memory_space<vmem>> -> memref<80xi32, #tpu.memory_space<vmem>>
      %dma_start3A_314 = arith.constant 0 : i32
      %dma_start3A_315 = arith.constant 0 : i32
      %dma_start3A_316 = tpu.memref_slice %arg17[%dma_start3A_314, %dma_start3A_315] : memref<10240x128xf32, #tpu.memory_space<vmem_shared>> -> memref<10240x128xf32, #tpu.memory_space<vmem_shared>>
      tpu.enqueue_indirect_dma source(%arg16 : memref<80x128xf32, #tpu.memory_space<vmem>>) target(%dma_start3A_316 : memref<10240x128xf32, #tpu.memory_space<vmem_shared>>) offsets(%dma_start3A_313 : memref<80xi32, #tpu.memory_space<vmem>>) semaphore(%arg30 : memref<!tpu.dma_semaphore, #tpu.memory_space<semaphore_mem>>) {add = true}
      %dma_wait3A_317 = arith.constant 0 : i32
      %dma_wait3A_318 = arith.constant 0 : i32
      %dma_wait3A_319 = tpu.memref_slice %arg3[%add3A, %dma_wait3A_317, %dma_wait3A_318] : memref<32x126x80xi32, #tpu.memory_space<hbm>> -> memref<1x1x80xi32, #tpu.memory_space<hbm>>
      %dma_wait3A_320 = tpu.memref_squeeze %dma_wait3A_319 : memref<1x1x80xi32, #tpu.memory_space<hbm>> -> memref<80xi32, #tpu.memory_space<hbm>>
      %dma_wait3A_321 = arith.constant 0 : i32
      %dma_wait3A_322 = tpu.memref_slice %arg3[%add3A, %dma_wait3A_317, %dma_wait3A_321] : memref<32x126x80xi32, #tpu.memory_space<hbm>> -> memref<1x1x80xi32, #tpu.memory_space<hbm>>
      %dma_wait3A_323 = tpu.memref_squeeze %dma_wait3A_322 : memref<1x1x80xi32, #tpu.memory_space<hbm>> -> memref<80xi32, #tpu.memory_space<hbm>>
      tpu.wait_dma2 semaphore(%arg26 : memref<!tpu.dma_semaphore, #tpu.memory_space<semaphore_mem>>) src(%dma_wait3A_323 : memref<80xi32, #tpu.memory_space<hbm>>) dst(%arg13 : memref<80xi32, #tpu.memory_space<vmem>>)
      %add3A_324 = arith.constant 6 : i32
      %add3A_325 = arith.addi %add3A_307, %add3A_324 : i32
      %dma_start3A_326 = arith.constant 0 : i32
      %dma_start3A_327 = tpu.memref_slice %arg3[%add3A, %add3A_325, %dma_start3A_326] : memref<32x126x80xi32, #tpu.memory_space<hbm>> -> memref<1x1x80xi32, #tpu.memory_space<hbm>>
      %dma_start3A_328 = tpu.memref_squeeze %dma_start3A_327 : memref<1x1x80xi32, #tpu.memory_space<hbm>> -> memref<80xi32, #tpu.memory_space<hbm>>
      %dma_start3A_329 = arith.constant 0 : i32
      %dma_start3A_330 = tpu.memref_slice %arg3[%add3A, %add3A_325, %dma_start3A_329] : memref<32x126x80xi32, #tpu.memory_space<hbm>> -> memref<1x1x80xi32, #tpu.memory_space<hbm>>
      %dma_start3A_331 = tpu.memref_squeeze %dma_start3A_330 : memref<1x1x80xi32, #tpu.memory_space<hbm>> -> memref<80xi32, #tpu.memory_space<hbm>>
      tpu.enqueue_dma source(%dma_start3A_331 : memref<80xi32, #tpu.memory_space<hbm>>) target(%arg10 : memref<80xi32, #tpu.memory_space<vmem>>) target_semaphore(%arg23 : memref<!tpu.dma_semaphore, #tpu.memory_space<semaphore_mem>>)
      %dma_wait3A_332 = arith.constant 0 : i32
      %dma_wait3A_333 = tpu.memref_slice %arg7[%add3A_307, %dma_wait3A_332] : memref<126x80xi32, #tpu.memory_space<vmem>> -> memref<1x80xi32, #tpu.memory_space<vmem>>
      %dma_wait3A_334 = tpu.memref_squeeze %dma_wait3A_333 : memref<1x80xi32, #tpu.memory_space<vmem>> -> memref<80xi32, #tpu.memory_space<vmem>>
      %dma_wait3A_335 = arith.constant 0 : i32
      %dma_wait3A_336 = arith.constant 0 : i32
      %dma_wait3A_337 = tpu.memref_slice %arg17[%dma_wait3A_335, %dma_wait3A_336] : memref<10240x128xf32, #tpu.memory_space<vmem_shared>> -> memref<10240x128xf32, #tpu.memory_space<vmem_shared>>
      tpu.wait_indirect_dma semaphore(%arg30 : memref<!tpu.dma_semaphore, #tpu.memory_space<semaphore_mem>>) src(%arg16 : memref<80x128xf32, #tpu.memory_space<vmem>>) dst(%dma_wait3A_337 : memref<10240x128xf32, #tpu.memory_space<vmem_shared>>)
      %dma_start3A_338 = arith.constant 0 : i32
      %dma_start3A_339 = arith.constant 0 : i32
      %dma_start3A_340 = tpu.memref_slice %arg2[%dma_start3A_338, %dma_start3A_339] : memref<10000x128xf32, #tpu.memory_space<hbm>> -> memref<10000x128xf32, #tpu.memory_space<hbm>>
      tpu.enqueue_indirect_dma source(%dma_start3A_340 : memref<10000x128xf32, #tpu.memory_space<hbm>>) target(%arg16 : memref<80x128xf32, #tpu.memory_space<vmem>>) offsets(%arg13 : memref<80xi32, #tpu.memory_space<vmem>>) semaphore(%arg20 : memref<!tpu.dma_semaphore, #tpu.memory_space<semaphore_mem>>)
      %add3A_341 = arith.constant 3 : i32
      %add3A_342 = arith.addi %mul3A_235, %add3A_341 : i32
      %dma_wait3A_343 = arith.constant 0 : i32
      %dma_wait3A_344 = arith.constant 0 : i32
      %dma_wait3A_345 = tpu.memref_slice %arg2[%dma_wait3A_343, %dma_wait3A_344] : memref<10000x128xf32, #tpu.memory_space<hbm>> -> memref<10000x128xf32, #tpu.memory_space<hbm>>
      tpu.wait_indirect_dma semaphore(%arg18 : memref<!tpu.dma_semaphore, #tpu.memory_space<semaphore_mem>>) src(%dma_wait3A_345 : memref<10000x128xf32, #tpu.memory_space<hbm>>) dst(%arg14 : memref<80x128xf32, #tpu.memory_space<vmem>>)
      %dma_start3A_346 = arith.constant 0 : i32
      %dma_start3A_347 = tpu.memref_slice %arg7[%add3A_342, %dma_start3A_346] : memref<126x80xi32, #tpu.memory_space<vmem>> -> memref<1x80xi32, #tpu.memory_space<vmem>>
      %dma_start3A_348 = tpu.memref_squeeze %dma_start3A_347 : memref<1x80xi32, #tpu.memory_space<vmem>> -> memref<80xi32, #tpu.memory_space<vmem>>
      %dma_start3A_349 = arith.constant 0 : i32
      %dma_start3A_350 = arith.constant 0 : i32
      %dma_start3A_351 = tpu.memref_slice %arg17[%dma_start3A_349, %dma_start3A_350] : memref<10240x128xf32, #tpu.memory_space<vmem_shared>> -> memref<10240x128xf32, #tpu.memory_space<vmem_shared>>
      tpu.enqueue_indirect_dma source(%arg14 : memref<80x128xf32, #tpu.memory_space<vmem>>) target(%dma_start3A_351 : memref<10240x128xf32, #tpu.memory_space<vmem_shared>>) offsets(%dma_start3A_348 : memref<80xi32, #tpu.memory_space<vmem>>) semaphore(%arg28 : memref<!tpu.dma_semaphore, #tpu.memory_space<semaphore_mem>>) {add = true}
      %dma_wait3A_352 = arith.constant 0 : i32
      %dma_wait3A_353 = arith.constant 0 : i32
      %dma_wait3A_354 = tpu.memref_slice %arg3[%add3A, %dma_wait3A_352, %dma_wait3A_353] : memref<32x126x80xi32, #tpu.memory_space<hbm>> -> memref<1x1x80xi32, #tpu.memory_space<hbm>>
      %dma_wait3A_355 = tpu.memref_squeeze %dma_wait3A_354 : memref<1x1x80xi32, #tpu.memory_space<hbm>> -> memref<80xi32, #tpu.memory_space<hbm>>
      %dma_wait3A_356 = arith.constant 0 : i32
      %dma_wait3A_357 = tpu.memref_slice %arg3[%add3A, %dma_wait3A_352, %dma_wait3A_356] : memref<32x126x80xi32, #tpu.memory_space<hbm>> -> memref<1x1x80xi32, #tpu.memory_space<hbm>>
      %dma_wait3A_358 = tpu.memref_squeeze %dma_wait3A_357 : memref<1x1x80xi32, #tpu.memory_space<hbm>> -> memref<80xi32, #tpu.memory_space<hbm>>
      tpu.wait_dma2 semaphore(%arg21 : memref<!tpu.dma_semaphore, #tpu.memory_space<semaphore_mem>>) src(%dma_wait3A_358 : memref<80xi32, #tpu.memory_space<hbm>>) dst(%arg8 : memref<80xi32, #tpu.memory_space<vmem>>)
      %add3A_359 = arith.constant 6 : i32
      %add3A_360 = arith.addi %add3A_342, %add3A_359 : i32
      %dma_start3A_361 = arith.constant 0 : i32
      %dma_start3A_362 = tpu.memref_slice %arg3[%add3A, %add3A_360, %dma_start3A_361] : memref<32x126x80xi32, #tpu.memory_space<hbm>> -> memref<1x1x80xi32, #tpu.memory_space<hbm>>
      %dma_start3A_363 = tpu.memref_squeeze %dma_start3A_362 : memref<1x1x80xi32, #tpu.memory_space<hbm>> -> memref<80xi32, #tpu.memory_space<hbm>>
      %dma_start3A_364 = arith.constant 0 : i32
      %dma_start3A_365 = tpu.memref_slice %arg3[%add3A, %add3A_360, %dma_start3A_364] : memref<32x126x80xi32, #tpu.memory_space<hbm>> -> memref<1x1x80xi32, #tpu.memory_space<hbm>>
      %dma_start3A_366 = tpu.memref_squeeze %dma_start3A_365 : memref<1x1x80xi32, #tpu.memory_space<hbm>> -> memref<80xi32, #tpu.memory_space<hbm>>
      tpu.enqueue_dma source(%dma_start3A_366 : memref<80xi32, #tpu.memory_space<hbm>>) target(%arg11 : memref<80xi32, #tpu.memory_space<vmem>>) target_semaphore(%arg24 : memref<!tpu.dma_semaphore, #tpu.memory_space<semaphore_mem>>)
      %dma_wait3A_367 = arith.constant 0 : i32
      %dma_wait3A_368 = tpu.memref_slice %arg7[%add3A_342, %dma_wait3A_367] : memref<126x80xi32, #tpu.memory_space<vmem>> -> memref<1x80xi32, #tpu.memory_space<vmem>>
      %dma_wait3A_369 = tpu.memref_squeeze %dma_wait3A_368 : memref<1x80xi32, #tpu.memory_space<vmem>> -> memref<80xi32, #tpu.memory_space<vmem>>
      %dma_wait3A_370 = arith.constant 0 : i32
      %dma_wait3A_371 = arith.constant 0 : i32
      %dma_wait3A_372 = tpu.memref_slice %arg17[%dma_wait3A_370, %dma_wait3A_371] : memref<10240x128xf32, #tpu.memory_space<vmem_shared>> -> memref<10240x128xf32, #tpu.memory_space<vmem_shared>>
      tpu.wait_indirect_dma semaphore(%arg28 : memref<!tpu.dma_semaphore, #tpu.memory_space<semaphore_mem>>) src(%arg14 : memref<80x128xf32, #tpu.memory_space<vmem>>) dst(%dma_wait3A_372 : memref<10240x128xf32, #tpu.memory_space<vmem_shared>>)
      %dma_start3A_373 = arith.constant 0 : i32
      %dma_start3A_374 = arith.constant 0 : i32
      %dma_start3A_375 = tpu.memref_slice %arg2[%dma_start3A_373, %dma_start3A_374] : memref<10000x128xf32, #tpu.memory_space<hbm>> -> memref<10000x128xf32, #tpu.memory_space<hbm>>
      tpu.enqueue_indirect_dma source(%dma_start3A_375 : memref<10000x128xf32, #tpu.memory_space<hbm>>) target(%arg14 : memref<80x128xf32, #tpu.memory_space<vmem>>) offsets(%arg8 : memref<80xi32, #tpu.memory_space<vmem>>) semaphore(%arg18 : memref<!tpu.dma_semaphore, #tpu.memory_space<semaphore_mem>>)
      %add3A_376 = arith.constant 4 : i32
      %add3A_377 = arith.addi %mul3A_235, %add3A_376 : i32
      %dma_wait3A_378 = arith.constant 0 : i32
      %dma_wait3A_379 = arith.constant 0 : i32
      %dma_wait3A_380 = tpu.memref_slice %arg2[%dma_wait3A_378, %dma_wait3A_379] : memref<10000x128xf32, #tpu.memory_space<hbm>> -> memref<10000x128xf32, #tpu.memory_space<hbm>>
      tpu.wait_indirect_dma semaphore(%arg19 : memref<!tpu.dma_semaphore, #tpu.memory_space<semaphore_mem>>) src(%dma_wait3A_380 : memref<10000x128xf32, #tpu.memory_space<hbm>>) dst(%arg15 : memref<80x128xf32, #tpu.memory_space<vmem>>)
      %dma_start3A_381 = arith.constant 0 : i32
      %dma_start3A_382 = tpu.memref_slice %arg7[%add3A_377, %dma_start3A_381] : memref<126x80xi32, #tpu.memory_space<vmem>> -> memref<1x80xi32, #tpu.memory_space<vmem>>
      %dma_start3A_383 = tpu.memref_squeeze %dma_start3A_382 : memref<1x80xi32, #tpu.memory_space<vmem>> -> memref<80xi32, #tpu.memory_space<vmem>>
      %dma_start3A_384 = arith.constant 0 : i32
      %dma_start3A_385 = arith.constant 0 : i32
      %dma_start3A_386 = tpu.memref_slice %arg17[%dma_start3A_384, %dma_start3A_385] : memref<10240x128xf32, #tpu.memory_space<vmem_shared>> -> memref<10240x128xf32, #tpu.memory_space<vmem_shared>>
      tpu.enqueue_indirect_dma source(%arg15 : memref<80x128xf32, #tpu.memory_space<vmem>>) target(%dma_start3A_386 : memref<10240x128xf32, #tpu.memory_space<vmem_shared>>) offsets(%dma_start3A_383 : memref<80xi32, #tpu.memory_space<vmem>>) semaphore(%arg29 : memref<!tpu.dma_semaphore, #tpu.memory_space<semaphore_mem>>) {add = true}
      %dma_wait3A_387 = arith.constant 0 : i32
      %dma_wait3A_388 = arith.constant 0 : i32
      %dma_wait3A_389 = tpu.memref_slice %arg3[%add3A, %dma_wait3A_387, %dma_wait3A_388] : memref<32x126x80xi32, #tpu.memory_space<hbm>> -> memref<1x1x80xi32, #tpu.memory_space<hbm>>
      %dma_wait3A_390 = tpu.memref_squeeze %dma_wait3A_389 : memref<1x1x80xi32, #tpu.memory_space<hbm>> -> memref<80xi32, #tpu.memory_space<hbm>>
      %dma_wait3A_391 = arith.constant 0 : i32
      %dma_wait3A_392 = tpu.memref_slice %arg3[%add3A, %dma_wait3A_387, %dma_wait3A_391] : memref<32x126x80xi32, #tpu.memory_space<hbm>> -> memref<1x1x80xi32, #tpu.memory_space<hbm>>
      %dma_wait3A_393 = tpu.memref_squeeze %dma_wait3A_392 : memref<1x1x80xi32, #tpu.memory_space<hbm>> -> memref<80xi32, #tpu.memory_space<hbm>>
      tpu.wait_dma2 semaphore(%arg22 : memref<!tpu.dma_semaphore, #tpu.memory_space<semaphore_mem>>) src(%dma_wait3A_393 : memref<80xi32, #tpu.memory_space<hbm>>) dst(%arg9 : memref<80xi32, #tpu.memory_space<vmem>>)
      %add3A_394 = arith.constant 6 : i32
      %add3A_395 = arith.addi %add3A_377, %add3A_394 : i32
      %dma_start3A_396 = arith.constant 0 : i32
      %dma_start3A_397 = tpu.memref_slice %arg3[%add3A, %add3A_395, %dma_start3A_396] : memref<32x126x80xi32, #tpu.memory_space<hbm>> -> memref<1x1x80xi32, #tpu.memory_space<hbm>>
      %dma_start3A_398 = tpu.memref_squeeze %dma_start3A_397 : memref<1x1x80xi32, #tpu.memory_space<hbm>> -> memref<80xi32, #tpu.memory_space<hbm>>
      %dma_start3A_399 = arith.constant 0 : i32
      %dma_start3A_400 = tpu.memref_slice %arg3[%add3A, %add3A_395, %dma_start3A_399] : memref<32x126x80xi32, #tpu.memory_space<hbm>> -> memref<1x1x80xi32, #tpu.memory_space<hbm>>
      %dma_start3A_401 = tpu.memref_squeeze %dma_start3A_400 : memref<1x1x80xi32, #tpu.memory_space<hbm>> -> memref<80xi32, #tpu.memory_space<hbm>>
      tpu.enqueue_dma source(%dma_start3A_401 : memref<80xi32, #tpu.memory_space<hbm>>) target(%arg12 : memref<80xi32, #tpu.memory_space<vmem>>) target_semaphore(%arg25 : memref<!tpu.dma_semaphore, #tpu.memory_space<semaphore_mem>>)
      %dma_wait3A_402 = arith.constant 0 : i32
      %dma_wait3A_403 = tpu.memref_slice %arg7[%add3A_377, %dma_wait3A_402] : memref<126x80xi32, #tpu.memory_space<vmem>> -> memref<1x80xi32, #tpu.memory_space<vmem>>
      %dma_wait3A_404 = tpu.memref_squeeze %dma_wait3A_403 : memref<1x80xi32, #tpu.memory_space<vmem>> -> memref<80xi32, #tpu.memory_space<vmem>>
      %dma_wait3A_405 = arith.constant 0 : i32
      %dma_wait3A_406 = arith.constant 0 : i32
      %dma_wait3A_407 = tpu.memref_slice %arg17[%dma_wait3A_405, %dma_wait3A_406] : memref<10240x128xf32, #tpu.memory_space<vmem_shared>> -> memref<10240x128xf32, #tpu.memory_space<vmem_shared>>
      tpu.wait_indirect_dma semaphore(%arg29 : memref<!tpu.dma_semaphore, #tpu.memory_space<semaphore_mem>>) src(%arg15 : memref<80x128xf32, #tpu.memory_space<vmem>>) dst(%dma_wait3A_407 : memref<10240x128xf32, #tpu.memory_space<vmem_shared>>)
      %dma_start3A_408 = arith.constant 0 : i32
      %dma_start3A_409 = arith.constant 0 : i32
      %dma_start3A_410 = tpu.memref_slice %arg2[%dma_start3A_408, %dma_start3A_409] : memref<10000x128xf32, #tpu.memory_space<hbm>> -> memref<10000x128xf32, #tpu.memory_space<hbm>>
      tpu.enqueue_indirect_dma source(%dma_start3A_410 : memref<10000x128xf32, #tpu.memory_space<hbm>>) target(%arg15 : memref<80x128xf32, #tpu.memory_space<vmem>>) offsets(%arg9 : memref<80xi32, #tpu.memory_space<vmem>>) semaphore(%arg19 : memref<!tpu.dma_semaphore, #tpu.memory_space<semaphore_mem>>)
      %add3A_411 = arith.constant 5 : i32
      %add3A_412 = arith.addi %mul3A_235, %add3A_411 : i32
      %dma_wait3A_413 = arith.constant 0 : i32
      %dma_wait3A_414 = arith.constant 0 : i32
      %dma_wait3A_415 = tpu.memref_slice %arg2[%dma_wait3A_413, %dma_wait3A_414] : memref<10000x128xf32, #tpu.memory_space<hbm>> -> memref<10000x128xf32, #tpu.memory_space<hbm>>
      tpu.wait_indirect_dma semaphore(%arg20 : memref<!tpu.dma_semaphore, #tpu.memory_space<semaphore_mem>>) src(%dma_wait3A_415 : memref<10000x128xf32, #tpu.memory_space<hbm>>) dst(%arg16 : memref<80x128xf32, #tpu.memory_space<vmem>>)
      %dma_start3A_416 = arith.constant 0 : i32
      %dma_start3A_417 = tpu.memref_slice %arg7[%add3A_412, %dma_start3A_416] : memref<126x80xi32, #tpu.memory_space<vmem>> -> memref<1x80xi32, #tpu.memory_space<vmem>>
      %dma_start3A_418 = tpu.memref_squeeze %dma_start3A_417 : memref<1x80xi32, #tpu.memory_space<vmem>> -> memref<80xi32, #tpu.memory_space<vmem>>
      %dma_start3A_419 = arith.constant 0 : i32
      %dma_start3A_420 = arith.constant 0 : i32
      %dma_start3A_421 = tpu.memref_slice %arg17[%dma_start3A_419, %dma_start3A_420] : memref<10240x128xf32, #tpu.memory_space<vmem_shared>> -> memref<10240x128xf32, #tpu.memory_space<vmem_shared>>
      tpu.enqueue_indirect_dma source(%arg16 : memref<80x128xf32, #tpu.memory_space<vmem>>) target(%dma_start3A_421 : memref<10240x128xf32, #tpu.memory_space<vmem_shared>>) offsets(%dma_start3A_418 : memref<80xi32, #tpu.memory_space<vmem>>) semaphore(%arg30 : memref<!tpu.dma_semaphore, #tpu.memory_space<semaphore_mem>>) {add = true}
      %dma_wait3A_422 = arith.constant 0 : i32
      %dma_wait3A_423 = arith.constant 0 : i32
      %dma_wait3A_424 = tpu.memref_slice %arg3[%add3A, %dma_wait3A_422, %dma_wait3A_423] : memref<32x126x80xi32, #tpu.memory_space<hbm>> -> memref<1x1x80xi32, #tpu.memory_space<hbm>>
      %dma_wait3A_425 = tpu.memref_squeeze %dma_wait3A_424 : memref<1x1x80xi32, #tpu.memory_space<hbm>> -> memref<80xi32, #tpu.memory_space<hbm>>
      %dma_wait3A_426 = arith.constant 0 : i32
      %dma_wait3A_427 = tpu.memref_slice %arg3[%add3A, %dma_wait3A_422, %dma_wait3A_426] : memref<32x126x80xi32, #tpu.memory_space<hbm>> -> memref<1x1x80xi32, #tpu.memory_space<hbm>>
      %dma_wait3A_428 = tpu.memref_squeeze %dma_wait3A_427 : memref<1x1x80xi32, #tpu.memory_space<hbm>> -> memref<80xi32, #tpu.memory_space<hbm>>
      tpu.wait_dma2 semaphore(%arg23 : memref<!tpu.dma_semaphore, #tpu.memory_space<semaphore_mem>>) src(%dma_wait3A_428 : memref<80xi32, #tpu.memory_space<hbm>>) dst(%arg10 : memref<80xi32, #tpu.memory_space<vmem>>)
      %add3A_429 = arith.constant 6 : i32
      %add3A_430 = arith.addi %add3A_412, %add3A_429 : i32
      %dma_start3A_431 = arith.constant 0 : i32
      %dma_start3A_432 = tpu.memref_slice %arg3[%add3A, %add3A_430, %dma_start3A_431] : memref<32x126x80xi32, #tpu.memory_space<hbm>> -> memref<1x1x80xi32, #tpu.memory_space<hbm>>
      %dma_start3A_433 = tpu.memref_squeeze %dma_start3A_432 : memref<1x1x80xi32, #tpu.memory_space<hbm>> -> memref<80xi32, #tpu.memory_space<hbm>>
      %dma_start3A_434 = arith.constant 0 : i32
      %dma_start3A_435 = tpu.memref_slice %arg3[%add3A, %add3A_430, %dma_start3A_434] : memref<32x126x80xi32, #tpu.memory_space<hbm>> -> memref<1x1x80xi32, #tpu.memory_space<hbm>>
      %dma_start3A_436 = tpu.memref_squeeze %dma_start3A_435 : memref<1x1x80xi32, #tpu.memory_space<hbm>> -> memref<80xi32, #tpu.memory_space<hbm>>
      tpu.enqueue_dma source(%dma_start3A_436 : memref<80xi32, #tpu.memory_space<hbm>>) target(%arg13 : memref<80xi32, #tpu.memory_space<vmem>>) target_semaphore(%arg26 : memref<!tpu.dma_semaphore, #tpu.memory_space<semaphore_mem>>)
      %dma_wait3A_437 = arith.constant 0 : i32
      %dma_wait3A_438 = tpu.memref_slice %arg7[%add3A_412, %dma_wait3A_437] : memref<126x80xi32, #tpu.memory_space<vmem>> -> memref<1x80xi32, #tpu.memory_space<vmem>>
      %dma_wait3A_439 = tpu.memref_squeeze %dma_wait3A_438 : memref<1x80xi32, #tpu.memory_space<vmem>> -> memref<80xi32, #tpu.memory_space<vmem>>
      %dma_wait3A_440 = arith.constant 0 : i32
      %dma_wait3A_441 = arith.constant 0 : i32
      %dma_wait3A_442 = tpu.memref_slice %arg17[%dma_wait3A_440, %dma_wait3A_441] : memref<10240x128xf32, #tpu.memory_space<vmem_shared>> -> memref<10240x128xf32, #tpu.memory_space<vmem_shared>>
      tpu.wait_indirect_dma semaphore(%arg30 : memref<!tpu.dma_semaphore, #tpu.memory_space<semaphore_mem>>) src(%arg16 : memref<80x128xf32, #tpu.memory_space<vmem>>) dst(%dma_wait3A_442 : memref<10240x128xf32, #tpu.memory_space<vmem_shared>>)
      %dma_start3A_443 = arith.constant 0 : i32
      %dma_start3A_444 = arith.constant 0 : i32
      %dma_start3A_445 = tpu.memref_slice %arg2[%dma_start3A_443, %dma_start3A_444] : memref<10000x128xf32, #tpu.memory_space<hbm>> -> memref<10000x128xf32, #tpu.memory_space<hbm>>
      tpu.enqueue_indirect_dma source(%dma_start3A_445 : memref<10000x128xf32, #tpu.memory_space<hbm>>) target(%arg16 : memref<80x128xf32, #tpu.memory_space<vmem>>) offsets(%arg10 : memref<80xi32, #tpu.memory_space<vmem>>) semaphore(%arg20 : memref<!tpu.dma_semaphore, #tpu.memory_space<semaphore_mem>>)
    }
    %scan3A_95 = arith.constant 20 : i32
    %dma_wait3A_96 = arith.constant 0 : i32
    %dma_wait3A_97 = arith.constant 0 : i32
    %dma_wait3A_98 = tpu.memref_slice %arg2[%dma_wait3A_96, %dma_wait3A_97] : memref<10000x128xf32, #tpu.memory_space<hbm>> -> memref<10000x128xf32, #tpu.memory_space<hbm>>
    tpu.wait_indirect_dma semaphore(%arg18 : memref<!tpu.dma_semaphore, #tpu.memory_space<semaphore_mem>>) src(%dma_wait3A_98 : memref<10000x128xf32, #tpu.memory_space<hbm>>) dst(%arg14 : memref<80x128xf32, #tpu.memory_space<vmem>>)
    %dma_start3A_99 = arith.constant 120 : i32
    %dma_start3A_100 = arith.constant 0 : i32
    %dma_start3A_101 = tpu.memref_slice %arg7[%dma_start3A_99, %dma_start3A_100] : memref<126x80xi32, #tpu.memory_space<vmem>> -> memref<1x80xi32, #tpu.memory_space<vmem>>
    %dma_start3A_102 = tpu.memref_squeeze %dma_start3A_101 : memref<1x80xi32, #tpu.memory_space<vmem>> -> memref<80xi32, #tpu.memory_space<vmem>>
    %dma_start3A_103 = arith.constant 0 : i32
    %dma_start3A_104 = arith.constant 0 : i32
    %dma_start3A_105 = tpu.memref_slice %arg17[%dma_start3A_103, %dma_start3A_104] : memref<10240x128xf32, #tpu.memory_space<vmem_shared>> -> memref<10240x128xf32, #tpu.memory_space<vmem_shared>>
    tpu.enqueue_indirect_dma source(%arg14 : memref<80x128xf32, #tpu.memory_space<vmem>>) target(%dma_start3A_105 : memref<10240x128xf32, #tpu.memory_space<vmem_shared>>) offsets(%dma_start3A_102 : memref<80xi32, #tpu.memory_space<vmem>>) semaphore(%arg28 : memref<!tpu.dma_semaphore, #tpu.memory_space<semaphore_mem>>) {add = true}
    %dma_wait3A_106 = arith.constant 0 : i32
    %dma_wait3A_107 = arith.constant 0 : i32
    %dma_wait3A_108 = tpu.memref_slice %arg3[%add3A, %dma_wait3A_106, %dma_wait3A_107] : memref<32x126x80xi32, #tpu.memory_space<hbm>> -> memref<1x1x80xi32, #tpu.memory_space<hbm>>
    %dma_wait3A_109 = tpu.memref_squeeze %dma_wait3A_108 : memref<1x1x80xi32, #tpu.memory_space<hbm>> -> memref<80xi32, #tpu.memory_space<hbm>>
    %dma_wait3A_110 = arith.constant 0 : i32
    %dma_wait3A_111 = tpu.memref_slice %arg3[%add3A, %dma_wait3A_106, %dma_wait3A_110] : memref<32x126x80xi32, #tpu.memory_space<hbm>> -> memref<1x1x80xi32, #tpu.memory_space<hbm>>
    %dma_wait3A_112 = tpu.memref_squeeze %dma_wait3A_111 : memref<1x1x80xi32, #tpu.memory_space<hbm>> -> memref<80xi32, #tpu.memory_space<hbm>>
    tpu.wait_dma2 semaphore(%arg24 : memref<!tpu.dma_semaphore, #tpu.memory_space<semaphore_mem>>) src(%dma_wait3A_112 : memref<80xi32, #tpu.memory_space<hbm>>) dst(%arg11 : memref<80xi32, #tpu.memory_space<vmem>>)
    %dma_wait3A_113 = arith.constant 120 : i32
    %dma_wait3A_114 = arith.constant 0 : i32
    %dma_wait3A_115 = tpu.memref_slice %arg7[%dma_wait3A_113, %dma_wait3A_114] : memref<126x80xi32, #tpu.memory_space<vmem>> -> memref<1x80xi32, #tpu.memory_space<vmem>>
    %dma_wait3A_116 = tpu.memref_squeeze %dma_wait3A_115 : memref<1x80xi32, #tpu.memory_space<vmem>> -> memref<80xi32, #tpu.memory_space<vmem>>
    %dma_wait3A_117 = arith.constant 0 : i32
    %dma_wait3A_118 = arith.constant 0 : i32
    %dma_wait3A_119 = tpu.memref_slice %arg17[%dma_wait3A_117, %dma_wait3A_118] : memref<10240x128xf32, #tpu.memory_space<vmem_shared>> -> memref<10240x128xf32, #tpu.memory_space<vmem_shared>>
    tpu.wait_indirect_dma semaphore(%arg28 : memref<!tpu.dma_semaphore, #tpu.memory_space<semaphore_mem>>) src(%arg14 : memref<80x128xf32, #tpu.memory_space<vmem>>) dst(%dma_wait3A_119 : memref<10240x128xf32, #tpu.memory_space<vmem_shared>>)
    %dma_start3A_120 = arith.constant 0 : i32
    %dma_start3A_121 = arith.constant 0 : i32
    %dma_start3A_122 = tpu.memref_slice %arg2[%dma_start3A_120, %dma_start3A_121] : memref<10000x128xf32, #tpu.memory_space<hbm>> -> memref<10000x128xf32, #tpu.memory_space<hbm>>
    tpu.enqueue_indirect_dma source(%dma_start3A_122 : memref<10000x128xf32, #tpu.memory_space<hbm>>) target(%arg14 : memref<80x128xf32, #tpu.memory_space<vmem>>) offsets(%arg11 : memref<80xi32, #tpu.memory_space<vmem>>) semaphore(%arg18 : memref<!tpu.dma_semaphore, #tpu.memory_space<semaphore_mem>>)
    %dma_wait3A_123 = arith.constant 0 : i32
    %dma_wait3A_124 = arith.constant 0 : i32
    %dma_wait3A_125 = tpu.memref_slice %arg2[%dma_wait3A_123, %dma_wait3A_124] : memref<10000x128xf32, #tpu.memory_space<hbm>> -> memref<10000x128xf32, #tpu.memory_space<hbm>>
    tpu.wait_indirect_dma semaphore(%arg19 : memref<!tpu.dma_semaphore, #tpu.memory_space<semaphore_mem>>) src(%dma_wait3A_125 : memref<10000x128xf32, #tpu.memory_space<hbm>>) dst(%arg15 : memref<80x128xf32, #tpu.memory_space<vmem>>)
    %dma_start3A_126 = arith.constant 121 : i32
    %dma_start3A_127 = arith.constant 0 : i32
    %dma_start3A_128 = tpu.memref_slice %arg7[%dma_start3A_126, %dma_start3A_127] : memref<126x80xi32, #tpu.memory_space<vmem>> -> memref<1x80xi32, #tpu.memory_space<vmem>>
    %dma_start3A_129 = tpu.memref_squeeze %dma_start3A_128 : memref<1x80xi32, #tpu.memory_space<vmem>> -> memref<80xi32, #tpu.memory_space<vmem>>
    %dma_start3A_130 = arith.constant 0 : i32
    %dma_start3A_131 = arith.constant 0 : i32
    %dma_start3A_132 = tpu.memref_slice %arg17[%dma_start3A_130, %dma_start3A_131] : memref<10240x128xf32, #tpu.memory_space<vmem_shared>> -> memref<10240x128xf32, #tpu.memory_space<vmem_shared>>
    tpu.enqueue_indirect_dma source(%arg15 : memref<80x128xf32, #tpu.memory_space<vmem>>) target(%dma_start3A_132 : memref<10240x128xf32, #tpu.memory_space<vmem_shared>>) offsets(%dma_start3A_129 : memref<80xi32, #tpu.memory_space<vmem>>) semaphore(%arg29 : memref<!tpu.dma_semaphore, #tpu.memory_space<semaphore_mem>>) {add = true}
    %dma_wait3A_133 = arith.constant 0 : i32
    %dma_wait3A_134 = arith.constant 0 : i32
    %dma_wait3A_135 = tpu.memref_slice %arg3[%add3A, %dma_wait3A_133, %dma_wait3A_134] : memref<32x126x80xi32, #tpu.memory_space<hbm>> -> memref<1x1x80xi32, #tpu.memory_space<hbm>>
    %dma_wait3A_136 = tpu.memref_squeeze %dma_wait3A_135 : memref<1x1x80xi32, #tpu.memory_space<hbm>> -> memref<80xi32, #tpu.memory_space<hbm>>
    %dma_wait3A_137 = arith.constant 0 : i32
    %dma_wait3A_138 = tpu.memref_slice %arg3[%add3A, %dma_wait3A_133, %dma_wait3A_137] : memref<32x126x80xi32, #tpu.memory_space<hbm>> -> memref<1x1x80xi32, #tpu.memory_space<hbm>>
    %dma_wait3A_139 = tpu.memref_squeeze %dma_wait3A_138 : memref<1x1x80xi32, #tpu.memory_space<hbm>> -> memref<80xi32, #tpu.memory_space<hbm>>
    tpu.wait_dma2 semaphore(%arg25 : memref<!tpu.dma_semaphore, #tpu.memory_space<semaphore_mem>>) src(%dma_wait3A_139 : memref<80xi32, #tpu.memory_space<hbm>>) dst(%arg12 : memref<80xi32, #tpu.memory_space<vmem>>)
    %dma_wait3A_140 = arith.constant 121 : i32
    %dma_wait3A_141 = arith.constant 0 : i32
    %dma_wait3A_142 = tpu.memref_slice %arg7[%dma_wait3A_140, %dma_wait3A_141] : memref<126x80xi32, #tpu.memory_space<vmem>> -> memref<1x80xi32, #tpu.memory_space<vmem>>
    %dma_wait3A_143 = tpu.memref_squeeze %dma_wait3A_142 : memref<1x80xi32, #tpu.memory_space<vmem>> -> memref<80xi32, #tpu.memory_space<vmem>>
    %dma_wait3A_144 = arith.constant 0 : i32
    %dma_wait3A_145 = arith.constant 0 : i32
    %dma_wait3A_146 = tpu.memref_slice %arg17[%dma_wait3A_144, %dma_wait3A_145] : memref<10240x128xf32, #tpu.memory_space<vmem_shared>> -> memref<10240x128xf32, #tpu.memory_space<vmem_shared>>
    tpu.wait_indirect_dma semaphore(%arg29 : memref<!tpu.dma_semaphore, #tpu.memory_space<semaphore_mem>>) src(%arg15 : memref<80x128xf32, #tpu.memory_space<vmem>>) dst(%dma_wait3A_146 : memref<10240x128xf32, #tpu.memory_space<vmem_shared>>)
    %dma_start3A_147 = arith.constant 0 : i32
    %dma_start3A_148 = arith.constant 0 : i32
    %dma_start3A_149 = tpu.memref_slice %arg2[%dma_start3A_147, %dma_start3A_148] : memref<10000x128xf32, #tpu.memory_space<hbm>> -> memref<10000x128xf32, #tpu.memory_space<hbm>>
    tpu.enqueue_indirect_dma source(%dma_start3A_149 : memref<10000x128xf32, #tpu.memory_space<hbm>>) target(%arg15 : memref<80x128xf32, #tpu.memory_space<vmem>>) offsets(%arg12 : memref<80xi32, #tpu.memory_space<vmem>>) semaphore(%arg19 : memref<!tpu.dma_semaphore, #tpu.memory_space<semaphore_mem>>)
    %dma_wait3A_150 = arith.constant 0 : i32
    %dma_wait3A_151 = arith.constant 0 : i32
    %dma_wait3A_152 = tpu.memref_slice %arg2[%dma_wait3A_150, %dma_wait3A_151] : memref<10000x128xf32, #tpu.memory_space<hbm>> -> memref<10000x128xf32, #tpu.memory_space<hbm>>
    tpu.wait_indirect_dma semaphore(%arg20 : memref<!tpu.dma_semaphore, #tpu.memory_space<semaphore_mem>>) src(%dma_wait3A_152 : memref<10000x128xf32, #tpu.memory_space<hbm>>) dst(%arg16 : memref<80x128xf32, #tpu.memory_space<vmem>>)
    %dma_start3A_153 = arith.constant 122 : i32
    %dma_start3A_154 = arith.constant 0 : i32
    %dma_start3A_155 = tpu.memref_slice %arg7[%dma_start3A_153, %dma_start3A_154] : memref<126x80xi32, #tpu.memory_space<vmem>> -> memref<1x80xi32, #tpu.memory_space<vmem>>
    %dma_start3A_156 = tpu.memref_squeeze %dma_start3A_155 : memref<1x80xi32, #tpu.memory_space<vmem>> -> memref<80xi32, #tpu.memory_space<vmem>>
    %dma_start3A_157 = arith.constant 0 : i32
    %dma_start3A_158 = arith.constant 0 : i32
    %dma_start3A_159 = tpu.memref_slice %arg17[%dma_start3A_157, %dma_start3A_158] : memref<10240x128xf32, #tpu.memory_space<vmem_shared>> -> memref<10240x128xf32, #tpu.memory_space<vmem_shared>>
    tpu.enqueue_indirect_dma source(%arg16 : memref<80x128xf32, #tpu.memory_space<vmem>>) target(%dma_start3A_159 : memref<10240x128xf32, #tpu.memory_space<vmem_shared>>) offsets(%dma_start3A_156 : memref<80xi32, #tpu.memory_space<vmem>>) semaphore(%arg30 : memref<!tpu.dma_semaphore, #tpu.memory_space<semaphore_mem>>) {add = true}
    %dma_wait3A_160 = arith.constant 0 : i32
    %dma_wait3A_161 = arith.constant 0 : i32
    %dma_wait3A_162 = tpu.memref_slice %arg3[%add3A, %dma_wait3A_160, %dma_wait3A_161] : memref<32x126x80xi32, #tpu.memory_space<hbm>> -> memref<1x1x80xi32, #tpu.memory_space<hbm>>
    %dma_wait3A_163 = tpu.memref_squeeze %dma_wait3A_162 : memref<1x1x80xi32, #tpu.memory_space<hbm>> -> memref<80xi32, #tpu.memory_space<hbm>>
    %dma_wait3A_164 = arith.constant 0 : i32
    %dma_wait3A_165 = tpu.memref_slice %arg3[%add3A, %dma_wait3A_160, %dma_wait3A_164] : memref<32x126x80xi32, #tpu.memory_space<hbm>> -> memref<1x1x80xi32, #tpu.memory_space<hbm>>
    %dma_wait3A_166 = tpu.memref_squeeze %dma_wait3A_165 : memref<1x1x80xi32, #tpu.memory_space<hbm>> -> memref<80xi32, #tpu.memory_space<hbm>>
    tpu.wait_dma2 semaphore(%arg26 : memref<!tpu.dma_semaphore, #tpu.memory_space<semaphore_mem>>) src(%dma_wait3A_166 : memref<80xi32, #tpu.memory_space<hbm>>) dst(%arg13 : memref<80xi32, #tpu.memory_space<vmem>>)
    %dma_wait3A_167 = arith.constant 122 : i32
    %dma_wait3A_168 = arith.constant 0 : i32
    %dma_wait3A_169 = tpu.memref_slice %arg7[%dma_wait3A_167, %dma_wait3A_168] : memref<126x80xi32, #tpu.memory_space<vmem>> -> memref<1x80xi32, #tpu.memory_space<vmem>>
    %dma_wait3A_170 = tpu.memref_squeeze %dma_wait3A_169 : memref<1x80xi32, #tpu.memory_space<vmem>> -> memref<80xi32, #tpu.memory_space<vmem>>
    %dma_wait3A_171 = arith.constant 0 : i32
    %dma_wait3A_172 = arith.constant 0 : i32
    %dma_wait3A_173 = tpu.memref_slice %arg17[%dma_wait3A_171, %dma_wait3A_172] : memref<10240x128xf32, #tpu.memory_space<vmem_shared>> -> memref<10240x128xf32, #tpu.memory_space<vmem_shared>>
    tpu.wait_indirect_dma semaphore(%arg30 : memref<!tpu.dma_semaphore, #tpu.memory_space<semaphore_mem>>) src(%arg16 : memref<80x128xf32, #tpu.memory_space<vmem>>) dst(%dma_wait3A_173 : memref<10240x128xf32, #tpu.memory_space<vmem_shared>>)
    %dma_start3A_174 = arith.constant 0 : i32
    %dma_start3A_175 = arith.constant 0 : i32
    %dma_start3A_176 = tpu.memref_slice %arg2[%dma_start3A_174, %dma_start3A_175] : memref<10000x128xf32, #tpu.memory_space<hbm>> -> memref<10000x128xf32, #tpu.memory_space<hbm>>
    tpu.enqueue_indirect_dma source(%dma_start3A_176 : memref<10000x128xf32, #tpu.memory_space<hbm>>) target(%arg16 : memref<80x128xf32, #tpu.memory_space<vmem>>) offsets(%arg13 : memref<80xi32, #tpu.memory_space<vmem>>) semaphore(%arg20 : memref<!tpu.dma_semaphore, #tpu.memory_space<semaphore_mem>>)
    %dma_wait3A_177 = arith.constant 0 : i32
    %dma_wait3A_178 = arith.constant 0 : i32
    %dma_wait3A_179 = tpu.memref_slice %arg2[%dma_wait3A_177, %dma_wait3A_178] : memref<10000x128xf32, #tpu.memory_space<hbm>> -> memref<10000x128xf32, #tpu.memory_space<hbm>>
    tpu.wait_indirect_dma semaphore(%arg18 : memref<!tpu.dma_semaphore, #tpu.memory_space<semaphore_mem>>) src(%dma_wait3A_179 : memref<10000x128xf32, #tpu.memory_space<hbm>>) dst(%arg14 : memref<80x128xf32, #tpu.memory_space<vmem>>)
    %dma_start3A_180 = arith.constant 123 : i32
    %dma_start3A_181 = arith.constant 0 : i32
    %dma_start3A_182 = tpu.memref_slice %arg7[%dma_start3A_180, %dma_start3A_181] : memref<126x80xi32, #tpu.memory_space<vmem>> -> memref<1x80xi32, #tpu.memory_space<vmem>>
    %dma_start3A_183 = tpu.memref_squeeze %dma_start3A_182 : memref<1x80xi32, #tpu.memory_space<vmem>> -> memref<80xi32, #tpu.memory_space<vmem>>
    %dma_start3A_184 = arith.constant 0 : i32
    %dma_start3A_185 = arith.constant 0 : i32
    %dma_start3A_186 = tpu.memref_slice %arg17[%dma_start3A_184, %dma_start3A_185] : memref<10240x128xf32, #tpu.memory_space<vmem_shared>> -> memref<10240x128xf32, #tpu.memory_space<vmem_shared>>
    tpu.enqueue_indirect_dma source(%arg14 : memref<80x128xf32, #tpu.memory_space<vmem>>) target(%dma_start3A_186 : memref<10240x128xf32, #tpu.memory_space<vmem_shared>>) offsets(%dma_start3A_183 : memref<80xi32, #tpu.memory_space<vmem>>) semaphore(%arg28 : memref<!tpu.dma_semaphore, #tpu.memory_space<semaphore_mem>>) {add = true}
    %dma_wait3A_187 = arith.constant 0 : i32
    %dma_wait3A_188 = arith.constant 0 : i32
    %dma_wait3A_189 = tpu.memref_slice %arg2[%dma_wait3A_187, %dma_wait3A_188] : memref<10000x128xf32, #tpu.memory_space<hbm>> -> memref<10000x128xf32, #tpu.memory_space<hbm>>
    tpu.wait_indirect_dma semaphore(%arg19 : memref<!tpu.dma_semaphore, #tpu.memory_space<semaphore_mem>>) src(%dma_wait3A_189 : memref<10000x128xf32, #tpu.memory_space<hbm>>) dst(%arg15 : memref<80x128xf32, #tpu.memory_space<vmem>>)
    %dma_start3A_190 = arith.constant 124 : i32
    %dma_start3A_191 = arith.constant 0 : i32
    %dma_start3A_192 = tpu.memref_slice %arg7[%dma_start3A_190, %dma_start3A_191] : memref<126x80xi32, #tpu.memory_space<vmem>> -> memref<1x80xi32, #tpu.memory_space<vmem>>
    %dma_start3A_193 = tpu.memref_squeeze %dma_start3A_192 : memref<1x80xi32, #tpu.memory_space<vmem>> -> memref<80xi32, #tpu.memory_space<vmem>>
    %dma_start3A_194 = arith.constant 0 : i32
    %dma_start3A_195 = arith.constant 0 : i32
    %dma_start3A_196 = tpu.memref_slice %arg17[%dma_start3A_194, %dma_start3A_195] : memref<10240x128xf32, #tpu.memory_space<vmem_shared>> -> memref<10240x128xf32, #tpu.memory_space<vmem_shared>>
    tpu.enqueue_indirect_dma source(%arg15 : memref<80x128xf32, #tpu.memory_space<vmem>>) target(%dma_start3A_196 : memref<10240x128xf32, #tpu.memory_space<vmem_shared>>) offsets(%dma_start3A_193 : memref<80xi32, #tpu.memory_space<vmem>>) semaphore(%arg29 : memref<!tpu.dma_semaphore, #tpu.memory_space<semaphore_mem>>) {add = true}
    %dma_wait3A_197 = arith.constant 0 : i32
    %dma_wait3A_198 = arith.constant 0 : i32
    %dma_wait3A_199 = tpu.memref_slice %arg2[%dma_wait3A_197, %dma_wait3A_198] : memref<10000x128xf32, #tpu.memory_space<hbm>> -> memref<10000x128xf32, #tpu.memory_space<hbm>>
    tpu.wait_indirect_dma semaphore(%arg20 : memref<!tpu.dma_semaphore, #tpu.memory_space<semaphore_mem>>) src(%dma_wait3A_199 : memref<10000x128xf32, #tpu.memory_space<hbm>>) dst(%arg16 : memref<80x128xf32, #tpu.memory_space<vmem>>)
    %dma_start3A_200 = arith.constant 125 : i32
    %dma_start3A_201 = arith.constant 0 : i32
    %dma_start3A_202 = tpu.memref_slice %arg7[%dma_start3A_200, %dma_start3A_201] : memref<126x80xi32, #tpu.memory_space<vmem>> -> memref<1x80xi32, #tpu.memory_space<vmem>>
    %dma_start3A_203 = tpu.memref_squeeze %dma_start3A_202 : memref<1x80xi32, #tpu.memory_space<vmem>> -> memref<80xi32, #tpu.memory_space<vmem>>
    %dma_start3A_204 = arith.constant 0 : i32
    %dma_start3A_205 = arith.constant 0 : i32
    %dma_start3A_206 = tpu.memref_slice %arg17[%dma_start3A_204, %dma_start3A_205] : memref<10240x128xf32, #tpu.memory_space<vmem_shared>> -> memref<10240x128xf32, #tpu.memory_space<vmem_shared>>
    tpu.enqueue_indirect_dma source(%arg16 : memref<80x128xf32, #tpu.memory_space<vmem>>) target(%dma_start3A_206 : memref<10240x128xf32, #tpu.memory_space<vmem_shared>>) offsets(%dma_start3A_203 : memref<80xi32, #tpu.memory_space<vmem>>) semaphore(%arg30 : memref<!tpu.dma_semaphore, #tpu.memory_space<semaphore_mem>>) {add = true}
    %dma_wait3A_207 = arith.constant 123 : i32
    %dma_wait3A_208 = arith.constant 0 : i32
    %dma_wait3A_209 = tpu.memref_slice %arg7[%dma_wait3A_207, %dma_wait3A_208] : memref<126x80xi32, #tpu.memory_space<vmem>> -> memref<1x80xi32, #tpu.memory_space<vmem>>
    %dma_wait3A_210 = tpu.memref_squeeze %dma_wait3A_209 : memref<1x80xi32, #tpu.memory_space<vmem>> -> memref<80xi32, #tpu.memory_space<vmem>>
    %dma_wait3A_211 = arith.constant 0 : i32
    %dma_wait3A_212 = arith.constant 0 : i32
    %dma_wait3A_213 = tpu.memref_slice %arg17[%dma_wait3A_211, %dma_wait3A_212] : memref<10240x128xf32, #tpu.memory_space<vmem_shared>> -> memref<10240x128xf32, #tpu.memory_space<vmem_shared>>
    tpu.wait_indirect_dma semaphore(%arg28 : memref<!tpu.dma_semaphore, #tpu.memory_space<semaphore_mem>>) src(%arg14 : memref<80x128xf32, #tpu.memory_space<vmem>>) dst(%dma_wait3A_213 : memref<10240x128xf32, #tpu.memory_space<vmem_shared>>)
    %dma_wait3A_214 = arith.constant 124 : i32
    %dma_wait3A_215 = arith.constant 0 : i32
    %dma_wait3A_216 = tpu.memref_slice %arg7[%dma_wait3A_214, %dma_wait3A_215] : memref<126x80xi32, #tpu.memory_space<vmem>> -> memref<1x80xi32, #tpu.memory_space<vmem>>
    %dma_wait3A_217 = tpu.memref_squeeze %dma_wait3A_216 : memref<1x80xi32, #tpu.memory_space<vmem>> -> memref<80xi32, #tpu.memory_space<vmem>>
    %dma_wait3A_218 = arith.constant 0 : i32
    %dma_wait3A_219 = arith.constant 0 : i32
    %dma_wait3A_220 = tpu.memref_slice %arg17[%dma_wait3A_218, %dma_wait3A_219] : memref<10240x128xf32, #tpu.memory_space<vmem_shared>> -> memref<10240x128xf32, #tpu.memory_space<vmem_shared>>
    tpu.wait_indirect_dma semaphore(%arg29 : memref<!tpu.dma_semaphore, #tpu.memory_space<semaphore_mem>>) src(%arg15 : memref<80x128xf32, #tpu.memory_space<vmem>>) dst(%dma_wait3A_220 : memref<10240x128xf32, #tpu.memory_space<vmem_shared>>)
    %dma_wait3A_221 = arith.constant 125 : i32
    %dma_wait3A_222 = arith.constant 0 : i32
    %dma_wait3A_223 = tpu.memref_slice %arg7[%dma_wait3A_221, %dma_wait3A_222] : memref<126x80xi32, #tpu.memory_space<vmem>> -> memref<1x80xi32, #tpu.memory_space<vmem>>
    %dma_wait3A_224 = tpu.memref_squeeze %dma_wait3A_223 : memref<1x80xi32, #tpu.memory_space<vmem>> -> memref<80xi32, #tpu.memory_space<vmem>>
    %dma_wait3A_225 = arith.constant 0 : i32
    %dma_wait3A_226 = arith.constant 0 : i32
    %dma_wait3A_227 = tpu.memref_slice %arg17[%dma_wait3A_225, %dma_wait3A_226] : memref<10240x128xf32, #tpu.memory_space<vmem_shared>> -> memref<10240x128xf32, #tpu.memory_space<vmem_shared>>
    tpu.wait_indirect_dma semaphore(%arg30 : memref<!tpu.dma_semaphore, #tpu.memory_space<semaphore_mem>>) src(%arg16 : memref<80x128xf32, #tpu.memory_space<vmem>>) dst(%dma_wait3A_227 : memref<10240x128xf32, #tpu.memory_space<vmem_shared>>)
    %barrier3A_228 = arith.constant 0 : index
    tpu.barrier barrier_id(%barrier3A_228)
    %mul3A_229 = arith.constant 640 : i32
    %mul3A_230 = arith.muli %arg1, %mul3A_229 : i32
    %mul3A_231 = arith.constant 640 : i32
    %mul3A_232 = arith.muli %arg1, %mul3A_231 : i32
    "tpu.region"() ({
      %run_scoped3A = tpu.sem_alloc : memref<!tpu.dma_semaphore, #tpu.memory_space<semaphore_mem>>
      %dma_start3A_233 = arith.constant 0 : i32
      %dma_start3A_234 = tpu.memref_slice %arg6[%arg0, %mul3A_232, %dma_start3A_233] : memref<2x10240x128xf32, #tpu.memory_space<hbm>> -> memref<1x640x128xf32, #tpu.memory_space<hbm>>
      %dma_start3A_235 = tpu.memref_squeeze %dma_start3A_234 : memref<1x640x128xf32, #tpu.memory_space<hbm>> -> memref<640x128xf32, #tpu.memory_space<hbm>>
      %dma_start3A_236 = arith.constant 0 : i32
      %dma_start3A_237 = tpu.memref_slice %arg17[%mul3A_230, %dma_start3A_236] : memref<10240x128xf32, #tpu.memory_space<vmem_shared>> -> memref<640x128xf32, #tpu.memory_space<vmem_shared>>
      tpu.enqueue_dma source(%dma_start3A_237 : memref<640x128xf32, #tpu.memory_space<vmem_shared>>) target(%dma_start3A_235 : memref<640x128xf32, #tpu.memory_space<hbm>>) target_semaphore(%run_scoped3A : memref<!tpu.dma_semaphore, #tpu.memory_space<semaphore_mem>>)
      %dma_wait3A_238 = arith.constant 0 : i32
      %dma_wait3A_239 = tpu.memref_slice %arg6[%arg0, %mul3A_232, %dma_wait3A_238] : memref<2x10240x128xf32, #tpu.memory_space<hbm>> -> memref<1x640x128xf32, #tpu.memory_space<hbm>>
      %dma_wait3A_240 = tpu.memref_squeeze %dma_wait3A_239 : memref<1x640x128xf32, #tpu.memory_space<hbm>> -> memref<640x128xf32, #tpu.memory_space<hbm>>
      %dma_wait3A_241 = arith.constant 0 : i32
      %dma_wait3A_242 = tpu.memref_slice %arg17[%mul3A_230, %dma_wait3A_241] : memref<10240x128xf32, #tpu.memory_space<vmem_shared>> -> memref<640x128xf32, #tpu.memory_space<vmem_shared>>
      tpu.wait_dma2 semaphore(%run_scoped3A : memref<!tpu.dma_semaphore, #tpu.memory_space<semaphore_mem>>) src(%dma_wait3A_242 : memref<640x128xf32, #tpu.memory_space<vmem_shared>>) dst(%dma_wait3A_240 : memref<640x128xf32, #tpu.memory_space<hbm>>)
      tpu.yield
    }) : () -> ()
    return
  }
}

module attributes {stable_mosaic.version = 14 : i64} {
  func.func @_layer_body(%arg0: i32, %arg1: memref<2x2000x128xf32, #tpu.memory_space<vmem>>, %arg2: memref<2000x128xf32, #tpu.memory_space<vmem>>, %arg3: memref<128x128xf32, #tpu.memory_space<vmem>>, %arg4: memref<1x128xf32, #tpu.memory_space<vmem>>, %arg5: memref<128x128xf32, #tpu.memory_space<vmem>>, %arg6: memref<2000x128xf32, #tpu.memory_space<vmem>>) attributes {dimension_semantics = [#tpu.dimension_semantics<arbitrary>], iteration_bounds = array<i64: 5>, scalar_prefetch = 0 : i64, scratch_operands = 0 : i64, tpu.core_type = #tpu.core_type<tc>, window_params = [{transform_indices = @transform_0, window_bounds = array<i64: 2, 2000, 128>}, {transform_indices = @transform_1, window_bounds = array<i64: 2000, 128>}, {pipeline_mode = #tpu.pipeline_mode<synchronous>, transform_indices = @transform_2, window_bounds = array<i64: 128, 128>}, {pipeline_mode = #tpu.pipeline_mode<synchronous>, transform_indices = @transform_3, window_bounds = array<i64: 1, 128>}, {pipeline_mode = #tpu.pipeline_mode<synchronous>, transform_indices = @transform_4, window_bounds = array<i64: 128, 128>}, {transform_indices = @transform_5, window_bounds = array<i64: 2000, 128>}]} {
    %get3A = arith.constant 0 : index
    %get3A_0 = arith.constant 0 : index
    %get3A_1 = arith.constant 0 : index
    %get3A_2 = vector.load %arg1[%get3A, %get3A_0, %get3A_1] : memref<2x2000x128xf32, #tpu.memory_space<vmem>>, vector<1x2000x128xf32>
    %get3A_3 = vector.shape_cast %get3A_2 : vector<1x2000x128xf32> to vector<2000x128xf32>
    %get3A_4 = arith.constant 1 : index
    %get3A_5 = arith.constant 0 : index
    %get3A_6 = arith.constant 0 : index
    %get3A_7 = vector.load %arg1[%get3A_4, %get3A_5, %get3A_6] : memref<2x2000x128xf32, #tpu.memory_space<vmem>>, vector<1x2000x128xf32>
    %get3A_8 = vector.shape_cast %get3A_7 : vector<1x2000x128xf32> to vector<2000x128xf32>
    %add3A = arith.addf %get3A_3, %get3A_8 : vector<2000x128xf32>
    %get3A_9 = arith.constant 0 : index
    %get3A_10 = arith.constant 0 : index
    %get3A_11 = vector.load %arg3[%get3A_9, %get3A_10] : memref<128x128xf32, #tpu.memory_space<vmem>>, vector<128x128xf32>
    %dot_general3A = arith.constant dense<0.000000e+00> : vector<2000x128xf32>
    %dot_general3A_12 = tpu.matmul %add3A, %get3A_11, %dot_general3A {dimension_numbers = #tpu.dot_dimension_numbers<[1], [0], [0], [1], [0, 0, 1, 1], [], []>, transpose_lhs_hint = false} : vector<2000x128xf32>, vector<128x128xf32>, vector<2000x128xf32> -> vector<2000x128xf32>
    %get3A_13 = arith.constant 0 : index
    %get3A_14 = arith.constant 0 : index
    %get3A_15 = vector.load %arg2[%get3A_13, %get3A_14] : memref<2000x128xf32, #tpu.memory_space<vmem>>, vector<2000x128xf32>
    %get3A_16 = arith.constant 0 : index
    %get3A_17 = arith.constant 0 : index
    %get3A_18 = vector.load %arg5[%get3A_16, %get3A_17] : memref<128x128xf32, #tpu.memory_space<vmem>>, vector<128x128xf32>
    %dot_general3A_19 = arith.constant dense<0.000000e+00> : vector<2000x128xf32>
    %dot_general3A_20 = tpu.matmul %get3A_15, %get3A_18, %dot_general3A_19 {dimension_numbers = #tpu.dot_dimension_numbers<[1], [0], [0], [1], [0, 0, 1, 1], [], []>, transpose_lhs_hint = false} : vector<2000x128xf32>, vector<128x128xf32>, vector<2000x128xf32> -> vector<2000x128xf32>
    %add3A_21 = arith.addf %dot_general3A_12, %dot_general3A_20 : vector<2000x128xf32>
    %get3A_22 = arith.constant 0 : index
    %get3A_23 = arith.constant 0 : index
    %get3A_24 = vector.load %arg4[%get3A_22, %get3A_23] : memref<1x128xf32, #tpu.memory_space<vmem>>, vector<1x128xf32>
    %add3A_25 = vector.broadcast %get3A_24 : vector<1x128xf32> to vector<2000x128xf32>
    %add3A_26 = arith.addf %add3A_21, %add3A_25 : vector<2000x128xf32>
    %max3A = arith.constant 0.000000e+00 : f32
    %max3A_27 = vector.broadcast %max3A : f32 to vector<2000x128xf32>
    %max3A_28 = arith.maximumf %add3A_26, %max3A_27 : vector<2000x128xf32>
    %swap3A = arith.constant 0 : index
    %swap3A_29 = arith.constant 0 : index
    %swap3A_30 = vector.load %arg6[%swap3A, %swap3A_29] : memref<2000x128xf32, #tpu.memory_space<vmem>>, vector<2000x128xf32>
    tpu.vector_store %arg6[%swap3A, %swap3A_29], %max3A_28 {strides = array<i32>} : memref<2000x128xf32, #tpu.memory_space<vmem>>, vector<2000x128xf32>,
    return
  }
  func.func @transform_0(%arg0: i32) -> (i32, i32, i32) {
    %c0_i32 = arith.constant 0 : i32
    %c0_i32_0 = arith.constant 0 : i32
    %c0_i32_1 = arith.constant 0 : i32
    return %c0_i32, %arg0, %c0_i32_0 : i32, i32, i32
  }
  func.func @transform_1(%arg0: i32) -> (i32, i32) {
    %c0_i32 = arith.constant 0 : i32
    %c0_i32_0 = arith.constant 0 : i32
    return %arg0, %c0_i32 : i32, i32
  }
  func.func @transform_2(%arg0: i32) -> (i32, i32) {
    %c0_i32 = arith.constant 0 : i32
    %c0_i32_0 = arith.constant 0 : i32
    %c0_i32_1 = arith.constant 0 : i32
    return %c0_i32, %c0_i32_0 : i32, i32
  }
  func.func @transform_3(%arg0: i32) -> (i32, i32) {
    %c0_i32 = arith.constant 0 : i32
    %c0_i32_0 = arith.constant 0 : i32
    %c0_i32_1 = arith.constant 0 : i32
    return %c0_i32, %c0_i32_0 : i32, i32
  }
  func.func @transform_4(%arg0: i32) -> (i32, i32) {
    %c0_i32 = arith.constant 0 : i32
    %c0_i32_0 = arith.constant 0 : i32
    %c0_i32_1 = arith.constant 0 : i32
    return %c0_i32, %c0_i32_0 : i32, i32
  }
  func.func @transform_5(%arg0: i32) -> (i32, i32) {
    %c0_i32 = arith.constant 0 : i32
    %c0_i32_0 = arith.constant 0 : i32
    return %arg0, %c0_i32 : i32, i32
  }
}

module attributes {stable_mosaic.version = 14 : i64} {
  func.func @_final_body(%arg0: i32, %arg1: memref<2x2000x128xf32, #tpu.memory_space<vmem>>, %arg2: memref<2000x128xf32, #tpu.memory_space<vmem>>, %arg3: memref<128x128xf32, #tpu.memory_space<vmem>>, %arg4: memref<1x128xf32, #tpu.memory_space<vmem>>, %arg5: memref<128x128xf32, #tpu.memory_space<vmem>>, %arg6: memref<128x128xf32, #tpu.memory_space<vmem>>, %arg7: memref<1x128xf32, #tpu.memory_space<vmem>>, %arg8: memref<128x10xf32, #tpu.memory_space<vmem>>, %arg9: memref<1x10xf32, #tpu.memory_space<vmem>>, %arg10: memref<2000x1xi32, #tpu.memory_space<vmem>>, %arg11: memref<64x10xf32, #tpu.memory_space<vmem>>) attributes {dimension_semantics = [#tpu.dimension_semantics<arbitrary>], iteration_bounds = array<i64: 5>, scalar_prefetch = 0 : i64, scratch_operands = 0 : i64, tpu.core_type = #tpu.core_type<tc>, window_params = [{transform_indices = @transform_0, window_bounds = array<i64: 2, 2000, 128>}, {transform_indices = @transform_1, window_bounds = array<i64: 2000, 128>}, {pipeline_mode = #tpu.pipeline_mode<synchronous>, transform_indices = @transform_2, window_bounds = array<i64: 128, 128>}, {pipeline_mode = #tpu.pipeline_mode<synchronous>, transform_indices = @transform_3, window_bounds = array<i64: 1, 128>}, {pipeline_mode = #tpu.pipeline_mode<synchronous>, transform_indices = @transform_4, window_bounds = array<i64: 128, 128>}, {pipeline_mode = #tpu.pipeline_mode<synchronous>, transform_indices = @transform_5, window_bounds = array<i64: 128, 128>}, {pipeline_mode = #tpu.pipeline_mode<synchronous>, transform_indices = @transform_6, window_bounds = array<i64: 1, 128>}, {pipeline_mode = #tpu.pipeline_mode<synchronous>, transform_indices = @transform_7, window_bounds = array<i64: 128, 10>}, {pipeline_mode = #tpu.pipeline_mode<synchronous>, transform_indices = @transform_8, window_bounds = array<i64: 1, 10>}, {transform_indices = @transform_9, window_bounds = array<i64: 2000, 1>}, {pipeline_mode = #tpu.pipeline_mode<synchronous>, transform_indices = @transform_10, window_bounds = array<i64: 64, 10>}]} {
    %get3A = arith.constant 0 : index
    %get3A_0 = arith.constant 0 : index
    %get3A_1 = arith.constant 0 : index
    %get3A_2 = vector.load %arg1[%get3A, %get3A_0, %get3A_1] : memref<2x2000x128xf32, #tpu.memory_space<vmem>>, vector<1x2000x128xf32>
    %get3A_3 = vector.shape_cast %get3A_2 : vector<1x2000x128xf32> to vector<2000x128xf32>
    %get3A_4 = arith.constant 1 : index
    %get3A_5 = arith.constant 0 : index
    %get3A_6 = arith.constant 0 : index
    %get3A_7 = vector.load %arg1[%get3A_4, %get3A_5, %get3A_6] : memref<2x2000x128xf32, #tpu.memory_space<vmem>>, vector<1x2000x128xf32>
    %get3A_8 = vector.shape_cast %get3A_7 : vector<1x2000x128xf32> to vector<2000x128xf32>
    %add3A = arith.addf %get3A_3, %get3A_8 : vector<2000x128xf32>
    %get3A_9 = arith.constant 0 : index
    %get3A_10 = arith.constant 0 : index
    %get3A_11 = vector.load %arg3[%get3A_9, %get3A_10] : memref<128x128xf32, #tpu.memory_space<vmem>>, vector<128x128xf32>
    %dot_general3A = arith.constant dense<0.000000e+00> : vector<2000x128xf32>
    %dot_general3A_12 = tpu.matmul %add3A, %get3A_11, %dot_general3A {dimension_numbers = #tpu.dot_dimension_numbers<[1], [0], [0], [1], [0, 0, 1, 1], [], []>, transpose_lhs_hint = false} : vector<2000x128xf32>, vector<128x128xf32>, vector<2000x128xf32> -> vector<2000x128xf32>
    %get3A_13 = arith.constant 0 : index
    %get3A_14 = arith.constant 0 : index
    %get3A_15 = vector.load %arg2[%get3A_13, %get3A_14] : memref<2000x128xf32, #tpu.memory_space<vmem>>, vector<2000x128xf32>
    %get3A_16 = arith.constant 0 : index
    %get3A_17 = arith.constant 0 : index
    %get3A_18 = vector.load %arg5[%get3A_16, %get3A_17] : memref<128x128xf32, #tpu.memory_space<vmem>>, vector<128x128xf32>
    %dot_general3A_19 = arith.constant dense<0.000000e+00> : vector<2000x128xf32>
    %dot_general3A_20 = tpu.matmul %get3A_15, %get3A_18, %dot_general3A_19 {dimension_numbers = #tpu.dot_dimension_numbers<[1], [0], [0], [1], [0, 0, 1, 1], [], []>, transpose_lhs_hint = false} : vector<2000x128xf32>, vector<128x128xf32>, vector<2000x128xf32> -> vector<2000x128xf32>
    %add3A_21 = arith.addf %dot_general3A_12, %dot_general3A_20 : vector<2000x128xf32>
    %get3A_22 = arith.constant 0 : index
    %get3A_23 = arith.constant 0 : index
    %get3A_24 = vector.load %arg4[%get3A_22, %get3A_23] : memref<1x128xf32, #tpu.memory_space<vmem>>, vector<1x128xf32>
    %add3A_25 = vector.broadcast %get3A_24 : vector<1x128xf32> to vector<2000x128xf32>
    %add3A_26 = arith.addf %add3A_21, %add3A_25 : vector<2000x128xf32>
    %max3A = arith.constant 0.000000e+00 : f32
    %max3A_27 = vector.broadcast %max3A : f32 to vector<2000x128xf32>
    %max3A_28 = arith.maximumf %add3A_26, %max3A_27 : vector<2000x128xf32>
    %get3A_29 = arith.constant 0 : index
    %get3A_30 = arith.constant 0 : index
    %get3A_31 = vector.load %arg6[%get3A_29, %get3A_30] : memref<128x128xf32, #tpu.memory_space<vmem>>, vector<128x128xf32>
    %dot_general3A_32 = arith.constant dense<0.000000e+00> : vector<2000x128xf32>
    %dot_general3A_33 = tpu.matmul %max3A_28, %get3A_31, %dot_general3A_32 {dimension_numbers = #tpu.dot_dimension_numbers<[1], [0], [0], [1], [0, 0, 1, 1], [], []>, transpose_lhs_hint = false} : vector<2000x128xf32>, vector<128x128xf32>, vector<2000x128xf32> -> vector<2000x128xf32>
    %get3A_34 = arith.constant 0 : index
    %get3A_35 = arith.constant 0 : index
    %get3A_36 = vector.load %arg7[%get3A_34, %get3A_35] : memref<1x128xf32, #tpu.memory_space<vmem>>, vector<1x128xf32>
    %add3A_37 = vector.broadcast %get3A_36 : vector<1x128xf32> to vector<2000x128xf32>
    %add3A_38 = arith.addf %dot_general3A_33, %add3A_37 : vector<2000x128xf32>
    %max3A_39 = arith.constant 0.000000e+00 : f32
    %max3A_40 = vector.broadcast %max3A_39 : f32 to vector<2000x128xf32>
    %max3A_41 = arith.maximumf %add3A_38, %max3A_40 : vector<2000x128xf32>
    %get3A_42 = arith.constant 0 : index
    %get3A_43 = arith.constant 0 : index
    %get3A_44 = vector.load %arg8[%get3A_42, %get3A_43] : memref<128x10xf32, #tpu.memory_space<vmem>>, vector<128x10xf32>
    %dot_general3A_45 = arith.constant dense<0.000000e+00> : vector<2000x10xf32>
    %dot_general3A_46 = tpu.matmul %max3A_41, %get3A_44, %dot_general3A_45 {dimension_numbers = #tpu.dot_dimension_numbers<[1], [0], [0], [1], [0, 0, 1, 1], [], []>, transpose_lhs_hint = false} : vector<2000x128xf32>, vector<128x10xf32>, vector<2000x10xf32> -> vector<2000x10xf32>
    %get3A_47 = arith.constant 0 : index
    %get3A_48 = arith.constant 0 : index
    %get3A_49 = vector.load %arg9[%get3A_47, %get3A_48] : memref<1x10xf32, #tpu.memory_space<vmem>>, vector<1x10xf32>
    %add3A_50 = vector.broadcast %get3A_49 : vector<1x10xf32> to vector<2000x10xf32>
    %add3A_51 = arith.addf %dot_general3A_46, %add3A_50 : vector<2000x10xf32>
    %iota3A = tpu.iota {dimensions = array<i32: 1>} : vector<2000x64xi32>
    %get3A_52 = arith.constant 0 : index
    %get3A_53 = arith.constant 0 : index
    %get3A_54 = vector.load %arg10[%get3A_52, %get3A_53] : memref<2000x1xi32, #tpu.memory_space<vmem>>, vector<2000x1xi32>
    %eq3A = vector.broadcast %get3A_54 : vector<2000x1xi32> to vector<2000x64xi32>
    %eq3A_55 = arith.cmpi eq, %eq3A, %iota3A : vector<2000x64xi32>
    %convert_element_type3A = arith.extui %eq3A_55 : vector<2000x64xi1> to vector<2000x64xi32>
    %convert_element_type3A_56 = arith.sitofp %convert_element_type3A : vector<2000x64xi32> to vector<2000x64xf32>
    %dot_general3A_57 = arith.constant dense<0.000000e+00> : vector<64x10xf32>
    %dot_general3A_58 = tpu.matmul %convert_element_type3A_56, %add3A_51, %dot_general3A_57 {dimension_numbers = #tpu.dot_dimension_numbers<[0], [0], [1], [1], [0, 1, 1, 1], [], []>, transpose_lhs_hint = false} : vector<2000x64xf32>, vector<2000x10xf32>, vector<64x10xf32> -> vector<64x10xf32>
    %eq3A_59 = arith.constant 0 : i32
    %eq3A_60 = arith.cmpi eq, %arg0, %eq3A_59 : i32
    %convert_element_type3A_61 = arith.extui %eq3A_60 : i1 to i32
    %cond3A = arith.constant 0 : i32
    %cond3A_62 = arith.cmpi ne, %convert_element_type3A_61, %cond3A : i32
    scf.if %cond3A_62 {
      %broadcast_in_dim3A = arith.constant 0.000000e+00 : f32
      %broadcast_in_dim3A_69 = vector.broadcast %broadcast_in_dim3A : f32 to vector<64x10xf32>
      %swap3A_70 = arith.constant 0 : index
      %swap3A_71 = arith.constant 0 : index
      %swap3A_72 = vector.load %arg11[%swap3A_70, %swap3A_71] : memref<64x10xf32, #tpu.memory_space<vmem>>, vector<64x10xf32>
      tpu.vector_store %arg11[%swap3A_70, %swap3A_71], %broadcast_in_dim3A_69 {strides = array<i32>} : memref<64x10xf32, #tpu.memory_space<vmem>>, vector<64x10xf32>,
    } else {
    }
    %get3A_63 = arith.constant 0 : index
    %get3A_64 = arith.constant 0 : index
    %get3A_65 = vector.load %arg11[%get3A_63, %get3A_64] : memref<64x10xf32, #tpu.memory_space<vmem>>, vector<64x10xf32>
    %add3A_66 = arith.addf %get3A_65, %dot_general3A_58 : vector<64x10xf32>
    %swap3A = arith.constant 0 : index
    %swap3A_67 = arith.constant 0 : index
    %swap3A_68 = vector.load %arg11[%swap3A, %swap3A_67] : memref<64x10xf32, #tpu.memory_space<vmem>>, vector<64x10xf32>
    tpu.vector_store %arg11[%swap3A, %swap3A_67], %add3A_66 {strides = array<i32>} : memref<64x10xf32, #tpu.memory_space<vmem>>, vector<64x10xf32>,
    return
  }
  func.func @transform_0(%arg0: i32) -> (i32, i32, i32) {
    %c0_i32 = arith.constant 0 : i32
    %c0_i32_0 = arith.constant 0 : i32
    %c0_i32_1 = arith.constant 0 : i32
    return %c0_i32, %arg0, %c0_i32_0 : i32, i32, i32
  }
  func.func @transform_1(%arg0: i32) -> (i32, i32) {
    %c0_i32 = arith.constant 0 : i32
    %c0_i32_0 = arith.constant 0 : i32
    return %arg0, %c0_i32 : i32, i32
  }
  func.func @transform_2(%arg0: i32) -> (i32, i32) {
    %c0_i32 = arith.constant 0 : i32
    %c0_i32_0 = arith.constant 0 : i32
    %c0_i32_1 = arith.constant 0 : i32
    return %c0_i32, %c0_i32_0 : i32, i32
  }
  func.func @transform_3(%arg0: i32) -> (i32, i32) {
    %c0_i32 = arith.constant 0 : i32
    %c0_i32_0 = arith.constant 0 : i32
    %c0_i32_1 = arith.constant 0 : i32
    return %c0_i32, %c0_i32_0 : i32, i32
  }
  func.func @transform_4(%arg0: i32) -> (i32, i32) {
    %c0_i32 = arith.constant 0 : i32
    %c0_i32_0 = arith.constant 0 : i32
    %c0_i32_1 = arith.constant 0 : i32
    return %c0_i32, %c0_i32_0 : i32, i32
  }
  func.func @transform_5(%arg0: i32) -> (i32, i32) {
    %c0_i32 = arith.constant 0 : i32
    %c0_i32_0 = arith.constant 0 : i32
    %c0_i32_1 = arith.constant 0 : i32
    return %c0_i32, %c0_i32_0 : i32, i32
  }
  func.func @transform_6(%arg0: i32) -> (i32, i32) {
    %c0_i32 = arith.constant 0 : i32
    %c0_i32_0 = arith.constant 0 : i32
    %c0_i32_1 = arith.constant 0 : i32
    return %c0_i32, %c0_i32_0 : i32, i32
  }
  func.func @transform_7(%arg0: i32) -> (i32, i32) {
    %c0_i32 = arith.constant 0 : i32
    %c0_i32_0 = arith.constant 0 : i32
    %c0_i32_1 = arith.constant 0 : i32
    return %c0_i32, %c0_i32_0 : i32, i32
  }
  func.func @transform_8(%arg0: i32) -> (i32, i32) {
    %c0_i32 = arith.constant 0 : i32
    %c0_i32_0 = arith.constant 0 : i32
    %c0_i32_1 = arith.constant 0 : i32
    return %c0_i32, %c0_i32_0 : i32, i32
  }
  func.func @transform_9(%arg0: i32) -> (i32, i32) {
    %c0_i32 = arith.constant 0 : i32
    %c0_i32_0 = arith.constant 0 : i32
    return %arg0, %c0_i32 : i32, i32
  }
  func.func @transform_10(%arg0: i32) -> (i32, i32) {
    %c0_i32 = arith.constant 0 : i32
    %c0_i32_0 = arith.constant 0 : i32
    %c0_i32_1 = arith.constant 0 : i32
    return %c0_i32, %c0_i32_0 : i32, i32
  }
}

</mosaic_0001>

<sc_bundles>
// kernel: kernel.11.cloned.1.call-start
scs
__scs_entry_jumppad:
0x0: {  	(pc) =	sbr.rel $0x88, $3  }
0x1: {  	(tag) =	ssettag $0x0;
	lr =	simm.s32 $0x1  }
0x2: {  	[smem:$0x3F91] =	sst lr;
	_ =	strace $0xD0000000  }
0x3: {  	_ = 	snop  }
0x4: {  	_ = 	snop  }
0x5: {  	_ = 	snop  }
0x6: {  	_ = 	snop  }
0x7: {  	_ = 	snop  }
__scs_overlays_trampoline_lowered:
0x8: {  	[smem:$0x3FA0] =	sst s0  }
0x9: {  	[smem:$0x3FA1] =	sst s1  }
0xa: {  	[smem:$0x3FA2] =	sst s2  }
0xb: {  	[smem:$0x3FA3] =	sst s3  }
0xc: {  	[smem:$0x3FA4] =	sst s4  }
0xd: {  	[smem:$0x3FA5] =	sst s5  }
0xe: {  	[smem:$0x3FA6] =	sst s6  }
0xf: {  	[smem:$0x3FA7] =	sst s7  }
0x10: {  	[smem:$0x3FA8] =	sst s8  }
0x11: {  	[smem:$0x3FA9] =	sst s9;
	s0 =	simm.s32 @!p0 $0x0  }
0x12: {  	s1 =	sld [smem:$0x3F8F];
	s0 =	simm.s32 @p0 $0x1  }
0x13: {  	[smem:$0x3FAA] =	sst s0;
	s0 =	simm.s32 @!p1 $0x0  }
0x14: {  	s2 =	sld [smem:$0x3F8E];
	s0 =	simm.s32 @p1 $0x1  }
0x15: {  	[smem:$0x3FAB] =	sst s0;
	s0 =	simm.s32 @!p2 $0x0  }
0x16: {  	s3 =	sld [smem:$0x3FDB];
	s0 =	simm.s32 @p2 $0x1  }
0x17: {  	s4 =	simm.s32 $0x1BF5;
	[smem:$0x3FAD] =	sst s0  }
0x18: {  	s0 =	sld [smem:$0x3F90];
	_ =	swait.ge [sflag:s4], $0x0  }
0x19: {  	s7 =	sld [smem:$0x3F91]  }
0x1a: {  	s8 =	sadd.s32 $0xFFFFE003, lr  }
0x1b: {  	s9 =	sadd.s32 $0xFFFFFEF7, lr;
	s5 =	simm.s32 $0xFFFFFFFF;
	p2 =	slt.u32 s8, $0xFFFFF086  }
0x1c: {  	p1 =	slt.u32 s9, $0xF7A;
	s5 =	simm.s32 @!p2 $0x0  }
0x1d: {  	s5 =	simm.s32 @p1 $0x1;
	p0 =	seq.s32 s7, s2  }
0x1e: {  	s7 =	smul.u32 @!p0 $0xF7A, s2;
	p2 =	seq.s32 @!p0 s5, $0x0  }
0x1f: {  	s9 =	smul.u32 $0xF7A, s1;
	s8 =	simm.s32 @!p0 $0x1BF5;
	p2 =	por !p2, p0  }
0x20: {  	[sflag:s8] =	ssyncset.s32 @!p0 $0xFFFFF086;
	s6 =	sadd.s32 @!p0 s3, s7;
	s7 =	simm.s32 @!p0 $0x108  }
0x21: {  	s3 =	sadd.s32 s3, s9;
	s6 =	sadd.s32 @!p0 $0x88, s6;
	s7 =	simm.s32 @p2 $0x1082  }
0x22: {  	[simem:s7], [sflag:s8] =	dma.local @!p0 [hbm:s6], $0xF7A  }
0x23: {  	s9 =	sor.u32 $0xD0000000, s2;
	s6 =	simm.s32 $0x108;
	_ =	swait.ge @!p0 [sflag:s8], $0x0  }
0x24: {  	s3 =	sadd.s32 $0x88, s3;
	s6 =	simm.s32 @!p1 $0x1082;
	[sflag:s4] =	ssyncset.s32 $0xFFFFF086  }
0x25: {  	[simem:s6], [sflag:s4] =	dma.local [hbm:s3], $0xF7A  }
0x26: {  	[smem:$0x3F91] =	sst s1;
	(tag) =	ssettag s2;
	_ =	strace s9  }
0x27: {  	s1 =	sld [smem:$0x3FA1]  }
0x28: {  	s2 =	sld [smem:$0x3FA2]  }
0x29: {  	s4 =	sld [smem:$0x3FA4]  }
0x2a: {  	p0 =	seq.s32 s5, $0x0;
	s5 =	sld [smem:$0x3FA5]  }
0x2b: {  	s6 =	sld [smem:$0x3FA6]  }
0x2c: {  	s7 =	sld [smem:$0x3FA7]  }
0x2d: {  	s3 =	simm.s32 $0x108;
	s8 =	sld [smem:$0x3FA8]  }
0x2e: {  	s3 =	simm.s32 @!p0 $0x1082;
	s9 =	sld [smem:$0x3FA9]  }
0x2f: {  	lr =	sadd.s32 s0, s3;
	s0 =	sld [smem:$0x3FA0]  }
0x30: {  	s3 =	sld [smem:$0x3FA3]  }
0x31: {  	[smem:$0x3FAC] =	sst s10  }
0x32: {  	s10 =	sld [smem:$0x3FAA];
	_ =	sdelay $0x3  }
0x33: {  	p0 =	seq.s32 s10, $0x1;
	s10 =	sld [smem:$0x3FAC];
	_ =	sdelay $0x3  }
0x34: {  	[smem:$0x3FAC] =	sst s10  }
0x35: {  	s10 =	sld [smem:$0x3FAB];
	_ =	sdelay $0x3  }
0x36: {  	p1 =	seq.s32 s10, $0x1;
	s10 =	sld [smem:$0x3FAC];
	_ =	sdelay $0x3  }
0x37: {  	[smem:$0x3FAC] =	sst s10  }
0x38: {  	s10 =	sld [smem:$0x3FAD]  }
0x39: {  	_ = 	snop;
	(pc) =	sbr.ind lr, $3  }
0x3a: {  	_ = 	snop  }
0x3b: {  	_ = 	snop  }
0x3c: {  	p2 =	seq.s32 s10, $0x1;
	s10 =	sld [smem:$0x3FAC]  }
0x3d: {  	_ =	shalt  }
0x3e: {  	_ =	shalt  }
0x3f: {  	_ =	shalt  }
0x40: {  	_ =	shalt  }
0x41: {  	_ =	shalt  }
0x42: {  	_ =	shalt  }
0x43: {  	_ =	shalt  }
0x44: {  	_ =	shalt  }
0x45: {  	_ =	shalt  }
0x46: {  	_ =	shalt  }
0x47: {  	_ =	shalt  }
0x48: {  	_ =	shalt  }
0x49: {  	_ =	shalt  }
0x4a: {  	_ =	shalt  }
0x4b: {  	_ =	shalt  }
0x4c: {  	_ =	shalt  }
0x4d: {  	_ =	shalt  }
0x4e: {  	_ =	shalt  }
0x4f: {  	_ =	shalt  }
0x50: {  	_ =	shalt  }
0x51: {  	_ =	shalt  }
0x52: {  	_ =	shalt  }
0x53: {  	_ =	shalt  }
0x54: {  	_ =	shalt  }
0x55: {  	_ =	shalt  }
0x56: {  	_ =	shalt  }
0x57: {  	_ =	shalt  }
0x58: {  	_ =	shalt  }
0x59: {  	_ =	shalt  }
0x5a: {  	_ =	shalt  }
0x5b: {  	_ =	shalt  }
0x5c: {  	_ =	shalt  }
0x5d: {  	_ =	shalt  }
0x5e: {  	_ =	shalt  }
0x5f: {  	_ =	shalt  }
0x60: {  	_ =	shalt  }
0x61: {  	_ =	shalt  }
0x62: {  	_ =	shalt  }
0x63: {  	_ =	shalt  }
0x64: {  	_ =	shalt  }
0x65: {  	_ =	shalt  }
0x66: {  	_ =	shalt  }
0x67: {  	_ =	shalt  }
0x68: {  	_ =	shalt  }
0x69: {  	_ =	shalt  }
0x6a: {  	_ =	shalt  }
0x6b: {  	_ =	shalt  }
0x6c: {  	_ =	shalt  }
0x6d: {  	_ =	shalt  }
0x6e: {  	_ =	shalt  }
0x6f: {  	_ =	shalt  }
0x70: {  	_ =	shalt  }
0x71: {  	_ =	shalt  }
0x72: {  	_ =	shalt  }
0x73: {  	_ =	shalt  }
0x74: {  	_ =	shalt  }
0x75: {  	_ =	shalt  }
0x76: {  	_ =	shalt  }
0x77: {  	_ =	shalt  }
0x78: {  	_ =	shalt  }
0x79: {  	_ =	shalt  }
0x7a: {  	_ =	shalt  }
0x7b: {  	_ =	shalt  }
0x7c: {  	_ =	shalt  }
0x7d: {  	_ =	shalt  }
0x7e: {  	_ =	shalt  }
0x7f: {  	_ =	shalt  }
0x80: {  	_ =	shalt  }
0x81: {  	_ =	shalt  }
0x82: {  	_ =	shalt  }
0x83: {  	_ =	shalt  }
0x84: {  	_ =	shalt  }
0x85: {  	_ =	shalt  }
0x86: {  	_ =	shalt  }
0x87: {  	_ =	shalt  }
.Lfunc_end0:
.L_simem_size_0:
called_computation.1_lowered:
.L_overlay_start_0:
0x88: {  	s2 =	sld [smem:$0x3FD9]  }
0x89: {  	s3 =	sld [smem:$0x3FFE];
	_ =	sdelay $0x1  }
0x8a: {  	s1 =	srdreg.scid  }
0x8b: {  	s0 =	sand.u32 $0x1, s1  }
0x8c: {  	s16 =	sshll.u32 s0, $0xA;
	s2 =	sadd.s32 s3, s2  }
0x8d: {  	s2 =	sadd.s32 s2, s16  }
0x8e: {  	[smem:$0x3FB8] =	sst s2  }
0x8f: {  	_ = 	snop  }
0x90: {  	(tm) =	ssettm $0x1  }
0x91: {  	s17 =	sld [smem:$0x3FFB];
	_ =	sdelay $0x3  }
0x92: {  	_ =	strace s17  }
0x93: {  	s2 =	sld [smem:$0x3FFC];
	_ =	sdelay $0x3  }
0x94: {  	_ =	strace s2  }
0x95: {  	s2 =	sld [smem:$0x3FFD];
	_ =	sdelay $0x3  }
0x96: {  	_ =	strace s2  }
0x97: {  	_ =	strace $0x8FFFFFFF  }
0x98: {  	s18 =	sld [smem:$0x3FDB];
	_ =	sdelay $0x1  }
0x99: {  	s19 =	simm.s32 $_scs_section_size  }
0x9a: {  	s4 =	simm.s32 $_size__tile_overlayer_lowered;
	s5 =	simm.s32 $_tile_overlayer_lowered  }
0x9b: {  	s22 =	simm.s32 $0x1BFF;
	s21 =	sshll.u32 s5, $0x1;
	s2 =	sadd.s32 s19, s18  }
0x9c: {  	s6 =	simm.s32 $0x0;
	s20 =	sshll.u32 s4, $0x1;
	s4 =	sadd.s32 s21, s2  }
0x9d: {  	[timem:s6], [sflag:s22] =	dma.local [hbm:s4], s20  }
0x9e: {  	_ =	swait.ge [sflag:s22], s20  }
0x9f: {  	s3 =	ssub.s32 $0x0, s20;
	[sflag:s22] =	ssyncset.done $0x0  }
0xa0: {  	[sflag:s22] =	ssyncadd.s32 s3;
	_ =	sdelay $0x1  }
0xa1: {  	s23 =	simm.s32 $0x1B8B  }
0xa2: {  	_ =	swait.ge [sflag:s23], $0x1  }
0xa3: {  	[sflag:s23] =	ssyncset.done $0x0  }
0xa4: {  	s25 =	simm.s32 $0x1B8E;
	s24 =	sld [smem:$0x3FFE];
	[sflag:s23] =	ssyncadd.s32 $0xFFFFFFFF  }
0xa5: {  	s26 =	simm.s32 $execute0_lowered;
	[smem:$0x3FD2] =	sst s25  }
0xa6: {  	s4 =	sshll.u32 s26, $0x1;
	_ =	strace $0x80000049;
	[dreg:$0x1] =	wrdreg $0xFFFFFFFF  }
0xa7: {  	s28 =	simm.s32 $_size_execute0_lowered;
	s2 =	sadd.s32 s2, s4;
	[dreg:$0x0] =	wrdreg $0x0  }
0xa8: {  	s4 =	sshll.u32 s28, $0x1;
	[dreg:$0x2] =	wrdreg s2  }
0xa9: {  	[dreg:$0x3] =	wrdreg s4  }
0xaa: {  	[dreg:$0x4] =	wrdreg $0xC0  }
0xab: {  	_ =	task [dreg:s6], $0x5FFFF  }
0xac: {  	[dreg:$0x1] =	wrdreg $0xFFFFFFFF  }
0xad: {  	[dreg:$0x0] =	wrdreg $0x60  }
0xae: {  	[dreg:$0x2] =	wrdreg s24  }
0xaf: {  	[dreg:$0x3] =	wrdreg $0xBB000  }
0xb0: {  	[dreg:$0x4] =	wrdreg $0x9  }
0xb1: {  	_ =	task.clear_ibuf [dreg:s6], $0x5FFFF;
	_ =	strace $0x90000049  }
0xb2: {  	s29 =	simm.s32 $0x9;
	_ =	strace $0x8000004B  }
0xb3: {  	_ =	swait.ge [sflag:s29], $0x1  }
0xb4: {  	[sflag:s29] =	ssyncadd.s32 $0xFFFFFFFF  }
0xb5: {  	_ =	strace $0x9000004B  }
0xb6: {  	_ =	sfence  }
0xb7: {  	s30 =	sld [smem:$0x0];
	_ =	sdelay $0x2  }
0xb8: {  	s31 =	sshll.u32 s1, $0xD;
	s1 =	sshrl.u32 s1, $0x2  }
0xb9: {  	s3 =	sand.u32 $0x4000, s31;
	s1 =	sadd.s32 s1, s30  }
0xba: {  	s0 =	sor.u32 s3, s0;
	s1 =	sshll.u32 s1, $0x11  }
0xbb: {  	s0 =	sor.u32 s1, s0  }
0xbc: {  	s0 =	sadd.s32 $0x8F2B, s0  }
0xbd: {  	[sflag:s0] =	ssyncadd.remote.s32 $0x1  }
0xbe: {  	_ =	sfence.sel $0xFFFF  }
0xbf: {  	[dreg:$0x0] =	wrdreg $0xFFFFFFFF;
	(pc) =	sbr.abs _section_cstart, $3  }
0xc0: {  	[dreg:$0x1] =	wrdreg $0xFFFFFFFF  }
0xc1: {  	_ =	task.clear_ibuf [dreg:s6], $0x2FFFF;
	_ =	strace $0x9FFFFFFF  }
0xc2: {  	(tm) =	ssettm $0x7FFFFFFF  }
0xc3: {  	_ =	shalt  }
tec
execute0_lowered:
.L_overlay_start_1:
0x0: {  	(tag) =	ssettag $0x1  }
0x1: {  	s0 =	rddreg [dreg:$0x0]  }
0x2: {  	s2 =	rddreg [dreg:$0x1]  }
0x3: {  	s1 =	srdreg.scid;
	s12 =	stileid.u32;
	s3 =	simm.s32 $0x0  }
0x4: {  	s29 =	simm.s32 $0x6B00;
	s28 =	simm.s32 $0x6;
	s31 =	simm.s32 $0x9300  }
0x5: {  	s13 =	simm.s32 $0xC;
	s14 =	simm.s32 $0x3;
	s15 =	simm.s32 $0x9  }
0x6: {  	s30 =	simm.s32 $0x4280;
	s1 =	sand.u32 $0x1, s1;
	s5 =	sshll.u32 s12, $0xE  }
0x7: {  	[smem:$0x7FF] =	sst s3;
	s7 =	smul.u32 $0x14000, s12;
	s6 =	sadd.s32 $0x3800, s0  }
0x8: {  	s20 =	smul.u32 $0x50000, s12;
	s12 =	simm.s32 $0x8;
	s4 =	sshll.u32 s1, $0x12  }
0x9: {  	_ =	strace $0x8000004A;
	s9 =	smul.u32 $0x140000, s1;
	s1 =	ssub.s32 $0x2, s1  }
0xa: {  	s4 =	sor.u32 s5, s4;
	s5 =	sadd.s32 $0x4B800, s0;
	s11 =	sshrl.u32 s7, $0x3  }
0xb: {  	s17 =	sshrl.u32 s1, $0x1;
	s8 =	sshrl.u32 s4, $0x3;
	s7 =	sadd.s32 s7, s9  }
0xc: {  	s16 =	sadd.s32 s11, s0;
	s1 =	ssub.s32 s1, s17;
	s24 =	sor.u32 $0x400, s4  }
0xd: {  	s17 =	simm.s32 $0x4000;
	s9 =	simm.s32 $0x4;
	s11 =	simm.s32 $0x2  }
0xe: {  	s10 =	sadd.s32 s8, s0;
	s8 =	sadd.s32 s6, s8;
	[dreg:$0x3] =	wrdreg s24  }
0xf: {  	s7 =	sshrl.u32 s7, $0x3;
	s25 =	sadd.s32 $0x23800, s16;
	[dreg:$0x4] =	wrdreg s8  }
0x10: {  	s26 =	smax.u32 s1, $0x1;
	s24 =	simm.s32 $0x5;
	[dreg:$0xc] =	wrdreg s25  }
0x11: {  	s1 =	simm.s32 $0xE;
	s18 =	sadd.s32 $0x10, s8;
	[dreg:$0xe] =	wrdreg s26  }
0x12: {  	s16 =	simm.s32 $0xD;
	s19 =	sadd.s32 $0x20, s8;
	[dreg:$0x5] =	wrdreg s18  }
0x13: {  	s0 =	sadd.s32 s7, s0;
	s21 =	sadd.s32 $0x30, s8;
	[dreg:$0x6] =	wrdreg s19  }
0x14: {  	s22 =	sadd.s32 $0x40, s8;
	s8 =	sadd.s32 $0x50, s8;
	[dreg:$0x7] =	wrdreg s21  }
0x15: {  	s23 =	sadd.s32 $0x13800, s10;
	s7 =	sshrl.u32 s20, $0x2;
	[dreg:$0x8] =	wrdreg s22  }
0x16: {  	s25 =	simm.s32 $0x50;
	s26 =	simm.s32 $0x4300;
	[dreg:$0x9] =	wrdreg s8  }
0x17: {  	s10 =	simm.s32 $0xB;
	[dreg:$0xa] =	wrdreg s23;
	s7 =	sadd.s32 s7, s2  }
0x18: {  	s0 =	sadd.s32 $0x72A00, s0;
	s18 =	simm.s32 $0x4080;
	[dreg:$0xb] =	wrdreg s7  }
0x19: {  	s8 =	simm.s32 $0x1;
	[dreg:$0xd] =	wrdreg s0;
	s7 =	simm.s32 $0x0  }
.LBB2_1:
0x1a: {  	[dreg:$0xf] =	wrdreg s7  }
0x1b: {  	s0 =	rddreg [dreg:$0x4]  }
0x1c: {  	[tilespmem:s17], [sflag:$0x4] =	stream.linear.gather [hbm4b:s0+s3], $0x80, $0x38;
	[tilespmem:$0x1FB00] =	vst v63  }
0x1d: {  	s20 =	rddreg [dreg:$0x5]  }
0x1e: {  	[tilespmem:s18], [sflag:$0x5] =	stream.linear.gather [hbm4b:s20+s3], $0x80, $0x38;
	[tilespmem:$0x1FB00] =	vst v63  }
0x1f: {  	s21 =	rddreg [dreg:$0x6];
	s19 =	simm.s32 $0x4100  }
0x20: {  	[tilespmem:s19], [sflag:$0x6] =	stream.linear.gather [hbm4b:s21+s3], $0x80, $0x38;
	[tilespmem:$0x1FB00] =	vst v63  }
0x21: {  	s22 =	rddreg [dreg:$0x7];
	s20 =	simm.s32 $0x4180  }
0x22: {  	[tilespmem:s20], [sflag:$0x7] =	stream.linear.gather [hbm4b:s22+s3], $0x80, $0x38;
	[tilespmem:$0x1FB00] =	vst v63  }
0x23: {  	s23 =	rddreg [dreg:$0x8];
	s21 =	simm.s32 $0x4200  }
0x24: {  	[tilespmem:s21], [sflag:$0x8] =	stream.linear.gather [hbm4b:s23+s3], $0x80, $0x38;
	[tilespmem:$0x1FB00] =	vst v63  }
0x25: {  	s7 =	rddreg [dreg:$0x9];
	s22 =	simm.s32 $0x4280  }
0x26: {  	[tilespmem:s22], [sflag:$0x9] =	stream.linear.gather [hbm4b:s7+s3], $0x80, $0x38;
	[tilespmem:$0x1FB00] =	vst v63  }
0x27: {  	s23 =	rddreg [dreg:$0xa]  }
0x28: {  	[tilespmem:s3], [sflag:$0xA] =	stream.linear.gather [hbm4b:s23+s3], $0x3F00, $0x38;
	[tilespmem:$0x1FB00] =	vst v63  }
0x29: {  	_ =	swait.ge [sflag:s9], $0x80  }
0x2a: {  	[sflag:s9] =	ssyncset.done $0x0  }
0x2b: {  	[sflag:s9] =	ssyncadd.s32 $0xFFFFFF80  }
0x2c: {  	[tilespmem:s26], [sflag:$0x1] =	stream.indirect.gather [hbm4b:s5+s25], $0x80, s17, s25, $0xb8;
	[tilespmem:$0x1FB00] =	vst v63  }
0x2d: {  	s7 =	stileid.u32;
	_ =	swait.ge [sflag:s24], $0x80  }
0x2e: {  	s0 =	sshll.u32 s7, $0x6;
	[sflag:s24] =	ssyncset.done $0x0  }
0x2f: {  	s7 =	sor.u32 $0x1C0E, s0;
	[sflag:s24] =	ssyncadd.s32 $0xFFFFFF80  }
0x30: {  	[tilespmem:s29], [sflag:$0x2] =	stream.indirect.gather [hbm4b:s5+s25], $0x80, s18, s25, $0xb8;
	[tilespmem:$0x1FB00] =	vst v63  }
0x31: {  	_ =	swait.ge [sflag:s28], $0x80;
	[dreg:$0x10] =	wrdreg s7  }
0x32: {  	[sflag:s28] =	ssyncset.done $0x0;
	s23 =	rddreg [dreg:$0xb]  }
0x33: {  	s0 =	rddreg [dreg:$0xc];
	[sflag:s28] =	ssyncadd.s32 $0xFFFFFF80;
	s23 =	sshrl.u32 s23, $0x3  }
0x34: {  	[tilespmem:s31], [sflag:$0x3] =	stream.indirect.gather [hbm4b:s5+s25], $0x80, s19, s25, $0xb8;
	[tilespmem:$0x1FB00] =	vst v63  }
0x35: {  	[dreg:$0x11] =	wrdreg s23  }
0x36: {  	[spmem:s23], [sflag:s7] =	dma.local [hbm:s0], $0x2800  }
0x37: {  	_ =	swait.ge [sflag:s1], $0x2800  }
0x38: {  	[sflag:s1] =	ssyncset.done $0x0  }
0x39: {  	[sflag:s1] =	ssyncadd.s32 $0xFFFFD800;
	s1 =	simm.s32 $0xA  }
0x3a: {  	_ =	swait.ge [sflag:s1], $0x3F00  }
0x3b: {  	[sflag:s1] =	ssyncset.done $0x0  }
0x3c: {  	[sflag:s1] =	ssyncadd.s32 $0xFFFFC100  }
0x3d: {  	s7 =	simm.s32 $0x300;
	[bflag:$0x0] =	sbarrier.arrive $0xFFFF  }
0x3e: {  	s23 =	sand.u32 $0xFC00, s7;
	_ =	swait.ge [sflag:s8], $0x2800  }
0x3f: {  	s0 =	sand.u32 $0x300, s7;
	s7 =	sadd.s32 s4, s23;
	[sflag:s8] =	ssyncset.done $0x0  }
0x40: {  	s23 =	simm.s32 $0x7;
	s1 =	simm.s32 $0x0;
	[sflag:s8] =	ssyncadd.s32 $0xFFFFD800  }
0x41: {  	[spmem:s2] =	stream.indirect.scatter.add.f32 [tilespmem:s26], [sflag:$0xB], $0x80, s1, s25, $0xb8;
	[tilespmem:$0x1FB00] =	vst v63  }
0x42: {  	s0 =	sor.u32 s0, s7;
	_ =	swait.ge [sflag:s23], $0x80  }
0x43: {  	s0 =	sshrl.u32 s0, $0x3;
	[sflag:s23] =	ssyncset.done $0x0  }
0x44: {  	s0 =	sadd.s32 s6, s0;
	[sflag:s23] =	ssyncadd.s32 $0xFFFFFF80  }
0x45: {  	[tilespmem:s17], [sflag:$0x4] =	stream.linear.gather [hbm4b:s0+s3], $0x80, $0x38;
	[tilespmem:$0x1FB00] =	vst v63  }
0x46: {  	_ =	swait.ge [sflag:s10], $0x2800  }
0x47: {  	[sflag:s10] =	ssyncset.done $0x0  }
0x48: {  	[sflag:s10] =	ssyncadd.s32 $0xFFFFD800  }
0x49: {  	[tilespmem:s26], [sflag:$0x1] =	stream.indirect.gather [hbm4b:s5+s25], $0x80, s20, s25, $0xb8;
	[tilespmem:$0x1FB00] =	vst v63  }
0x4a: {  	s0 =	simm.s32 $0x380;
	_ =	swait.ge [sflag:s11], $0x2800  }
0x4b: {  	s1 =	simm.s32 $0x80;
	s23 =	sand.u32 $0xFC00, s0;
	[sflag:s11] =	ssyncset.done $0x0  }
0x4c: {  	s0 =	sand.u32 $0x380, s0;
	s7 =	sadd.s32 s4, s23;
	[sflag:s11] =	ssyncadd.s32 $0xFFFFD800  }
0x4d: {  	[spmem:s2] =	stream.indirect.scatter.add.f32 [tilespmem:s29], [sflag:$0xC], $0x80, s1, s25, $0xb8;
	[tilespmem:$0x1FB00] =	vst v63  }
0x4e: {  	s0 =	sor.u32 s0, s7;
	_ =	swait.ge [sflag:s12], $0x80  }
0x4f: {  	s0 =	sshrl.u32 s0, $0x3;
	[sflag:s12] =	ssyncset.done $0x0  }
0x50: {  	s0 =	sadd.s32 s6, s0;
	[sflag:s12] =	ssyncadd.s32 $0xFFFFFF80  }
0x51: {  	[tilespmem:s18], [sflag:$0x5] =	stream.linear.gather [hbm4b:s0+s3], $0x80, $0x38;
	[tilespmem:$0x1FB00] =	vst v63  }
0x52: {  	_ =	swait.ge [sflag:s13], $0x2800  }
0x53: {  	[sflag:s13] =	ssyncset.done $0x0  }
0x54: {  	[sflag:s13] =	ssyncadd.s32 $0xFFFFD800  }
0x55: {  	[tilespmem:s29], [sflag:$0x2] =	stream.indirect.gather [hbm4b:s5+s25], $0x80, s21, s25, $0xb8;
	[tilespmem:$0x1FB00] =	vst v63  }
0x56: {  	_ =	swait.ge [sflag:s14], $0x2800  }
0x57: {  	[sflag:s14] =	ssyncset.done $0x0  }
0x58: {  	s1 =	simm.s32 $0x100;
	[sflag:s14] =	ssyncadd.s32 $0xFFFFD800  }
0x59: {  	[spmem:s2] =	stream.indirect.scatter.add.f32 [tilespmem:s31], [sflag:$0xD], $0x80, s1, s25, $0xb8;
	[tilespmem:$0x1FB00] =	vst v63  }
0x5a: {  	s7 =	simm.s32 $0x0;
	_ =	swait.ge [sflag:s15], $0x80  }
0x5b: {  	s23 =	sand.u32 $0x7C00, s7;
	s0 =	rddreg [dreg:$0x3]  }
0x5c: {  	s1 =	sand.u32 $0x300, s7;
	s0 =	sadd.s32 s23, s0  }
0x5d: {  	s0 =	sor.u32 s1, s0  }
0x5e: {  	[sflag:s15] =	ssyncset.done $0x0;
	s0 =	sshrl.u32 s0, $0x3  }
0x5f: {  	[sflag:s15] =	ssyncadd.s32 $0xFFFFFF80;
	s0 =	sadd.s32 s6, s0  }
0x60: {  	[tilespmem:s19], [sflag:$0x6] =	stream.linear.gather [hbm4b:s0+s3], $0x80, $0x38;
	[tilespmem:$0x1FB00] =	vst v63  }
0x61: {  	_ =	swait.ge [sflag:s16], $0x2800  }
0x62: {  	[sflag:s16] =	ssyncset.done $0x0  }
0x63: {  	[sflag:s16] =	ssyncadd.s32 $0xFFFFD800  }
0x64: {  	[tilespmem:s31], [sflag:$0x3] =	stream.indirect.gather [hbm4b:s5+s25], $0x80, s22, s25, $0xb8;
	[tilespmem:$0x1FB00] =	vst v63  }
0x65: {  	s7 =	simm.s32 $0x480;
	_ =	swait.ge [sflag:s8], $0x2800  }
0x66: {  	s23 =	simm.s32 $0x180;
	s19 =	sand.u32 $0xFC00, s7;
	[sflag:s8] =	ssyncset.done $0x0  }
0x67: {  	s0 =	sand.u32 $0x380, s7;
	s1 =	sadd.s32 s4, s19;
	[sflag:s8] =	ssyncadd.s32 $0xFFFFD800  }
0x68: {  	[spmem:s2] =	stream.indirect.scatter.add.f32 [tilespmem:s26], [sflag:$0xB], $0x80, s23, s25, $0xb8;
	[tilespmem:$0x1FB00] =	vst v63  }
0x69: {  	s0 =	sor.u32 s0, s1;
	_ =	swait.ge [sflag:s9], $0x80  }
0x6a: {  	s0 =	sshrl.u32 s0, $0x3;
	[sflag:s9] =	ssyncset.done $0x0  }
0x6b: {  	s0 =	sadd.s32 s6, s0;
	[sflag:s9] =	ssyncadd.s32 $0xFFFFFF80  }
0x6c: {  	[tilespmem:s20], [sflag:$0x7] =	stream.linear.gather [hbm4b:s0+s3], $0x80, $0x38;
	[tilespmem:$0x1FB00] =	vst v63  }
0x6d: {  	_ =	swait.ge [sflag:s10], $0x2800  }
0x6e: {  	[sflag:s10] =	ssyncset.done $0x0  }
0x6f: {  	[sflag:s10] =	ssyncadd.s32 $0xFFFFD800  }
0x70: {  	[tilespmem:s26], [sflag:$0x1] =	stream.indirect.gather [hbm4b:s5+s25], $0x80, s17, s25, $0xb8;
	[tilespmem:$0x1FB00] =	vst v63  }
0x71: {  	s17 =	simm.s32 $0x500;
	_ =	swait.ge [sflag:s11], $0x2800  }
0x72: {  	s20 =	simm.s32 $0x200;
	s19 =	sand.u32 $0xFC00, s17;
	[sflag:s11] =	ssyncset.done $0x0  }
0x73: {  	s0 =	sand.u32 $0x300, s17;
	s1 =	sadd.s32 s4, s19;
	[sflag:s11] =	ssyncadd.s32 $0xFFFFD800  }
0x74: {  	[spmem:s2] =	stream.indirect.scatter.add.f32 [tilespmem:s29], [sflag:$0xC], $0x80, s20, s25, $0xb8;
	[tilespmem:$0x1FB00] =	vst v63  }
0x75: {  	s0 =	sor.u32 s0, s1;
	_ =	swait.ge [sflag:s24], $0x80  }
0x76: {  	s0 =	sshrl.u32 s0, $0x3;
	[sflag:s24] =	ssyncset.done $0x0  }
0x77: {  	s0 =	sadd.s32 s6, s0;
	[sflag:s24] =	ssyncadd.s32 $0xFFFFFF80  }
0x78: {  	[tilespmem:s21], [sflag:$0x8] =	stream.linear.gather [hbm4b:s0+s3], $0x80, $0x38;
	[tilespmem:$0x1FB00] =	vst v63  }
0x79: {  	_ =	swait.ge [sflag:s13], $0x2800  }
0x7a: {  	[sflag:s13] =	ssyncset.done $0x0  }
0x7b: {  	[sflag:s13] =	ssyncadd.s32 $0xFFFFD800  }
0x7c: {  	[tilespmem:s29], [sflag:$0x2] =	stream.indirect.gather [hbm4b:s5+s25], $0x80, s18, s25, $0xb8;
	[tilespmem:$0x1FB00] =	vst v63  }
0x7d: {  	s23 =	simm.s32 $0x580;
	_ =	swait.ge [sflag:s14], $0x2800  }
0x7e: {  	s1 =	sand.u32 $0x380, s23;
	s24 =	sand.u32 $0xFC00, s23;
	[sflag:s14] =	ssyncset.done $0x0  }
0x7f: {  	s0 =	simm.s32 $0x280;
	s7 =	sadd.s32 s4, s24;
	[sflag:s14] =	ssyncadd.s32 $0xFFFFD800  }
0x80: {  	[spmem:s2] =	stream.indirect.scatter.add.f32 [tilespmem:s31], [sflag:$0xD], $0x80, s0, s25, $0xb8;
	[tilespmem:$0x1FB00] =	vst v63  }
0x81: {  	s1 =	sor.u32 s1, s7;
	_ =	swait.ge [sflag:s28], $0x80  }
0x82: {  	s1 =	sshrl.u32 s1, $0x3;
	[sflag:s28] =	ssyncset.done $0x0  }
0x83: {  	s1 =	sadd.s32 s6, s1;
	[sflag:s28] =	ssyncadd.s32 $0xFFFFFF80  }
0x84: {  	[tilespmem:s22], [sflag:$0x9] =	stream.linear.gather [hbm4b:s1+s3], $0x80, $0x38;
	[tilespmem:$0x1FB00] =	vst v63  }
0x85: {  	s9 =	simm.s32 $0x4;
	s20 =	simm.s32 $0x4000;
	_ =	swait.ge [sflag:s16], $0x2800  }
0x86: {  	s21 =	simm.s32 $0x4080;
	s7 =	simm.s32 $0x880;
	[sflag:s16] =	ssyncset.done $0x0  }
.LBB2_2:
0x87: {  	[sflag:s16] =	ssyncadd.s32 $0xFFFFD800;
	s0 =	sadd.s32 $0x300, s0;
	s23 =	simm.s32 $0x4100  }
0x88: {  	[tilespmem:s31], [sflag:$0x3] =	stream.indirect.gather [hbm4b:s5+s25], $0x80, s23, s25, $0xb8;
	[tilespmem:$0x1FB00] =	vst v63  }
0x89: {  	s18 =	sadd.s32 $0xFFFFFD80, s7;
	s22 =	simm.s32 $0x7;
	_ =	swait.ge [sflag:s8], $0x2800  }
0x8a: {  	s17 =	sadd.s32 $0xFFFFFD80, s0;
	s19 =	sand.u32 $0xFC00, s18;
	[sflag:s8] =	ssyncset.done $0x0  }
0x8b: {  	s18 =	sand.u32 $0x300, s18;
	s19 =	sadd.s32 s4, s19;
	[sflag:s8] =	ssyncadd.s32 $0xFFFFD800  }
0x8c: {  	[spmem:s2] =	stream.indirect.scatter.add.f32 [tilespmem:s26], [sflag:$0xB], $0x80, s17, s25, $0xb8;
	[tilespmem:$0x1FB00] =	vst v63  }
0x8d: {  	s19 =	sor.u32 s18, s19;
	_ =	swait.ge [sflag:s22], $0x80  }
0x8e: {  	s17 =	sshrl.u32 s19, $0x3;
	[sflag:s22] =	ssyncset.done $0x0  }
0x8f: {  	s17 =	sadd.s32 s6, s17;
	[sflag:s22] =	ssyncadd.s32 $0xFFFFFF80  }
0x90: {  	[tilespmem:s20], [sflag:$0x4] =	stream.linear.gather [hbm4b:s17+s3], $0x80, $0x38;
	[tilespmem:$0x1FB00] =	vst v63  }
0x91: {  	_ =	swait.ge [sflag:s10], $0x2800  }
0x92: {  	[sflag:s10] =	ssyncset.done $0x0  }
0x93: {  	s1 =	smov.u32 s7;
	s24 =	simm.s32 $0x4180;
	[sflag:s10] =	ssyncadd.s32 $0xFFFFD800  }
0x94: {  	[tilespmem:s26], [sflag:$0x1] =	stream.indirect.gather [hbm4b:s5+s25], $0x80, s24, s25, $0xb8;
	[tilespmem:$0x1FB00] =	vst v63  }
0x95: {  	s17 =	sadd.s32 $0xFFFFFE00, s1;
	_ =	swait.ge [sflag:s11], $0x2800  }
0x96: {  	s18 =	sadd.s32 $0xFFFFFE00, s0;
	s22 =	sand.u32 $0xFC00, s17;
	[sflag:s11] =	ssyncset.done $0x0  }
0x97: {  	s17 =	sand.u32 $0x380, s17;
	s19 =	sadd.s32 s4, s22;
	[sflag:s11] =	ssyncadd.s32 $0xFFFFD800  }
0x98: {  	[spmem:s2] =	stream.indirect.scatter.add.f32 [tilespmem:s29], [sflag:$0xC], $0x80, s18, s25, $0xb8;
	[tilespmem:$0x1FB00] =	vst v63  }
0x99: {  	s17 =	sor.u32 s17, s19;
	_ =	swait.ge [sflag:s12], $0x80  }
0x9a: {  	s17 =	sshrl.u32 s17, $0x3;
	[sflag:s12] =	ssyncset.done $0x0  }
0x9b: {  	s17 =	sadd.s32 s6, s17;
	[sflag:s12] =	ssyncadd.s32 $0xFFFFFF80  }
0x9c: {  	[tilespmem:s21], [sflag:$0x5] =	stream.linear.gather [hbm4b:s17+s3], $0x80, $0x38;
	[tilespmem:$0x1FB00] =	vst v63  }
0x9d: {  	_ =	swait.ge [sflag:s13], $0x2800  }
0x9e: {  	[sflag:s13] =	ssyncset.done $0x0  }
0x9f: {  	s28 =	simm.s32 $0x4200;
	[sflag:s13] =	ssyncadd.s32 $0xFFFFD800  }
0xa0: {  	[tilespmem:s29], [sflag:$0x2] =	stream.indirect.gather [hbm4b:s5+s25], $0x80, s28, s25, $0xb8;
	[tilespmem:$0x1FB00] =	vst v63  }
0xa1: {  	_ =	swait.ge [sflag:s14], $0x2800  }
0xa2: {  	[sflag:s14] =	ssyncset.done $0x0  }
0xa3: {  	s22 =	sadd.s32 $0xFFFFFE80, s0;
	[sflag:s14] =	ssyncadd.s32 $0xFFFFD800  }
0xa4: {  	[spmem:s2] =	stream.indirect.scatter.add.f32 [tilespmem:s31], [sflag:$0xD], $0x80, s22, s25, $0xb8;
	[tilespmem:$0x1FB00] =	vst v63  }
0xa5: {  	s18 =	sadd.s32 $0xFFFFFA80, s1;
	_ =	swait.ge [sflag:s15], $0x80  }
0xa6: {  	s22 =	sand.u32 $0x7C00, s18;
	s19 =	rddreg [dreg:$0x3]  }
0xa7: {  	s17 =	sand.u32 $0x300, s18;
	s18 =	sadd.s32 s22, s19  }
0xa8: {  	s17 =	sor.u32 s17, s18  }
0xa9: {  	[sflag:s15] =	ssyncset.done $0x0;
	s17 =	sshrl.u32 s17, $0x3  }
0xaa: {  	[sflag:s15] =	ssyncadd.s32 $0xFFFFFF80;
	s17 =	sadd.s32 s6, s17  }
0xab: {  	[tilespmem:s23], [sflag:$0x6] =	stream.linear.gather [hbm4b:s17+s3], $0x80, $0x38;
	[tilespmem:$0x1FB00] =	vst v63  }
0xac: {  	_ =	swait.ge [sflag:s16], $0x2800  }
0xad: {  	[sflag:s16] =	ssyncset.done $0x0  }
0xae: {  	[sflag:s16] =	ssyncadd.s32 $0xFFFFD800  }
0xaf: {  	[tilespmem:s31], [sflag:$0x3] =	stream.indirect.gather [hbm4b:s5+s25], $0x80, s30, s25, $0xb8;
	[tilespmem:$0x1FB00] =	vst v63  }
0xb0: {  	s18 =	sadd.s32 $0xFFFFFF00, s1;
	_ =	swait.ge [sflag:s8], $0x2800  }
0xb1: {  	s19 =	sand.u32 $0xFC00, s18;
	s17 =	sand.u32 $0x380, s18;
	[sflag:s8] =	ssyncset.done $0x0  }
0xb2: {  	s23 =	sadd.s32 $0xFFFFFF00, s0;
	s18 =	sadd.s32 s4, s19;
	[sflag:s8] =	ssyncadd.s32 $0xFFFFD800  }
0xb3: {  	[spmem:s2] =	stream.indirect.scatter.add.f32 [tilespmem:s26], [sflag:$0xB], $0x80, s23, s25, $0xb8;
	[tilespmem:$0x1FB00] =	vst v63  }
0xb4: {  	s17 =	sor.u32 s17, s18;
	_ =	swait.ge [sflag:s9], $0x80  }
0xb5: {  	s17 =	sshrl.u32 s17, $0x3;
	[sflag:s9] =	ssyncset.done $0x0  }
0xb6: {  	s17 =	sadd.s32 s6, s17;
	[sflag:s9] =	ssyncadd.s32 $0xFFFFFF80  }
0xb7: {  	[tilespmem:s24], [sflag:$0x7] =	stream.linear.gather [hbm4b:s17+s3], $0x80, $0x38;
	[tilespmem:$0x1FB00] =	vst v63  }
0xb8: {  	_ =	swait.ge [sflag:s10], $0x2800  }
0xb9: {  	[sflag:s10] =	ssyncset.done $0x0  }
0xba: {  	s19 =	sadd.s32 $0xFFFFFF80, s1;
	[sflag:s10] =	ssyncadd.s32 $0xFFFFD800  }
0xbb: {  	[tilespmem:s26], [sflag:$0x1] =	stream.indirect.gather [hbm4b:s5+s25], $0x80, s20, s25, $0xb8;
	[tilespmem:$0x1FB00] =	vst v63  }
0xbc: {  	s18 =	sand.u32 $0xFC00, s19;
	_ =	swait.ge [sflag:s11], $0x2800  }
0xbd: {  	s18 =	sadd.s32 s4, s18;
	s24 =	simm.s32 $0x5;
	[sflag:s11] =	ssyncset.done $0x0  }
0xbe: {  	s17 =	sand.u32 $0x300, s19;
	s19 =	sadd.s32 $0xFFFFFF80, s0;
	[sflag:s11] =	ssyncadd.s32 $0xFFFFD800  }
0xbf: {  	[spmem:s2] =	stream.indirect.scatter.add.f32 [tilespmem:s29], [sflag:$0xC], $0x80, s19, s25, $0xb8;
	[tilespmem:$0x1FB00] =	vst v63  }
0xc0: {  	s17 =	sor.u32 s17, s18;
	_ =	swait.ge [sflag:s24], $0x80  }
0xc1: {  	s17 =	sshrl.u32 s17, $0x3;
	[sflag:s24] =	ssyncset.done $0x0  }
0xc2: {  	s17 =	sadd.s32 s6, s17;
	[sflag:s24] =	ssyncadd.s32 $0xFFFFFF80  }
0xc3: {  	[tilespmem:s28], [sflag:$0x8] =	stream.linear.gather [hbm4b:s17+s3], $0x80, $0x38;
	[tilespmem:$0x1FB00] =	vst v63  }
0xc4: {  	_ =	swait.ge [sflag:s13], $0x2800  }
0xc5: {  	[sflag:s13] =	ssyncset.done $0x0  }
0xc6: {  	[sflag:s13] =	ssyncadd.s32 $0xFFFFD800  }
0xc7: {  	[tilespmem:s29], [sflag:$0x2] =	stream.indirect.gather [hbm4b:s5+s25], $0x80, s21, s25, $0xb8;
	[tilespmem:$0x1FB00] =	vst v63  }
0xc8: {  	_ =	swait.ge [sflag:s14], $0x2800  }
0xc9: {  	s19 =	sand.u32 $0xFC00, s1;
	s1 =	sand.u32 $0x380, s1;
	[sflag:s14] =	ssyncset.done $0x0  }
0xca: {  	s28 =	simm.s32 $0x6;
	s17 =	sadd.s32 s4, s19;
	[sflag:s14] =	ssyncadd.s32 $0xFFFFD800  }
0xcb: {  	[spmem:s2] =	stream.indirect.scatter.add.f32 [tilespmem:s31], [sflag:$0xD], $0x80, s0, s25, $0xb8;
	[tilespmem:$0x1FB00] =	vst v63  }
0xcc: {  	p0 =	sne.s32 s7, $0x3E80;
	s1 =	sor.u32 s1, s17;
	_ =	swait.ge [sflag:s28], $0x80  }
.Ltmp0:
0xcd: {  	s1 =	sshrl.u32 s1, $0x3;
	[sflag:s28] =	ssyncset.done $0x0;
	(pc) =	sbr.rel @p0 .LBB2_2-.Ltmp0, $4  }
0xce: {  	s7 =	sadd.s32 $0x300, s7;
	s1 =	sadd.s32 s6, s1;
	[sflag:s28] =	ssyncadd.s32 $0xFFFFFF80  }
0xcf: {  	[tilespmem:s30], [sflag:$0x9] =	stream.linear.gather [hbm4b:s1+s3], $0x80, $0x38;
	[tilespmem:$0x1FB00] =	vst v63  }
0xd0: {  	s22 =	simm.s32 $0x4100;
	s23 =	simm.s32 $0x4180;
	_ =	swait.ge [sflag:s16], $0x2800  }
0xd1: {  	s18 =	simm.s32 $0x4200;
	s17 =	simm.s32 $0x4280;
	[sflag:s16] =	ssyncset.done $0x0  }
0xd2: {  	[sflag:s16] =	ssyncadd.s32 $0xFFFFD800  }
0xd3: {  	[tilespmem:s31], [sflag:$0x3] =	stream.indirect.gather [hbm4b:s5+s25], $0x80, s22, s25, $0xb8;
	[tilespmem:$0x1FB00] =	vst v63  }
0xd4: {  	_ =	swait.ge [sflag:s8], $0x2800  }
0xd5: {  	[sflag:s8] =	ssyncset.done $0x0  }
0xd6: {  	s0 =	simm.s32 $0x3C00;
	s1 =	simm.s32 $0x7;
	[sflag:s8] =	ssyncadd.s32 $0xFFFFD800  }
0xd7: {  	[spmem:s2] =	stream.indirect.scatter.add.f32 [tilespmem:s26], [sflag:$0xB], $0x80, s0, s25, $0xb8;
	[tilespmem:$0x1FB00] =	vst v63  }
0xd8: {  	_ =	swait.ge [sflag:s1], $0x80  }
0xd9: {  	[sflag:s1] =	ssyncset.done $0x0  }
0xda: {  	[sflag:s1] =	ssyncadd.s32 $0xFFFFFF80  }
0xdb: {  	_ =	swait.ge [sflag:s10], $0x2800  }
0xdc: {  	[sflag:s10] =	ssyncset.done $0x0  }
0xdd: {  	[sflag:s10] =	ssyncadd.s32 $0xFFFFD800  }
0xde: {  	[tilespmem:s26], [sflag:$0x1] =	stream.indirect.gather [hbm4b:s5+s25], $0x80, s23, s25, $0xb8;
	[tilespmem:$0x1FB00] =	vst v63  }
0xdf: {  	_ =	swait.ge [sflag:s11], $0x2800  }
0xe0: {  	[sflag:s11] =	ssyncset.done $0x0  }
0xe1: {  	s7 =	simm.s32 $0x3C80;
	[sflag:s11] =	ssyncadd.s32 $0xFFFFD800  }
0xe2: {  	[spmem:s2] =	stream.indirect.scatter.add.f32 [tilespmem:s29], [sflag:$0xC], $0x80, s7, s25, $0xb8;
	[tilespmem:$0x1FB00] =	vst v63  }
0xe3: {  	_ =	swait.ge [sflag:s12], $0x80  }
0xe4: {  	[sflag:s12] =	ssyncset.done $0x0  }
0xe5: {  	[sflag:s12] =	ssyncadd.s32 $0xFFFFFF80  }
0xe6: {  	_ =	swait.ge [sflag:s13], $0x2800  }
0xe7: {  	[sflag:s13] =	ssyncset.done $0x0  }
0xe8: {  	[sflag:s13] =	ssyncadd.s32 $0xFFFFD800  }
0xe9: {  	[tilespmem:s29], [sflag:$0x2] =	stream.indirect.gather [hbm4b:s5+s25], $0x80, s18, s25, $0xb8;
	[tilespmem:$0x1FB00] =	vst v63  }
0xea: {  	_ =	swait.ge [sflag:s14], $0x2800  }
0xeb: {  	[sflag:s14] =	ssyncset.done $0x0  }
0xec: {  	s9 =	simm.s32 $0x3D00;
	[sflag:s14] =	ssyncadd.s32 $0xFFFFD800  }
0xed: {  	[spmem:s2] =	stream.indirect.scatter.add.f32 [tilespmem:s31], [sflag:$0xD], $0x80, s9, s25, $0xb8;
	[tilespmem:$0x1FB00] =	vst v63  }
0xee: {  	_ =	swait.ge [sflag:s15], $0x80  }
0xef: {  	[sflag:s15] =	ssyncset.done $0x0  }
0xf0: {  	[sflag:s15] =	ssyncadd.s32 $0xFFFFFF80  }
0xf1: {  	_ =	swait.ge [sflag:s16], $0x2800  }
0xf2: {  	[sflag:s16] =	ssyncset.done $0x0  }
0xf3: {  	[sflag:s16] =	ssyncadd.s32 $0xFFFFD800  }
0xf4: {  	[tilespmem:s31], [sflag:$0x3] =	stream.indirect.gather [hbm4b:s5+s25], $0x80, s17, s25, $0xb8;
	[tilespmem:$0x1FB00] =	vst v63  }
0xf5: {  	_ =	swait.ge [sflag:s8], $0x2800  }
0xf6: {  	[sflag:s8] =	ssyncset.done $0x0  }
0xf7: {  	s18 =	simm.s32 $0x3D80;
	[sflag:s8] =	ssyncadd.s32 $0xFFFFD800  }
0xf8: {  	[spmem:s2] =	stream.indirect.scatter.add.f32 [tilespmem:s26], [sflag:$0xB], $0x80, s18, s25, $0xb8;
	[tilespmem:$0x1FB00] =	vst v63  }
0xf9: {  	_ =	swait.ge [sflag:s11], $0x2800  }
0xfa: {  	[sflag:s11] =	ssyncset.done $0x0  }
0xfb: {  	s19 =	simm.s32 $0x3E00;
	[sflag:s11] =	ssyncadd.s32 $0xFFFFD800  }
0xfc: {  	[spmem:s2] =	stream.indirect.scatter.add.f32 [tilespmem:s29], [sflag:$0xC], $0x80, s19, s25, $0xb8;
	[tilespmem:$0x1FB00] =	vst v63  }
0xfd: {  	_ =	swait.ge [sflag:s14], $0x2800  }
0xfe: {  	[sflag:s14] =	ssyncset.done $0x0  }
0xff: {  	s20 =	simm.s32 $0x3E80;
	[sflag:s14] =	ssyncadd.s32 $0xFFFFD800  }
0x100: {  	[spmem:s2] =	stream.indirect.scatter.add.f32 [tilespmem:s31], [sflag:$0xD], $0x80, s20, s25, $0xb8;
	[tilespmem:$0x1FB00] =	vst v63  }
0x101: {  	_ =	swait.ge [sflag:s10], $0x2800  }
0x102: {  	[sflag:s10] =	ssyncset.done $0x0  }
0x103: {  	[sflag:s10] =	ssyncadd.s32 $0xFFFFD800  }
0x104: {  	_ =	swait.ge [sflag:s13], $0x2800  }
0x105: {  	[sflag:s13] =	ssyncset.done $0x0  }
0x106: {  	[sflag:s13] =	ssyncadd.s32 $0xFFFFD800  }
0x107: {  	_ =	swait.ge [sflag:s16], $0x2800  }
0x108: {  	[sflag:s16] =	ssyncset.done $0x0  }
0x109: {  	[sflag:s16] =	ssyncadd.s32 $0xFFFFD800  }
0x10a: {  	[bflag:$0x0] =	sbarrier.arrive $0xFFFF  }
0x10b: {  	s21 =	rddreg [dreg:$0xd]  }
0x10c: {  	s1 =	rddreg [dreg:$0x10]  }
0x10d: {  	s7 =	rddreg [dreg:$0x11]  }
0x10e: {  	[hbm:s21], [sflag:s1] =	dma.local [spmem:s7], $0x2800  }
0x10f: {  	s1 =	simm.s32 $0xE  }
0x110: {  	_ =	swait.ge [sflag:s1], $0x2800  }
0x111: {  	s22 =	rddreg [dreg:$0xf]  }
0x112: {  	s23 =	rddreg [dreg:$0xe];
	s7 =	sadd.s32 $0x1, s22  }
0x113: {  	p0 =	sne.s32 s7, s23  }
.Ltmp1:
0x114: {  	_ = 	snop;
	(pc) =	sbr.rel @p0 .LBB2_1-.Ltmp1, $3  }
0x115: {  	_ =	sdelay $0x1  }
0x116: {  	s9 =	simm.s32 $0x4;
	[sflag:s1] =	ssyncset.done $0x0  }
0x117: {  	s17 =	simm.s32 $0x4000;
	s18 =	simm.s32 $0x4080;
	[sflag:s1] =	ssyncadd.s32 $0xFFFFD800  }
0x118: {  	_ =	sfence.sel $0x180000  }
0x119: {  	[bflag:$0x0] =	sbarrier.arrive $0xFFFF  }
0x11a: {  	_ =	strace $0x9000004A  }
0x11b: {  	s0 =	stileid.u32;
	[bflag:$0x2] =	sbarrier.arrive $0xFFFF  }
0x11c: {  	p0 =	sne.s32 s0, $0x0;
	s0 =	rddreg [dreg:$0x2]  }
0x11d: {  	s0 =	sadd.s32 @!p0 $0x100000, s0  }
0x11e: {  	[sflag:s0] =	ssyncadd.tile.s32 @!p0 $0x1;
	_ =	shalt  }
.Lfunc_end2:
_tile_overlayer_lowered:
.L_overlay_start_2:
0x11f: {  	(tag) =	ssettag $0x2  }
0x120: {  	s0 =	rddreg [dreg:$0x0];
	s2 =	stileid.u32  }
0x121: {  	s1 =	rddreg [dreg:$0x1];
	p0 =	sne.s32 s2, $0x0  }
0x122: {  	s3 =	rddreg [dreg:$0x2];
	[bflag:$0x3] =	sbarrier.arrive $0xFFFF;
	s2 =	simm.s32 @!p0 $0x1C0E  }
0x123: {  	[timem:s3], [sflag:s2] =	dma.local @!p0 [hbm:s0], s1  }
0x124: {  	s0 =	simm.s32 @!p0 $0xE  }
0x125: {  	_ =	swait.ge @!p0 [sflag:s0], s1  }
0x126: {  	s1 =	ssub.s32 @!p0 $0x0, s1;
	[sflag:s0] =	ssyncset.done @!p0 $0x0  }
0x127: {  	[sflag:s0] =	ssyncadd.s32 @!p0 s1  }
0x128: {  	[bflag:$0x3] =	sbarrier.arrive $0xFFFF  }
0x129: {  	_ =	shalt  }

// kernel: kernel.14.cloned.1.call-start
scs
__scs_entry_jumppad:
0x0: {  	(pc) =	sbr.rel $0x88, $3  }
0x1: {  	(tag) =	ssettag $0x0;
	lr =	simm.s32 $0x1  }
0x2: {  	[smem:$0x3F91] =	sst lr;
	_ =	strace $0xD0000000  }
0x3: {  	_ = 	snop  }
0x4: {  	_ = 	snop  }
0x5: {  	_ = 	snop  }
0x6: {  	_ = 	snop  }
0x7: {  	_ = 	snop  }
__scs_overlays_trampoline_lowered:
0x8: {  	[smem:$0x3FA0] =	sst s0  }
0x9: {  	[smem:$0x3FA1] =	sst s1  }
0xa: {  	[smem:$0x3FA2] =	sst s2  }
0xb: {  	[smem:$0x3FA3] =	sst s3  }
0xc: {  	[smem:$0x3FA4] =	sst s4  }
0xd: {  	[smem:$0x3FA5] =	sst s5  }
0xe: {  	[smem:$0x3FA6] =	sst s6  }
0xf: {  	[smem:$0x3FA7] =	sst s7  }
0x10: {  	[smem:$0x3FA8] =	sst s8  }
0x11: {  	[smem:$0x3FA9] =	sst s9;
	s0 =	simm.s32 @!p0 $0x0  }
0x12: {  	s1 =	sld [smem:$0x3F8F];
	s0 =	simm.s32 @p0 $0x1  }
0x13: {  	[smem:$0x3FAA] =	sst s0;
	s0 =	simm.s32 @!p1 $0x0  }
0x14: {  	s2 =	sld [smem:$0x3F8E];
	s0 =	simm.s32 @p1 $0x1  }
0x15: {  	[smem:$0x3FAB] =	sst s0;
	s0 =	simm.s32 @!p2 $0x0  }
0x16: {  	s3 =	sld [smem:$0x3FDB];
	s0 =	simm.s32 @p2 $0x1  }
0x17: {  	s4 =	simm.s32 $0x1BF5;
	[smem:$0x3FAD] =	sst s0  }
0x18: {  	s0 =	sld [smem:$0x3F90];
	_ =	swait.ge [sflag:s4], $0x0  }
0x19: {  	s7 =	sld [smem:$0x3F91]  }
0x1a: {  	s8 =	sadd.s32 $0xFFFFE003, lr  }
0x1b: {  	s9 =	sadd.s32 $0xFFFFFEF7, lr;
	s5 =	simm.s32 $0xFFFFFFFF;
	p2 =	slt.u32 s8, $0xFFFFF086  }
0x1c: {  	p1 =	slt.u32 s9, $0xF7A;
	s5 =	simm.s32 @!p2 $0x0  }
0x1d: {  	s5 =	simm.s32 @p1 $0x1;
	p0 =	seq.s32 s7, s2  }
0x1e: {  	s7 =	smul.u32 @!p0 $0xF7A, s2;
	p2 =	seq.s32 @!p0 s5, $0x0  }
0x1f: {  	s9 =	smul.u32 $0xF7A, s1;
	s8 =	simm.s32 @!p0 $0x1BF5;
	p2 =	por !p2, p0  }
0x20: {  	[sflag:s8] =	ssyncset.s32 @!p0 $0xFFFFF086;
	s6 =	sadd.s32 @!p0 s3, s7;
	s7 =	simm.s32 @!p0 $0x108  }
0x21: {  	s3 =	sadd.s32 s3, s9;
	s6 =	sadd.s32 @!p0 $0x88, s6;
	s7 =	simm.s32 @p2 $0x1082  }
0x22: {  	[simem:s7], [sflag:s8] =	dma.local @!p0 [hbm:s6], $0xF7A  }
0x23: {  	s9 =	sor.u32 $0xD0000000, s2;
	s6 =	simm.s32 $0x108;
	_ =	swait.ge @!p0 [sflag:s8], $0x0  }
0x24: {  	s3 =	sadd.s32 $0x88, s3;
	s6 =	simm.s32 @!p1 $0x1082;
	[sflag:s4] =	ssyncset.s32 $0xFFFFF086  }
0x25: {  	[simem:s6], [sflag:s4] =	dma.local [hbm:s3], $0xF7A  }
0x26: {  	[smem:$0x3F91] =	sst s1;
	(tag) =	ssettag s2;
	_ =	strace s9  }
0x27: {  	s1 =	sld [smem:$0x3FA1]  }
0x28: {  	s2 =	sld [smem:$0x3FA2]  }
0x29: {  	s4 =	sld [smem:$0x3FA4]  }
0x2a: {  	p0 =	seq.s32 s5, $0x0;
	s5 =	sld [smem:$0x3FA5]  }
0x2b: {  	s6 =	sld [smem:$0x3FA6]  }
0x2c: {  	s7 =	sld [smem:$0x3FA7]  }
0x2d: {  	s3 =	simm.s32 $0x108;
	s8 =	sld [smem:$0x3FA8]  }
0x2e: {  	s3 =	simm.s32 @!p0 $0x1082;
	s9 =	sld [smem:$0x3FA9]  }
0x2f: {  	lr =	sadd.s32 s0, s3;
	s0 =	sld [smem:$0x3FA0]  }
0x30: {  	s3 =	sld [smem:$0x3FA3]  }
0x31: {  	[smem:$0x3FAC] =	sst s10  }
0x32: {  	s10 =	sld [smem:$0x3FAA];
	_ =	sdelay $0x3  }
0x33: {  	p0 =	seq.s32 s10, $0x1;
	s10 =	sld [smem:$0x3FAC];
	_ =	sdelay $0x3  }
0x34: {  	[smem:$0x3FAC] =	sst s10  }
0x35: {  	s10 =	sld [smem:$0x3FAB];
	_ =	sdelay $0x3  }
0x36: {  	p1 =	seq.s32 s10, $0x1;
	s10 =	sld [smem:$0x3FAC];
	_ =	sdelay $0x3  }
0x37: {  	[smem:$0x3FAC] =	sst s10  }
0x38: {  	s10 =	sld [smem:$0x3FAD]  }
0x39: {  	_ = 	snop;
	(pc) =	sbr.ind lr, $3  }
0x3a: {  	_ = 	snop  }
0x3b: {  	_ = 	snop  }
0x3c: {  	p2 =	seq.s32 s10, $0x1;
	s10 =	sld [smem:$0x3FAC]  }
0x3d: {  	_ =	shalt  }
0x3e: {  	_ =	shalt  }
0x3f: {  	_ =	shalt  }
0x40: {  	_ =	shalt  }
0x41: {  	_ =	shalt  }
0x42: {  	_ =	shalt  }
0x43: {  	_ =	shalt  }
0x44: {  	_ =	shalt  }
0x45: {  	_ =	shalt  }
0x46: {  	_ =	shalt  }
0x47: {  	_ =	shalt  }
0x48: {  	_ =	shalt  }
0x49: {  	_ =	shalt  }
0x4a: {  	_ =	shalt  }
0x4b: {  	_ =	shalt  }
0x4c: {  	_ =	shalt  }
0x4d: {  	_ =	shalt  }
0x4e: {  	_ =	shalt  }
0x4f: {  	_ =	shalt  }
0x50: {  	_ =	shalt  }
0x51: {  	_ =	shalt  }
0x52: {  	_ =	shalt  }
0x53: {  	_ =	shalt  }
0x54: {  	_ =	shalt  }
0x55: {  	_ =	shalt  }
0x56: {  	_ =	shalt  }
0x57: {  	_ =	shalt  }
0x58: {  	_ =	shalt  }
0x59: {  	_ =	shalt  }
0x5a: {  	_ =	shalt  }
0x5b: {  	_ =	shalt  }
0x5c: {  	_ =	shalt  }
0x5d: {  	_ =	shalt  }
0x5e: {  	_ =	shalt  }
0x5f: {  	_ =	shalt  }
0x60: {  	_ =	shalt  }
0x61: {  	_ =	shalt  }
0x62: {  	_ =	shalt  }
0x63: {  	_ =	shalt  }
0x64: {  	_ =	shalt  }
0x65: {  	_ =	shalt  }
0x66: {  	_ =	shalt  }
0x67: {  	_ =	shalt  }
0x68: {  	_ =	shalt  }
0x69: {  	_ =	shalt  }
0x6a: {  	_ =	shalt  }
0x6b: {  	_ =	shalt  }
0x6c: {  	_ =	shalt  }
0x6d: {  	_ =	shalt  }
0x6e: {  	_ =	shalt  }
0x6f: {  	_ =	shalt  }
0x70: {  	_ =	shalt  }
0x71: {  	_ =	shalt  }
0x72: {  	_ =	shalt  }
0x73: {  	_ =	shalt  }
0x74: {  	_ =	shalt  }
0x75: {  	_ =	shalt  }
0x76: {  	_ =	shalt  }
0x77: {  	_ =	shalt  }
0x78: {  	_ =	shalt  }
0x79: {  	_ =	shalt  }
0x7a: {  	_ =	shalt  }
0x7b: {  	_ =	shalt  }
0x7c: {  	_ =	shalt  }
0x7d: {  	_ =	shalt  }
0x7e: {  	_ =	shalt  }
0x7f: {  	_ =	shalt  }
0x80: {  	_ =	shalt  }
0x81: {  	_ =	shalt  }
0x82: {  	_ =	shalt  }
0x83: {  	_ =	shalt  }
0x84: {  	_ =	shalt  }
0x85: {  	_ =	shalt  }
0x86: {  	_ =	shalt  }
0x87: {  	_ =	shalt  }
.Lfunc_end0:
.L_simem_size_0:
called_computation.2_lowered:
.L_overlay_start_0:
0x88: {  	s2 =	sld [smem:$0x3FD9]  }
0x89: {  	s3 =	sld [smem:$0x3FFE];
	_ =	sdelay $0x1  }
0x8a: {  	s1 =	srdreg.scid  }
0x8b: {  	s0 =	sand.u32 $0x1, s1  }
0x8c: {  	s16 =	sshll.u32 s0, $0xA;
	s2 =	sadd.s32 s3, s2  }
0x8d: {  	s2 =	sadd.s32 s2, s16  }
0x8e: {  	[smem:$0x3FB8] =	sst s2  }
0x8f: {  	_ = 	snop  }
0x90: {  	(tm) =	ssettm $0x1  }
0x91: {  	s17 =	sld [smem:$0x3FFB];
	_ =	sdelay $0x3  }
0x92: {  	_ =	strace s17  }
0x93: {  	s2 =	sld [smem:$0x3FFC];
	_ =	sdelay $0x3  }
0x94: {  	_ =	strace s2  }
0x95: {  	s2 =	sld [smem:$0x3FFD];
	_ =	sdelay $0x3  }
0x96: {  	_ =	strace s2  }
0x97: {  	_ =	strace $0x8FFFFFFF  }
0x98: {  	s18 =	sld [smem:$0x3FDB];
	_ =	sdelay $0x1  }
0x99: {  	s19 =	simm.s32 $_scs_section_size  }
0x9a: {  	s4 =	simm.s32 $_size__tile_overlayer_lowered;
	s5 =	simm.s32 $_tile_overlayer_lowered  }
0x9b: {  	s22 =	simm.s32 $0x1BFF;
	s21 =	sshll.u32 s5, $0x1;
	s2 =	sadd.s32 s19, s18  }
0x9c: {  	s6 =	simm.s32 $0x0;
	s20 =	sshll.u32 s4, $0x1;
	s4 =	sadd.s32 s21, s2  }
0x9d: {  	[timem:s6], [sflag:s22] =	dma.local [hbm:s4], s20  }
0x9e: {  	_ =	swait.ge [sflag:s22], s20  }
0x9f: {  	s3 =	ssub.s32 $0x0, s20;
	[sflag:s22] =	ssyncset.done $0x0  }
0xa0: {  	[sflag:s22] =	ssyncadd.s32 s3;
	_ =	sdelay $0x1  }
0xa1: {  	s23 =	simm.s32 $0x1B8B  }
0xa2: {  	_ =	swait.ge [sflag:s23], $0x1  }
0xa3: {  	[sflag:s23] =	ssyncset.done $0x0  }
0xa4: {  	s25 =	simm.s32 $0x1B8E;
	s24 =	sld [smem:$0x3FFE];
	[sflag:s23] =	ssyncadd.s32 $0xFFFFFFFF  }
0xa5: {  	s26 =	simm.s32 $execute0_lowered;
	[smem:$0x3FD2] =	sst s25  }
0xa6: {  	s4 =	sshll.u32 s26, $0x1;
	_ =	strace $0x8000004C;
	[dreg:$0x1] =	wrdreg $0xFFFFFFFF  }
0xa7: {  	s28 =	simm.s32 $_size_execute0_lowered;
	s2 =	sadd.s32 s2, s4;
	[dreg:$0x0] =	wrdreg $0x0  }
0xa8: {  	s4 =	sshll.u32 s28, $0x1;
	[dreg:$0x2] =	wrdreg s2  }
0xa9: {  	[dreg:$0x3] =	wrdreg s4  }
0xaa: {  	[dreg:$0x4] =	wrdreg $0xC0  }
0xab: {  	_ =	task [dreg:s6], $0x5FFFF  }
0xac: {  	[dreg:$0x1] =	wrdreg $0xFFFFFFFF  }
0xad: {  	[dreg:$0x0] =	wrdreg $0x60  }
0xae: {  	[dreg:$0x2] =	wrdreg s24  }
0xaf: {  	[dreg:$0x3] =	wrdreg $0xBB000  }
0xb0: {  	[dreg:$0x4] =	wrdreg $0x9  }
0xb1: {  	_ =	task.clear_ibuf [dreg:s6], $0x5FFFF;
	_ =	strace $0x9000004C  }
0xb2: {  	s29 =	simm.s32 $0x9;
	_ =	strace $0x8000004E  }
0xb3: {  	_ =	swait.ge [sflag:s29], $0x1  }
0xb4: {  	[sflag:s29] =	ssyncadd.s32 $0xFFFFFFFF  }
0xb5: {  	_ =	strace $0x9000004E  }
0xb6: {  	_ =	sfence  }
0xb7: {  	s30 =	sld [smem:$0x0];
	_ =	sdelay $0x2  }
0xb8: {  	s31 =	sshll.u32 s1, $0xD;
	s1 =	sshrl.u32 s1, $0x2  }
0xb9: {  	s3 =	sand.u32 $0x4000, s31;
	s1 =	sadd.s32 s1, s30  }
0xba: {  	s0 =	sor.u32 s3, s0;
	s1 =	sshll.u32 s1, $0x11  }
0xbb: {  	s0 =	sor.u32 s1, s0  }
0xbc: {  	s0 =	sadd.s32 $0x8F2B, s0  }
0xbd: {  	[sflag:s0] =	ssyncadd.remote.s32 $0x1  }
0xbe: {  	_ =	sfence.sel $0xFFFF  }
0xbf: {  	[dreg:$0x0] =	wrdreg $0xFFFFFFFF;
	(pc) =	sbr.abs _section_cstart, $3  }
0xc0: {  	[dreg:$0x1] =	wrdreg $0xFFFFFFFF  }
0xc1: {  	_ =	task.clear_ibuf [dreg:s6], $0x2FFFF;
	_ =	strace $0x9FFFFFFF  }
0xc2: {  	(tm) =	ssettm $0x7FFFFFFF  }
0xc3: {  	_ =	shalt  }
tec
execute0_lowered:
.L_overlay_start_1:
0x0: {  	(tag) =	ssettag $0x1  }
0x1: {  	s0 =	rddreg [dreg:$0x0]  }
0x2: {  	s2 =	rddreg [dreg:$0x1]  }
0x3: {  	s1 =	srdreg.scid;
	s12 =	stileid.u32;
	s3 =	simm.s32 $0x0  }
0x4: {  	s29 =	simm.s32 $0x6B00;
	s28 =	simm.s32 $0x6;
	s31 =	simm.s32 $0x9300  }
0x5: {  	s13 =	simm.s32 $0xC;
	s14 =	simm.s32 $0x3;
	s15 =	simm.s32 $0x9  }
0x6: {  	s30 =	simm.s32 $0x4280;
	s1 =	sand.u32 $0x1, s1;
	s5 =	sshll.u32 s12, $0xE  }
0x7: {  	[smem:$0x7FF] =	sst s3;
	s7 =	smul.u32 $0x14000, s12;
	s6 =	sadd.s32 $0x3800, s0  }
0x8: {  	s20 =	smul.u32 $0x50000, s12;
	s12 =	simm.s32 $0x8;
	s4 =	sshll.u32 s1, $0x12  }
0x9: {  	_ =	strace $0x8000004D;
	s9 =	smul.u32 $0x140000, s1;
	s1 =	ssub.s32 $0x2, s1  }
0xa: {  	s4 =	sor.u32 s5, s4;
	s5 =	sadd.s32 $0x4B800, s0;
	s11 =	sshrl.u32 s7, $0x3  }
0xb: {  	s17 =	sshrl.u32 s1, $0x1;
	s8 =	sshrl.u32 s4, $0x3;
	s7 =	sadd.s32 s7, s9  }
0xc: {  	s16 =	sadd.s32 s11, s0;
	s1 =	ssub.s32 s1, s17;
	s24 =	sor.u32 $0x400, s4  }
0xd: {  	s17 =	simm.s32 $0x4000;
	s9 =	simm.s32 $0x4;
	s11 =	simm.s32 $0x2  }
0xe: {  	s10 =	sadd.s32 s8, s0;
	s8 =	sadd.s32 s6, s8;
	[dreg:$0x3] =	wrdreg s24  }
0xf: {  	s7 =	sshrl.u32 s7, $0x3;
	s25 =	sadd.s32 $0x23800, s16;
	[dreg:$0x4] =	wrdreg s8  }
0x10: {  	s26 =	smax.u32 s1, $0x1;
	s24 =	simm.s32 $0x5;
	[dreg:$0xc] =	wrdreg s25  }
0x11: {  	s1 =	simm.s32 $0xE;
	s18 =	sadd.s32 $0x10, s8;
	[dreg:$0xe] =	wrdreg s26  }
0x12: {  	s16 =	simm.s32 $0xD;
	s19 =	sadd.s32 $0x20, s8;
	[dreg:$0x5] =	wrdreg s18  }
0x13: {  	s0 =	sadd.s32 s7, s0;
	s21 =	sadd.s32 $0x30, s8;
	[dreg:$0x6] =	wrdreg s19  }
0x14: {  	s22 =	sadd.s32 $0x40, s8;
	s8 =	sadd.s32 $0x50, s8;
	[dreg:$0x7] =	wrdreg s21  }
0x15: {  	s23 =	sadd.s32 $0x13800, s10;
	s7 =	sshrl.u32 s20, $0x2;
	[dreg:$0x8] =	wrdreg s22  }
0x16: {  	s25 =	simm.s32 $0x50;
	s26 =	simm.s32 $0x4300;
	[dreg:$0x9] =	wrdreg s8  }
0x17: {  	s10 =	simm.s32 $0xB;
	[dreg:$0xa] =	wrdreg s23;
	s7 =	sadd.s32 s7, s2  }
0x18: {  	s0 =	sadd.s32 $0x72A00, s0;
	s18 =	simm.s32 $0x4080;
	[dreg:$0xb] =	wrdreg s7  }
0x19: {  	s8 =	simm.s32 $0x1;
	[dreg:$0xd] =	wrdreg s0;
	s7 =	simm.s32 $0x0  }
.LBB2_1:
0x1a: {  	[dreg:$0xf] =	wrdreg s7  }
0x1b: {  	s0 =	rddreg [dreg:$0x4]  }
0x1c: {  	[tilespmem:s17], [sflag:$0x4] =	stream.linear.gather [hbm4b:s0+s3], $0x80, $0x38;
	[tilespmem:$0x1FB00] =	vst v63  }
0x1d: {  	s20 =	rddreg [dreg:$0x5]  }
0x1e: {  	[tilespmem:s18], [sflag:$0x5] =	stream.linear.gather [hbm4b:s20+s3], $0x80, $0x38;
	[tilespmem:$0x1FB00] =	vst v63  }
0x1f: {  	s21 =	rddreg [dreg:$0x6];
	s19 =	simm.s32 $0x4100  }
0x20: {  	[tilespmem:s19], [sflag:$0x6] =	stream.linear.gather [hbm4b:s21+s3], $0x80, $0x38;
	[tilespmem:$0x1FB00] =	vst v63  }
0x21: {  	s22 =	rddreg [dreg:$0x7];
	s20 =	simm.s32 $0x4180  }
0x22: {  	[tilespmem:s20], [sflag:$0x7] =	stream.linear.gather [hbm4b:s22+s3], $0x80, $0x38;
	[tilespmem:$0x1FB00] =	vst v63  }
0x23: {  	s23 =	rddreg [dreg:$0x8];
	s21 =	simm.s32 $0x4200  }
0x24: {  	[tilespmem:s21], [sflag:$0x8] =	stream.linear.gather [hbm4b:s23+s3], $0x80, $0x38;
	[tilespmem:$0x1FB00] =	vst v63  }
0x25: {  	s7 =	rddreg [dreg:$0x9];
	s22 =	simm.s32 $0x4280  }
0x26: {  	[tilespmem:s22], [sflag:$0x9] =	stream.linear.gather [hbm4b:s7+s3], $0x80, $0x38;
	[tilespmem:$0x1FB00] =	vst v63  }
0x27: {  	s23 =	rddreg [dreg:$0xa]  }
0x28: {  	[tilespmem:s3], [sflag:$0xA] =	stream.linear.gather [hbm4b:s23+s3], $0x3F00, $0x38;
	[tilespmem:$0x1FB00] =	vst v63  }
0x29: {  	_ =	swait.ge [sflag:s9], $0x80  }
0x2a: {  	[sflag:s9] =	ssyncset.done $0x0  }
0x2b: {  	[sflag:s9] =	ssyncadd.s32 $0xFFFFFF80  }
0x2c: {  	[tilespmem:s26], [sflag:$0x1] =	stream.indirect.gather [hbm4b:s5+s25], $0x80, s17, s25, $0xb8;
	[tilespmem:$0x1FB00] =	vst v63  }
0x2d: {  	s7 =	stileid.u32;
	_ =	swait.ge [sflag:s24], $0x80  }
0x2e: {  	s0 =	sshll.u32 s7, $0x6;
	[sflag:s24] =	ssyncset.done $0x0  }
0x2f: {  	s7 =	sor.u32 $0x1C0E, s0;
	[sflag:s24] =	ssyncadd.s32 $0xFFFFFF80  }
0x30: {  	[tilespmem:s29], [sflag:$0x2] =	stream.indirect.gather [hbm4b:s5+s25], $0x80, s18, s25, $0xb8;
	[tilespmem:$0x1FB00] =	vst v63  }
0x31: {  	_ =	swait.ge [sflag:s28], $0x80;
	[dreg:$0x10] =	wrdreg s7  }
0x32: {  	[sflag:s28] =	ssyncset.done $0x0;
	s23 =	rddreg [dreg:$0xb]  }
0x33: {  	s0 =	rddreg [dreg:$0xc];
	[sflag:s28] =	ssyncadd.s32 $0xFFFFFF80;
	s23 =	sshrl.u32 s23, $0x3  }
0x34: {  	[tilespmem:s31], [sflag:$0x3] =	stream.indirect.gather [hbm4b:s5+s25], $0x80, s19, s25, $0xb8;
	[tilespmem:$0x1FB00] =	vst v63  }
0x35: {  	[dreg:$0x11] =	wrdreg s23  }
0x36: {  	[spmem:s23], [sflag:s7] =	dma.local [hbm:s0], $0x2800  }
0x37: {  	_ =	swait.ge [sflag:s1], $0x2800  }
0x38: {  	[sflag:s1] =	ssyncset.done $0x0  }
0x39: {  	[sflag:s1] =	ssyncadd.s32 $0xFFFFD800;
	s1 =	simm.s32 $0xA  }
0x3a: {  	_ =	swait.ge [sflag:s1], $0x3F00  }
0x3b: {  	[sflag:s1] =	ssyncset.done $0x0  }
0x3c: {  	[sflag:s1] =	ssyncadd.s32 $0xFFFFC100  }
0x3d: {  	s7 =	simm.s32 $0x300;
	[bflag:$0x0] =	sbarrier.arrive $0xFFFF  }
0x3e: {  	s23 =	sand.u32 $0xFC00, s7;
	_ =	swait.ge [sflag:s8], $0x2800  }
0x3f: {  	s0 =	sand.u32 $0x300, s7;
	s7 =	sadd.s32 s4, s23;
	[sflag:s8] =	ssyncset.done $0x0  }
0x40: {  	s23 =	simm.s32 $0x7;
	s1 =	simm.s32 $0x0;
	[sflag:s8] =	ssyncadd.s32 $0xFFFFD800  }
0x41: {  	[spmem:s2] =	stream.indirect.scatter.add.f32 [tilespmem:s26], [sflag:$0xB], $0x80, s1, s25, $0xb8;
	[tilespmem:$0x1FB00] =	vst v63  }
0x42: {  	s0 =	sor.u32 s0, s7;
	_ =	swait.ge [sflag:s23], $0x80  }
0x43: {  	s0 =	sshrl.u32 s0, $0x3;
	[sflag:s23] =	ssyncset.done $0x0  }
0x44: {  	s0 =	sadd.s32 s6, s0;
	[sflag:s23] =	ssyncadd.s32 $0xFFFFFF80  }
0x45: {  	[tilespmem:s17], [sflag:$0x4] =	stream.linear.gather [hbm4b:s0+s3], $0x80, $0x38;
	[tilespmem:$0x1FB00] =	vst v63  }
0x46: {  	_ =	swait.ge [sflag:s10], $0x2800  }
0x47: {  	[sflag:s10] =	ssyncset.done $0x0  }
0x48: {  	[sflag:s10] =	ssyncadd.s32 $0xFFFFD800  }
0x49: {  	[tilespmem:s26], [sflag:$0x1] =	stream.indirect.gather [hbm4b:s5+s25], $0x80, s20, s25, $0xb8;
	[tilespmem:$0x1FB00] =	vst v63  }
0x4a: {  	s0 =	simm.s32 $0x380;
	_ =	swait.ge [sflag:s11], $0x2800  }
0x4b: {  	s1 =	simm.s32 $0x80;
	s23 =	sand.u32 $0xFC00, s0;
	[sflag:s11] =	ssyncset.done $0x0  }
0x4c: {  	s0 =	sand.u32 $0x380, s0;
	s7 =	sadd.s32 s4, s23;
	[sflag:s11] =	ssyncadd.s32 $0xFFFFD800  }
0x4d: {  	[spmem:s2] =	stream.indirect.scatter.add.f32 [tilespmem:s29], [sflag:$0xC], $0x80, s1, s25, $0xb8;
	[tilespmem:$0x1FB00] =	vst v63  }
0x4e: {  	s0 =	sor.u32 s0, s7;
	_ =	swait.ge [sflag:s12], $0x80  }
0x4f: {  	s0 =	sshrl.u32 s0, $0x3;
	[sflag:s12] =	ssyncset.done $0x0  }
0x50: {  	s0 =	sadd.s32 s6, s0;
	[sflag:s12] =	ssyncadd.s32 $0xFFFFFF80  }
0x51: {  	[tilespmem:s18], [sflag:$0x5] =	stream.linear.gather [hbm4b:s0+s3], $0x80, $0x38;
	[tilespmem:$0x1FB00] =	vst v63  }
0x52: {  	_ =	swait.ge [sflag:s13], $0x2800  }
0x53: {  	[sflag:s13] =	ssyncset.done $0x0  }
0x54: {  	[sflag:s13] =	ssyncadd.s32 $0xFFFFD800  }
0x55: {  	[tilespmem:s29], [sflag:$0x2] =	stream.indirect.gather [hbm4b:s5+s25], $0x80, s21, s25, $0xb8;
	[tilespmem:$0x1FB00] =	vst v63  }
0x56: {  	_ =	swait.ge [sflag:s14], $0x2800  }
0x57: {  	[sflag:s14] =	ssyncset.done $0x0  }
0x58: {  	s1 =	simm.s32 $0x100;
	[sflag:s14] =	ssyncadd.s32 $0xFFFFD800  }
0x59: {  	[spmem:s2] =	stream.indirect.scatter.add.f32 [tilespmem:s31], [sflag:$0xD], $0x80, s1, s25, $0xb8;
	[tilespmem:$0x1FB00] =	vst v63  }
0x5a: {  	s7 =	simm.s32 $0x0;
	_ =	swait.ge [sflag:s15], $0x80  }
0x5b: {  	s23 =	sand.u32 $0x7C00, s7;
	s0 =	rddreg [dreg:$0x3]  }
0x5c: {  	s1 =	sand.u32 $0x300, s7;
	s0 =	sadd.s32 s23, s0  }
0x5d: {  	s0 =	sor.u32 s1, s0  }
0x5e: {  	[sflag:s15] =	ssyncset.done $0x0;
	s0 =	sshrl.u32 s0, $0x3  }
0x5f: {  	[sflag:s15] =	ssyncadd.s32 $0xFFFFFF80;
	s0 =	sadd.s32 s6, s0  }
0x60: {  	[tilespmem:s19], [sflag:$0x6] =	stream.linear.gather [hbm4b:s0+s3], $0x80, $0x38;
	[tilespmem:$0x1FB00] =	vst v63  }
0x61: {  	_ =	swait.ge [sflag:s16], $0x2800  }
0x62: {  	[sflag:s16] =	ssyncset.done $0x0  }
0x63: {  	[sflag:s16] =	ssyncadd.s32 $0xFFFFD800  }
0x64: {  	[tilespmem:s31], [sflag:$0x3] =	stream.indirect.gather [hbm4b:s5+s25], $0x80, s22, s25, $0xb8;
	[tilespmem:$0x1FB00] =	vst v63  }
0x65: {  	s7 =	simm.s32 $0x480;
	_ =	swait.ge [sflag:s8], $0x2800  }
0x66: {  	s23 =	simm.s32 $0x180;
	s19 =	sand.u32 $0xFC00, s7;
	[sflag:s8] =	ssyncset.done $0x0  }
0x67: {  	s0 =	sand.u32 $0x380, s7;
	s1 =	sadd.s32 s4, s19;
	[sflag:s8] =	ssyncadd.s32 $0xFFFFD800  }
0x68: {  	[spmem:s2] =	stream.indirect.scatter.add.f32 [tilespmem:s26], [sflag:$0xB], $0x80, s23, s25, $0xb8;
	[tilespmem:$0x1FB00] =	vst v63  }
0x69: {  	s0 =	sor.u32 s0, s1;
	_ =	swait.ge [sflag:s9], $0x80  }
0x6a: {  	s0 =	sshrl.u32 s0, $0x3;
	[sflag:s9] =	ssyncset.done $0x0  }
0x6b: {  	s0 =	sadd.s32 s6, s0;
	[sflag:s9] =	ssyncadd.s32 $0xFFFFFF80  }
0x6c: {  	[tilespmem:s20], [sflag:$0x7] =	stream.linear.gather [hbm4b:s0+s3], $0x80, $0x38;
	[tilespmem:$0x1FB00] =	vst v63  }
0x6d: {  	_ =	swait.ge [sflag:s10], $0x2800  }
0x6e: {  	[sflag:s10] =	ssyncset.done $0x0  }
0x6f: {  	[sflag:s10] =	ssyncadd.s32 $0xFFFFD800  }
0x70: {  	[tilespmem:s26], [sflag:$0x1] =	stream.indirect.gather [hbm4b:s5+s25], $0x80, s17, s25, $0xb8;
	[tilespmem:$0x1FB00] =	vst v63  }
0x71: {  	s17 =	simm.s32 $0x500;
	_ =	swait.ge [sflag:s11], $0x2800  }
0x72: {  	s20 =	simm.s32 $0x200;
	s19 =	sand.u32 $0xFC00, s17;
	[sflag:s11] =	ssyncset.done $0x0  }
0x73: {  	s0 =	sand.u32 $0x300, s17;
	s1 =	sadd.s32 s4, s19;
	[sflag:s11] =	ssyncadd.s32 $0xFFFFD800  }
0x74: {  	[spmem:s2] =	stream.indirect.scatter.add.f32 [tilespmem:s29], [sflag:$0xC], $0x80, s20, s25, $0xb8;
	[tilespmem:$0x1FB00] =	vst v63  }
0x75: {  	s0 =	sor.u32 s0, s1;
	_ =	swait.ge [sflag:s24], $0x80  }
0x76: {  	s0 =	sshrl.u32 s0, $0x3;
	[sflag:s24] =	ssyncset.done $0x0  }
0x77: {  	s0 =	sadd.s32 s6, s0;
	[sflag:s24] =	ssyncadd.s32 $0xFFFFFF80  }
0x78: {  	[tilespmem:s21], [sflag:$0x8] =	stream.linear.gather [hbm4b:s0+s3], $0x80, $0x38;
	[tilespmem:$0x1FB00] =	vst v63  }
0x79: {  	_ =	swait.ge [sflag:s13], $0x2800  }
0x7a: {  	[sflag:s13] =	ssyncset.done $0x0  }
0x7b: {  	[sflag:s13] =	ssyncadd.s32 $0xFFFFD800  }
0x7c: {  	[tilespmem:s29], [sflag:$0x2] =	stream.indirect.gather [hbm4b:s5+s25], $0x80, s18, s25, $0xb8;
	[tilespmem:$0x1FB00] =	vst v63  }
0x7d: {  	s23 =	simm.s32 $0x580;
	_ =	swait.ge [sflag:s14], $0x2800  }
0x7e: {  	s1 =	sand.u32 $0x380, s23;
	s24 =	sand.u32 $0xFC00, s23;
	[sflag:s14] =	ssyncset.done $0x0  }
0x7f: {  	s0 =	simm.s32 $0x280;
	s7 =	sadd.s32 s4, s24;
	[sflag:s14] =	ssyncadd.s32 $0xFFFFD800  }
0x80: {  	[spmem:s2] =	stream.indirect.scatter.add.f32 [tilespmem:s31], [sflag:$0xD], $0x80, s0, s25, $0xb8;
	[tilespmem:$0x1FB00] =	vst v63  }
0x81: {  	s1 =	sor.u32 s1, s7;
	_ =	swait.ge [sflag:s28], $0x80  }
0x82: {  	s1 =	sshrl.u32 s1, $0x3;
	[sflag:s28] =	ssyncset.done $0x0  }
0x83: {  	s1 =	sadd.s32 s6, s1;
	[sflag:s28] =	ssyncadd.s32 $0xFFFFFF80  }
0x84: {  	[tilespmem:s22], [sflag:$0x9] =	stream.linear.gather [hbm4b:s1+s3], $0x80, $0x38;
	[tilespmem:$0x1FB00] =	vst v63  }
0x85: {  	s9 =	simm.s32 $0x4;
	s20 =	simm.s32 $0x4000;
	_ =	swait.ge [sflag:s16], $0x2800  }
0x86: {  	s21 =	simm.s32 $0x4080;
	s7 =	simm.s32 $0x880;
	[sflag:s16] =	ssyncset.done $0x0  }
.LBB2_2:
0x87: {  	[sflag:s16] =	ssyncadd.s32 $0xFFFFD800;
	s0 =	sadd.s32 $0x300, s0;
	s23 =	simm.s32 $0x4100  }
0x88: {  	[tilespmem:s31], [sflag:$0x3] =	stream.indirect.gather [hbm4b:s5+s25], $0x80, s23, s25, $0xb8;
	[tilespmem:$0x1FB00] =	vst v63  }
0x89: {  	s18 =	sadd.s32 $0xFFFFFD80, s7;
	s22 =	simm.s32 $0x7;
	_ =	swait.ge [sflag:s8], $0x2800  }
0x8a: {  	s17 =	sadd.s32 $0xFFFFFD80, s0;
	s19 =	sand.u32 $0xFC00, s18;
	[sflag:s8] =	ssyncset.done $0x0  }
0x8b: {  	s18 =	sand.u32 $0x300, s18;
	s19 =	sadd.s32 s4, s19;
	[sflag:s8] =	ssyncadd.s32 $0xFFFFD800  }
0x8c: {  	[spmem:s2] =	stream.indirect.scatter.add.f32 [tilespmem:s26], [sflag:$0xB], $0x80, s17, s25, $0xb8;
	[tilespmem:$0x1FB00] =	vst v63  }
0x8d: {  	s19 =	sor.u32 s18, s19;
	_ =	swait.ge [sflag:s22], $0x80  }
0x8e: {  	s17 =	sshrl.u32 s19, $0x3;
	[sflag:s22] =	ssyncset.done $0x0  }
0x8f: {  	s17 =	sadd.s32 s6, s17;
	[sflag:s22] =	ssyncadd.s32 $0xFFFFFF80  }
0x90: {  	[tilespmem:s20], [sflag:$0x4] =	stream.linear.gather [hbm4b:s17+s3], $0x80, $0x38;
	[tilespmem:$0x1FB00] =	vst v63  }
0x91: {  	_ =	swait.ge [sflag:s10], $0x2800  }
0x92: {  	[sflag:s10] =	ssyncset.done $0x0  }
0x93: {  	s1 =	smov.u32 s7;
	s24 =	simm.s32 $0x4180;
	[sflag:s10] =	ssyncadd.s32 $0xFFFFD800  }
0x94: {  	[tilespmem:s26], [sflag:$0x1] =	stream.indirect.gather [hbm4b:s5+s25], $0x80, s24, s25, $0xb8;
	[tilespmem:$0x1FB00] =	vst v63  }
0x95: {  	s17 =	sadd.s32 $0xFFFFFE00, s1;
	_ =	swait.ge [sflag:s11], $0x2800  }
0x96: {  	s18 =	sadd.s32 $0xFFFFFE00, s0;
	s22 =	sand.u32 $0xFC00, s17;
	[sflag:s11] =	ssyncset.done $0x0  }
0x97: {  	s17 =	sand.u32 $0x380, s17;
	s19 =	sadd.s32 s4, s22;
	[sflag:s11] =	ssyncadd.s32 $0xFFFFD800  }
0x98: {  	[spmem:s2] =	stream.indirect.scatter.add.f32 [tilespmem:s29], [sflag:$0xC], $0x80, s18, s25, $0xb8;
	[tilespmem:$0x1FB00] =	vst v63  }
0x99: {  	s17 =	sor.u32 s17, s19;
	_ =	swait.ge [sflag:s12], $0x80  }
0x9a: {  	s17 =	sshrl.u32 s17, $0x3;
	[sflag:s12] =	ssyncset.done $0x0  }
0x9b: {  	s17 =	sadd.s32 s6, s17;
	[sflag:s12] =	ssyncadd.s32 $0xFFFFFF80  }
0x9c: {  	[tilespmem:s21], [sflag:$0x5] =	stream.linear.gather [hbm4b:s17+s3], $0x80, $0x38;
	[tilespmem:$0x1FB00] =	vst v63  }
0x9d: {  	_ =	swait.ge [sflag:s13], $0x2800  }
0x9e: {  	[sflag:s13] =	ssyncset.done $0x0  }
0x9f: {  	s28 =	simm.s32 $0x4200;
	[sflag:s13] =	ssyncadd.s32 $0xFFFFD800  }
0xa0: {  	[tilespmem:s29], [sflag:$0x2] =	stream.indirect.gather [hbm4b:s5+s25], $0x80, s28, s25, $0xb8;
	[tilespmem:$0x1FB00] =	vst v63  }
0xa1: {  	_ =	swait.ge [sflag:s14], $0x2800  }
0xa2: {  	[sflag:s14] =	ssyncset.done $0x0  }
0xa3: {  	s22 =	sadd.s32 $0xFFFFFE80, s0;
	[sflag:s14] =	ssyncadd.s32 $0xFFFFD800  }
0xa4: {  	[spmem:s2] =	stream.indirect.scatter.add.f32 [tilespmem:s31], [sflag:$0xD], $0x80, s22, s25, $0xb8;
	[tilespmem:$0x1FB00] =	vst v63  }
0xa5: {  	s18 =	sadd.s32 $0xFFFFFA80, s1;
	_ =	swait.ge [sflag:s15], $0x80  }
0xa6: {  	s22 =	sand.u32 $0x7C00, s18;
	s19 =	rddreg [dreg:$0x3]  }
0xa7: {  	s17 =	sand.u32 $0x300, s18;
	s18 =	sadd.s32 s22, s19  }
0xa8: {  	s17 =	sor.u32 s17, s18  }
0xa9: {  	[sflag:s15] =	ssyncset.done $0x0;
	s17 =	sshrl.u32 s17, $0x3  }
0xaa: {  	[sflag:s15] =	ssyncadd.s32 $0xFFFFFF80;
	s17 =	sadd.s32 s6, s17  }
0xab: {  	[tilespmem:s23], [sflag:$0x6] =	stream.linear.gather [hbm4b:s17+s3], $0x80, $0x38;
	[tilespmem:$0x1FB00] =	vst v63  }
0xac: {  	_ =	swait.ge [sflag:s16], $0x2800  }
0xad: {  	[sflag:s16] =	ssyncset.done $0x0  }
0xae: {  	[sflag:s16] =	ssyncadd.s32 $0xFFFFD800  }
0xaf: {  	[tilespmem:s31], [sflag:$0x3] =	stream.indirect.gather [hbm4b:s5+s25], $0x80, s30, s25, $0xb8;
	[tilespmem:$0x1FB00] =	vst v63  }
0xb0: {  	s18 =	sadd.s32 $0xFFFFFF00, s1;
	_ =	swait.ge [sflag:s8], $0x2800  }
0xb1: {  	s19 =	sand.u32 $0xFC00, s18;
	s17 =	sand.u32 $0x380, s18;
	[sflag:s8] =	ssyncset.done $0x0  }
0xb2: {  	s23 =	sadd.s32 $0xFFFFFF00, s0;
	s18 =	sadd.s32 s4, s19;
	[sflag:s8] =	ssyncadd.s32 $0xFFFFD800  }
0xb3: {  	[spmem:s2] =	stream.indirect.scatter.add.f32 [tilespmem:s26], [sflag:$0xB], $0x80, s23, s25, $0xb8;
	[tilespmem:$0x1FB00] =	vst v63  }
0xb4: {  	s17 =	sor.u32 s17, s18;
	_ =	swait.ge [sflag:s9], $0x80  }
0xb5: {  	s17 =	sshrl.u32 s17, $0x3;
	[sflag:s9] =	ssyncset.done $0x0  }
0xb6: {  	s17 =	sadd.s32 s6, s17;
	[sflag:s9] =	ssyncadd.s32 $0xFFFFFF80  }
0xb7: {  	[tilespmem:s24], [sflag:$0x7] =	stream.linear.gather [hbm4b:s17+s3], $0x80, $0x38;
	[tilespmem:$0x1FB00] =	vst v63  }
0xb8: {  	_ =	swait.ge [sflag:s10], $0x2800  }
0xb9: {  	[sflag:s10] =	ssyncset.done $0x0  }
0xba: {  	s19 =	sadd.s32 $0xFFFFFF80, s1;
	[sflag:s10] =	ssyncadd.s32 $0xFFFFD800  }
0xbb: {  	[tilespmem:s26], [sflag:$0x1] =	stream.indirect.gather [hbm4b:s5+s25], $0x80, s20, s25, $0xb8;
	[tilespmem:$0x1FB00] =	vst v63  }
0xbc: {  	s18 =	sand.u32 $0xFC00, s19;
	_ =	swait.ge [sflag:s11], $0x2800  }
0xbd: {  	s18 =	sadd.s32 s4, s18;
	s24 =	simm.s32 $0x5;
	[sflag:s11] =	ssyncset.done $0x0  }
0xbe: {  	s17 =	sand.u32 $0x300, s19;
	s19 =	sadd.s32 $0xFFFFFF80, s0;
	[sflag:s11] =	ssyncadd.s32 $0xFFFFD800  }
0xbf: {  	[spmem:s2] =	stream.indirect.scatter.add.f32 [tilespmem:s29], [sflag:$0xC], $0x80, s19, s25, $0xb8;
	[tilespmem:$0x1FB00] =	vst v63  }
0xc0: {  	s17 =	sor.u32 s17, s18;
	_ =	swait.ge [sflag:s24], $0x80  }
0xc1: {  	s17 =	sshrl.u32 s17, $0x3;
	[sflag:s24] =	ssyncset.done $0x0  }
0xc2: {  	s17 =	sadd.s32 s6, s17;
	[sflag:s24] =	ssyncadd.s32 $0xFFFFFF80  }
0xc3: {  	[tilespmem:s28], [sflag:$0x8] =	stream.linear.gather [hbm4b:s17+s3], $0x80, $0x38;
	[tilespmem:$0x1FB00] =	vst v63  }
0xc4: {  	_ =	swait.ge [sflag:s13], $0x2800  }
0xc5: {  	[sflag:s13] =	ssyncset.done $0x0  }
0xc6: {  	[sflag:s13] =	ssyncadd.s32 $0xFFFFD800  }
0xc7: {  	[tilespmem:s29], [sflag:$0x2] =	stream.indirect.gather [hbm4b:s5+s25], $0x80, s21, s25, $0xb8;
	[tilespmem:$0x1FB00] =	vst v63  }
0xc8: {  	_ =	swait.ge [sflag:s14], $0x2800  }
0xc9: {  	s19 =	sand.u32 $0xFC00, s1;
	s1 =	sand.u32 $0x380, s1;
	[sflag:s14] =	ssyncset.done $0x0  }
0xca: {  	s28 =	simm.s32 $0x6;
	s17 =	sadd.s32 s4, s19;
	[sflag:s14] =	ssyncadd.s32 $0xFFFFD800  }
0xcb: {  	[spmem:s2] =	stream.indirect.scatter.add.f32 [tilespmem:s31], [sflag:$0xD], $0x80, s0, s25, $0xb8;
	[tilespmem:$0x1FB00] =	vst v63  }
0xcc: {  	p0 =	sne.s32 s7, $0x3E80;
	s1 =	sor.u32 s1, s17;
	_ =	swait.ge [sflag:s28], $0x80  }
.Ltmp0:
0xcd: {  	s1 =	sshrl.u32 s1, $0x3;
	[sflag:s28] =	ssyncset.done $0x0;
	(pc) =	sbr.rel @p0 .LBB2_2-.Ltmp0, $4  }
0xce: {  	s7 =	sadd.s32 $0x300, s7;
	s1 =	sadd.s32 s6, s1;
	[sflag:s28] =	ssyncadd.s32 $0xFFFFFF80  }
0xcf: {  	[tilespmem:s30], [sflag:$0x9] =	stream.linear.gather [hbm4b:s1+s3], $0x80, $0x38;
	[tilespmem:$0x1FB00] =	vst v63  }
0xd0: {  	s22 =	simm.s32 $0x4100;
	s23 =	simm.s32 $0x4180;
	_ =	swait.ge [sflag:s16], $0x2800  }
0xd1: {  	s18 =	simm.s32 $0x4200;
	s17 =	simm.s32 $0x4280;
	[sflag:s16] =	ssyncset.done $0x0  }
0xd2: {  	[sflag:s16] =	ssyncadd.s32 $0xFFFFD800  }
0xd3: {  	[tilespmem:s31], [sflag:$0x3] =	stream.indirect.gather [hbm4b:s5+s25], $0x80, s22, s25, $0xb8;
	[tilespmem:$0x1FB00] =	vst v63  }
0xd4: {  	_ =	swait.ge [sflag:s8], $0x2800  }
0xd5: {  	[sflag:s8] =	ssyncset.done $0x0  }
0xd6: {  	s0 =	simm.s32 $0x3C00;
	s1 =	simm.s32 $0x7;
	[sflag:s8] =	ssyncadd.s32 $0xFFFFD800  }
0xd7: {  	[spmem:s2] =	stream.indirect.scatter.add.f32 [tilespmem:s26], [sflag:$0xB], $0x80, s0, s25, $0xb8;
	[tilespmem:$0x1FB00] =	vst v63  }
0xd8: {  	_ =	swait.ge [sflag:s1], $0x80  }
0xd9: {  	[sflag:s1] =	ssyncset.done $0x0  }
0xda: {  	[sflag:s1] =	ssyncadd.s32 $0xFFFFFF80  }
0xdb: {  	_ =	swait.ge [sflag:s10], $0x2800  }
0xdc: {  	[sflag:s10] =	ssyncset.done $0x0  }
0xdd: {  	[sflag:s10] =	ssyncadd.s32 $0xFFFFD800  }
0xde: {  	[tilespmem:s26], [sflag:$0x1] =	stream.indirect.gather [hbm4b:s5+s25], $0x80, s23, s25, $0xb8;
	[tilespmem:$0x1FB00] =	vst v63  }
0xdf: {  	_ =	swait.ge [sflag:s11], $0x2800  }
0xe0: {  	[sflag:s11] =	ssyncset.done $0x0  }
0xe1: {  	s7 =	simm.s32 $0x3C80;
	[sflag:s11] =	ssyncadd.s32 $0xFFFFD800  }
0xe2: {  	[spmem:s2] =	stream.indirect.scatter.add.f32 [tilespmem:s29], [sflag:$0xC], $0x80, s7, s25, $0xb8;
	[tilespmem:$0x1FB00] =	vst v63  }
0xe3: {  	_ =	swait.ge [sflag:s12], $0x80  }
0xe4: {  	[sflag:s12] =	ssyncset.done $0x0  }
0xe5: {  	[sflag:s12] =	ssyncadd.s32 $0xFFFFFF80  }
0xe6: {  	_ =	swait.ge [sflag:s13], $0x2800  }
0xe7: {  	[sflag:s13] =	ssyncset.done $0x0  }
0xe8: {  	[sflag:s13] =	ssyncadd.s32 $0xFFFFD800  }
0xe9: {  	[tilespmem:s29], [sflag:$0x2] =	stream.indirect.gather [hbm4b:s5+s25], $0x80, s18, s25, $0xb8;
	[tilespmem:$0x1FB00] =	vst v63  }
0xea: {  	_ =	swait.ge [sflag:s14], $0x2800  }
0xeb: {  	[sflag:s14] =	ssyncset.done $0x0  }
0xec: {  	s9 =	simm.s32 $0x3D00;
	[sflag:s14] =	ssyncadd.s32 $0xFFFFD800  }
0xed: {  	[spmem:s2] =	stream.indirect.scatter.add.f32 [tilespmem:s31], [sflag:$0xD], $0x80, s9, s25, $0xb8;
	[tilespmem:$0x1FB00] =	vst v63  }
0xee: {  	_ =	swait.ge [sflag:s15], $0x80  }
0xef: {  	[sflag:s15] =	ssyncset.done $0x0  }
0xf0: {  	[sflag:s15] =	ssyncadd.s32 $0xFFFFFF80  }
0xf1: {  	_ =	swait.ge [sflag:s16], $0x2800  }
0xf2: {  	[sflag:s16] =	ssyncset.done $0x0  }
0xf3: {  	[sflag:s16] =	ssyncadd.s32 $0xFFFFD800  }
0xf4: {  	[tilespmem:s31], [sflag:$0x3] =	stream.indirect.gather [hbm4b:s5+s25], $0x80, s17, s25, $0xb8;
	[tilespmem:$0x1FB00] =	vst v63  }
0xf5: {  	_ =	swait.ge [sflag:s8], $0x2800  }
0xf6: {  	[sflag:s8] =	ssyncset.done $0x0  }
0xf7: {  	s18 =	simm.s32 $0x3D80;
	[sflag:s8] =	ssyncadd.s32 $0xFFFFD800  }
0xf8: {  	[spmem:s2] =	stream.indirect.scatter.add.f32 [tilespmem:s26], [sflag:$0xB], $0x80, s18, s25, $0xb8;
	[tilespmem:$0x1FB00] =	vst v63  }
0xf9: {  	_ =	swait.ge [sflag:s11], $0x2800  }
0xfa: {  	[sflag:s11] =	ssyncset.done $0x0  }
0xfb: {  	s19 =	simm.s32 $0x3E00;
	[sflag:s11] =	ssyncadd.s32 $0xFFFFD800  }
0xfc: {  	[spmem:s2] =	stream.indirect.scatter.add.f32 [tilespmem:s29], [sflag:$0xC], $0x80, s19, s25, $0xb8;
	[tilespmem:$0x1FB00] =	vst v63  }
0xfd: {  	_ =	swait.ge [sflag:s14], $0x2800  }
0xfe: {  	[sflag:s14] =	ssyncset.done $0x0  }
0xff: {  	s20 =	simm.s32 $0x3E80;
	[sflag:s14] =	ssyncadd.s32 $0xFFFFD800  }
0x100: {  	[spmem:s2] =	stream.indirect.scatter.add.f32 [tilespmem:s31], [sflag:$0xD], $0x80, s20, s25, $0xb8;
	[tilespmem:$0x1FB00] =	vst v63  }
0x101: {  	_ =	swait.ge [sflag:s10], $0x2800  }
0x102: {  	[sflag:s10] =	ssyncset.done $0x0  }
0x103: {  	[sflag:s10] =	ssyncadd.s32 $0xFFFFD800  }
0x104: {  	_ =	swait.ge [sflag:s13], $0x2800  }
0x105: {  	[sflag:s13] =	ssyncset.done $0x0  }
0x106: {  	[sflag:s13] =	ssyncadd.s32 $0xFFFFD800  }
0x107: {  	_ =	swait.ge [sflag:s16], $0x2800  }
0x108: {  	[sflag:s16] =	ssyncset.done $0x0  }
0x109: {  	[sflag:s16] =	ssyncadd.s32 $0xFFFFD800  }
0x10a: {  	[bflag:$0x0] =	sbarrier.arrive $0xFFFF  }
0x10b: {  	s21 =	rddreg [dreg:$0xd]  }
0x10c: {  	s1 =	rddreg [dreg:$0x10]  }
0x10d: {  	s7 =	rddreg [dreg:$0x11]  }
0x10e: {  	[hbm:s21], [sflag:s1] =	dma.local [spmem:s7], $0x2800  }
0x10f: {  	s1 =	simm.s32 $0xE  }
0x110: {  	_ =	swait.ge [sflag:s1], $0x2800  }
0x111: {  	s22 =	rddreg [dreg:$0xf]  }
0x112: {  	s23 =	rddreg [dreg:$0xe];
	s7 =	sadd.s32 $0x1, s22  }
0x113: {  	p0 =	sne.s32 s7, s23  }
.Ltmp1:
0x114: {  	_ = 	snop;
	(pc) =	sbr.rel @p0 .LBB2_1-.Ltmp1, $3  }
0x115: {  	_ =	sdelay $0x1  }
0x116: {  	s9 =	simm.s32 $0x4;
	[sflag:s1] =	ssyncset.done $0x0  }
0x117: {  	s17 =	simm.s32 $0x4000;
	s18 =	simm.s32 $0x4080;
	[sflag:s1] =	ssyncadd.s32 $0xFFFFD800  }
0x118: {  	_ =	sfence.sel $0x180000  }
0x119: {  	[bflag:$0x0] =	sbarrier.arrive $0xFFFF  }
0x11a: {  	_ =	strace $0x9000004D  }
0x11b: {  	s0 =	stileid.u32;
	[bflag:$0x2] =	sbarrier.arrive $0xFFFF  }
0x11c: {  	p0 =	sne.s32 s0, $0x0;
	s0 =	rddreg [dreg:$0x2]  }
0x11d: {  	s0 =	sadd.s32 @!p0 $0x100000, s0  }
0x11e: {  	[sflag:s0] =	ssyncadd.tile.s32 @!p0 $0x1;
	_ =	shalt  }
.Lfunc_end2:
_tile_overlayer_lowered:
.L_overlay_start_2:
0x11f: {  	(tag) =	ssettag $0x2  }
0x120: {  	s0 =	rddreg [dreg:$0x0];
	s2 =	stileid.u32  }
0x121: {  	s1 =	rddreg [dreg:$0x1];
	p0 =	sne.s32 s2, $0x0  }
0x122: {  	s3 =	rddreg [dreg:$0x2];
	[bflag:$0x3] =	sbarrier.arrive $0xFFFF;
	s2 =	simm.s32 @!p0 $0x1C0E  }
0x123: {  	[timem:s3], [sflag:s2] =	dma.local @!p0 [hbm:s0], s1  }
0x124: {  	s0 =	simm.s32 @!p0 $0xE  }
0x125: {  	_ =	swait.ge @!p0 [sflag:s0], s1  }
0x126: {  	s1 =	ssub.s32 @!p0 $0x0, s1;
	[sflag:s0] =	ssyncset.done @!p0 $0x0  }
0x127: {  	[sflag:s0] =	ssyncadd.s32 @!p0 s1  }
0x128: {  	[bflag:$0x3] =	sbarrier.arrive $0xFFFF  }
0x129: {  	_ =	shalt  }

// kernel: kernel.8.cloned.1.call-start
scs
__scs_entry_jumppad:
0x0: {  	(pc) =	sbr.rel $0x88, $3  }
0x1: {  	(tag) =	ssettag $0x0;
	lr =	simm.s32 $0x1  }
0x2: {  	[smem:$0x3F91] =	sst lr;
	_ =	strace $0xD0000000  }
0x3: {  	_ = 	snop  }
0x4: {  	_ = 	snop  }
0x5: {  	_ = 	snop  }
0x6: {  	_ = 	snop  }
0x7: {  	_ = 	snop  }
__scs_overlays_trampoline_lowered:
0x8: {  	[smem:$0x3FA0] =	sst s0  }
0x9: {  	[smem:$0x3FA1] =	sst s1  }
0xa: {  	[smem:$0x3FA2] =	sst s2  }
0xb: {  	[smem:$0x3FA3] =	sst s3  }
0xc: {  	[smem:$0x3FA4] =	sst s4  }
0xd: {  	[smem:$0x3FA5] =	sst s5  }
0xe: {  	[smem:$0x3FA6] =	sst s6  }
0xf: {  	[smem:$0x3FA7] =	sst s7  }
0x10: {  	[smem:$0x3FA8] =	sst s8  }
0x11: {  	[smem:$0x3FA9] =	sst s9;
	s0 =	simm.s32 @!p0 $0x0  }
0x12: {  	s1 =	sld [smem:$0x3F8F];
	s0 =	simm.s32 @p0 $0x1  }
0x13: {  	[smem:$0x3FAA] =	sst s0;
	s0 =	simm.s32 @!p1 $0x0  }
0x14: {  	s2 =	sld [smem:$0x3F8E];
	s0 =	simm.s32 @p1 $0x1  }
0x15: {  	[smem:$0x3FAB] =	sst s0;
	s0 =	simm.s32 @!p2 $0x0  }
0x16: {  	s3 =	sld [smem:$0x3FDB];
	s0 =	simm.s32 @p2 $0x1  }
0x17: {  	s4 =	simm.s32 $0x1BF5;
	[smem:$0x3FAD] =	sst s0  }
0x18: {  	s0 =	sld [smem:$0x3F90];
	_ =	swait.ge [sflag:s4], $0x0  }
0x19: {  	s7 =	sld [smem:$0x3F91]  }
0x1a: {  	s8 =	sadd.s32 $0xFFFFE003, lr  }
0x1b: {  	s9 =	sadd.s32 $0xFFFFFEF7, lr;
	s5 =	simm.s32 $0xFFFFFFFF;
	p2 =	slt.u32 s8, $0xFFFFF086  }
0x1c: {  	p1 =	slt.u32 s9, $0xF7A;
	s5 =	simm.s32 @!p2 $0x0  }
0x1d: {  	s5 =	simm.s32 @p1 $0x1;
	p0 =	seq.s32 s7, s2  }
0x1e: {  	s7 =	smul.u32 @!p0 $0xF7A, s2;
	p2 =	seq.s32 @!p0 s5, $0x0  }
0x1f: {  	s9 =	smul.u32 $0xF7A, s1;
	s8 =	simm.s32 @!p0 $0x1BF5;
	p2 =	por !p2, p0  }
0x20: {  	[sflag:s8] =	ssyncset.s32 @!p0 $0xFFFFF086;
	s6 =	sadd.s32 @!p0 s3, s7;
	s7 =	simm.s32 @!p0 $0x108  }
0x21: {  	s3 =	sadd.s32 s3, s9;
	s6 =	sadd.s32 @!p0 $0x88, s6;
	s7 =	simm.s32 @p2 $0x1082  }
0x22: {  	[simem:s7], [sflag:s8] =	dma.local @!p0 [hbm:s6], $0xF7A  }
0x23: {  	s9 =	sor.u32 $0xD0000000, s2;
	s6 =	simm.s32 $0x108;
	_ =	swait.ge @!p0 [sflag:s8], $0x0  }
0x24: {  	s3 =	sadd.s32 $0x88, s3;
	s6 =	simm.s32 @!p1 $0x1082;
	[sflag:s4] =	ssyncset.s32 $0xFFFFF086  }
0x25: {  	[simem:s6], [sflag:s4] =	dma.local [hbm:s3], $0xF7A  }
0x26: {  	[smem:$0x3F91] =	sst s1;
	(tag) =	ssettag s2;
	_ =	strace s9  }
0x27: {  	s1 =	sld [smem:$0x3FA1]  }
0x28: {  	s2 =	sld [smem:$0x3FA2]  }
0x29: {  	s4 =	sld [smem:$0x3FA4]  }
0x2a: {  	p0 =	seq.s32 s5, $0x0;
	s5 =	sld [smem:$0x3FA5]  }
0x2b: {  	s6 =	sld [smem:$0x3FA6]  }
0x2c: {  	s7 =	sld [smem:$0x3FA7]  }
0x2d: {  	s3 =	simm.s32 $0x108;
	s8 =	sld [smem:$0x3FA8]  }
0x2e: {  	s3 =	simm.s32 @!p0 $0x1082;
	s9 =	sld [smem:$0x3FA9]  }
0x2f: {  	lr =	sadd.s32 s0, s3;
	s0 =	sld [smem:$0x3FA0]  }
0x30: {  	s3 =	sld [smem:$0x3FA3]  }
0x31: {  	[smem:$0x3FAC] =	sst s10  }
0x32: {  	s10 =	sld [smem:$0x3FAA];
	_ =	sdelay $0x3  }
0x33: {  	p0 =	seq.s32 s10, $0x1;
	s10 =	sld [smem:$0x3FAC];
	_ =	sdelay $0x3  }
0x34: {  	[smem:$0x3FAC] =	sst s10  }
0x35: {  	s10 =	sld [smem:$0x3FAB];
	_ =	sdelay $0x3  }
0x36: {  	p1 =	seq.s32 s10, $0x1;
	s10 =	sld [smem:$0x3FAC];
	_ =	sdelay $0x3  }
0x37: {  	[smem:$0x3FAC] =	sst s10  }
0x38: {  	s10 =	sld [smem:$0x3FAD]  }
0x39: {  	_ = 	snop;
	(pc) =	sbr.ind lr, $3  }
0x3a: {  	_ = 	snop  }
0x3b: {  	_ = 	snop  }
0x3c: {  	p2 =	seq.s32 s10, $0x1;
	s10 =	sld [smem:$0x3FAC]  }
0x3d: {  	_ =	shalt  }
0x3e: {  	_ =	shalt  }
0x3f: {  	_ =	shalt  }
0x40: {  	_ =	shalt  }
0x41: {  	_ =	shalt  }
0x42: {  	_ =	shalt  }
0x43: {  	_ =	shalt  }
0x44: {  	_ =	shalt  }
0x45: {  	_ =	shalt  }
0x46: {  	_ =	shalt  }
0x47: {  	_ =	shalt  }
0x48: {  	_ =	shalt  }
0x49: {  	_ =	shalt  }
0x4a: {  	_ =	shalt  }
0x4b: {  	_ =	shalt  }
0x4c: {  	_ =	shalt  }
0x4d: {  	_ =	shalt  }
0x4e: {  	_ =	shalt  }
0x4f: {  	_ =	shalt  }
0x50: {  	_ =	shalt  }
0x51: {  	_ =	shalt  }
0x52: {  	_ =	shalt  }
0x53: {  	_ =	shalt  }
0x54: {  	_ =	shalt  }
0x55: {  	_ =	shalt  }
0x56: {  	_ =	shalt  }
0x57: {  	_ =	shalt  }
0x58: {  	_ =	shalt  }
0x59: {  	_ =	shalt  }
0x5a: {  	_ =	shalt  }
0x5b: {  	_ =	shalt  }
0x5c: {  	_ =	shalt  }
0x5d: {  	_ =	shalt  }
0x5e: {  	_ =	shalt  }
0x5f: {  	_ =	shalt  }
0x60: {  	_ =	shalt  }
0x61: {  	_ =	shalt  }
0x62: {  	_ =	shalt  }
0x63: {  	_ =	shalt  }
0x64: {  	_ =	shalt  }
0x65: {  	_ =	shalt  }
0x66: {  	_ =	shalt  }
0x67: {  	_ =	shalt  }
0x68: {  	_ =	shalt  }
0x69: {  	_ =	shalt  }
0x6a: {  	_ =	shalt  }
0x6b: {  	_ =	shalt  }
0x6c: {  	_ =	shalt  }
0x6d: {  	_ =	shalt  }
0x6e: {  	_ =	shalt  }
0x6f: {  	_ =	shalt  }
0x70: {  	_ =	shalt  }
0x71: {  	_ =	shalt  }
0x72: {  	_ =	shalt  }
0x73: {  	_ =	shalt  }
0x74: {  	_ =	shalt  }
0x75: {  	_ =	shalt  }
0x76: {  	_ =	shalt  }
0x77: {  	_ =	shalt  }
0x78: {  	_ =	shalt  }
0x79: {  	_ =	shalt  }
0x7a: {  	_ =	shalt  }
0x7b: {  	_ =	shalt  }
0x7c: {  	_ =	shalt  }
0x7d: {  	_ =	shalt  }
0x7e: {  	_ =	shalt  }
0x7f: {  	_ =	shalt  }
0x80: {  	_ =	shalt  }
0x81: {  	_ =	shalt  }
0x82: {  	_ =	shalt  }
0x83: {  	_ =	shalt  }
0x84: {  	_ =	shalt  }
0x85: {  	_ =	shalt  }
0x86: {  	_ =	shalt  }
0x87: {  	_ =	shalt  }
.Lfunc_end0:
.L_simem_size_0:
called_computation_lowered:
.L_overlay_start_0:
0x88: {  	s2 =	sld [smem:$0x3FD9]  }
0x89: {  	s3 =	sld [smem:$0x3FFE];
	_ =	sdelay $0x1  }
0x8a: {  	s1 =	srdreg.scid  }
0x8b: {  	s0 =	sand.u32 $0x1, s1  }
0x8c: {  	s17 =	sshll.u32 s0, $0xA;
	s2 =	sadd.s32 s3, s2  }
0x8d: {  	s2 =	sadd.s32 s2, s17  }
0x8e: {  	[smem:$0x3FB8] =	sst s2  }
0x8f: {  	_ = 	snop  }
0x90: {  	s2 =	sld [smem:$0x3FC9];
	(tm) =	ssettm $0x1  }
0x91: {  	s18 =	sld [smem:$0x3FFB];
	_ =	sdelay $0x3  }
0x92: {  	_ =	strace s18  }
0x93: {  	s3 =	sld [smem:$0x3FFC];
	_ =	sdelay $0x3  }
0x94: {  	_ =	strace s3  }
0x95: {  	s3 =	sld [smem:$0x3FFD];
	_ =	sdelay $0x3  }
0x96: {  	_ =	strace s3  }
0x97: {  	_ =	strace $0x8FFFFFFF  }
0x98: {  	s19 =	sld [smem:$0x3FDB];
	_ =	sdelay $0x1  }
0x99: {  	s4 =	simm.s32 $_scs_section_size  }
0x9a: {  	s5 =	simm.s32 $_size__tile_overlayer_lowered;
	s6 =	simm.s32 $_tile_overlayer_lowered  }
0x9b: {  	s22 =	simm.s32 $0x1BFF;
	s21 =	sshll.u32 s6, $0x1;
	s3 =	sadd.s32 s4, s19  }
0x9c: {  	s7 =	simm.s32 $0x0;
	s20 =	sshll.u32 s5, $0x1;
	s5 =	sadd.s32 s21, s3  }
0x9d: {  	[timem:s7], [sflag:s22] =	dma.local [hbm:s5], s20  }
0x9e: {  	_ =	swait.ge [sflag:s22], s20  }
0x9f: {  	s4 =	ssub.s32 $0x0, s20;
	[sflag:s22] =	ssyncset.done $0x0  }
0xa0: {  	[sflag:s22] =	ssyncadd.s32 s4;
	_ =	sdelay $0x1  }
0xa1: {  	s23 =	simm.s32 $0x1B8B  }
0xa2: {  	_ =	swait.ge [sflag:s23], $0x1  }
0xa3: {  	[sflag:s23] =	ssyncset.done $0x0  }
0xa4: {  	s25 =	simm.s32 $0x1B8E;
	s24 =	sld [smem:$0x3FFE];
	[sflag:s23] =	ssyncadd.s32 $0xFFFFFFFF  }
0xa5: {  	s26 =	simm.s32 $execute0_lowered;
	[smem:$0x3FD2] =	sst s25  }
0xa6: {  	s5 =	sshll.u32 s26, $0x1;
	_ =	strace $0x80000046;
	[dreg:$0x1] =	wrdreg $0xFFFFFFFF  }
0xa7: {  	s28 =	simm.s32 $_size_execute0_lowered;
	s3 =	sadd.s32 s3, s5;
	[dreg:$0x0] =	wrdreg $0x0  }
0xa8: {  	s5 =	sshll.u32 s28, $0x1;
	[dreg:$0x2] =	wrdreg s3  }
0xa9: {  	[dreg:$0x3] =	wrdreg s5  }
0xaa: {  	[dreg:$0x4] =	wrdreg $0xC0  }
0xab: {  	_ =	task [dreg:s7], $0x5FFFF  }
0xac: {  	[dreg:$0x1] =	wrdreg $0xFFFFFFFF  }
0xad: {  	[dreg:$0x0] =	wrdreg $0x60  }
0xae: {  	[dreg:$0x2] =	wrdreg s2  }
0xaf: {  	[dreg:$0x3] =	wrdreg s24  }
0xb0: {  	[dreg:$0x4] =	wrdreg $0xBB000  }
0xb1: {  	[dreg:$0x5] =	wrdreg $0x9  }
0xb2: {  	_ =	task.clear_ibuf [dreg:s7], $0x6FFFF;
	_ =	strace $0x90000046  }
0xb3: {  	s29 =	simm.s32 $0x9;
	_ =	strace $0x80000048  }
0xb4: {  	_ =	swait.ge [sflag:s29], $0x1  }
0xb5: {  	[sflag:s29] =	ssyncadd.s32 $0xFFFFFFFF  }
0xb6: {  	_ =	strace $0x90000048  }
0xb7: {  	_ =	sfence  }
0xb8: {  	s30 =	sld [smem:$0x0];
	_ =	sdelay $0x2  }
0xb9: {  	s31 =	sshll.u32 s1, $0xD;
	s1 =	sshrl.u32 s1, $0x2  }
0xba: {  	s3 =	sand.u32 $0x4000, s31;
	s1 =	sadd.s32 s1, s30  }
0xbb: {  	s0 =	sor.u32 s3, s0;
	s1 =	sshll.u32 s1, $0x11  }
0xbc: {  	s0 =	sor.u32 s1, s0  }
0xbd: {  	s0 =	sadd.s32 $0x8F2B, s0  }
0xbe: {  	[sflag:s0] =	ssyncadd.remote.s32 $0x1  }
0xbf: {  	_ =	sfence.sel $0xFFFF  }
0xc0: {  	[dreg:$0x0] =	wrdreg $0xFFFFFFFF;
	(pc) =	sbr.abs _section_cstart, $3  }
0xc1: {  	[dreg:$0x1] =	wrdreg $0xFFFFFFFF  }
0xc2: {  	_ =	task.clear_ibuf [dreg:s7], $0x2FFFF;
	_ =	strace $0x9FFFFFFF  }
0xc3: {  	(tm) =	ssettm $0x7FFFFFFF  }
tec
execute0_lowered:
.L_overlay_start_1:
0x0: {  	(tag) =	ssettag $0x1  }
0x1: {  	s2 =	rddreg [dreg:$0x0]  }
0x2: {  	s0 =	rddreg [dreg:$0x1];
	s1 =	srdreg.scid  }
0x3: {  	s3 =	rddreg [dreg:$0x2];
	s12 =	stileid.u32  }
0x4: {  	s4 =	simm.s32 $0x0;
	s29 =	simm.s32 $0x6B00;
	s28 =	simm.s32 $0x6  }
0x5: {  	s31 =	simm.s32 $0x9300;
	s13 =	simm.s32 $0xC;
	s14 =	simm.s32 $0x3  }
0x6: {  	s15 =	simm.s32 $0x9;
	s30 =	simm.s32 $0x4280;
	s1 =	sand.u32 $0x1, s1  }
0x7: {  	s6 =	sshll.u32 s12, $0xE;
	s7 =	smul.u32 $0x14000, s12;
	[smem:$0x7FF] =	sst s4  }
0x8: {  	s20 =	smul.u32 $0x50000, s12;
	s12 =	simm.s32 $0x8;
	s5 =	sshll.u32 s1, $0x12  }
0x9: {  	s9 =	smul.u32 $0x140000, s1;
	_ =	strace $0x80000047;
	s1 =	ssub.s32 $0x2, s1  }
0xa: {  	s5 =	sor.u32 s6, s5;
	s6 =	sadd.s32 $0x3800, s0;
	s11 =	sshrl.u32 s7, $0x3  }
0xb: {  	s17 =	sshrl.u32 s1, $0x1;
	s8 =	sshrl.u32 s5, $0x3;
	s7 =	sadd.s32 s7, s9  }
0xc: {  	s16 =	sadd.s32 s11, s0;
	s1 =	ssub.s32 s1, s17;
	s24 =	sor.u32 $0x400, s5  }
0xd: {  	s17 =	simm.s32 $0x4000;
	s9 =	simm.s32 $0x4;
	s11 =	simm.s32 $0x2  }
0xe: {  	s10 =	sadd.s32 s8, s0;
	s8 =	sadd.s32 s6, s8;
	[dreg:$0x4] =	wrdreg s24  }
0xf: {  	s7 =	sshrl.u32 s7, $0x3;
	s25 =	sadd.s32 $0x23800, s16;
	[dreg:$0x5] =	wrdreg s8  }
0x10: {  	s26 =	smax.u32 s1, $0x1;
	s24 =	simm.s32 $0x5;
	[dreg:$0xd] =	wrdreg s25  }
0x11: {  	s1 =	simm.s32 $0xE;
	s18 =	sadd.s32 $0x10, s8;
	[dreg:$0xf] =	wrdreg s26  }
0x12: {  	s16 =	simm.s32 $0xD;
	s19 =	sadd.s32 $0x20, s8;
	[dreg:$0x6] =	wrdreg s18  }
0x13: {  	s0 =	sadd.s32 s7, s0;
	s21 =	sadd.s32 $0x30, s8;
	[dreg:$0x7] =	wrdreg s19  }
0x14: {  	s22 =	sadd.s32 $0x40, s8;
	s8 =	sadd.s32 $0x50, s8;
	[dreg:$0x8] =	wrdreg s21  }
0x15: {  	s23 =	sadd.s32 $0x13800, s10;
	s7 =	sshrl.u32 s20, $0x2;
	[dreg:$0x9] =	wrdreg s22  }
0x16: {  	s25 =	simm.s32 $0x50;
	s26 =	simm.s32 $0x4300;
	[dreg:$0xa] =	wrdreg s8  }
0x17: {  	s10 =	simm.s32 $0xB;
	[dreg:$0xb] =	wrdreg s23;
	s7 =	sadd.s32 s7, s3  }
0x18: {  	s0 =	sadd.s32 $0x4B800, s0;
	s18 =	simm.s32 $0x4080;
	[dreg:$0xc] =	wrdreg s7  }
0x19: {  	s8 =	simm.s32 $0x1;
	[dreg:$0xe] =	wrdreg s0;
	s7 =	simm.s32 $0x0  }
.LBB2_1:
0x1a: {  	[dreg:$0x10] =	wrdreg s7  }
0x1b: {  	s0 =	rddreg [dreg:$0x5]  }
0x1c: {  	[tilespmem:s17], [sflag:$0x4] =	stream.linear.gather [hbm4b:s0+s4], $0x80, $0x38;
	[tilespmem:$0x1FB00] =	vst v63  }
0x1d: {  	s20 =	rddreg [dreg:$0x6]  }
0x1e: {  	[tilespmem:s18], [sflag:$0x5] =	stream.linear.gather [hbm4b:s20+s4], $0x80, $0x38;
	[tilespmem:$0x1FB00] =	vst v63  }
0x1f: {  	s21 =	rddreg [dreg:$0x7];
	s19 =	simm.s32 $0x4100  }
0x20: {  	[tilespmem:s19], [sflag:$0x6] =	stream.linear.gather [hbm4b:s21+s4], $0x80, $0x38;
	[tilespmem:$0x1FB00] =	vst v63  }
0x21: {  	s22 =	rddreg [dreg:$0x8];
	s20 =	simm.s32 $0x4180  }
0x22: {  	[tilespmem:s20], [sflag:$0x7] =	stream.linear.gather [hbm4b:s22+s4], $0x80, $0x38;
	[tilespmem:$0x1FB00] =	vst v63  }
0x23: {  	s23 =	rddreg [dreg:$0x9];
	s21 =	simm.s32 $0x4200  }
0x24: {  	[tilespmem:s21], [sflag:$0x8] =	stream.linear.gather [hbm4b:s23+s4], $0x80, $0x38;
	[tilespmem:$0x1FB00] =	vst v63  }
0x25: {  	s7 =	rddreg [dreg:$0xa];
	s22 =	simm.s32 $0x4280  }
0x26: {  	[tilespmem:s22], [sflag:$0x9] =	stream.linear.gather [hbm4b:s7+s4], $0x80, $0x38;
	[tilespmem:$0x1FB00] =	vst v63  }
0x27: {  	s23 =	rddreg [dreg:$0xb]  }
0x28: {  	[tilespmem:s4], [sflag:$0xA] =	stream.linear.gather [hbm4b:s23+s4], $0x3F00, $0x38;
	[tilespmem:$0x1FB00] =	vst v63  }
0x29: {  	_ =	swait.ge [sflag:s9], $0x80  }
0x2a: {  	[sflag:s9] =	ssyncset.done $0x0  }
0x2b: {  	[sflag:s9] =	ssyncadd.s32 $0xFFFFFF80  }
0x2c: {  	[tilespmem:s26], [sflag:$0x1] =	stream.indirect.gather [hbm4b:s2+s25], $0x80, s17, s25, $0xb8;
	[tilespmem:$0x1FB00] =	vst v63  }
0x2d: {  	s7 =	stileid.u32;
	_ =	swait.ge [sflag:s24], $0x80  }
0x2e: {  	s0 =	sshll.u32 s7, $0x6;
	[sflag:s24] =	ssyncset.done $0x0  }
0x2f: {  	s7 =	sor.u32 $0x1C0E, s0;
	[sflag:s24] =	ssyncadd.s32 $0xFFFFFF80  }
0x30: {  	[tilespmem:s29], [sflag:$0x2] =	stream.indirect.gather [hbm4b:s2+s25], $0x80, s18, s25, $0xb8;
	[tilespmem:$0x1FB00] =	vst v63  }
0x31: {  	_ =	swait.ge [sflag:s28], $0x80;
	[dreg:$0x11] =	wrdreg s7  }
0x32: {  	[sflag:s28] =	ssyncset.done $0x0;
	s23 =	rddreg [dreg:$0xc]  }
0x33: {  	s0 =	rddreg [dreg:$0xd];
	[sflag:s28] =	ssyncadd.s32 $0xFFFFFF80;
	s23 =	sshrl.u32 s23, $0x3  }
0x34: {  	[tilespmem:s31], [sflag:$0x3] =	stream.indirect.gather [hbm4b:s2+s25], $0x80, s19, s25, $0xb8;
	[tilespmem:$0x1FB00] =	vst v63  }
0x35: {  	[dreg:$0x12] =	wrdreg s23  }
0x36: {  	[spmem:s23], [sflag:s7] =	dma.local [hbm:s0], $0x2800  }
0x37: {  	_ =	swait.ge [sflag:s1], $0x2800  }
0x38: {  	[sflag:s1] =	ssyncset.done $0x0  }
0x39: {  	[sflag:s1] =	ssyncadd.s32 $0xFFFFD800;
	s1 =	simm.s32 $0xA  }
0x3a: {  	_ =	swait.ge [sflag:s1], $0x3F00  }
0x3b: {  	[sflag:s1] =	ssyncset.done $0x0  }
0x3c: {  	[sflag:s1] =	ssyncadd.s32 $0xFFFFC100  }
0x3d: {  	s7 =	simm.s32 $0x300;
	[bflag:$0x0] =	sbarrier.arrive $0xFFFF  }
0x3e: {  	s23 =	sand.u32 $0xFC00, s7;
	_ =	swait.ge [sflag:s8], $0x2800  }
0x3f: {  	s0 =	sand.u32 $0x300, s7;
	s7 =	sadd.s32 s5, s23;
	[sflag:s8] =	ssyncset.done $0x0  }
0x40: {  	s23 =	simm.s32 $0x7;
	s1 =	simm.s32 $0x0;
	[sflag:s8] =	ssyncadd.s32 $0xFFFFD800  }
0x41: {  	[spmem:s3] =	stream.indirect.scatter.add.f32 [tilespmem:s26], [sflag:$0xB], $0x80, s1, s25, $0xb8;
	[tilespmem:$0x1FB00] =	vst v63  }
0x42: {  	s0 =	sor.u32 s0, s7;
	_ =	swait.ge [sflag:s23], $0x80  }
0x43: {  	s0 =	sshrl.u32 s0, $0x3;
	[sflag:s23] =	ssyncset.done $0x0  }
0x44: {  	s0 =	sadd.s32 s6, s0;
	[sflag:s23] =	ssyncadd.s32 $0xFFFFFF80  }
0x45: {  	[tilespmem:s17], [sflag:$0x4] =	stream.linear.gather [hbm4b:s0+s4], $0x80, $0x38;
	[tilespmem:$0x1FB00] =	vst v63  }
0x46: {  	_ =	swait.ge [sflag:s10], $0x2800  }
0x47: {  	[sflag:s10] =	ssyncset.done $0x0  }
0x48: {  	[sflag:s10] =	ssyncadd.s32 $0xFFFFD800  }
0x49: {  	[tilespmem:s26], [sflag:$0x1] =	stream.indirect.gather [hbm4b:s2+s25], $0x80, s20, s25, $0xb8;
	[tilespmem:$0x1FB00] =	vst v63  }
0x4a: {  	s0 =	simm.s32 $0x380;
	_ =	swait.ge [sflag:s11], $0x2800  }
0x4b: {  	s1 =	simm.s32 $0x80;
	s23 =	sand.u32 $0xFC00, s0;
	[sflag:s11] =	ssyncset.done $0x0  }
0x4c: {  	s0 =	sand.u32 $0x380, s0;
	s7 =	sadd.s32 s5, s23;
	[sflag:s11] =	ssyncadd.s32 $0xFFFFD800  }
0x4d: {  	[spmem:s3] =	stream.indirect.scatter.add.f32 [tilespmem:s29], [sflag:$0xC], $0x80, s1, s25, $0xb8;
	[tilespmem:$0x1FB00] =	vst v63  }
0x4e: {  	s0 =	sor.u32 s0, s7;
	_ =	swait.ge [sflag:s12], $0x80  }
0x4f: {  	s0 =	sshrl.u32 s0, $0x3;
	[sflag:s12] =	ssyncset.done $0x0  }
0x50: {  	s0 =	sadd.s32 s6, s0;
	[sflag:s12] =	ssyncadd.s32 $0xFFFFFF80  }
0x51: {  	[tilespmem:s18], [sflag:$0x5] =	stream.linear.gather [hbm4b:s0+s4], $0x80, $0x38;
	[tilespmem:$0x1FB00] =	vst v63  }
0x52: {  	_ =	swait.ge [sflag:s13], $0x2800  }
0x53: {  	[sflag:s13] =	ssyncset.done $0x0  }
0x54: {  	[sflag:s13] =	ssyncadd.s32 $0xFFFFD800  }
0x55: {  	[tilespmem:s29], [sflag:$0x2] =	stream.indirect.gather [hbm4b:s2+s25], $0x80, s21, s25, $0xb8;
	[tilespmem:$0x1FB00] =	vst v63  }
0x56: {  	_ =	swait.ge [sflag:s14], $0x2800  }
0x57: {  	[sflag:s14] =	ssyncset.done $0x0  }
0x58: {  	s1 =	simm.s32 $0x100;
	[sflag:s14] =	ssyncadd.s32 $0xFFFFD800  }
0x59: {  	[spmem:s3] =	stream.indirect.scatter.add.f32 [tilespmem:s31], [sflag:$0xD], $0x80, s1, s25, $0xb8;
	[tilespmem:$0x1FB00] =	vst v63  }
0x5a: {  	s7 =	simm.s32 $0x0;
	_ =	swait.ge [sflag:s15], $0x80  }
0x5b: {  	s23 =	sand.u32 $0x7C00, s7;
	s0 =	rddreg [dreg:$0x4]  }
0x5c: {  	s1 =	sand.u32 $0x300, s7;
	s0 =	sadd.s32 s23, s0  }
0x5d: {  	s0 =	sor.u32 s1, s0  }
0x5e: {  	[sflag:s15] =	ssyncset.done $0x0;
	s0 =	sshrl.u32 s0, $0x3  }
0x5f: {  	[sflag:s15] =	ssyncadd.s32 $0xFFFFFF80;
	s0 =	sadd.s32 s6, s0  }
0x60: {  	[tilespmem:s19], [sflag:$0x6] =	stream.linear.gather [hbm4b:s0+s4], $0x80, $0x38;
	[tilespmem:$0x1FB00] =	vst v63  }
0x61: {  	_ =	swait.ge [sflag:s16], $0x2800  }
0x62: {  	[sflag:s16] =	ssyncset.done $0x0  }
0x63: {  	[sflag:s16] =	ssyncadd.s32 $0xFFFFD800  }
0x64: {  	[tilespmem:s31], [sflag:$0x3] =	stream.indirect.gather [hbm4b:s2+s25], $0x80, s22, s25, $0xb8;
	[tilespmem:$0x1FB00] =	vst v63  }
0x65: {  	s7 =	simm.s32 $0x480;
	_ =	swait.ge [sflag:s8], $0x2800  }
0x66: {  	s23 =	simm.s32 $0x180;
	s19 =	sand.u32 $0xFC00, s7;
	[sflag:s8] =	ssyncset.done $0x0  }
0x67: {  	s0 =	sand.u32 $0x380, s7;
	s1 =	sadd.s32 s5, s19;
	[sflag:s8] =	ssyncadd.s32 $0xFFFFD800  }
0x68: {  	[spmem:s3] =	stream.indirect.scatter.add.f32 [tilespmem:s26], [sflag:$0xB], $0x80, s23, s25, $0xb8;
	[tilespmem:$0x1FB00] =	vst v63  }
0x69: {  	s0 =	sor.u32 s0, s1;
	_ =	swait.ge [sflag:s9], $0x80  }
0x6a: {  	s0 =	sshrl.u32 s0, $0x3;
	[sflag:s9] =	ssyncset.done $0x0  }
0x6b: {  	s0 =	sadd.s32 s6, s0;
	[sflag:s9] =	ssyncadd.s32 $0xFFFFFF80  }
0x6c: {  	[tilespmem:s20], [sflag:$0x7] =	stream.linear.gather [hbm4b:s0+s4], $0x80, $0x38;
	[tilespmem:$0x1FB00] =	vst v63  }
0x6d: {  	_ =	swait.ge [sflag:s10], $0x2800  }
0x6e: {  	[sflag:s10] =	ssyncset.done $0x0  }
0x6f: {  	[sflag:s10] =	ssyncadd.s32 $0xFFFFD800  }
0x70: {  	[tilespmem:s26], [sflag:$0x1] =	stream.indirect.gather [hbm4b:s2+s25], $0x80, s17, s25, $0xb8;
	[tilespmem:$0x1FB00] =	vst v63  }
0x71: {  	s17 =	simm.s32 $0x500;
	_ =	swait.ge [sflag:s11], $0x2800  }
0x72: {  	s20 =	simm.s32 $0x200;
	s19 =	sand.u32 $0xFC00, s17;
	[sflag:s11] =	ssyncset.done $0x0  }
0x73: {  	s0 =	sand.u32 $0x300, s17;
	s1 =	sadd.s32 s5, s19;
	[sflag:s11] =	ssyncadd.s32 $0xFFFFD800  }
0x74: {  	[spmem:s3] =	stream.indirect.scatter.add.f32 [tilespmem:s29], [sflag:$0xC], $0x80, s20, s25, $0xb8;
	[tilespmem:$0x1FB00] =	vst v63  }
0x75: {  	s0 =	sor.u32 s0, s1;
	_ =	swait.ge [sflag:s24], $0x80  }
0x76: {  	s0 =	sshrl.u32 s0, $0x3;
	[sflag:s24] =	ssyncset.done $0x0  }
0x77: {  	s0 =	sadd.s32 s6, s0;
	[sflag:s24] =	ssyncadd.s32 $0xFFFFFF80  }
0x78: {  	[tilespmem:s21], [sflag:$0x8] =	stream.linear.gather [hbm4b:s0+s4], $0x80, $0x38;
	[tilespmem:$0x1FB00] =	vst v63  }
0x79: {  	_ =	swait.ge [sflag:s13], $0x2800  }
0x7a: {  	[sflag:s13] =	ssyncset.done $0x0  }
0x7b: {  	[sflag:s13] =	ssyncadd.s32 $0xFFFFD800  }
0x7c: {  	[tilespmem:s29], [sflag:$0x2] =	stream.indirect.gather [hbm4b:s2+s25], $0x80, s18, s25, $0xb8;
	[tilespmem:$0x1FB00] =	vst v63  }
0x7d: {  	s23 =	simm.s32 $0x580;
	_ =	swait.ge [sflag:s14], $0x2800  }
0x7e: {  	s1 =	sand.u32 $0x380, s23;
	s24 =	sand.u32 $0xFC00, s23;
	[sflag:s14] =	ssyncset.done $0x0  }
0x7f: {  	s0 =	simm.s32 $0x280;
	s7 =	sadd.s32 s5, s24;
	[sflag:s14] =	ssyncadd.s32 $0xFFFFD800  }
0x80: {  	[spmem:s3] =	stream.indirect.scatter.add.f32 [tilespmem:s31], [sflag:$0xD], $0x80, s0, s25, $0xb8;
	[tilespmem:$0x1FB00] =	vst v63  }
0x81: {  	s1 =	sor.u32 s1, s7;
	_ =	swait.ge [sflag:s28], $0x80  }
0x82: {  	s1 =	sshrl.u32 s1, $0x3;
	[sflag:s28] =	ssyncset.done $0x0  }
0x83: {  	s1 =	sadd.s32 s6, s1;
	[sflag:s28] =	ssyncadd.s32 $0xFFFFFF80  }
0x84: {  	[tilespmem:s22], [sflag:$0x9] =	stream.linear.gather [hbm4b:s1+s4], $0x80, $0x38;
	[tilespmem:$0x1FB00] =	vst v63  }
0x85: {  	s9 =	simm.s32 $0x4;
	s20 =	simm.s32 $0x4000;
	_ =	swait.ge [sflag:s16], $0x2800  }
0x86: {  	s21 =	simm.s32 $0x4080;
	s7 =	simm.s32 $0x880;
	[sflag:s16] =	ssyncset.done $0x0  }
.LBB2_2:
0x87: {  	[sflag:s16] =	ssyncadd.s32 $0xFFFFD800;
	s0 =	sadd.s32 $0x300, s0;
	s23 =	simm.s32 $0x4100  }
0x88: {  	[tilespmem:s31], [sflag:$0x3] =	stream.indirect.gather [hbm4b:s2+s25], $0x80, s23, s25, $0xb8;
	[tilespmem:$0x1FB00] =	vst v63  }
0x89: {  	s18 =	sadd.s32 $0xFFFFFD80, s7;
	s22 =	simm.s32 $0x7;
	_ =	swait.ge [sflag:s8], $0x2800  }
0x8a: {  	s17 =	sadd.s32 $0xFFFFFD80, s0;
	s19 =	sand.u32 $0xFC00, s18;
	[sflag:s8] =	ssyncset.done $0x0  }
0x8b: {  	s18 =	sand.u32 $0x300, s18;
	s19 =	sadd.s32 s5, s19;
	[sflag:s8] =	ssyncadd.s32 $0xFFFFD800  }
0x8c: {  	[spmem:s3] =	stream.indirect.scatter.add.f32 [tilespmem:s26], [sflag:$0xB], $0x80, s17, s25, $0xb8;
	[tilespmem:$0x1FB00] =	vst v63  }
0x8d: {  	s19 =	sor.u32 s18, s19;
	_ =	swait.ge [sflag:s22], $0x80  }
0x8e: {  	s17 =	sshrl.u32 s19, $0x3;
	[sflag:s22] =	ssyncset.done $0x0  }
0x8f: {  	s17 =	sadd.s32 s6, s17;
	[sflag:s22] =	ssyncadd.s32 $0xFFFFFF80  }
0x90: {  	[tilespmem:s20], [sflag:$0x4] =	stream.linear.gather [hbm4b:s17+s4], $0x80, $0x38;
	[tilespmem:$0x1FB00] =	vst v63  }
0x91: {  	_ =	swait.ge [sflag:s10], $0x2800  }
0x92: {  	[sflag:s10] =	ssyncset.done $0x0  }
0x93: {  	s1 =	smov.u32 s7;
	s24 =	simm.s32 $0x4180;
	[sflag:s10] =	ssyncadd.s32 $0xFFFFD800  }
0x94: {  	[tilespmem:s26], [sflag:$0x1] =	stream.indirect.gather [hbm4b:s2+s25], $0x80, s24, s25, $0xb8;
	[tilespmem:$0x1FB00] =	vst v63  }
0x95: {  	s17 =	sadd.s32 $0xFFFFFE00, s1;
	_ =	swait.ge [sflag:s11], $0x2800  }
0x96: {  	s18 =	sadd.s32 $0xFFFFFE00, s0;
	s22 =	sand.u32 $0xFC00, s17;
	[sflag:s11] =	ssyncset.done $0x0  }
0x97: {  	s17 =	sand.u32 $0x380, s17;
	s19 =	sadd.s32 s5, s22;
	[sflag:s11] =	ssyncadd.s32 $0xFFFFD800  }
0x98: {  	[spmem:s3] =	stream.indirect.scatter.add.f32 [tilespmem:s29], [sflag:$0xC], $0x80, s18, s25, $0xb8;
	[tilespmem:$0x1FB00] =	vst v63  }
0x99: {  	s17 =	sor.u32 s17, s19;
	_ =	swait.ge [sflag:s12], $0x80  }
0x9a: {  	s17 =	sshrl.u32 s17, $0x3;
	[sflag:s12] =	ssyncset.done $0x0  }
0x9b: {  	s17 =	sadd.s32 s6, s17;
	[sflag:s12] =	ssyncadd.s32 $0xFFFFFF80  }
0x9c: {  	[tilespmem:s21], [sflag:$0x5] =	stream.linear.gather [hbm4b:s17+s4], $0x80, $0x38;
	[tilespmem:$0x1FB00] =	vst v63  }
0x9d: {  	_ =	swait.ge [sflag:s13], $0x2800  }
0x9e: {  	[sflag:s13] =	ssyncset.done $0x0  }
0x9f: {  	s28 =	simm.s32 $0x4200;
	[sflag:s13] =	ssyncadd.s32 $0xFFFFD800  }
0xa0: {  	[tilespmem:s29], [sflag:$0x2] =	stream.indirect.gather [hbm4b:s2+s25], $0x80, s28, s25, $0xb8;
	[tilespmem:$0x1FB00] =	vst v63  }
0xa1: {  	_ =	swait.ge [sflag:s14], $0x2800  }
0xa2: {  	[sflag:s14] =	ssyncset.done $0x0  }
0xa3: {  	s22 =	sadd.s32 $0xFFFFFE80, s0;
	[sflag:s14] =	ssyncadd.s32 $0xFFFFD800  }
0xa4: {  	[spmem:s3] =	stream.indirect.scatter.add.f32 [tilespmem:s31], [sflag:$0xD], $0x80, s22, s25, $0xb8;
	[tilespmem:$0x1FB00] =	vst v63  }
0xa5: {  	s18 =	sadd.s32 $0xFFFFFA80, s1;
	_ =	swait.ge [sflag:s15], $0x80  }
0xa6: {  	s22 =	sand.u32 $0x7C00, s18;
	s19 =	rddreg [dreg:$0x4]  }
0xa7: {  	s17 =	sand.u32 $0x300, s18;
	s18 =	sadd.s32 s22, s19  }
0xa8: {  	s17 =	sor.u32 s17, s18  }
0xa9: {  	[sflag:s15] =	ssyncset.done $0x0;
	s17 =	sshrl.u32 s17, $0x3  }
0xaa: {  	[sflag:s15] =	ssyncadd.s32 $0xFFFFFF80;
	s17 =	sadd.s32 s6, s17  }
0xab: {  	[tilespmem:s23], [sflag:$0x6] =	stream.linear.gather [hbm4b:s17+s4], $0x80, $0x38;
	[tilespmem:$0x1FB00] =	vst v63  }
0xac: {  	_ =	swait.ge [sflag:s16], $0x2800  }
0xad: {  	[sflag:s16] =	ssyncset.done $0x0  }
0xae: {  	[sflag:s16] =	ssyncadd.s32 $0xFFFFD800  }
0xaf: {  	[tilespmem:s31], [sflag:$0x3] =	stream.indirect.gather [hbm4b:s2+s25], $0x80, s30, s25, $0xb8;
	[tilespmem:$0x1FB00] =	vst v63  }
0xb0: {  	s18 =	sadd.s32 $0xFFFFFF00, s1;
	_ =	swait.ge [sflag:s8], $0x2800  }
0xb1: {  	s19 =	sand.u32 $0xFC00, s18;
	s17 =	sand.u32 $0x380, s18;
	[sflag:s8] =	ssyncset.done $0x0  }
0xb2: {  	s23 =	sadd.s32 $0xFFFFFF00, s0;
	s18 =	sadd.s32 s5, s19;
	[sflag:s8] =	ssyncadd.s32 $0xFFFFD800  }
0xb3: {  	[spmem:s3] =	stream.indirect.scatter.add.f32 [tilespmem:s26], [sflag:$0xB], $0x80, s23, s25, $0xb8;
	[tilespmem:$0x1FB00] =	vst v63  }
0xb4: {  	s17 =	sor.u32 s17, s18;
	_ =	swait.ge [sflag:s9], $0x80  }
0xb5: {  	s17 =	sshrl.u32 s17, $0x3;
	[sflag:s9] =	ssyncset.done $0x0  }
0xb6: {  	s17 =	sadd.s32 s6, s17;
	[sflag:s9] =	ssyncadd.s32 $0xFFFFFF80  }
0xb7: {  	[tilespmem:s24], [sflag:$0x7] =	stream.linear.gather [hbm4b:s17+s4], $0x80, $0x38;
	[tilespmem:$0x1FB00] =	vst v63  }
0xb8: {  	_ =	swait.ge [sflag:s10], $0x2800  }
0xb9: {  	[sflag:s10] =	ssyncset.done $0x0  }
0xba: {  	s19 =	sadd.s32 $0xFFFFFF80, s1;
	[sflag:s10] =	ssyncadd.s32 $0xFFFFD800  }
0xbb: {  	[tilespmem:s26], [sflag:$0x1] =	stream.indirect.gather [hbm4b:s2+s25], $0x80, s20, s25, $0xb8;
	[tilespmem:$0x1FB00] =	vst v63  }
0xbc: {  	s18 =	sand.u32 $0xFC00, s19;
	_ =	swait.ge [sflag:s11], $0x2800  }
0xbd: {  	s18 =	sadd.s32 s5, s18;
	s24 =	simm.s32 $0x5;
	[sflag:s11] =	ssyncset.done $0x0  }
0xbe: {  	s17 =	sand.u32 $0x300, s19;
	s19 =	sadd.s32 $0xFFFFFF80, s0;
	[sflag:s11] =	ssyncadd.s32 $0xFFFFD800  }
0xbf: {  	[spmem:s3] =	stream.indirect.scatter.add.f32 [tilespmem:s29], [sflag:$0xC], $0x80, s19, s25, $0xb8;
	[tilespmem:$0x1FB00] =	vst v63  }
0xc0: {  	s17 =	sor.u32 s17, s18;
	_ =	swait.ge [sflag:s24], $0x80  }
0xc1: {  	s17 =	sshrl.u32 s17, $0x3;
	[sflag:s24] =	ssyncset.done $0x0  }
0xc2: {  	s17 =	sadd.s32 s6, s17;
	[sflag:s24] =	ssyncadd.s32 $0xFFFFFF80  }
0xc3: {  	[tilespmem:s28], [sflag:$0x8] =	stream.linear.gather [hbm4b:s17+s4], $0x80, $0x38;
	[tilespmem:$0x1FB00] =	vst v63  }
0xc4: {  	_ =	swait.ge [sflag:s13], $0x2800  }
0xc5: {  	[sflag:s13] =	ssyncset.done $0x0  }
0xc6: {  	[sflag:s13] =	ssyncadd.s32 $0xFFFFD800  }
0xc7: {  	[tilespmem:s29], [sflag:$0x2] =	stream.indirect.gather [hbm4b:s2+s25], $0x80, s21, s25, $0xb8;
	[tilespmem:$0x1FB00] =	vst v63  }
0xc8: {  	_ =	swait.ge [sflag:s14], $0x2800  }
0xc9: {  	s19 =	sand.u32 $0xFC00, s1;
	s1 =	sand.u32 $0x380, s1;
	[sflag:s14] =	ssyncset.done $0x0  }
0xca: {  	s28 =	simm.s32 $0x6;
	s17 =	sadd.s32 s5, s19;
	[sflag:s14] =	ssyncadd.s32 $0xFFFFD800  }
0xcb: {  	[spmem:s3] =	stream.indirect.scatter.add.f32 [tilespmem:s31], [sflag:$0xD], $0x80, s0, s25, $0xb8;
	[tilespmem:$0x1FB00] =	vst v63  }
0xcc: {  	p0 =	sne.s32 s7, $0x3E80;
	s1 =	sor.u32 s1, s17;
	_ =	swait.ge [sflag:s28], $0x80  }
.Ltmp0:
0xcd: {  	s1 =	sshrl.u32 s1, $0x3;
	[sflag:s28] =	ssyncset.done $0x0;
	(pc) =	sbr.rel @p0 .LBB2_2-.Ltmp0, $4  }
0xce: {  	s7 =	sadd.s32 $0x300, s7;
	s1 =	sadd.s32 s6, s1;
	[sflag:s28] =	ssyncadd.s32 $0xFFFFFF80  }
0xcf: {  	[tilespmem:s30], [sflag:$0x9] =	stream.linear.gather [hbm4b:s1+s4], $0x80, $0x38;
	[tilespmem:$0x1FB00] =	vst v63  }
0xd0: {  	s22 =	simm.s32 $0x4100;
	s23 =	simm.s32 $0x4180;
	_ =	swait.ge [sflag:s16], $0x2800  }
0xd1: {  	s18 =	simm.s32 $0x4200;
	s17 =	simm.s32 $0x4280;
	[sflag:s16] =	ssyncset.done $0x0  }
0xd2: {  	[sflag:s16] =	ssyncadd.s32 $0xFFFFD800  }
0xd3: {  	[tilespmem:s31], [sflag:$0x3] =	stream.indirect.gather [hbm4b:s2+s25], $0x80, s22, s25, $0xb8;
	[tilespmem:$0x1FB00] =	vst v63  }
0xd4: {  	_ =	swait.ge [sflag:s8], $0x2800  }
0xd5: {  	[sflag:s8] =	ssyncset.done $0x0  }
0xd6: {  	s0 =	simm.s32 $0x3C00;
	s1 =	simm.s32 $0x7;
	[sflag:s8] =	ssyncadd.s32 $0xFFFFD800  }
0xd7: {  	[spmem:s3] =	stream.indirect.scatter.add.f32 [tilespmem:s26], [sflag:$0xB], $0x80, s0, s25, $0xb8;
	[tilespmem:$0x1FB00] =	vst v63  }
0xd8: {  	_ =	swait.ge [sflag:s1], $0x80  }
0xd9: {  	[sflag:s1] =	ssyncset.done $0x0  }
0xda: {  	[sflag:s1] =	ssyncadd.s32 $0xFFFFFF80  }
0xdb: {  	_ =	swait.ge [sflag:s10], $0x2800  }
0xdc: {  	[sflag:s10] =	ssyncset.done $0x0  }
0xdd: {  	[sflag:s10] =	ssyncadd.s32 $0xFFFFD800  }
0xde: {  	[tilespmem:s26], [sflag:$0x1] =	stream.indirect.gather [hbm4b:s2+s25], $0x80, s23, s25, $0xb8;
	[tilespmem:$0x1FB00] =	vst v63  }
0xdf: {  	_ =	swait.ge [sflag:s11], $0x2800  }
0xe0: {  	[sflag:s11] =	ssyncset.done $0x0  }
0xe1: {  	s7 =	simm.s32 $0x3C80;
	[sflag:s11] =	ssyncadd.s32 $0xFFFFD800  }
0xe2: {  	[spmem:s3] =	stream.indirect.scatter.add.f32 [tilespmem:s29], [sflag:$0xC], $0x80, s7, s25, $0xb8;
	[tilespmem:$0x1FB00] =	vst v63  }
0xe3: {  	_ =	swait.ge [sflag:s12], $0x80  }
0xe4: {  	[sflag:s12] =	ssyncset.done $0x0  }
0xe5: {  	[sflag:s12] =	ssyncadd.s32 $0xFFFFFF80  }
0xe6: {  	_ =	swait.ge [sflag:s13], $0x2800  }
0xe7: {  	[sflag:s13] =	ssyncset.done $0x0  }
0xe8: {  	[sflag:s13] =	ssyncadd.s32 $0xFFFFD800  }
0xe9: {  	[tilespmem:s29], [sflag:$0x2] =	stream.indirect.gather [hbm4b:s2+s25], $0x80, s18, s25, $0xb8;
	[tilespmem:$0x1FB00] =	vst v63  }
0xea: {  	_ =	swait.ge [sflag:s14], $0x2800  }
0xeb: {  	[sflag:s14] =	ssyncset.done $0x0  }
0xec: {  	s9 =	simm.s32 $0x3D00;
	[sflag:s14] =	ssyncadd.s32 $0xFFFFD800  }
0xed: {  	[spmem:s3] =	stream.indirect.scatter.add.f32 [tilespmem:s31], [sflag:$0xD], $0x80, s9, s25, $0xb8;
	[tilespmem:$0x1FB00] =	vst v63  }
0xee: {  	_ =	swait.ge [sflag:s15], $0x80  }
0xef: {  	[sflag:s15] =	ssyncset.done $0x0  }
0xf0: {  	[sflag:s15] =	ssyncadd.s32 $0xFFFFFF80  }
0xf1: {  	_ =	swait.ge [sflag:s16], $0x2800  }
0xf2: {  	[sflag:s16] =	ssyncset.done $0x0  }
0xf3: {  	[sflag:s16] =	ssyncadd.s32 $0xFFFFD800  }
0xf4: {  	[tilespmem:s31], [sflag:$0x3] =	stream.indirect.gather [hbm4b:s2+s25], $0x80, s17, s25, $0xb8;
	[tilespmem:$0x1FB00] =	vst v63  }
0xf5: {  	_ =	swait.ge [sflag:s8], $0x2800  }
0xf6: {  	[sflag:s8] =	ssyncset.done $0x0  }
0xf7: {  	s18 =	simm.s32 $0x3D80;
	[sflag:s8] =	ssyncadd.s32 $0xFFFFD800  }
0xf8: {  	[spmem:s3] =	stream.indirect.scatter.add.f32 [tilespmem:s26], [sflag:$0xB], $0x80, s18, s25, $0xb8;
	[tilespmem:$0x1FB00] =	vst v63  }
0xf9: {  	_ =	swait.ge [sflag:s11], $0x2800  }
0xfa: {  	[sflag:s11] =	ssyncset.done $0x0  }
0xfb: {  	s19 =	simm.s32 $0x3E00;
	[sflag:s11] =	ssyncadd.s32 $0xFFFFD800  }
0xfc: {  	[spmem:s3] =	stream.indirect.scatter.add.f32 [tilespmem:s29], [sflag:$0xC], $0x80, s19, s25, $0xb8;
	[tilespmem:$0x1FB00] =	vst v63  }
0xfd: {  	_ =	swait.ge [sflag:s14], $0x2800  }
0xfe: {  	[sflag:s14] =	ssyncset.done $0x0  }
0xff: {  	s20 =	simm.s32 $0x3E80;
	[sflag:s14] =	ssyncadd.s32 $0xFFFFD800  }
0x100: {  	[spmem:s3] =	stream.indirect.scatter.add.f32 [tilespmem:s31], [sflag:$0xD], $0x80, s20, s25, $0xb8;
	[tilespmem:$0x1FB00] =	vst v63  }
0x101: {  	_ =	swait.ge [sflag:s10], $0x2800  }
0x102: {  	[sflag:s10] =	ssyncset.done $0x0  }
0x103: {  	[sflag:s10] =	ssyncadd.s32 $0xFFFFD800  }
0x104: {  	_ =	swait.ge [sflag:s13], $0x2800  }
0x105: {  	[sflag:s13] =	ssyncset.done $0x0  }
0x106: {  	[sflag:s13] =	ssyncadd.s32 $0xFFFFD800  }
0x107: {  	_ =	swait.ge [sflag:s16], $0x2800  }
0x108: {  	[sflag:s16] =	ssyncset.done $0x0  }
0x109: {  	[sflag:s16] =	ssyncadd.s32 $0xFFFFD800  }
0x10a: {  	[bflag:$0x0] =	sbarrier.arrive $0xFFFF  }
0x10b: {  	s21 =	rddreg [dreg:$0xe]  }
0x10c: {  	s1 =	rddreg [dreg:$0x11]  }
0x10d: {  	s7 =	rddreg [dreg:$0x12]  }
0x10e: {  	[hbm:s21], [sflag:s1] =	dma.local [spmem:s7], $0x2800  }
0x10f: {  	s1 =	simm.s32 $0xE  }
0x110: {  	_ =	swait.ge [sflag:s1], $0x2800  }
0x111: {  	s22 =	rddreg [dreg:$0x10]  }
0x112: {  	s23 =	rddreg [dreg:$0xf];
	s7 =	sadd.s32 $0x1, s22  }
0x113: {  	p0 =	sne.s32 s7, s23  }
.Ltmp1:
0x114: {  	_ = 	snop;
	(pc) =	sbr.rel @p0 .LBB2_1-.Ltmp1, $3  }
0x115: {  	_ =	sdelay $0x1  }
0x116: {  	s9 =	simm.s32 $0x4;
	[sflag:s1] =	ssyncset.done $0x0  }
0x117: {  	s17 =	simm.s32 $0x4000;
	s18 =	simm.s32 $0x4080;
	[sflag:s1] =	ssyncadd.s32 $0xFFFFD800  }
0x118: {  	_ =	sfence.sel $0x180000  }
0x119: {  	[bflag:$0x0] =	sbarrier.arrive $0xFFFF  }
0x11a: {  	_ =	strace $0x90000047  }
0x11b: {  	s0 =	stileid.u32;
	[bflag:$0x2] =	sbarrier.arrive $0xFFFF  }
0x11c: {  	p0 =	sne.s32 s0, $0x0;
	s0 =	rddreg [dreg:$0x3]  }
0x11d: {  	s0 =	sadd.s32 @!p0 $0x100000, s0  }
0x11e: {  	[sflag:s0] =	ssyncadd.tile.s32 @!p0 $0x1;
	_ =	shalt  }
.Lfunc_end2:
_tile_overlayer_lowered:
.L_overlay_start_2:
0x11f: {  	(tag) =	ssettag $0x2  }
0x120: {  	s0 =	rddreg [dreg:$0x0];
	s2 =	stileid.u32  }
0x121: {  	s1 =	rddreg [dreg:$0x1];
	p0 =	sne.s32 s2, $0x0  }
0x122: {  	s3 =	rddreg [dreg:$0x2];
	[bflag:$0x3] =	sbarrier.arrive $0xFFFF;
	s2 =	simm.s32 @!p0 $0x1C0E  }
0x123: {  	[timem:s3], [sflag:s2] =	dma.local @!p0 [hbm:s0], s1  }
0x124: {  	s0 =	simm.s32 @!p0 $0xE  }
0x125: {  	_ =	swait.ge @!p0 [sflag:s0], s1  }
0x126: {  	s1 =	ssub.s32 @!p0 $0x0, s1;
	[sflag:s0] =	ssyncset.done @!p0 $0x0  }
0x127: {  	[sflag:s0] =	ssyncadd.s32 @!p0 s1  }
0x128: {  	[bflag:$0x3] =	sbarrier.arrive $0xFFFF  }
0x129: {  	_ =	shalt  }

</sc_bundles>
